<compile_context>
chip_gen: v7x
topology: tpu7x:2x2x1
jax: 0.10.2.dev20260603
libtpu: 0.0.44.dev20260713+nightly
codegen_flags: <defaults>
</compile_context>

<pallas_src>
import functools

import jax
import jax.numpy as jnp
from jax import lax
from jax.experimental import pallas as pl
from jax.experimental.pallas import tpu as pltpu
from jax.experimental.pallas import tpu_sc as plsc

VOCAB = 1_000_000
HID = 64
BATCH = 16384
LANES = 16

NUM_CORES = 2
NUM_SUBCORES = 16
NW = NUM_CORES * NUM_SUBCORES
BPW = BATCH // NW
NGROUP = BPW // LANES
NSLOTC = 8
NSLOTT = 4

_MESH = plsc.VectorSubcoreMesh(core_axis_name="c", subcore_axis_name="s")


@functools.partial(
    pl.kernel,
    out_type=jax.ShapeDtypeStruct((BATCH,), jnp.float32),
    mesh=_MESH,
    scratch_types=[
        pltpu.VMEM((BPW,), jnp.int32),
        pltpu.VMEM((BPW,), jnp.int32),
        pltpu.VMEM((BPW,), jnp.float32),
        pltpu.VMEM((NSLOTC, HID, 128), jnp.float32),
        pltpu.VMEM((NSLOTT, HID, 128), jnp.float32),
        pltpu.VMEM((BPW,), jnp.float32),
        pltpu.SemaphoreType.DMA((NSLOTC,)),
        pltpu.SemaphoreType.DMA((NSLOTT,)),
    ],
    compiler_params=pltpu.CompilerParams(
        needs_layout_passes=False, use_tc_tiling_on_sc=True),
)
def _skipgram(center_hbm, target_hbm, label_hbm, int_hbm, outt_hbm, y_hbm,
              cidx, tidx, lab, ctile, ttile, yv, csem, tsem):
    wid = lax.axis_index("s") * NUM_CORES + lax.axis_index("c")
    base = wid * BPW

    pltpu.sync_copy(center_hbm.at[pl.ds(base, BPW)], cidx)
    pltpu.sync_copy(target_hbm.at[pl.ds(base, BPW)], tidx)
    pltpu.sync_copy(label_hbm.at[pl.ds(base, BPW)], lab)

    lane = lax.iota(jnp.int32, LANES)
    rowidx = [lane + k * LANES for k in range(HID // LANES)]
    onehot = [jnp.where(lane == r, 1.0, 0.0).astype(jnp.float32)
              for r in range(LANES)]

    def issue(vec, r, tbl, ring, sem, nslot):
        v128 = pl.multiple_of((vec[r] >> 7) << 7, 128)
        pltpu.async_copy(tbl.at[:, pl.ds(v128, 128)], ring.at[r % nslot],
                         sem.at[r % nslot])

    def waitslot(tbl, ring, sem, r, nslot):
        pltpu.make_async_copy(tbl.at[:, pl.ds(0, 128)], ring.at[r % nslot],
                              sem.at[r % nslot]).wait()

    cvec0 = cidx[pl.ds(0, LANES)]
    tvec0 = tidx[pl.ds(0, LANES)]
    for r in range(NSLOTC):
        issue(cvec0, r, int_hbm, ctile, csem, NSLOTC)
    for r in range(NSLOTT):
        issue(tvec0, r, outt_hbm, ttile, tsem, NSLOTT)

    def group_body(g, _):
        gb = g * LANES
        sl = pl.ds(gb, LANES)
        cvec = cidx[sl]
        tvec = tidx[sl]
        labv = lab[sl]
        nb = jnp.minimum(gb + LANES, BPW - LANES)
        ncvec = cidx[pl.ds(nb, LANES)]
        ntvec = tidx[pl.ds(nb, LANES)]
        res = jnp.zeros((LANES,), jnp.float32)
        for r in range(LANES):
            waitslot(int_hbm, ctile, csem, r, NSLOTC)
            waitslot(outt_hbm, ttile, tsem, r, NSLOTT)
            ccol = jnp.broadcast_to(cvec[r] & 127, (LANES,))
            tcol = jnp.broadcast_to(tvec[r] & 127, (LANES,))
            cslot = ctile.at[r % NSLOTC]
            tslot = ttile.at[r % NSLOTT]
            acc = None
            for k in range(HID // LANES):
                cg = plsc.load_gather(cslot, [rowidx[k], ccol])
                tg = plsc.load_gather(tslot, [rowidx[k], tcol])
                p = cg * tg
                acc = p if acc is None else acc + p
            res = res + jnp.sum(acc) * onehot[r]
            for j, tbl, ring, sem, ns, nvec, cur in (
                    (r + NSLOTC, int_hbm, ctile, csem, NSLOTC, ncvec, cvec),
                    (r + NSLOTT, outt_hbm, ttile, tsem, NSLOTT, ntvec, tvec)):
                if j < LANES:
                    issue(cur, j, tbl, ring, sem, ns)
                else:

                    @pl.when(g < NGROUP - 1)
                    def _(j=j, tbl=tbl, ring=ring, sem=sem, ns=ns, nvec=nvec):
                        issue(nvec, j - LANES, tbl, ring, sem, ns)

        yv[sl] = res * labv
        return 0

    lax.fori_loop(0, NGROUP, group_body, 0)

    pltpu.sync_copy(yv, y_hbm.at[pl.ds(base, BPW)])


def kernel(center, target, label, in_emb, out_emb):
    center = center.astype(jnp.int32)
    target = target.astype(jnp.int32)
    return _skipgram(center, target, label, in_emb.T, out_emb.T)

# --- scband reference (transcript-rebuilt; emitter-appended) ---
"""Pipeline reference for scband-skip-gram-model-47201690583807 (READ-ONLY COPY).

The authoritative reference and input builder live on the scoring server;
editing this copy changes nothing except your own understanding.
"""

import jax, jax.numpy as jnp
import numpy as np

VOCAB_SIZE = 1000000
HIDDEN_SIZE = 64
BATCH = 16384

def setup_inputs(seed: int = 0) -> dict:
    key = jax.random.key(seed)
    k1, k2, k3, k4, k5 = jax.random.split(key, 5)
    center = jax.random.randint(k1, (BATCH,), 0, VOCAB_SIZE, dtype=jnp.int64)
    target = jax.random.randint(k2, (BATCH,), 0, VOCAB_SIZE, dtype=jnp.int64)
    label = jax.random.uniform(k3, (BATCH,), dtype=jnp.float32)
    in_emb = jax.random.normal(k4, (VOCAB_SIZE, HIDDEN_SIZE), dtype=jnp.float32)
    out_emb = jax.random.normal(k5, (VOCAB_SIZE, HIDDEN_SIZE), dtype=jnp.float32)
    return {"center": center, "target": target, "label": label, "in_emb": in_emb, "out_emb": out_emb}

def reference(center, target, label, in_emb, out_emb):
    center_emb = jnp.take(in_emb, center, axis=0)
    target_emb = jnp.take(out_emb, target, axis=0)
    y = jnp.sum(center_emb * target_emb, axis=1)
    y = y * label
    return y

if __name__ == "__main__":
    import jax
    _d = setup_inputs()
    print(jax.jit(kernel)(*tuple(_d.values())))

</pallas_src>

<mosaic_0001>
#map = affine_map<(d0, d1) -> (0)>
#map1 = affine_map<(d0, d1) -> (0, 0)>
module attributes {stable_mosaic.version = 14 : i64} {
  func.func @_skipgram(%arg0: i32, %arg1: i32, %arg2: memref<16384xi32, #tpu.memory_space<hbm>>, %arg3: memref<16384xi32, #tpu.memory_space<hbm>>, %arg4: memref<16384xf32, #tpu.memory_space<hbm>>, %arg5: memref<64x1000000xf32, #tpu.memory_space<hbm>>, %arg6: memref<64x1000000xf32, #tpu.memory_space<hbm>>, %arg7: memref<16384xf32, #tpu.memory_space<hbm>>, %arg8: memref<512xi32, #tpu.memory_space<vmem>>, %arg9: memref<512xi32, #tpu.memory_space<vmem>>, %arg10: memref<512xf32, #tpu.memory_space<vmem>>, %arg11: memref<8x64x128xf32, #tpu.memory_space<vmem>>, %arg12: memref<4x64x128xf32, #tpu.memory_space<vmem>>, %arg13: memref<512xf32, #tpu.memory_space<vmem>>, %arg14: memref<8x!tpu.dma_semaphore, #tpu.memory_space<semaphore_mem>>, %arg15: memref<4x!tpu.dma_semaphore, #tpu.memory_space<semaphore_mem>>) attributes {dimension_semantics = [#tpu.dimension_semantics<core_parallel>, #tpu.dimension_semantics<subcore_parallel>], iteration_bounds = array<i64: 2, 16>, scalar_prefetch = 0 : i64, scratch_operands = 8 : i64, tpu.core_type = #tpu.core_type<sc_vector_subcore>, window_params = [{transform_indices = #map}, {transform_indices = #map}, {transform_indices = #map}, {transform_indices = #map1}, {transform_indices = #map1}, {transform_indices = #map}]} {
    %mul3A = arith.constant 2 : i32
    %mul3A_0 = arith.muli %arg1, %mul3A : i32
    %add3A = arith.addi %mul3A_0, %arg0 : i32
    %mul3A_1 = arith.constant 512 : i32
    %mul3A_2 = arith.muli %add3A, %mul3A_1 : i32
    "tpu.region"() ({
      %run_scoped3A = tpu.sem_alloc : memref<!tpu.dma_semaphore, #tpu.memory_space<semaphore_mem>>
      %dma_start3A_418 = tpu.memref_slice %arg2[%mul3A_2] : memref<16384xi32, #tpu.memory_space<hbm>> -> memref<512xi32, #tpu.memory_space<hbm>>
      %dma_start3A_419 = tpu.memref_slice %arg2[%mul3A_2] : memref<16384xi32, #tpu.memory_space<hbm>> -> memref<512xi32, #tpu.memory_space<hbm>>
      tpu.enqueue_dma source(%dma_start3A_419 : memref<512xi32, #tpu.memory_space<hbm>>) target(%arg8 : memref<512xi32, #tpu.memory_space<vmem>>) target_semaphore(%run_scoped3A : memref<!tpu.dma_semaphore, #tpu.memory_space<semaphore_mem>>)
      %dma_wait3A = tpu.memref_slice %arg2[%mul3A_2] : memref<16384xi32, #tpu.memory_space<hbm>> -> memref<512xi32, #tpu.memory_space<hbm>>
      %dma_wait3A_420 = tpu.memref_slice %arg2[%mul3A_2] : memref<16384xi32, #tpu.memory_space<hbm>> -> memref<512xi32, #tpu.memory_space<hbm>>
      tpu.wait_dma2 semaphore(%run_scoped3A : memref<!tpu.dma_semaphore, #tpu.memory_space<semaphore_mem>>) src(%dma_wait3A_420 : memref<512xi32, #tpu.memory_space<hbm>>) dst(%arg8 : memref<512xi32, #tpu.memory_space<vmem>>)
      tpu.yield
    }) : () -> ()
    "tpu.region"() ({
      %run_scoped3A = tpu.sem_alloc : memref<!tpu.dma_semaphore, #tpu.memory_space<semaphore_mem>>
      %dma_start3A_418 = tpu.memref_slice %arg3[%mul3A_2] : memref<16384xi32, #tpu.memory_space<hbm>> -> memref<512xi32, #tpu.memory_space<hbm>>
      %dma_start3A_419 = tpu.memref_slice %arg3[%mul3A_2] : memref<16384xi32, #tpu.memory_space<hbm>> -> memref<512xi32, #tpu.memory_space<hbm>>
      tpu.enqueue_dma source(%dma_start3A_419 : memref<512xi32, #tpu.memory_space<hbm>>) target(%arg9 : memref<512xi32, #tpu.memory_space<vmem>>) target_semaphore(%run_scoped3A : memref<!tpu.dma_semaphore, #tpu.memory_space<semaphore_mem>>)
      %dma_wait3A = tpu.memref_slice %arg3[%mul3A_2] : memref<16384xi32, #tpu.memory_space<hbm>> -> memref<512xi32, #tpu.memory_space<hbm>>
      %dma_wait3A_420 = tpu.memref_slice %arg3[%mul3A_2] : memref<16384xi32, #tpu.memory_space<hbm>> -> memref<512xi32, #tpu.memory_space<hbm>>
      tpu.wait_dma2 semaphore(%run_scoped3A : memref<!tpu.dma_semaphore, #tpu.memory_space<semaphore_mem>>) src(%dma_wait3A_420 : memref<512xi32, #tpu.memory_space<hbm>>) dst(%arg9 : memref<512xi32, #tpu.memory_space<vmem>>)
      tpu.yield
    }) : () -> ()
    "tpu.region"() ({
      %run_scoped3A = tpu.sem_alloc : memref<!tpu.dma_semaphore, #tpu.memory_space<semaphore_mem>>
      %dma_start3A_418 = tpu.memref_slice %arg4[%mul3A_2] : memref<16384xf32, #tpu.memory_space<hbm>> -> memref<512xf32, #tpu.memory_space<hbm>>
      %dma_start3A_419 = tpu.memref_slice %arg4[%mul3A_2] : memref<16384xf32, #tpu.memory_space<hbm>> -> memref<512xf32, #tpu.memory_space<hbm>>
      tpu.enqueue_dma source(%dma_start3A_419 : memref<512xf32, #tpu.memory_space<hbm>>) target(%arg10 : memref<512xf32, #tpu.memory_space<vmem>>) target_semaphore(%run_scoped3A : memref<!tpu.dma_semaphore, #tpu.memory_space<semaphore_mem>>)
      %dma_wait3A = tpu.memref_slice %arg4[%mul3A_2] : memref<16384xf32, #tpu.memory_space<hbm>> -> memref<512xf32, #tpu.memory_space<hbm>>
      %dma_wait3A_420 = tpu.memref_slice %arg4[%mul3A_2] : memref<16384xf32, #tpu.memory_space<hbm>> -> memref<512xf32, #tpu.memory_space<hbm>>
      tpu.wait_dma2 semaphore(%run_scoped3A : memref<!tpu.dma_semaphore, #tpu.memory_space<semaphore_mem>>) src(%dma_wait3A_420 : memref<512xf32, #tpu.memory_space<hbm>>) dst(%arg10 : memref<512xf32, #tpu.memory_space<vmem>>)
      tpu.yield
    }) : () -> ()
    %iota3A = tpu.iota {dimensions = array<i32: 0>} : vector<16xi32>
    %add3A_3 = arith.constant 0 : i32
    %add3A_4 = vector.broadcast %add3A_3 : i32 to vector<16xi32>
    %add3A_5 = arith.addi %iota3A, %add3A_4 : vector<16xi32>
    %add3A_6 = arith.constant 16 : i32
    %add3A_7 = vector.broadcast %add3A_6 : i32 to vector<16xi32>
    %add3A_8 = arith.addi %iota3A, %add3A_7 : vector<16xi32>
    %add3A_9 = arith.constant 32 : i32
    %add3A_10 = vector.broadcast %add3A_9 : i32 to vector<16xi32>
    %add3A_11 = arith.addi %iota3A, %add3A_10 : vector<16xi32>
    %add3A_12 = arith.constant 48 : i32
    %add3A_13 = vector.broadcast %add3A_12 : i32 to vector<16xi32>
    %add3A_14 = arith.addi %iota3A, %add3A_13 : vector<16xi32>
    %eq3A = arith.constant 0 : i32
    %eq3A_15 = vector.broadcast %eq3A : i32 to vector<16xi32>
    %eq3A_16 = arith.cmpi eq, %iota3A, %eq3A_15 : vector<16xi32>
    %jit3A = arith.constant 1.000000e+00 : f32
    %jit3A_17 = arith.constant 0.000000e+00 : f32
    %broadcast_in_dim3A = vector.broadcast %jit3A : f32 to vector<16xf32>
    %broadcast_in_dim3A_18 = vector.broadcast %jit3A_17 : f32 to vector<16xf32>
    %select_n3A = arith.select %eq3A_16, %broadcast_in_dim3A, %broadcast_in_dim3A_18 : vector<16xi1>, vector<16xf32>
    %eq3A_19 = arith.constant 1 : i32
    %eq3A_20 = vector.broadcast %eq3A_19 : i32 to vector<16xi32>
    %eq3A_21 = arith.cmpi eq, %iota3A, %eq3A_20 : vector<16xi32>
    %jit3A_22 = arith.constant 1.000000e+00 : f32
    %jit3A_23 = arith.constant 0.000000e+00 : f32
    %broadcast_in_dim3A_24 = vector.broadcast %jit3A_22 : f32 to vector<16xf32>
    %broadcast_in_dim3A_25 = vector.broadcast %jit3A_23 : f32 to vector<16xf32>
    %select_n3A_26 = arith.select %eq3A_21, %broadcast_in_dim3A_24, %broadcast_in_dim3A_25 : vector<16xi1>, vector<16xf32>
    %eq3A_27 = arith.constant 2 : i32
    %eq3A_28 = vector.broadcast %eq3A_27 : i32 to vector<16xi32>
    %eq3A_29 = arith.cmpi eq, %iota3A, %eq3A_28 : vector<16xi32>
    %jit3A_30 = arith.constant 1.000000e+00 : f32
    %jit3A_31 = arith.constant 0.000000e+00 : f32
    %broadcast_in_dim3A_32 = vector.broadcast %jit3A_30 : f32 to vector<16xf32>
    %broadcast_in_dim3A_33 = vector.broadcast %jit3A_31 : f32 to vector<16xf32>
    %select_n3A_34 = arith.select %eq3A_29, %broadcast_in_dim3A_32, %broadcast_in_dim3A_33 : vector<16xi1>, vector<16xf32>
    %eq3A_35 = arith.constant 3 : i32
    %eq3A_36 = vector.broadcast %eq3A_35 : i32 to vector<16xi32>
    %eq3A_37 = arith.cmpi eq, %iota3A, %eq3A_36 : vector<16xi32>
    %jit3A_38 = arith.constant 1.000000e+00 : f32
    %jit3A_39 = arith.constant 0.000000e+00 : f32
    %broadcast_in_dim3A_40 = vector.broadcast %jit3A_38 : f32 to vector<16xf32>
    %broadcast_in_dim3A_41 = vector.broadcast %jit3A_39 : f32 to vector<16xf32>
    %select_n3A_42 = arith.select %eq3A_37, %broadcast_in_dim3A_40, %broadcast_in_dim3A_41 : vector<16xi1>, vector<16xf32>
    %eq3A_43 = arith.constant 4 : i32
    %eq3A_44 = vector.broadcast %eq3A_43 : i32 to vector<16xi32>
    %eq3A_45 = arith.cmpi eq, %iota3A, %eq3A_44 : vector<16xi32>
    %jit3A_46 = arith.constant 1.000000e+00 : f32
    %jit3A_47 = arith.constant 0.000000e+00 : f32
    %broadcast_in_dim3A_48 = vector.broadcast %jit3A_46 : f32 to vector<16xf32>
    %broadcast_in_dim3A_49 = vector.broadcast %jit3A_47 : f32 to vector<16xf32>
    %select_n3A_50 = arith.select %eq3A_45, %broadcast_in_dim3A_48, %broadcast_in_dim3A_49 : vector<16xi1>, vector<16xf32>
    %eq3A_51 = arith.constant 5 : i32
    %eq3A_52 = vector.broadcast %eq3A_51 : i32 to vector<16xi32>
    %eq3A_53 = arith.cmpi eq, %iota3A, %eq3A_52 : vector<16xi32>
    %jit3A_54 = arith.constant 1.000000e+00 : f32
    %jit3A_55 = arith.constant 0.000000e+00 : f32
    %broadcast_in_dim3A_56 = vector.broadcast %jit3A_54 : f32 to vector<16xf32>
    %broadcast_in_dim3A_57 = vector.broadcast %jit3A_55 : f32 to vector<16xf32>
    %select_n3A_58 = arith.select %eq3A_53, %broadcast_in_dim3A_56, %broadcast_in_dim3A_57 : vector<16xi1>, vector<16xf32>
    %eq3A_59 = arith.constant 6 : i32
    %eq3A_60 = vector.broadcast %eq3A_59 : i32 to vector<16xi32>
    %eq3A_61 = arith.cmpi eq, %iota3A, %eq3A_60 : vector<16xi32>
    %jit3A_62 = arith.constant 1.000000e+00 : f32
    %jit3A_63 = arith.constant 0.000000e+00 : f32
    %broadcast_in_dim3A_64 = vector.broadcast %jit3A_62 : f32 to vector<16xf32>
    %broadcast_in_dim3A_65 = vector.broadcast %jit3A_63 : f32 to vector<16xf32>
    %select_n3A_66 = arith.select %eq3A_61, %broadcast_in_dim3A_64, %broadcast_in_dim3A_65 : vector<16xi1>, vector<16xf32>
    %eq3A_67 = arith.constant 7 : i32
    %eq3A_68 = vector.broadcast %eq3A_67 : i32 to vector<16xi32>
    %eq3A_69 = arith.cmpi eq, %iota3A, %eq3A_68 : vector<16xi32>
    %jit3A_70 = arith.constant 1.000000e+00 : f32
    %jit3A_71 = arith.constant 0.000000e+00 : f32
    %broadcast_in_dim3A_72 = vector.broadcast %jit3A_70 : f32 to vector<16xf32>
    %broadcast_in_dim3A_73 = vector.broadcast %jit3A_71 : f32 to vector<16xf32>
    %select_n3A_74 = arith.select %eq3A_69, %broadcast_in_dim3A_72, %broadcast_in_dim3A_73 : vector<16xi1>, vector<16xf32>
    %eq3A_75 = arith.constant 8 : i32
    %eq3A_76 = vector.broadcast %eq3A_75 : i32 to vector<16xi32>
    %eq3A_77 = arith.cmpi eq, %iota3A, %eq3A_76 : vector<16xi32>
    %jit3A_78 = arith.constant 1.000000e+00 : f32
    %jit3A_79 = arith.constant 0.000000e+00 : f32
    %broadcast_in_dim3A_80 = vector.broadcast %jit3A_78 : f32 to vector<16xf32>
    %broadcast_in_dim3A_81 = vector.broadcast %jit3A_79 : f32 to vector<16xf32>
    %select_n3A_82 = arith.select %eq3A_77, %broadcast_in_dim3A_80, %broadcast_in_dim3A_81 : vector<16xi1>, vector<16xf32>
    %eq3A_83 = arith.constant 9 : i32
    %eq3A_84 = vector.broadcast %eq3A_83 : i32 to vector<16xi32>
    %eq3A_85 = arith.cmpi eq, %iota3A, %eq3A_84 : vector<16xi32>
    %jit3A_86 = arith.constant 1.000000e+00 : f32
    %jit3A_87 = arith.constant 0.000000e+00 : f32
    %broadcast_in_dim3A_88 = vector.broadcast %jit3A_86 : f32 to vector<16xf32>
    %broadcast_in_dim3A_89 = vector.broadcast %jit3A_87 : f32 to vector<16xf32>
    %select_n3A_90 = arith.select %eq3A_85, %broadcast_in_dim3A_88, %broadcast_in_dim3A_89 : vector<16xi1>, vector<16xf32>
    %eq3A_91 = arith.constant 10 : i32
    %eq3A_92 = vector.broadcast %eq3A_91 : i32 to vector<16xi32>
    %eq3A_93 = arith.cmpi eq, %iota3A, %eq3A_92 : vector<16xi32>
    %jit3A_94 = arith.constant 1.000000e+00 : f32
    %jit3A_95 = arith.constant 0.000000e+00 : f32
    %broadcast_in_dim3A_96 = vector.broadcast %jit3A_94 : f32 to vector<16xf32>
    %broadcast_in_dim3A_97 = vector.broadcast %jit3A_95 : f32 to vector<16xf32>
    %select_n3A_98 = arith.select %eq3A_93, %broadcast_in_dim3A_96, %broadcast_in_dim3A_97 : vector<16xi1>, vector<16xf32>
    %eq3A_99 = arith.constant 11 : i32
    %eq3A_100 = vector.broadcast %eq3A_99 : i32 to vector<16xi32>
    %eq3A_101 = arith.cmpi eq, %iota3A, %eq3A_100 : vector<16xi32>
    %jit3A_102 = arith.constant 1.000000e+00 : f32
    %jit3A_103 = arith.constant 0.000000e+00 : f32
    %broadcast_in_dim3A_104 = vector.broadcast %jit3A_102 : f32 to vector<16xf32>
    %broadcast_in_dim3A_105 = vector.broadcast %jit3A_103 : f32 to vector<16xf32>
    %select_n3A_106 = arith.select %eq3A_101, %broadcast_in_dim3A_104, %broadcast_in_dim3A_105 : vector<16xi1>, vector<16xf32>
    %eq3A_107 = arith.constant 12 : i32
    %eq3A_108 = vector.broadcast %eq3A_107 : i32 to vector<16xi32>
    %eq3A_109 = arith.cmpi eq, %iota3A, %eq3A_108 : vector<16xi32>
    %jit3A_110 = arith.constant 1.000000e+00 : f32
    %jit3A_111 = arith.constant 0.000000e+00 : f32
    %broadcast_in_dim3A_112 = vector.broadcast %jit3A_110 : f32 to vector<16xf32>
    %broadcast_in_dim3A_113 = vector.broadcast %jit3A_111 : f32 to vector<16xf32>
    %select_n3A_114 = arith.select %eq3A_109, %broadcast_in_dim3A_112, %broadcast_in_dim3A_113 : vector<16xi1>, vector<16xf32>
    %eq3A_115 = arith.constant 13 : i32
    %eq3A_116 = vector.broadcast %eq3A_115 : i32 to vector<16xi32>
    %eq3A_117 = arith.cmpi eq, %iota3A, %eq3A_116 : vector<16xi32>
    %jit3A_118 = arith.constant 1.000000e+00 : f32
    %jit3A_119 = arith.constant 0.000000e+00 : f32
    %broadcast_in_dim3A_120 = vector.broadcast %jit3A_118 : f32 to vector<16xf32>
    %broadcast_in_dim3A_121 = vector.broadcast %jit3A_119 : f32 to vector<16xf32>
    %select_n3A_122 = arith.select %eq3A_117, %broadcast_in_dim3A_120, %broadcast_in_dim3A_121 : vector<16xi1>, vector<16xf32>
    %eq3A_123 = arith.constant 14 : i32
    %eq3A_124 = vector.broadcast %eq3A_123 : i32 to vector<16xi32>
    %eq3A_125 = arith.cmpi eq, %iota3A, %eq3A_124 : vector<16xi32>
    %jit3A_126 = arith.constant 1.000000e+00 : f32
    %jit3A_127 = arith.constant 0.000000e+00 : f32
    %broadcast_in_dim3A_128 = vector.broadcast %jit3A_126 : f32 to vector<16xf32>
    %broadcast_in_dim3A_129 = vector.broadcast %jit3A_127 : f32 to vector<16xf32>
    %select_n3A_130 = arith.select %eq3A_125, %broadcast_in_dim3A_128, %broadcast_in_dim3A_129 : vector<16xi1>, vector<16xf32>
    %eq3A_131 = arith.constant 15 : i32
    %eq3A_132 = vector.broadcast %eq3A_131 : i32 to vector<16xi32>
    %eq3A_133 = arith.cmpi eq, %iota3A, %eq3A_132 : vector<16xi32>
    %jit3A_134 = arith.constant 1.000000e+00 : f32
    %jit3A_135 = arith.constant 0.000000e+00 : f32
    %broadcast_in_dim3A_136 = vector.broadcast %jit3A_134 : f32 to vector<16xf32>
    %broadcast_in_dim3A_137 = vector.broadcast %jit3A_135 : f32 to vector<16xf32>
    %select_n3A_138 = arith.select %eq3A_133, %broadcast_in_dim3A_136, %broadcast_in_dim3A_137 : vector<16xi1>, vector<16xf32>
    %get3A = arith.constant 0 : index
    %get3A_139 = tpu.vector_load %arg8[%get3A] {strides = array<i32>} : memref<512xi32, #tpu.memory_space<vmem>>, vector<16xi32>,
    %get3A_140 = arith.constant 0 : index
    %get3A_141 = tpu.vector_load %arg9[%get3A_140] {strides = array<i32>} : memref<512xi32, #tpu.memory_space<vmem>>, vector<16xi32>,
    %slice3A = vector.extract_strided_slice %get3A_139 {offsets = [0], sizes = [1], strides = [1]} : vector<16xi32> to vector<1xi32>
    %squeeze3A = vector.extract %slice3A[0] : i32 from vector<1xi32>
    %shift_right_arithmetic3A = arith.constant 7 : i32
    %shift_right_arithmetic3A_142 = arith.shrsi %squeeze3A, %shift_right_arithmetic3A : i32
    %shift_left3A = arith.constant 7 : i32
    %shift_left3A_143 = arith.shli %shift_right_arithmetic3A_142, %shift_left3A : i32
    %multiple_of3A = tpu.assume_multiple %shift_left3A_143, 128 : i32
    %dma_start3A = arith.constant 0 : i32
    %dma_start3A_144 = arith.constant 0 : i32
    %dma_start3A_145 = arith.constant 0 : i32
    %dma_start3A_146 = arith.constant 0 : i32
    %dma_start3A_147 = tpu.memref_slice %arg11[%dma_start3A, %dma_start3A_145, %dma_start3A_146] : memref<8x64x128xf32, #tpu.memory_space<vmem>> -> memref<1x64x128xf32, #tpu.memory_space<vmem>>
    %dma_start3A_148 = tpu.memref_squeeze %dma_start3A_147 : memref<1x64x128xf32, #tpu.memory_space<vmem>> -> memref<64x128xf32, #tpu.memory_space<vmem>>
    %dma_start3A_149 = arith.constant 0 : i32
    %dma_start3A_150 = tpu.memref_slice %arg5[%dma_start3A_149, %multiple_of3A] : memref<64x1000000xf32, #tpu.memory_space<hbm>> -> memref<64x128xf32, #tpu.memory_space<hbm>>
    %dma_start3A_151 = tpu.memref_slice %arg14[%dma_start3A_144] : memref<8x!tpu.dma_semaphore, #tpu.memory_space<semaphore_mem>> -> memref<1x!tpu.dma_semaphore, #tpu.memory_space<semaphore_mem>>
    %dma_start3A_152 = tpu.memref_squeeze %dma_start3A_151 : memref<1x!tpu.dma_semaphore, #tpu.memory_space<semaphore_mem>> -> memref<!tpu.dma_semaphore, #tpu.memory_space<semaphore_mem>>
    %dma_start3A_153 = arith.constant 0 : i32
    %dma_start3A_154 = arith.constant 0 : i32
    %dma_start3A_155 = tpu.memref_slice %arg11[%dma_start3A, %dma_start3A_153, %dma_start3A_154] : memref<8x64x128xf32, #tpu.memory_space<vmem>> -> memref<1x64x128xf32, #tpu.memory_space<vmem>>
    %dma_start3A_156 = tpu.memref_squeeze %dma_start3A_155 : memref<1x64x128xf32, #tpu.memory_space<vmem>> -> memref<64x128xf32, #tpu.memory_space<vmem>>
    %dma_start3A_157 = arith.constant 0 : i32
    %dma_start3A_158 = tpu.memref_slice %arg5[%dma_start3A_157, %multiple_of3A] : memref<64x1000000xf32, #tpu.memory_space<hbm>> -> memref<64x128xf32, #tpu.memory_space<hbm>>
    tpu.enqueue_dma source(%dma_start3A_158 : memref<64x128xf32, #tpu.memory_space<hbm>>) target(%dma_start3A_156 : memref<64x128xf32, #tpu.memory_space<vmem>>) target_semaphore(%dma_start3A_152 : memref<!tpu.dma_semaphore, #tpu.memory_space<semaphore_mem>>)
    %slice3A_159 = vector.extract_strided_slice %get3A_139 {offsets = [1], sizes = [1], strides = [1]} : vector<16xi32> to vector<1xi32>
    %squeeze3A_160 = vector.extract %slice3A_159[0] : i32 from vector<1xi32>
    %shift_right_arithmetic3A_161 = arith.constant 7 : i32
    %shift_right_arithmetic3A_162 = arith.shrsi %squeeze3A_160, %shift_right_arithmetic3A_161 : i32
    %shift_left3A_163 = arith.constant 7 : i32
    %shift_left3A_164 = arith.shli %shift_right_arithmetic3A_162, %shift_left3A_163 : i32
    %multiple_of3A_165 = tpu.assume_multiple %shift_left3A_164, 128 : i32
    %dma_start3A_166 = arith.constant 1 : i32
    %dma_start3A_167 = arith.constant 1 : i32
    %dma_start3A_168 = arith.constant 0 : i32
    %dma_start3A_169 = arith.constant 0 : i32
    %dma_start3A_170 = tpu.memref_slice %arg11[%dma_start3A_166, %dma_start3A_168, %dma_start3A_169] : memref<8x64x128xf32, #tpu.memory_space<vmem>> -> memref<1x64x128xf32, #tpu.memory_space<vmem>>
    %dma_start3A_171 = tpu.memref_squeeze %dma_start3A_170 : memref<1x64x128xf32, #tpu.memory_space<vmem>> -> memref<64x128xf32, #tpu.memory_space<vmem>>
    %dma_start3A_172 = arith.constant 0 : i32
    %dma_start3A_173 = tpu.memref_slice %arg5[%dma_start3A_172, %multiple_of3A_165] : memref<64x1000000xf32, #tpu.memory_space<hbm>> -> memref<64x128xf32, #tpu.memory_space<hbm>>
    %dma_start3A_174 = tpu.memref_slice %arg14[%dma_start3A_167] : memref<8x!tpu.dma_semaphore, #tpu.memory_space<semaphore_mem>> -> memref<1x!tpu.dma_semaphore, #tpu.memory_space<semaphore_mem>>
    %dma_start3A_175 = tpu.memref_squeeze %dma_start3A_174 : memref<1x!tpu.dma_semaphore, #tpu.memory_space<semaphore_mem>> -> memref<!tpu.dma_semaphore, #tpu.memory_space<semaphore_mem>>
    %dma_start3A_176 = arith.constant 0 : i32
    %dma_start3A_177 = arith.constant 0 : i32
    %dma_start3A_178 = tpu.memref_slice %arg11[%dma_start3A_166, %dma_start3A_176, %dma_start3A_177] : memref<8x64x128xf32, #tpu.memory_space<vmem>> -> memref<1x64x128xf32, #tpu.memory_space<vmem>>
    %dma_start3A_179 = tpu.memref_squeeze %dma_start3A_178 : memref<1x64x128xf32, #tpu.memory_space<vmem>> -> memref<64x128xf32, #tpu.memory_space<vmem>>
    %dma_start3A_180 = arith.constant 0 : i32
    %dma_start3A_181 = tpu.memref_slice %arg5[%dma_start3A_180, %multiple_of3A_165] : memref<64x1000000xf32, #tpu.memory_space<hbm>> -> memref<64x128xf32, #tpu.memory_space<hbm>>
    tpu.enqueue_dma source(%dma_start3A_181 : memref<64x128xf32, #tpu.memory_space<hbm>>) target(%dma_start3A_179 : memref<64x128xf32, #tpu.memory_space<vmem>>) target_semaphore(%dma_start3A_175 : memref<!tpu.dma_semaphore, #tpu.memory_space<semaphore_mem>>)
    %slice3A_182 = vector.extract_strided_slice %get3A_139 {offsets = [2], sizes = [1], strides = [1]} : vector<16xi32> to vector<1xi32>
    %squeeze3A_183 = vector.extract %slice3A_182[0] : i32 from vector<1xi32>
    %shift_right_arithmetic3A_184 = arith.constant 7 : i32
    %shift_right_arithmetic3A_185 = arith.shrsi %squeeze3A_183, %shift_right_arithmetic3A_184 : i32
    %shift_left3A_186 = arith.constant 7 : i32
    %shift_left3A_187 = arith.shli %shift_right_arithmetic3A_185, %shift_left3A_186 : i32
    %multiple_of3A_188 = tpu.assume_multiple %shift_left3A_187, 128 : i32
    %dma_start3A_189 = arith.constant 2 : i32
    %dma_start3A_190 = arith.constant 2 : i32
    %dma_start3A_191 = arith.constant 0 : i32
    %dma_start3A_192 = arith.constant 0 : i32
    %dma_start3A_193 = tpu.memref_slice %arg11[%dma_start3A_189, %dma_start3A_191, %dma_start3A_192] : memref<8x64x128xf32, #tpu.memory_space<vmem>> -> memref<1x64x128xf32, #tpu.memory_space<vmem>>
    %dma_start3A_194 = tpu.memref_squeeze %dma_start3A_193 : memref<1x64x128xf32, #tpu.memory_space<vmem>> -> memref<64x128xf32, #tpu.memory_space<vmem>>
    %dma_start3A_195 = arith.constant 0 : i32
    %dma_start3A_196 = tpu.memref_slice %arg5[%dma_start3A_195, %multiple_of3A_188] : memref<64x1000000xf32, #tpu.memory_space<hbm>> -> memref<64x128xf32, #tpu.memory_space<hbm>>
    %dma_start3A_197 = tpu.memref_slice %arg14[%dma_start3A_190] : memref<8x!tpu.dma_semaphore, #tpu.memory_space<semaphore_mem>> -> memref<1x!tpu.dma_semaphore, #tpu.memory_space<semaphore_mem>>
    %dma_start3A_198 = tpu.memref_squeeze %dma_start3A_197 : memref<1x!tpu.dma_semaphore, #tpu.memory_space<semaphore_mem>> -> memref<!tpu.dma_semaphore, #tpu.memory_space<semaphore_mem>>
    %dma_start3A_199 = arith.constant 0 : i32
    %dma_start3A_200 = arith.constant 0 : i32
    %dma_start3A_201 = tpu.memref_slice %arg11[%dma_start3A_189, %dma_start3A_199, %dma_start3A_200] : memref<8x64x128xf32, #tpu.memory_space<vmem>> -> memref<1x64x128xf32, #tpu.memory_space<vmem>>
    %dma_start3A_202 = tpu.memref_squeeze %dma_start3A_201 : memref<1x64x128xf32, #tpu.memory_space<vmem>> -> memref<64x128xf32, #tpu.memory_space<vmem>>
    %dma_start3A_203 = arith.constant 0 : i32
    %dma_start3A_204 = tpu.memref_slice %arg5[%dma_start3A_203, %multiple_of3A_188] : memref<64x1000000xf32, #tpu.memory_space<hbm>> -> memref<64x128xf32, #tpu.memory_space<hbm>>
    tpu.enqueue_dma source(%dma_start3A_204 : memref<64x128xf32, #tpu.memory_space<hbm>>) target(%dma_start3A_202 : memref<64x128xf32, #tpu.memory_space<vmem>>) target_semaphore(%dma_start3A_198 : memref<!tpu.dma_semaphore, #tpu.memory_space<semaphore_mem>>)
    %slice3A_205 = vector.extract_strided_slice %get3A_139 {offsets = [3], sizes = [1], strides = [1]} : vector<16xi32> to vector<1xi32>
    %squeeze3A_206 = vector.extract %slice3A_205[0] : i32 from vector<1xi32>
    %shift_right_arithmetic3A_207 = arith.constant 7 : i32
    %shift_right_arithmetic3A_208 = arith.shrsi %squeeze3A_206, %shift_right_arithmetic3A_207 : i32
    %shift_left3A_209 = arith.constant 7 : i32
    %shift_left3A_210 = arith.shli %shift_right_arithmetic3A_208, %shift_left3A_209 : i32
    %multiple_of3A_211 = tpu.assume_multiple %shift_left3A_210, 128 : i32
    %dma_start3A_212 = arith.constant 3 : i32
    %dma_start3A_213 = arith.constant 3 : i32
    %dma_start3A_214 = arith.constant 0 : i32
    %dma_start3A_215 = arith.constant 0 : i32
    %dma_start3A_216 = tpu.memref_slice %arg11[%dma_start3A_212, %dma_start3A_214, %dma_start3A_215] : memref<8x64x128xf32, #tpu.memory_space<vmem>> -> memref<1x64x128xf32, #tpu.memory_space<vmem>>
    %dma_start3A_217 = tpu.memref_squeeze %dma_start3A_216 : memref<1x64x128xf32, #tpu.memory_space<vmem>> -> memref<64x128xf32, #tpu.memory_space<vmem>>
    %dma_start3A_218 = arith.constant 0 : i32
    %dma_start3A_219 = tpu.memref_slice %arg5[%dma_start3A_218, %multiple_of3A_211] : memref<64x1000000xf32, #tpu.memory_space<hbm>> -> memref<64x128xf32, #tpu.memory_space<hbm>>
    %dma_start3A_220 = tpu.memref_slice %arg14[%dma_start3A_213] : memref<8x!tpu.dma_semaphore, #tpu.memory_space<semaphore_mem>> -> memref<1x!tpu.dma_semaphore, #tpu.memory_space<semaphore_mem>>
    %dma_start3A_221 = tpu.memref_squeeze %dma_start3A_220 : memref<1x!tpu.dma_semaphore, #tpu.memory_space<semaphore_mem>> -> memref<!tpu.dma_semaphore, #tpu.memory_space<semaphore_mem>>
    %dma_start3A_222 = arith.constant 0 : i32
    %dma_start3A_223 = arith.constant 0 : i32
    %dma_start3A_224 = tpu.memref_slice %arg11[%dma_start3A_212, %dma_start3A_222, %dma_start3A_223] : memref<8x64x128xf32, #tpu.memory_space<vmem>> -> memref<1x64x128xf32, #tpu.memory_space<vmem>>
    %dma_start3A_225 = tpu.memref_squeeze %dma_start3A_224 : memref<1x64x128xf32, #tpu.memory_space<vmem>> -> memref<64x128xf32, #tpu.memory_space<vmem>>
    %dma_start3A_226 = arith.constant 0 : i32
    %dma_start3A_227 = tpu.memref_slice %arg5[%dma_start3A_226, %multiple_of3A_211] : memref<64x1000000xf32, #tpu.memory_space<hbm>> -> memref<64x128xf32, #tpu.memory_space<hbm>>
    tpu.enqueue_dma source(%dma_start3A_227 : memref<64x128xf32, #tpu.memory_space<hbm>>) target(%dma_start3A_225 : memref<64x128xf32, #tpu.memory_space<vmem>>) target_semaphore(%dma_start3A_221 : memref<!tpu.dma_semaphore, #tpu.memory_space<semaphore_mem>>)
    %slice3A_228 = vector.extract_strided_slice %get3A_139 {offsets = [4], sizes = [1], strides = [1]} : vector<16xi32> to vector<1xi32>
    %squeeze3A_229 = vector.extract %slice3A_228[0] : i32 from vector<1xi32>
    %shift_right_arithmetic3A_230 = arith.constant 7 : i32
    %shift_right_arithmetic3A_231 = arith.shrsi %squeeze3A_229, %shift_right_arithmetic3A_230 : i32
    %shift_left3A_232 = arith.constant 7 : i32
    %shift_left3A_233 = arith.shli %shift_right_arithmetic3A_231, %shift_left3A_232 : i32
    %multiple_of3A_234 = tpu.assume_multiple %shift_left3A_233, 128 : i32
    %dma_start3A_235 = arith.constant 4 : i32
    %dma_start3A_236 = arith.constant 4 : i32
    %dma_start3A_237 = arith.constant 0 : i32
    %dma_start3A_238 = arith.constant 0 : i32
    %dma_start3A_239 = tpu.memref_slice %arg11[%dma_start3A_235, %dma_start3A_237, %dma_start3A_238] : memref<8x64x128xf32, #tpu.memory_space<vmem>> -> memref<1x64x128xf32, #tpu.memory_space<vmem>>
    %dma_start3A_240 = tpu.memref_squeeze %dma_start3A_239 : memref<1x64x128xf32, #tpu.memory_space<vmem>> -> memref<64x128xf32, #tpu.memory_space<vmem>>
    %dma_start3A_241 = arith.constant 0 : i32
    %dma_start3A_242 = tpu.memref_slice %arg5[%dma_start3A_241, %multiple_of3A_234] : memref<64x1000000xf32, #tpu.memory_space<hbm>> -> memref<64x128xf32, #tpu.memory_space<hbm>>
    %dma_start3A_243 = tpu.memref_slice %arg14[%dma_start3A_236] : memref<8x!tpu.dma_semaphore, #tpu.memory_space<semaphore_mem>> -> memref<1x!tpu.dma_semaphore, #tpu.memory_space<semaphore_mem>>
    %dma_start3A_244 = tpu.memref_squeeze %dma_start3A_243 : memref<1x!tpu.dma_semaphore, #tpu.memory_space<semaphore_mem>> -> memref<!tpu.dma_semaphore, #tpu.memory_space<semaphore_mem>>
    %dma_start3A_245 = arith.constant 0 : i32
    %dma_start3A_246 = arith.constant 0 : i32
    %dma_start3A_247 = tpu.memref_slice %arg11[%dma_start3A_235, %dma_start3A_245, %dma_start3A_246] : memref<8x64x128xf32, #tpu.memory_space<vmem>> -> memref<1x64x128xf32, #tpu.memory_space<vmem>>
    %dma_start3A_248 = tpu.memref_squeeze %dma_start3A_247 : memref<1x64x128xf32, #tpu.memory_space<vmem>> -> memref<64x128xf32, #tpu.memory_space<vmem>>
    %dma_start3A_249 = arith.constant 0 : i32
    %dma_start3A_250 = tpu.memref_slice %arg5[%dma_start3A_249, %multiple_of3A_234] : memref<64x1000000xf32, #tpu.memory_space<hbm>> -> memref<64x128xf32, #tpu.memory_space<hbm>>
    tpu.enqueue_dma source(%dma_start3A_250 : memref<64x128xf32, #tpu.memory_space<hbm>>) target(%dma_start3A_248 : memref<64x128xf32, #tpu.memory_space<vmem>>) target_semaphore(%dma_start3A_244 : memref<!tpu.dma_semaphore, #tpu.memory_space<semaphore_mem>>)
    %slice3A_251 = vector.extract_strided_slice %get3A_139 {offsets = [5], sizes = [1], strides = [1]} : vector<16xi32> to vector<1xi32>
    %squeeze3A_252 = vector.extract %slice3A_251[0] : i32 from vector<1xi32>
    %shift_right_arithmetic3A_253 = arith.constant 7 : i32
    %shift_right_arithmetic3A_254 = arith.shrsi %squeeze3A_252, %shift_right_arithmetic3A_253 : i32
    %shift_left3A_255 = arith.constant 7 : i32
    %shift_left3A_256 = arith.shli %shift_right_arithmetic3A_254, %shift_left3A_255 : i32
    %multiple_of3A_257 = tpu.assume_multiple %shift_left3A_256, 128 : i32
    %dma_start3A_258 = arith.constant 5 : i32
    %dma_start3A_259 = arith.constant 5 : i32
    %dma_start3A_260 = arith.constant 0 : i32
    %dma_start3A_261 = arith.constant 0 : i32
    %dma_start3A_262 = tpu.memref_slice %arg11[%dma_start3A_258, %dma_start3A_260, %dma_start3A_261] : memref<8x64x128xf32, #tpu.memory_space<vmem>> -> memref<1x64x128xf32, #tpu.memory_space<vmem>>
    %dma_start3A_263 = tpu.memref_squeeze %dma_start3A_262 : memref<1x64x128xf32, #tpu.memory_space<vmem>> -> memref<64x128xf32, #tpu.memory_space<vmem>>
    %dma_start3A_264 = arith.constant 0 : i32
    %dma_start3A_265 = tpu.memref_slice %arg5[%dma_start3A_264, %multiple_of3A_257] : memref<64x1000000xf32, #tpu.memory_space<hbm>> -> memref<64x128xf32, #tpu.memory_space<hbm>>
    %dma_start3A_266 = tpu.memref_slice %arg14[%dma_start3A_259] : memref<8x!tpu.dma_semaphore, #tpu.memory_space<semaphore_mem>> -> memref<1x!tpu.dma_semaphore, #tpu.memory_space<semaphore_mem>>
    %dma_start3A_267 = tpu.memref_squeeze %dma_start3A_266 : memref<1x!tpu.dma_semaphore, #tpu.memory_space<semaphore_mem>> -> memref<!tpu.dma_semaphore, #tpu.memory_space<semaphore_mem>>
    %dma_start3A_268 = arith.constant 0 : i32
    %dma_start3A_269 = arith.constant 0 : i32
    %dma_start3A_270 = tpu.memref_slice %arg11[%dma_start3A_258, %dma_start3A_268, %dma_start3A_269] : memref<8x64x128xf32, #tpu.memory_space<vmem>> -> memref<1x64x128xf32, #tpu.memory_space<vmem>>
    %dma_start3A_271 = tpu.memref_squeeze %dma_start3A_270 : memref<1x64x128xf32, #tpu.memory_space<vmem>> -> memref<64x128xf32, #tpu.memory_space<vmem>>
    %dma_start3A_272 = arith.constant 0 : i32
    %dma_start3A_273 = tpu.memref_slice %arg5[%dma_start3A_272, %multiple_of3A_257] : memref<64x1000000xf32, #tpu.memory_space<hbm>> -> memref<64x128xf32, #tpu.memory_space<hbm>>
    tpu.enqueue_dma source(%dma_start3A_273 : memref<64x128xf32, #tpu.memory_space<hbm>>) target(%dma_start3A_271 : memref<64x128xf32, #tpu.memory_space<vmem>>) target_semaphore(%dma_start3A_267 : memref<!tpu.dma_semaphore, #tpu.memory_space<semaphore_mem>>)
    %slice3A_274 = vector.extract_strided_slice %get3A_139 {offsets = [6], sizes = [1], strides = [1]} : vector<16xi32> to vector<1xi32>
    %squeeze3A_275 = vector.extract %slice3A_274[0] : i32 from vector<1xi32>
    %shift_right_arithmetic3A_276 = arith.constant 7 : i32
    %shift_right_arithmetic3A_277 = arith.shrsi %squeeze3A_275, %shift_right_arithmetic3A_276 : i32
    %shift_left3A_278 = arith.constant 7 : i32
    %shift_left3A_279 = arith.shli %shift_right_arithmetic3A_277, %shift_left3A_278 : i32
    %multiple_of3A_280 = tpu.assume_multiple %shift_left3A_279, 128 : i32
    %dma_start3A_281 = arith.constant 6 : i32
    %dma_start3A_282 = arith.constant 6 : i32
    %dma_start3A_283 = arith.constant 0 : i32
    %dma_start3A_284 = arith.constant 0 : i32
    %dma_start3A_285 = tpu.memref_slice %arg11[%dma_start3A_281, %dma_start3A_283, %dma_start3A_284] : memref<8x64x128xf32, #tpu.memory_space<vmem>> -> memref<1x64x128xf32, #tpu.memory_space<vmem>>
    %dma_start3A_286 = tpu.memref_squeeze %dma_start3A_285 : memref<1x64x128xf32, #tpu.memory_space<vmem>> -> memref<64x128xf32, #tpu.memory_space<vmem>>
    %dma_start3A_287 = arith.constant 0 : i32
    %dma_start3A_288 = tpu.memref_slice %arg5[%dma_start3A_287, %multiple_of3A_280] : memref<64x1000000xf32, #tpu.memory_space<hbm>> -> memref<64x128xf32, #tpu.memory_space<hbm>>
    %dma_start3A_289 = tpu.memref_slice %arg14[%dma_start3A_282] : memref<8x!tpu.dma_semaphore, #tpu.memory_space<semaphore_mem>> -> memref<1x!tpu.dma_semaphore, #tpu.memory_space<semaphore_mem>>
    %dma_start3A_290 = tpu.memref_squeeze %dma_start3A_289 : memref<1x!tpu.dma_semaphore, #tpu.memory_space<semaphore_mem>> -> memref<!tpu.dma_semaphore, #tpu.memory_space<semaphore_mem>>
    %dma_start3A_291 = arith.constant 0 : i32
    %dma_start3A_292 = arith.constant 0 : i32
    %dma_start3A_293 = tpu.memref_slice %arg11[%dma_start3A_281, %dma_start3A_291, %dma_start3A_292] : memref<8x64x128xf32, #tpu.memory_space<vmem>> -> memref<1x64x128xf32, #tpu.memory_space<vmem>>
    %dma_start3A_294 = tpu.memref_squeeze %dma_start3A_293 : memref<1x64x128xf32, #tpu.memory_space<vmem>> -> memref<64x128xf32, #tpu.memory_space<vmem>>
    %dma_start3A_295 = arith.constant 0 : i32
    %dma_start3A_296 = tpu.memref_slice %arg5[%dma_start3A_295, %multiple_of3A_280] : memref<64x1000000xf32, #tpu.memory_space<hbm>> -> memref<64x128xf32, #tpu.memory_space<hbm>>
    tpu.enqueue_dma source(%dma_start3A_296 : memref<64x128xf32, #tpu.memory_space<hbm>>) target(%dma_start3A_294 : memref<64x128xf32, #tpu.memory_space<vmem>>) target_semaphore(%dma_start3A_290 : memref<!tpu.dma_semaphore, #tpu.memory_space<semaphore_mem>>)
    %slice3A_297 = vector.extract_strided_slice %get3A_139 {offsets = [7], sizes = [1], strides = [1]} : vector<16xi32> to vector<1xi32>
    %squeeze3A_298 = vector.extract %slice3A_297[0] : i32 from vector<1xi32>
    %shift_right_arithmetic3A_299 = arith.constant 7 : i32
    %shift_right_arithmetic3A_300 = arith.shrsi %squeeze3A_298, %shift_right_arithmetic3A_299 : i32
    %shift_left3A_301 = arith.constant 7 : i32
    %shift_left3A_302 = arith.shli %shift_right_arithmetic3A_300, %shift_left3A_301 : i32
    %multiple_of3A_303 = tpu.assume_multiple %shift_left3A_302, 128 : i32
    %dma_start3A_304 = arith.constant 7 : i32
    %dma_start3A_305 = arith.constant 7 : i32
    %dma_start3A_306 = arith.constant 0 : i32
    %dma_start3A_307 = arith.constant 0 : i32
    %dma_start3A_308 = tpu.memref_slice %arg11[%dma_start3A_304, %dma_start3A_306, %dma_start3A_307] : memref<8x64x128xf32, #tpu.memory_space<vmem>> -> memref<1x64x128xf32, #tpu.memory_space<vmem>>
    %dma_start3A_309 = tpu.memref_squeeze %dma_start3A_308 : memref<1x64x128xf32, #tpu.memory_space<vmem>> -> memref<64x128xf32, #tpu.memory_space<vmem>>
    %dma_start3A_310 = arith.constant 0 : i32
    %dma_start3A_311 = tpu.memref_slice %arg5[%dma_start3A_310, %multiple_of3A_303] : memref<64x1000000xf32, #tpu.memory_space<hbm>> -> memref<64x128xf32, #tpu.memory_space<hbm>>
    %dma_start3A_312 = tpu.memref_slice %arg14[%dma_start3A_305] : memref<8x!tpu.dma_semaphore, #tpu.memory_space<semaphore_mem>> -> memref<1x!tpu.dma_semaphore, #tpu.memory_space<semaphore_mem>>
    %dma_start3A_313 = tpu.memref_squeeze %dma_start3A_312 : memref<1x!tpu.dma_semaphore, #tpu.memory_space<semaphore_mem>> -> memref<!tpu.dma_semaphore, #tpu.memory_space<semaphore_mem>>
    %dma_start3A_314 = arith.constant 0 : i32
    %dma_start3A_315 = arith.constant 0 : i32
    %dma_start3A_316 = tpu.memref_slice %arg11[%dma_start3A_304, %dma_start3A_314, %dma_start3A_315] : memref<8x64x128xf32, #tpu.memory_space<vmem>> -> memref<1x64x128xf32, #tpu.memory_space<vmem>>
    %dma_start3A_317 = tpu.memref_squeeze %dma_start3A_316 : memref<1x64x128xf32, #tpu.memory_space<vmem>> -> memref<64x128xf32, #tpu.memory_space<vmem>>
    %dma_start3A_318 = arith.constant 0 : i32
    %dma_start3A_319 = tpu.memref_slice %arg5[%dma_start3A_318, %multiple_of3A_303] : memref<64x1000000xf32, #tpu.memory_space<hbm>> -> memref<64x128xf32, #tpu.memory_space<hbm>>
    tpu.enqueue_dma source(%dma_start3A_319 : memref<64x128xf32, #tpu.memory_space<hbm>>) target(%dma_start3A_317 : memref<64x128xf32, #tpu.memory_space<vmem>>) target_semaphore(%dma_start3A_313 : memref<!tpu.dma_semaphore, #tpu.memory_space<semaphore_mem>>)
    %slice3A_320 = vector.extract_strided_slice %get3A_141 {offsets = [0], sizes = [1], strides = [1]} : vector<16xi32> to vector<1xi32>
    %squeeze3A_321 = vector.extract %slice3A_320[0] : i32 from vector<1xi32>
    %shift_right_arithmetic3A_322 = arith.constant 7 : i32
    %shift_right_arithmetic3A_323 = arith.shrsi %squeeze3A_321, %shift_right_arithmetic3A_322 : i32
    %shift_left3A_324 = arith.constant 7 : i32
    %shift_left3A_325 = arith.shli %shift_right_arithmetic3A_323, %shift_left3A_324 : i32
    %multiple_of3A_326 = tpu.assume_multiple %shift_left3A_325, 128 : i32
    %dma_start3A_327 = arith.constant 0 : i32
    %dma_start3A_328 = arith.constant 0 : i32
    %dma_start3A_329 = arith.constant 0 : i32
    %dma_start3A_330 = arith.constant 0 : i32
    %dma_start3A_331 = tpu.memref_slice %arg12[%dma_start3A_327, %dma_start3A_329, %dma_start3A_330] : memref<4x64x128xf32, #tpu.memory_space<vmem>> -> memref<1x64x128xf32, #tpu.memory_space<vmem>>
    %dma_start3A_332 = tpu.memref_squeeze %dma_start3A_331 : memref<1x64x128xf32, #tpu.memory_space<vmem>> -> memref<64x128xf32, #tpu.memory_space<vmem>>
    %dma_start3A_333 = arith.constant 0 : i32
    %dma_start3A_334 = tpu.memref_slice %arg6[%dma_start3A_333, %multiple_of3A_326] : memref<64x1000000xf32, #tpu.memory_space<hbm>> -> memref<64x128xf32, #tpu.memory_space<hbm>>
    %dma_start3A_335 = tpu.memref_slice %arg15[%dma_start3A_328] : memref<4x!tpu.dma_semaphore, #tpu.memory_space<semaphore_mem>> -> memref<1x!tpu.dma_semaphore, #tpu.memory_space<semaphore_mem>>
    %dma_start3A_336 = tpu.memref_squeeze %dma_start3A_335 : memref<1x!tpu.dma_semaphore, #tpu.memory_space<semaphore_mem>> -> memref<!tpu.dma_semaphore, #tpu.memory_space<semaphore_mem>>
    %dma_start3A_337 = arith.constant 0 : i32
    %dma_start3A_338 = arith.constant 0 : i32
    %dma_start3A_339 = tpu.memref_slice %arg12[%dma_start3A_327, %dma_start3A_337, %dma_start3A_338] : memref<4x64x128xf32, #tpu.memory_space<vmem>> -> memref<1x64x128xf32, #tpu.memory_space<vmem>>
    %dma_start3A_340 = tpu.memref_squeeze %dma_start3A_339 : memref<1x64x128xf32, #tpu.memory_space<vmem>> -> memref<64x128xf32, #tpu.memory_space<vmem>>
    %dma_start3A_341 = arith.constant 0 : i32
    %dma_start3A_342 = tpu.memref_slice %arg6[%dma_start3A_341, %multiple_of3A_326] : memref<64x1000000xf32, #tpu.memory_space<hbm>> -> memref<64x128xf32, #tpu.memory_space<hbm>>
    tpu.enqueue_dma source(%dma_start3A_342 : memref<64x128xf32, #tpu.memory_space<hbm>>) target(%dma_start3A_340 : memref<64x128xf32, #tpu.memory_space<vmem>>) target_semaphore(%dma_start3A_336 : memref<!tpu.dma_semaphore, #tpu.memory_space<semaphore_mem>>)
    %slice3A_343 = vector.extract_strided_slice %get3A_141 {offsets = [1], sizes = [1], strides = [1]} : vector<16xi32> to vector<1xi32>
    %squeeze3A_344 = vector.extract %slice3A_343[0] : i32 from vector<1xi32>
    %shift_right_arithmetic3A_345 = arith.constant 7 : i32
    %shift_right_arithmetic3A_346 = arith.shrsi %squeeze3A_344, %shift_right_arithmetic3A_345 : i32
    %shift_left3A_347 = arith.constant 7 : i32
    %shift_left3A_348 = arith.shli %shift_right_arithmetic3A_346, %shift_left3A_347 : i32
    %multiple_of3A_349 = tpu.assume_multiple %shift_left3A_348, 128 : i32
    %dma_start3A_350 = arith.constant 1 : i32
    %dma_start3A_351 = arith.constant 1 : i32
    %dma_start3A_352 = arith.constant 0 : i32
    %dma_start3A_353 = arith.constant 0 : i32
    %dma_start3A_354 = tpu.memref_slice %arg12[%dma_start3A_350, %dma_start3A_352, %dma_start3A_353] : memref<4x64x128xf32, #tpu.memory_space<vmem>> -> memref<1x64x128xf32, #tpu.memory_space<vmem>>
    %dma_start3A_355 = tpu.memref_squeeze %dma_start3A_354 : memref<1x64x128xf32, #tpu.memory_space<vmem>> -> memref<64x128xf32, #tpu.memory_space<vmem>>
    %dma_start3A_356 = arith.constant 0 : i32
    %dma_start3A_357 = tpu.memref_slice %arg6[%dma_start3A_356, %multiple_of3A_349] : memref<64x1000000xf32, #tpu.memory_space<hbm>> -> memref<64x128xf32, #tpu.memory_space<hbm>>
    %dma_start3A_358 = tpu.memref_slice %arg15[%dma_start3A_351] : memref<4x!tpu.dma_semaphore, #tpu.memory_space<semaphore_mem>> -> memref<1x!tpu.dma_semaphore, #tpu.memory_space<semaphore_mem>>
    %dma_start3A_359 = tpu.memref_squeeze %dma_start3A_358 : memref<1x!tpu.dma_semaphore, #tpu.memory_space<semaphore_mem>> -> memref<!tpu.dma_semaphore, #tpu.memory_space<semaphore_mem>>
    %dma_start3A_360 = arith.constant 0 : i32
    %dma_start3A_361 = arith.constant 0 : i32
    %dma_start3A_362 = tpu.memref_slice %arg12[%dma_start3A_350, %dma_start3A_360, %dma_start3A_361] : memref<4x64x128xf32, #tpu.memory_space<vmem>> -> memref<1x64x128xf32, #tpu.memory_space<vmem>>
    %dma_start3A_363 = tpu.memref_squeeze %dma_start3A_362 : memref<1x64x128xf32, #tpu.memory_space<vmem>> -> memref<64x128xf32, #tpu.memory_space<vmem>>
    %dma_start3A_364 = arith.constant 0 : i32
    %dma_start3A_365 = tpu.memref_slice %arg6[%dma_start3A_364, %multiple_of3A_349] : memref<64x1000000xf32, #tpu.memory_space<hbm>> -> memref<64x128xf32, #tpu.memory_space<hbm>>
    tpu.enqueue_dma source(%dma_start3A_365 : memref<64x128xf32, #tpu.memory_space<hbm>>) target(%dma_start3A_363 : memref<64x128xf32, #tpu.memory_space<vmem>>) target_semaphore(%dma_start3A_359 : memref<!tpu.dma_semaphore, #tpu.memory_space<semaphore_mem>>)
    %slice3A_366 = vector.extract_strided_slice %get3A_141 {offsets = [2], sizes = [1], strides = [1]} : vector<16xi32> to vector<1xi32>
    %squeeze3A_367 = vector.extract %slice3A_366[0] : i32 from vector<1xi32>
    %shift_right_arithmetic3A_368 = arith.constant 7 : i32
    %shift_right_arithmetic3A_369 = arith.shrsi %squeeze3A_367, %shift_right_arithmetic3A_368 : i32
    %shift_left3A_370 = arith.constant 7 : i32
    %shift_left3A_371 = arith.shli %shift_right_arithmetic3A_369, %shift_left3A_370 : i32
    %multiple_of3A_372 = tpu.assume_multiple %shift_left3A_371, 128 : i32
    %dma_start3A_373 = arith.constant 2 : i32
    %dma_start3A_374 = arith.constant 2 : i32
    %dma_start3A_375 = arith.constant 0 : i32
    %dma_start3A_376 = arith.constant 0 : i32
    %dma_start3A_377 = tpu.memref_slice %arg12[%dma_start3A_373, %dma_start3A_375, %dma_start3A_376] : memref<4x64x128xf32, #tpu.memory_space<vmem>> -> memref<1x64x128xf32, #tpu.memory_space<vmem>>
    %dma_start3A_378 = tpu.memref_squeeze %dma_start3A_377 : memref<1x64x128xf32, #tpu.memory_space<vmem>> -> memref<64x128xf32, #tpu.memory_space<vmem>>
    %dma_start3A_379 = arith.constant 0 : i32
    %dma_start3A_380 = tpu.memref_slice %arg6[%dma_start3A_379, %multiple_of3A_372] : memref<64x1000000xf32, #tpu.memory_space<hbm>> -> memref<64x128xf32, #tpu.memory_space<hbm>>
    %dma_start3A_381 = tpu.memref_slice %arg15[%dma_start3A_374] : memref<4x!tpu.dma_semaphore, #tpu.memory_space<semaphore_mem>> -> memref<1x!tpu.dma_semaphore, #tpu.memory_space<semaphore_mem>>
    %dma_start3A_382 = tpu.memref_squeeze %dma_start3A_381 : memref<1x!tpu.dma_semaphore, #tpu.memory_space<semaphore_mem>> -> memref<!tpu.dma_semaphore, #tpu.memory_space<semaphore_mem>>
    %dma_start3A_383 = arith.constant 0 : i32
    %dma_start3A_384 = arith.constant 0 : i32
    %dma_start3A_385 = tpu.memref_slice %arg12[%dma_start3A_373, %dma_start3A_383, %dma_start3A_384] : memref<4x64x128xf32, #tpu.memory_space<vmem>> -> memref<1x64x128xf32, #tpu.memory_space<vmem>>
    %dma_start3A_386 = tpu.memref_squeeze %dma_start3A_385 : memref<1x64x128xf32, #tpu.memory_space<vmem>> -> memref<64x128xf32, #tpu.memory_space<vmem>>
    %dma_start3A_387 = arith.constant 0 : i32
    %dma_start3A_388 = tpu.memref_slice %arg6[%dma_start3A_387, %multiple_of3A_372] : memref<64x1000000xf32, #tpu.memory_space<hbm>> -> memref<64x128xf32, #tpu.memory_space<hbm>>
    tpu.enqueue_dma source(%dma_start3A_388 : memref<64x128xf32, #tpu.memory_space<hbm>>) target(%dma_start3A_386 : memref<64x128xf32, #tpu.memory_space<vmem>>) target_semaphore(%dma_start3A_382 : memref<!tpu.dma_semaphore, #tpu.memory_space<semaphore_mem>>)
    %slice3A_389 = vector.extract_strided_slice %get3A_141 {offsets = [3], sizes = [1], strides = [1]} : vector<16xi32> to vector<1xi32>
    %squeeze3A_390 = vector.extract %slice3A_389[0] : i32 from vector<1xi32>
    %shift_right_arithmetic3A_391 = arith.constant 7 : i32
    %shift_right_arithmetic3A_392 = arith.shrsi %squeeze3A_390, %shift_right_arithmetic3A_391 : i32
    %shift_left3A_393 = arith.constant 7 : i32
    %shift_left3A_394 = arith.shli %shift_right_arithmetic3A_392, %shift_left3A_393 : i32
    %multiple_of3A_395 = tpu.assume_multiple %shift_left3A_394, 128 : i32
    %dma_start3A_396 = arith.constant 3 : i32
    %dma_start3A_397 = arith.constant 3 : i32
    %dma_start3A_398 = arith.constant 0 : i32
    %dma_start3A_399 = arith.constant 0 : i32
    %dma_start3A_400 = tpu.memref_slice %arg12[%dma_start3A_396, %dma_start3A_398, %dma_start3A_399] : memref<4x64x128xf32, #tpu.memory_space<vmem>> -> memref<1x64x128xf32, #tpu.memory_space<vmem>>
    %dma_start3A_401 = tpu.memref_squeeze %dma_start3A_400 : memref<1x64x128xf32, #tpu.memory_space<vmem>> -> memref<64x128xf32, #tpu.memory_space<vmem>>
    %dma_start3A_402 = arith.constant 0 : i32
    %dma_start3A_403 = tpu.memref_slice %arg6[%dma_start3A_402, %multiple_of3A_395] : memref<64x1000000xf32, #tpu.memory_space<hbm>> -> memref<64x128xf32, #tpu.memory_space<hbm>>
    %dma_start3A_404 = tpu.memref_slice %arg15[%dma_start3A_397] : memref<4x!tpu.dma_semaphore, #tpu.memory_space<semaphore_mem>> -> memref<1x!tpu.dma_semaphore, #tpu.memory_space<semaphore_mem>>
    %dma_start3A_405 = tpu.memref_squeeze %dma_start3A_404 : memref<1x!tpu.dma_semaphore, #tpu.memory_space<semaphore_mem>> -> memref<!tpu.dma_semaphore, #tpu.memory_space<semaphore_mem>>
    %dma_start3A_406 = arith.constant 0 : i32
    %dma_start3A_407 = arith.constant 0 : i32
    %dma_start3A_408 = tpu.memref_slice %arg12[%dma_start3A_396, %dma_start3A_406, %dma_start3A_407] : memref<4x64x128xf32, #tpu.memory_space<vmem>> -> memref<1x64x128xf32, #tpu.memory_space<vmem>>
    %dma_start3A_409 = tpu.memref_squeeze %dma_start3A_408 : memref<1x64x128xf32, #tpu.memory_space<vmem>> -> memref<64x128xf32, #tpu.memory_space<vmem>>
    %dma_start3A_410 = arith.constant 0 : i32
    %dma_start3A_411 = tpu.memref_slice %arg6[%dma_start3A_410, %multiple_of3A_395] : memref<64x1000000xf32, #tpu.memory_space<hbm>> -> memref<64x128xf32, #tpu.memory_space<hbm>>
    tpu.enqueue_dma source(%dma_start3A_411 : memref<64x128xf32, #tpu.memory_space<hbm>>) target(%dma_start3A_409 : memref<64x128xf32, #tpu.memory_space<vmem>>) target_semaphore(%dma_start3A_405 : memref<!tpu.dma_semaphore, #tpu.memory_space<semaphore_mem>>)
    %scan3A = arith.constant 0 : i32
    %scan3A_412 = arith.constant 0 : i32
    %scan3A_413 = arith.constant 32 : i32
    %scan3A_414 = arith.addi %scan3A_412, %scan3A_413 : i32
    %scan3A_415 = arith.constant 1 : i32
    %scan3A_416 = scf.for %scan3A_418 = %scan3A_412 to %scan3A_414 step %scan3A_415 iter_args(%scan3A_419 = %scan3A) -> (i32)  : i32 {
      %mul3A_420 = arith.constant 16 : i32
      %mul3A_421 = arith.muli %scan3A_418, %mul3A_420 : i32
      %get3A_422 = arith.index_cast %mul3A_421 : i32 to index
      %get3A_423 = tpu.vector_load %arg8[%get3A_422] {strides = array<i32>} : memref<512xi32, #tpu.memory_space<vmem>>, vector<16xi32>,
      %get3A_424 = arith.index_cast %mul3A_421 : i32 to index
      %get3A_425 = tpu.vector_load %arg9[%get3A_424] {strides = array<i32>} : memref<512xi32, #tpu.memory_space<vmem>>, vector<16xi32>,
      %get3A_426 = arith.index_cast %mul3A_421 : i32 to index
      %get3A_427 = tpu.vector_load %arg10[%get3A_426] {strides = array<i32>} : memref<512xf32, #tpu.memory_space<vmem>>, vector<16xf32>,
      %add3A_428 = arith.constant 16 : i32
      %add3A_429 = arith.addi %mul3A_421, %add3A_428 : i32
      %min3A = arith.constant 496 : i32
      %min3A_430 = arith.minsi %add3A_429, %min3A : i32
      %get3A_431 = arith.index_cast %min3A_430 : i32 to index
      %get3A_432 = tpu.vector_load %arg8[%get3A_431] {strides = array<i32>} : memref<512xi32, #tpu.memory_space<vmem>>, vector<16xi32>,
      %get3A_433 = arith.index_cast %min3A_430 : i32 to index
      %get3A_434 = tpu.vector_load %arg9[%get3A_433] {strides = array<i32>} : memref<512xi32, #tpu.memory_space<vmem>>, vector<16xi32>,
      %broadcast_in_dim3A_435 = arith.constant 0.000000e+00 : f32
      %broadcast_in_dim3A_436 = vector.broadcast %broadcast_in_dim3A_435 : f32 to vector<16xf32>
      %dma_wait3A = arith.constant 0 : i32
      %dma_wait3A_437 = arith.constant 0 : i32
      %dma_wait3A_438 = arith.constant 0 : i32
      %dma_wait3A_439 = arith.constant 0 : i32
      %dma_wait3A_440 = tpu.memref_slice %arg11[%dma_wait3A, %dma_wait3A_438, %dma_wait3A_439] : memref<8x64x128xf32, #tpu.memory_space<vmem>> -> memref<1x64x128xf32, #tpu.memory_space<vmem>>
      %dma_wait3A_441 = tpu.memref_squeeze %dma_wait3A_440 : memref<1x64x128xf32, #tpu.memory_space<vmem>> -> memref<64x128xf32, #tpu.memory_space<vmem>>
      %dma_wait3A_442 = arith.constant 0 : i32
      %dma_wait3A_443 = arith.constant 0 : i32
      %dma_wait3A_444 = tpu.memref_slice %arg5[%dma_wait3A_442, %dma_wait3A_443] : memref<64x1000000xf32, #tpu.memory_space<hbm>> -> memref<64x128xf32, #tpu.memory_space<hbm>>
      %dma_wait3A_445 = tpu.memref_slice %arg14[%dma_wait3A_437] : memref<8x!tpu.dma_semaphore, #tpu.memory_space<semaphore_mem>> -> memref<1x!tpu.dma_semaphore, #tpu.memory_space<semaphore_mem>>
      %dma_wait3A_446 = tpu.memref_squeeze %dma_wait3A_445 : memref<1x!tpu.dma_semaphore, #tpu.memory_space<semaphore_mem>> -> memref<!tpu.dma_semaphore, #tpu.memory_space<semaphore_mem>>
      %dma_wait3A_447 = arith.constant 0 : i32
      %dma_wait3A_448 = arith.constant 0 : i32
      %dma_wait3A_449 = tpu.memref_slice %arg11[%dma_wait3A, %dma_wait3A_447, %dma_wait3A_448] : memref<8x64x128xf32, #tpu.memory_space<vmem>> -> memref<1x64x128xf32, #tpu.memory_space<vmem>>
      %dma_wait3A_450 = tpu.memref_squeeze %dma_wait3A_449 : memref<1x64x128xf32, #tpu.memory_space<vmem>> -> memref<64x128xf32, #tpu.memory_space<vmem>>
      %dma_wait3A_451 = arith.constant 0 : i32
      %dma_wait3A_452 = arith.constant 0 : i32
      %dma_wait3A_453 = tpu.memref_slice %arg5[%dma_wait3A_451, %dma_wait3A_452] : memref<64x1000000xf32, #tpu.memory_space<hbm>> -> memref<64x128xf32, #tpu.memory_space<hbm>>
      tpu.wait_dma2 semaphore(%dma_wait3A_446 : memref<!tpu.dma_semaphore, #tpu.memory_space<semaphore_mem>>) src(%dma_wait3A_453 : memref<64x128xf32, #tpu.memory_space<hbm>>) dst(%dma_wait3A_450 : memref<64x128xf32, #tpu.memory_space<vmem>>)
      %dma_wait3A_454 = arith.constant 0 : i32
      %dma_wait3A_455 = arith.constant 0 : i32
      %dma_wait3A_456 = arith.constant 0 : i32
      %dma_wait3A_457 = arith.constant 0 : i32
      %dma_wait3A_458 = tpu.memref_slice %arg12[%dma_wait3A_454, %dma_wait3A_456, %dma_wait3A_457] : memref<4x64x128xf32, #tpu.memory_space<vmem>> -> memref<1x64x128xf32, #tpu.memory_space<vmem>>
      %dma_wait3A_459 = tpu.memref_squeeze %dma_wait3A_458 : memref<1x64x128xf32, #tpu.memory_space<vmem>> -> memref<64x128xf32, #tpu.memory_space<vmem>>
      %dma_wait3A_460 = arith.constant 0 : i32
      %dma_wait3A_461 = arith.constant 0 : i32
      %dma_wait3A_462 = tpu.memref_slice %arg6[%dma_wait3A_460, %dma_wait3A_461] : memref<64x1000000xf32, #tpu.memory_space<hbm>> -> memref<64x128xf32, #tpu.memory_space<hbm>>
      %dma_wait3A_463 = tpu.memref_slice %arg15[%dma_wait3A_455] : memref<4x!tpu.dma_semaphore, #tpu.memory_space<semaphore_mem>> -> memref<1x!tpu.dma_semaphore, #tpu.memory_space<semaphore_mem>>
      %dma_wait3A_464 = tpu.memref_squeeze %dma_wait3A_463 : memref<1x!tpu.dma_semaphore, #tpu.memory_space<semaphore_mem>> -> memref<!tpu.dma_semaphore, #tpu.memory_space<semaphore_mem>>
      %dma_wait3A_465 = arith.constant 0 : i32
      %dma_wait3A_466 = arith.constant 0 : i32
      %dma_wait3A_467 = tpu.memref_slice %arg12[%dma_wait3A_454, %dma_wait3A_465, %dma_wait3A_466] : memref<4x64x128xf32, #tpu.memory_space<vmem>> -> memref<1x64x128xf32, #tpu.memory_space<vmem>>
      %dma_wait3A_468 = tpu.memref_squeeze %dma_wait3A_467 : memref<1x64x128xf32, #tpu.memory_space<vmem>> -> memref<64x128xf32, #tpu.memory_space<vmem>>
      %dma_wait3A_469 = arith.constant 0 : i32
      %dma_wait3A_470 = arith.constant 0 : i32
      %dma_wait3A_471 = tpu.memref_slice %arg6[%dma_wait3A_469, %dma_wait3A_470] : memref<64x1000000xf32, #tpu.memory_space<hbm>> -> memref<64x128xf32, #tpu.memory_space<hbm>>
      tpu.wait_dma2 semaphore(%dma_wait3A_464 : memref<!tpu.dma_semaphore, #tpu.memory_space<semaphore_mem>>) src(%dma_wait3A_471 : memref<64x128xf32, #tpu.memory_space<hbm>>) dst(%dma_wait3A_468 : memref<64x128xf32, #tpu.memory_space<vmem>>)
      %slice3A_472 = vector.extract_strided_slice %get3A_423 {offsets = [0], sizes = [1], strides = [1]} : vector<16xi32> to vector<1xi32>
      %squeeze3A_473 = vector.extract %slice3A_472[0] : i32 from vector<1xi32>
      %and3A = arith.constant 127 : i32
      %and3A_474 = arith.andi %squeeze3A_473, %and3A : i32
      %broadcast_in_dim3A_475 = vector.broadcast %and3A_474 : i32 to vector<16xi32>
      %slice3A_476 = vector.extract_strided_slice %get3A_425 {offsets = [0], sizes = [1], strides = [1]} : vector<16xi32> to vector<1xi32>
      %squeeze3A_477 = vector.extract %slice3A_476[0] : i32 from vector<1xi32>
      %and3A_478 = arith.constant 127 : i32
      %and3A_479 = arith.andi %squeeze3A_477, %and3A_478 : i32
      %broadcast_in_dim3A_480 = vector.broadcast %and3A_479 : i32 to vector<16xi32>
      %gather3A = arith.constant 0 : i32
      %gather3A_481 = arith.constant 0 : i32
      %gather3A_482 = arith.constant 0 : i32
      %gather3A_483 = tpu.memref_slice %arg11[%gather3A, %gather3A_481, %gather3A_482] : memref<8x64x128xf32, #tpu.memory_space<vmem>> -> memref<1x64x128xf32, #tpu.memory_space<vmem>>
      %gather3A_484 = tpu.memref_squeeze %gather3A_483 : memref<1x64x128xf32, #tpu.memory_space<vmem>> -> memref<64x128xf32, #tpu.memory_space<vmem>>
      %gather3A_485 = tpu.vector_load_idx %gather3A_484[%add3A_5, %broadcast_in_dim3A_475] : memref<64x128xf32, #tpu.memory_space<vmem>>[vector<16xi32>, vector<16xi32>], vector<16xf32>,
      %gather3A_486 = arith.constant 0 : i32
      %gather3A_487 = arith.constant 0 : i32
      %gather3A_488 = arith.constant 0 : i32
      %gather3A_489 = tpu.memref_slice %arg12[%gather3A_486, %gather3A_487, %gather3A_488] : memref<4x64x128xf32, #tpu.memory_space<vmem>> -> memref<1x64x128xf32, #tpu.memory_space<vmem>>
      %gather3A_490 = tpu.memref_squeeze %gather3A_489 : memref<1x64x128xf32, #tpu.memory_space<vmem>> -> memref<64x128xf32, #tpu.memory_space<vmem>>
      %gather3A_491 = tpu.vector_load_idx %gather3A_490[%add3A_5, %broadcast_in_dim3A_480] : memref<64x128xf32, #tpu.memory_space<vmem>>[vector<16xi32>, vector<16xi32>], vector<16xf32>,
      %mul3A_492 = arith.mulf %gather3A_485, %gather3A_491 : vector<16xf32>
      %gather3A_493 = arith.constant 0 : i32
      %gather3A_494 = arith.constant 0 : i32
      %gather3A_495 = arith.constant 0 : i32
      %gather3A_496 = tpu.memref_slice %arg11[%gather3A_493, %gather3A_494, %gather3A_495] : memref<8x64x128xf32, #tpu.memory_space<vmem>> -> memref<1x64x128xf32, #tpu.memory_space<vmem>>
      %gather3A_497 = tpu.memref_squeeze %gather3A_496 : memref<1x64x128xf32, #tpu.memory_space<vmem>> -> memref<64x128xf32, #tpu.memory_space<vmem>>
      %gather3A_498 = tpu.vector_load_idx %gather3A_497[%add3A_8, %broadcast_in_dim3A_475] : memref<64x128xf32, #tpu.memory_space<vmem>>[vector<16xi32>, vector<16xi32>], vector<16xf32>,
      %gather3A_499 = arith.constant 0 : i32
      %gather3A_500 = arith.constant 0 : i32
      %gather3A_501 = arith.constant 0 : i32
      %gather3A_502 = tpu.memref_slice %arg12[%gather3A_499, %gather3A_500, %gather3A_501] : memref<4x64x128xf32, #tpu.memory_space<vmem>> -> memref<1x64x128xf32, #tpu.memory_space<vmem>>
      %gather3A_503 = tpu.memref_squeeze %gather3A_502 : memref<1x64x128xf32, #tpu.memory_space<vmem>> -> memref<64x128xf32, #tpu.memory_space<vmem>>
      %gather3A_504 = tpu.vector_load_idx %gather3A_503[%add3A_8, %broadcast_in_dim3A_480] : memref<64x128xf32, #tpu.memory_space<vmem>>[vector<16xi32>, vector<16xi32>], vector<16xf32>,
      %mul3A_505 = arith.mulf %gather3A_498, %gather3A_504 : vector<16xf32>
      %add3A_506 = arith.addf %mul3A_492, %mul3A_505 : vector<16xf32>
      %gather3A_507 = arith.constant 0 : i32
      %gather3A_508 = arith.constant 0 : i32
      %gather3A_509 = arith.constant 0 : i32
      %gather3A_510 = tpu.memref_slice %arg11[%gather3A_507, %gather3A_508, %gather3A_509] : memref<8x64x128xf32, #tpu.memory_space<vmem>> -> memref<1x64x128xf32, #tpu.memory_space<vmem>>
      %gather3A_511 = tpu.memref_squeeze %gather3A_510 : memref<1x64x128xf32, #tpu.memory_space<vmem>> -> memref<64x128xf32, #tpu.memory_space<vmem>>
      %gather3A_512 = tpu.vector_load_idx %gather3A_511[%add3A_11, %broadcast_in_dim3A_475] : memref<64x128xf32, #tpu.memory_space<vmem>>[vector<16xi32>, vector<16xi32>], vector<16xf32>,
      %gather3A_513 = arith.constant 0 : i32
      %gather3A_514 = arith.constant 0 : i32
      %gather3A_515 = arith.constant 0 : i32
      %gather3A_516 = tpu.memref_slice %arg12[%gather3A_513, %gather3A_514, %gather3A_515] : memref<4x64x128xf32, #tpu.memory_space<vmem>> -> memref<1x64x128xf32, #tpu.memory_space<vmem>>
      %gather3A_517 = tpu.memref_squeeze %gather3A_516 : memref<1x64x128xf32, #tpu.memory_space<vmem>> -> memref<64x128xf32, #tpu.memory_space<vmem>>
      %gather3A_518 = tpu.vector_load_idx %gather3A_517[%add3A_11, %broadcast_in_dim3A_480] : memref<64x128xf32, #tpu.memory_space<vmem>>[vector<16xi32>, vector<16xi32>], vector<16xf32>,
      %mul3A_519 = arith.mulf %gather3A_512, %gather3A_518 : vector<16xf32>
      %add3A_520 = arith.addf %add3A_506, %mul3A_519 : vector<16xf32>
      %gather3A_521 = arith.constant 0 : i32
      %gather3A_522 = arith.constant 0 : i32
      %gather3A_523 = arith.constant 0 : i32
      %gather3A_524 = tpu.memref_slice %arg11[%gather3A_521, %gather3A_522, %gather3A_523] : memref<8x64x128xf32, #tpu.memory_space<vmem>> -> memref<1x64x128xf32, #tpu.memory_space<vmem>>
      %gather3A_525 = tpu.memref_squeeze %gather3A_524 : memref<1x64x128xf32, #tpu.memory_space<vmem>> -> memref<64x128xf32, #tpu.memory_space<vmem>>
      %gather3A_526 = tpu.vector_load_idx %gather3A_525[%add3A_14, %broadcast_in_dim3A_475] : memref<64x128xf32, #tpu.memory_space<vmem>>[vector<16xi32>, vector<16xi32>], vector<16xf32>,
      %gather3A_527 = arith.constant 0 : i32
      %gather3A_528 = arith.constant 0 : i32
      %gather3A_529 = arith.constant 0 : i32
      %gather3A_530 = tpu.memref_slice %arg12[%gather3A_527, %gather3A_528, %gather3A_529] : memref<4x64x128xf32, #tpu.memory_space<vmem>> -> memref<1x64x128xf32, #tpu.memory_space<vmem>>
      %gather3A_531 = tpu.memref_squeeze %gather3A_530 : memref<1x64x128xf32, #tpu.memory_space<vmem>> -> memref<64x128xf32, #tpu.memory_space<vmem>>
      %gather3A_532 = tpu.vector_load_idx %gather3A_531[%add3A_14, %broadcast_in_dim3A_480] : memref<64x128xf32, #tpu.memory_space<vmem>>[vector<16xi32>, vector<16xi32>], vector<16xf32>,
      %mul3A_533 = arith.mulf %gather3A_526, %gather3A_532 : vector<16xf32>
      %add3A_534 = arith.addf %add3A_520, %mul3A_533 : vector<16xf32>
      %reduce_sum3A = arith.constant true
      %reduce_sum3A_535 = vector.broadcast %reduce_sum3A : i1 to vector<16xi1>
      %reduce_sum3A_536 = tpu.scan <sum>, %add3A_534 masked %reduce_sum3A_535 : vector<16xf32>, vector<16xi1> -> vector<16xf32>
      %reduce_sum3A_537 = vector.extract %reduce_sum3A_536[15] : f32 from vector<16xf32>
      %mul3A_538 = vector.broadcast %reduce_sum3A_537 : f32 to vector<16xf32>
      %mul3A_539 = arith.mulf %mul3A_538, %select_n3A : vector<16xf32>
      %add3A_540 = arith.addf %broadcast_in_dim3A_436, %mul3A_539 : vector<16xf32>
      %slice3A_541 = vector.extract_strided_slice %get3A_423 {offsets = [8], sizes = [1], strides = [1]} : vector<16xi32> to vector<1xi32>
      %squeeze3A_542 = vector.extract %slice3A_541[0] : i32 from vector<1xi32>
      %shift_right_arithmetic3A_543 = arith.constant 7 : i32
      %shift_right_arithmetic3A_544 = arith.shrsi %squeeze3A_542, %shift_right_arithmetic3A_543 : i32
      %shift_left3A_545 = arith.constant 7 : i32
      %shift_left3A_546 = arith.shli %shift_right_arithmetic3A_544, %shift_left3A_545 : i32
      %multiple_of3A_547 = tpu.assume_multiple %shift_left3A_546, 128 : i32
      %dma_start3A_548 = arith.constant 0 : i32
      %dma_start3A_549 = arith.constant 0 : i32
      %dma_start3A_550 = arith.constant 0 : i32
      %dma_start3A_551 = arith.constant 0 : i32
      %dma_start3A_552 = tpu.memref_slice %arg11[%dma_start3A_548, %dma_start3A_550, %dma_start3A_551] : memref<8x64x128xf32, #tpu.memory_space<vmem>> -> memref<1x64x128xf32, #tpu.memory_space<vmem>>
      %dma_start3A_553 = tpu.memref_squeeze %dma_start3A_552 : memref<1x64x128xf32, #tpu.memory_space<vmem>> -> memref<64x128xf32, #tpu.memory_space<vmem>>
      %dma_start3A_554 = arith.constant 0 : i32
      %dma_start3A_555 = tpu.memref_slice %arg5[%dma_start3A_554, %multiple_of3A_547] : memref<64x1000000xf32, #tpu.memory_space<hbm>> -> memref<64x128xf32, #tpu.memory_space<hbm>>
      %dma_start3A_556 = tpu.memref_slice %arg14[%dma_start3A_549] : memref<8x!tpu.dma_semaphore, #tpu.memory_space<semaphore_mem>> -> memref<1x!tpu.dma_semaphore, #tpu.memory_space<semaphore_mem>>
      %dma_start3A_557 = tpu.memref_squeeze %dma_start3A_556 : memref<1x!tpu.dma_semaphore, #tpu.memory_space<semaphore_mem>> -> memref<!tpu.dma_semaphore, #tpu.memory_space<semaphore_mem>>
      %dma_start3A_558 = arith.constant 0 : i32
      %dma_start3A_559 = arith.constant 0 : i32
      %dma_start3A_560 = tpu.memref_slice %arg11[%dma_start3A_548, %dma_start3A_558, %dma_start3A_559] : memref<8x64x128xf32, #tpu.memory_space<vmem>> -> memref<1x64x128xf32, #tpu.memory_space<vmem>>
      %dma_start3A_561 = tpu.memref_squeeze %dma_start3A_560 : memref<1x64x128xf32, #tpu.memory_space<vmem>> -> memref<64x128xf32, #tpu.memory_space<vmem>>
      %dma_start3A_562 = arith.constant 0 : i32
      %dma_start3A_563 = tpu.memref_slice %arg5[%dma_start3A_562, %multiple_of3A_547] : memref<64x1000000xf32, #tpu.memory_space<hbm>> -> memref<64x128xf32, #tpu.memory_space<hbm>>
      tpu.enqueue_dma source(%dma_start3A_563 : memref<64x128xf32, #tpu.memory_space<hbm>>) target(%dma_start3A_561 : memref<64x128xf32, #tpu.memory_space<vmem>>) target_semaphore(%dma_start3A_557 : memref<!tpu.dma_semaphore, #tpu.memory_space<semaphore_mem>>)
      %slice3A_564 = vector.extract_strided_slice %get3A_425 {offsets = [4], sizes = [1], strides = [1]} : vector<16xi32> to vector<1xi32>
      %squeeze3A_565 = vector.extract %slice3A_564[0] : i32 from vector<1xi32>
      %shift_right_arithmetic3A_566 = arith.constant 7 : i32
      %shift_right_arithmetic3A_567 = arith.shrsi %squeeze3A_565, %shift_right_arithmetic3A_566 : i32
      %shift_left3A_568 = arith.constant 7 : i32
      %shift_left3A_569 = arith.shli %shift_right_arithmetic3A_567, %shift_left3A_568 : i32
      %multiple_of3A_570 = tpu.assume_multiple %shift_left3A_569, 128 : i32
      %dma_start3A_571 = arith.constant 0 : i32
      %dma_start3A_572 = arith.constant 0 : i32
      %dma_start3A_573 = arith.constant 0 : i32
      %dma_start3A_574 = arith.constant 0 : i32
      %dma_start3A_575 = tpu.memref_slice %arg12[%dma_start3A_571, %dma_start3A_573, %dma_start3A_574] : memref<4x64x128xf32, #tpu.memory_space<vmem>> -> memref<1x64x128xf32, #tpu.memory_space<vmem>>
      %dma_start3A_576 = tpu.memref_squeeze %dma_start3A_575 : memref<1x64x128xf32, #tpu.memory_space<vmem>> -> memref<64x128xf32, #tpu.memory_space<vmem>>
      %dma_start3A_577 = arith.constant 0 : i32
      %dma_start3A_578 = tpu.memref_slice %arg6[%dma_start3A_577, %multiple_of3A_570] : memref<64x1000000xf32, #tpu.memory_space<hbm>> -> memref<64x128xf32, #tpu.memory_space<hbm>>
      %dma_start3A_579 = tpu.memref_slice %arg15[%dma_start3A_572] : memref<4x!tpu.dma_semaphore, #tpu.memory_space<semaphore_mem>> -> memref<1x!tpu.dma_semaphore, #tpu.memory_space<semaphore_mem>>
      %dma_start3A_580 = tpu.memref_squeeze %dma_start3A_579 : memref<1x!tpu.dma_semaphore, #tpu.memory_space<semaphore_mem>> -> memref<!tpu.dma_semaphore, #tpu.memory_space<semaphore_mem>>
      %dma_start3A_581 = arith.constant 0 : i32
      %dma_start3A_582 = arith.constant 0 : i32
      %dma_start3A_583 = tpu.memref_slice %arg12[%dma_start3A_571, %dma_start3A_581, %dma_start3A_582] : memref<4x64x128xf32, #tpu.memory_space<vmem>> -> memref<1x64x128xf32, #tpu.memory_space<vmem>>
      %dma_start3A_584 = tpu.memref_squeeze %dma_start3A_583 : memref<1x64x128xf32, #tpu.memory_space<vmem>> -> memref<64x128xf32, #tpu.memory_space<vmem>>
      %dma_start3A_585 = arith.constant 0 : i32
      %dma_start3A_586 = tpu.memref_slice %arg6[%dma_start3A_585, %multiple_of3A_570] : memref<64x1000000xf32, #tpu.memory_space<hbm>> -> memref<64x128xf32, #tpu.memory_space<hbm>>
      tpu.enqueue_dma source(%dma_start3A_586 : memref<64x128xf32, #tpu.memory_space<hbm>>) target(%dma_start3A_584 : memref<64x128xf32, #tpu.memory_space<vmem>>) target_semaphore(%dma_start3A_580 : memref<!tpu.dma_semaphore, #tpu.memory_space<semaphore_mem>>)
      %dma_wait3A_587 = arith.constant 1 : i32
      %dma_wait3A_588 = arith.constant 1 : i32
      %dma_wait3A_589 = arith.constant 0 : i32
      %dma_wait3A_590 = arith.constant 0 : i32
      %dma_wait3A_591 = tpu.memref_slice %arg11[%dma_wait3A_587, %dma_wait3A_589, %dma_wait3A_590] : memref<8x64x128xf32, #tpu.memory_space<vmem>> -> memref<1x64x128xf32, #tpu.memory_space<vmem>>
      %dma_wait3A_592 = tpu.memref_squeeze %dma_wait3A_591 : memref<1x64x128xf32, #tpu.memory_space<vmem>> -> memref<64x128xf32, #tpu.memory_space<vmem>>
      %dma_wait3A_593 = arith.constant 0 : i32
      %dma_wait3A_594 = arith.constant 0 : i32
      %dma_wait3A_595 = tpu.memref_slice %arg5[%dma_wait3A_593, %dma_wait3A_594] : memref<64x1000000xf32, #tpu.memory_space<hbm>> -> memref<64x128xf32, #tpu.memory_space<hbm>>
      %dma_wait3A_596 = tpu.memref_slice %arg14[%dma_wait3A_588] : memref<8x!tpu.dma_semaphore, #tpu.memory_space<semaphore_mem>> -> memref<1x!tpu.dma_semaphore, #tpu.memory_space<semaphore_mem>>
      %dma_wait3A_597 = tpu.memref_squeeze %dma_wait3A_596 : memref<1x!tpu.dma_semaphore, #tpu.memory_space<semaphore_mem>> -> memref<!tpu.dma_semaphore, #tpu.memory_space<semaphore_mem>>
      %dma_wait3A_598 = arith.constant 0 : i32
      %dma_wait3A_599 = arith.constant 0 : i32
      %dma_wait3A_600 = tpu.memref_slice %arg11[%dma_wait3A_587, %dma_wait3A_598, %dma_wait3A_599] : memref<8x64x128xf32, #tpu.memory_space<vmem>> -> memref<1x64x128xf32, #tpu.memory_space<vmem>>
      %dma_wait3A_601 = tpu.memref_squeeze %dma_wait3A_600 : memref<1x64x128xf32, #tpu.memory_space<vmem>> -> memref<64x128xf32, #tpu.memory_space<vmem>>
      %dma_wait3A_602 = arith.constant 0 : i32
      %dma_wait3A_603 = arith.constant 0 : i32
      %dma_wait3A_604 = tpu.memref_slice %arg5[%dma_wait3A_602, %dma_wait3A_603] : memref<64x1000000xf32, #tpu.memory_space<hbm>> -> memref<64x128xf32, #tpu.memory_space<hbm>>
      tpu.wait_dma2 semaphore(%dma_wait3A_597 : memref<!tpu.dma_semaphore, #tpu.memory_space<semaphore_mem>>) src(%dma_wait3A_604 : memref<64x128xf32, #tpu.memory_space<hbm>>) dst(%dma_wait3A_601 : memref<64x128xf32, #tpu.memory_space<vmem>>)
      %dma_wait3A_605 = arith.constant 1 : i32
      %dma_wait3A_606 = arith.constant 1 : i32
      %dma_wait3A_607 = arith.constant 0 : i32
      %dma_wait3A_608 = arith.constant 0 : i32
      %dma_wait3A_609 = tpu.memref_slice %arg12[%dma_wait3A_605, %dma_wait3A_607, %dma_wait3A_608] : memref<4x64x128xf32, #tpu.memory_space<vmem>> -> memref<1x64x128xf32, #tpu.memory_space<vmem>>
      %dma_wait3A_610 = tpu.memref_squeeze %dma_wait3A_609 : memref<1x64x128xf32, #tpu.memory_space<vmem>> -> memref<64x128xf32, #tpu.memory_space<vmem>>
      %dma_wait3A_611 = arith.constant 0 : i32
      %dma_wait3A_612 = arith.constant 0 : i32
      %dma_wait3A_613 = tpu.memref_slice %arg6[%dma_wait3A_611, %dma_wait3A_612] : memref<64x1000000xf32, #tpu.memory_space<hbm>> -> memref<64x128xf32, #tpu.memory_space<hbm>>
      %dma_wait3A_614 = tpu.memref_slice %arg15[%dma_wait3A_606] : memref<4x!tpu.dma_semaphore, #tpu.memory_space<semaphore_mem>> -> memref<1x!tpu.dma_semaphore, #tpu.memory_space<semaphore_mem>>
      %dma_wait3A_615 = tpu.memref_squeeze %dma_wait3A_614 : memref<1x!tpu.dma_semaphore, #tpu.memory_space<semaphore_mem>> -> memref<!tpu.dma_semaphore, #tpu.memory_space<semaphore_mem>>
      %dma_wait3A_616 = arith.constant 0 : i32
      %dma_wait3A_617 = arith.constant 0 : i32
      %dma_wait3A_618 = tpu.memref_slice %arg12[%dma_wait3A_605, %dma_wait3A_616, %dma_wait3A_617] : memref<4x64x128xf32, #tpu.memory_space<vmem>> -> memref<1x64x128xf32, #tpu.memory_space<vmem>>
      %dma_wait3A_619 = tpu.memref_squeeze %dma_wait3A_618 : memref<1x64x128xf32, #tpu.memory_space<vmem>> -> memref<64x128xf32, #tpu.memory_space<vmem>>
      %dma_wait3A_620 = arith.constant 0 : i32
      %dma_wait3A_621 = arith.constant 0 : i32
      %dma_wait3A_622 = tpu.memref_slice %arg6[%dma_wait3A_620, %dma_wait3A_621] : memref<64x1000000xf32, #tpu.memory_space<hbm>> -> memref<64x128xf32, #tpu.memory_space<hbm>>
      tpu.wait_dma2 semaphore(%dma_wait3A_615 : memref<!tpu.dma_semaphore, #tpu.memory_space<semaphore_mem>>) src(%dma_wait3A_622 : memref<64x128xf32, #tpu.memory_space<hbm>>) dst(%dma_wait3A_619 : memref<64x128xf32, #tpu.memory_space<vmem>>)
      %slice3A_623 = vector.extract_strided_slice %get3A_423 {offsets = [1], sizes = [1], strides = [1]} : vector<16xi32> to vector<1xi32>
      %squeeze3A_624 = vector.extract %slice3A_623[0] : i32 from vector<1xi32>
      %and3A_625 = arith.constant 127 : i32
      %and3A_626 = arith.andi %squeeze3A_624, %and3A_625 : i32
      %broadcast_in_dim3A_627 = vector.broadcast %and3A_626 : i32 to vector<16xi32>
      %slice3A_628 = vector.extract_strided_slice %get3A_425 {offsets = [1], sizes = [1], strides = [1]} : vector<16xi32> to vector<1xi32>
      %squeeze3A_629 = vector.extract %slice3A_628[0] : i32 from vector<1xi32>
      %and3A_630 = arith.constant 127 : i32
      %and3A_631 = arith.andi %squeeze3A_629, %and3A_630 : i32
      %broadcast_in_dim3A_632 = vector.broadcast %and3A_631 : i32 to vector<16xi32>
      %gather3A_633 = arith.constant 1 : i32
      %gather3A_634 = arith.constant 0 : i32
      %gather3A_635 = arith.constant 0 : i32
      %gather3A_636 = tpu.memref_slice %arg11[%gather3A_633, %gather3A_634, %gather3A_635] : memref<8x64x128xf32, #tpu.memory_space<vmem>> -> memref<1x64x128xf32, #tpu.memory_space<vmem>>
      %gather3A_637 = tpu.memref_squeeze %gather3A_636 : memref<1x64x128xf32, #tpu.memory_space<vmem>> -> memref<64x128xf32, #tpu.memory_space<vmem>>
      %gather3A_638 = tpu.vector_load_idx %gather3A_637[%add3A_5, %broadcast_in_dim3A_627] : memref<64x128xf32, #tpu.memory_space<vmem>>[vector<16xi32>, vector<16xi32>], vector<16xf32>,
      %gather3A_639 = arith.constant 1 : i32
      %gather3A_640 = arith.constant 0 : i32
      %gather3A_641 = arith.constant 0 : i32
      %gather3A_642 = tpu.memref_slice %arg12[%gather3A_639, %gather3A_640, %gather3A_641] : memref<4x64x128xf32, #tpu.memory_space<vmem>> -> memref<1x64x128xf32, #tpu.memory_space<vmem>>
      %gather3A_643 = tpu.memref_squeeze %gather3A_642 : memref<1x64x128xf32, #tpu.memory_space<vmem>> -> memref<64x128xf32, #tpu.memory_space<vmem>>
      %gather3A_644 = tpu.vector_load_idx %gather3A_643[%add3A_5, %broadcast_in_dim3A_632] : memref<64x128xf32, #tpu.memory_space<vmem>>[vector<16xi32>, vector<16xi32>], vector<16xf32>,
      %mul3A_645 = arith.mulf %gather3A_638, %gather3A_644 : vector<16xf32>
      %gather3A_646 = arith.constant 1 : i32
      %gather3A_647 = arith.constant 0 : i32
      %gather3A_648 = arith.constant 0 : i32
      %gather3A_649 = tpu.memref_slice %arg11[%gather3A_646, %gather3A_647, %gather3A_648] : memref<8x64x128xf32, #tpu.memory_space<vmem>> -> memref<1x64x128xf32, #tpu.memory_space<vmem>>
      %gather3A_650 = tpu.memref_squeeze %gather3A_649 : memref<1x64x128xf32, #tpu.memory_space<vmem>> -> memref<64x128xf32, #tpu.memory_space<vmem>>
      %gather3A_651 = tpu.vector_load_idx %gather3A_650[%add3A_8, %broadcast_in_dim3A_627] : memref<64x128xf32, #tpu.memory_space<vmem>>[vector<16xi32>, vector<16xi32>], vector<16xf32>,
      %gather3A_652 = arith.constant 1 : i32
      %gather3A_653 = arith.constant 0 : i32
      %gather3A_654 = arith.constant 0 : i32
      %gather3A_655 = tpu.memref_slice %arg12[%gather3A_652, %gather3A_653, %gather3A_654] : memref<4x64x128xf32, #tpu.memory_space<vmem>> -> memref<1x64x128xf32, #tpu.memory_space<vmem>>
      %gather3A_656 = tpu.memref_squeeze %gather3A_655 : memref<1x64x128xf32, #tpu.memory_space<vmem>> -> memref<64x128xf32, #tpu.memory_space<vmem>>
      %gather3A_657 = tpu.vector_load_idx %gather3A_656[%add3A_8, %broadcast_in_dim3A_632] : memref<64x128xf32, #tpu.memory_space<vmem>>[vector<16xi32>, vector<16xi32>], vector<16xf32>,
      %mul3A_658 = arith.mulf %gather3A_651, %gather3A_657 : vector<16xf32>
      %add3A_659 = arith.addf %mul3A_645, %mul3A_658 : vector<16xf32>
      %gather3A_660 = arith.constant 1 : i32
      %gather3A_661 = arith.constant 0 : i32
      %gather3A_662 = arith.constant 0 : i32
      %gather3A_663 = tpu.memref_slice %arg11[%gather3A_660, %gather3A_661, %gather3A_662] : memref<8x64x128xf32, #tpu.memory_space<vmem>> -> memref<1x64x128xf32, #tpu.memory_space<vmem>>
      %gather3A_664 = tpu.memref_squeeze %gather3A_663 : memref<1x64x128xf32, #tpu.memory_space<vmem>> -> memref<64x128xf32, #tpu.memory_space<vmem>>
      %gather3A_665 = tpu.vector_load_idx %gather3A_664[%add3A_11, %broadcast_in_dim3A_627] : memref<64x128xf32, #tpu.memory_space<vmem>>[vector<16xi32>, vector<16xi32>], vector<16xf32>,
      %gather3A_666 = arith.constant 1 : i32
      %gather3A_667 = arith.constant 0 : i32
      %gather3A_668 = arith.constant 0 : i32
      %gather3A_669 = tpu.memref_slice %arg12[%gather3A_666, %gather3A_667, %gather3A_668] : memref<4x64x128xf32, #tpu.memory_space<vmem>> -> memref<1x64x128xf32, #tpu.memory_space<vmem>>
      %gather3A_670 = tpu.memref_squeeze %gather3A_669 : memref<1x64x128xf32, #tpu.memory_space<vmem>> -> memref<64x128xf32, #tpu.memory_space<vmem>>
      %gather3A_671 = tpu.vector_load_idx %gather3A_670[%add3A_11, %broadcast_in_dim3A_632] : memref<64x128xf32, #tpu.memory_space<vmem>>[vector<16xi32>, vector<16xi32>], vector<16xf32>,
      %mul3A_672 = arith.mulf %gather3A_665, %gather3A_671 : vector<16xf32>
      %add3A_673 = arith.addf %add3A_659, %mul3A_672 : vector<16xf32>
      %gather3A_674 = arith.constant 1 : i32
      %gather3A_675 = arith.constant 0 : i32
      %gather3A_676 = arith.constant 0 : i32
      %gather3A_677 = tpu.memref_slice %arg11[%gather3A_674, %gather3A_675, %gather3A_676] : memref<8x64x128xf32, #tpu.memory_space<vmem>> -> memref<1x64x128xf32, #tpu.memory_space<vmem>>
      %gather3A_678 = tpu.memref_squeeze %gather3A_677 : memref<1x64x128xf32, #tpu.memory_space<vmem>> -> memref<64x128xf32, #tpu.memory_space<vmem>>
      %gather3A_679 = tpu.vector_load_idx %gather3A_678[%add3A_14, %broadcast_in_dim3A_627] : memref<64x128xf32, #tpu.memory_space<vmem>>[vector<16xi32>, vector<16xi32>], vector<16xf32>,
      %gather3A_680 = arith.constant 1 : i32
      %gather3A_681 = arith.constant 0 : i32
      %gather3A_682 = arith.constant 0 : i32
      %gather3A_683 = tpu.memref_slice %arg12[%gather3A_680, %gather3A_681, %gather3A_682] : memref<4x64x128xf32, #tpu.memory_space<vmem>> -> memref<1x64x128xf32, #tpu.memory_space<vmem>>
      %gather3A_684 = tpu.memref_squeeze %gather3A_683 : memref<1x64x128xf32, #tpu.memory_space<vmem>> -> memref<64x128xf32, #tpu.memory_space<vmem>>
      %gather3A_685 = tpu.vector_load_idx %gather3A_684[%add3A_14, %broadcast_in_dim3A_632] : memref<64x128xf32, #tpu.memory_space<vmem>>[vector<16xi32>, vector<16xi32>], vector<16xf32>,
      %mul3A_686 = arith.mulf %gather3A_679, %gather3A_685 : vector<16xf32>
      %add3A_687 = arith.addf %add3A_673, %mul3A_686 : vector<16xf32>
      %reduce_sum3A_688 = arith.constant true
      %reduce_sum3A_689 = vector.broadcast %reduce_sum3A_688 : i1 to vector<16xi1>
      %reduce_sum3A_690 = tpu.scan <sum>, %add3A_687 masked %reduce_sum3A_689 : vector<16xf32>, vector<16xi1> -> vector<16xf32>
      %reduce_sum3A_691 = vector.extract %reduce_sum3A_690[15] : f32 from vector<16xf32>
      %mul3A_692 = vector.broadcast %reduce_sum3A_691 : f32 to vector<16xf32>
      %mul3A_693 = arith.mulf %mul3A_692, %select_n3A_26 : vector<16xf32>
      %add3A_694 = arith.addf %add3A_540, %mul3A_693 : vector<16xf32>
      %slice3A_695 = vector.extract_strided_slice %get3A_423 {offsets = [9], sizes = [1], strides = [1]} : vector<16xi32> to vector<1xi32>
      %squeeze3A_696 = vector.extract %slice3A_695[0] : i32 from vector<1xi32>
      %shift_right_arithmetic3A_697 = arith.constant 7 : i32
      %shift_right_arithmetic3A_698 = arith.shrsi %squeeze3A_696, %shift_right_arithmetic3A_697 : i32
      %shift_left3A_699 = arith.constant 7 : i32
      %shift_left3A_700 = arith.shli %shift_right_arithmetic3A_698, %shift_left3A_699 : i32
      %multiple_of3A_701 = tpu.assume_multiple %shift_left3A_700, 128 : i32
      %dma_start3A_702 = arith.constant 1 : i32
      %dma_start3A_703 = arith.constant 1 : i32
      %dma_start3A_704 = arith.constant 0 : i32
      %dma_start3A_705 = arith.constant 0 : i32
      %dma_start3A_706 = tpu.memref_slice %arg11[%dma_start3A_702, %dma_start3A_704, %dma_start3A_705] : memref<8x64x128xf32, #tpu.memory_space<vmem>> -> memref<1x64x128xf32, #tpu.memory_space<vmem>>
      %dma_start3A_707 = tpu.memref_squeeze %dma_start3A_706 : memref<1x64x128xf32, #tpu.memory_space<vmem>> -> memref<64x128xf32, #tpu.memory_space<vmem>>
      %dma_start3A_708 = arith.constant 0 : i32
      %dma_start3A_709 = tpu.memref_slice %arg5[%dma_start3A_708, %multiple_of3A_701] : memref<64x1000000xf32, #tpu.memory_space<hbm>> -> memref<64x128xf32, #tpu.memory_space<hbm>>
      %dma_start3A_710 = tpu.memref_slice %arg14[%dma_start3A_703] : memref<8x!tpu.dma_semaphore, #tpu.memory_space<semaphore_mem>> -> memref<1x!tpu.dma_semaphore, #tpu.memory_space<semaphore_mem>>
      %dma_start3A_711 = tpu.memref_squeeze %dma_start3A_710 : memref<1x!tpu.dma_semaphore, #tpu.memory_space<semaphore_mem>> -> memref<!tpu.dma_semaphore, #tpu.memory_space<semaphore_mem>>
      %dma_start3A_712 = arith.constant 0 : i32
      %dma_start3A_713 = arith.constant 0 : i32
      %dma_start3A_714 = tpu.memref_slice %arg11[%dma_start3A_702, %dma_start3A_712, %dma_start3A_713] : memref<8x64x128xf32, #tpu.memory_space<vmem>> -> memref<1x64x128xf32, #tpu.memory_space<vmem>>
      %dma_start3A_715 = tpu.memref_squeeze %dma_start3A_714 : memref<1x64x128xf32, #tpu.memory_space<vmem>> -> memref<64x128xf32, #tpu.memory_space<vmem>>
      %dma_start3A_716 = arith.constant 0 : i32
      %dma_start3A_717 = tpu.memref_slice %arg5[%dma_start3A_716, %multiple_of3A_701] : memref<64x1000000xf32, #tpu.memory_space<hbm>> -> memref<64x128xf32, #tpu.memory_space<hbm>>
      tpu.enqueue_dma source(%dma_start3A_717 : memref<64x128xf32, #tpu.memory_space<hbm>>) target(%dma_start3A_715 : memref<64x128xf32, #tpu.memory_space<vmem>>) target_semaphore(%dma_start3A_711 : memref<!tpu.dma_semaphore, #tpu.memory_space<semaphore_mem>>)
      %slice3A_718 = vector.extract_strided_slice %get3A_425 {offsets = [5], sizes = [1], strides = [1]} : vector<16xi32> to vector<1xi32>
      %squeeze3A_719 = vector.extract %slice3A_718[0] : i32 from vector<1xi32>
      %shift_right_arithmetic3A_720 = arith.constant 7 : i32
      %shift_right_arithmetic3A_721 = arith.shrsi %squeeze3A_719, %shift_right_arithmetic3A_720 : i32
      %shift_left3A_722 = arith.constant 7 : i32
      %shift_left3A_723 = arith.shli %shift_right_arithmetic3A_721, %shift_left3A_722 : i32
      %multiple_of3A_724 = tpu.assume_multiple %shift_left3A_723, 128 : i32
      %dma_start3A_725 = arith.constant 1 : i32
      %dma_start3A_726 = arith.constant 1 : i32
      %dma_start3A_727 = arith.constant 0 : i32
      %dma_start3A_728 = arith.constant 0 : i32
      %dma_start3A_729 = tpu.memref_slice %arg12[%dma_start3A_725, %dma_start3A_727, %dma_start3A_728] : memref<4x64x128xf32, #tpu.memory_space<vmem>> -> memref<1x64x128xf32, #tpu.memory_space<vmem>>
      %dma_start3A_730 = tpu.memref_squeeze %dma_start3A_729 : memref<1x64x128xf32, #tpu.memory_space<vmem>> -> memref<64x128xf32, #tpu.memory_space<vmem>>
      %dma_start3A_731 = arith.constant 0 : i32
      %dma_start3A_732 = tpu.memref_slice %arg6[%dma_start3A_731, %multiple_of3A_724] : memref<64x1000000xf32, #tpu.memory_space<hbm>> -> memref<64x128xf32, #tpu.memory_space<hbm>>
      %dma_start3A_733 = tpu.memref_slice %arg15[%dma_start3A_726] : memref<4x!tpu.dma_semaphore, #tpu.memory_space<semaphore_mem>> -> memref<1x!tpu.dma_semaphore, #tpu.memory_space<semaphore_mem>>
      %dma_start3A_734 = tpu.memref_squeeze %dma_start3A_733 : memref<1x!tpu.dma_semaphore, #tpu.memory_space<semaphore_mem>> -> memref<!tpu.dma_semaphore, #tpu.memory_space<semaphore_mem>>
      %dma_start3A_735 = arith.constant 0 : i32
      %dma_start3A_736 = arith.constant 0 : i32
      %dma_start3A_737 = tpu.memref_slice %arg12[%dma_start3A_725, %dma_start3A_735, %dma_start3A_736] : memref<4x64x128xf32, #tpu.memory_space<vmem>> -> memref<1x64x128xf32, #tpu.memory_space<vmem>>
      %dma_start3A_738 = tpu.memref_squeeze %dma_start3A_737 : memref<1x64x128xf32, #tpu.memory_space<vmem>> -> memref<64x128xf32, #tpu.memory_space<vmem>>
      %dma_start3A_739 = arith.constant 0 : i32
      %dma_start3A_740 = tpu.memref_slice %arg6[%dma_start3A_739, %multiple_of3A_724] : memref<64x1000000xf32, #tpu.memory_space<hbm>> -> memref<64x128xf32, #tpu.memory_space<hbm>>
      tpu.enqueue_dma source(%dma_start3A_740 : memref<64x128xf32, #tpu.memory_space<hbm>>) target(%dma_start3A_738 : memref<64x128xf32, #tpu.memory_space<vmem>>) target_semaphore(%dma_start3A_734 : memref<!tpu.dma_semaphore, #tpu.memory_space<semaphore_mem>>)
      %dma_wait3A_741 = arith.constant 2 : i32
      %dma_wait3A_742 = arith.constant 2 : i32
      %dma_wait3A_743 = arith.constant 0 : i32
      %dma_wait3A_744 = arith.constant 0 : i32
      %dma_wait3A_745 = tpu.memref_slice %arg11[%dma_wait3A_741, %dma_wait3A_743, %dma_wait3A_744] : memref<8x64x128xf32, #tpu.memory_space<vmem>> -> memref<1x64x128xf32, #tpu.memory_space<vmem>>
      %dma_wait3A_746 = tpu.memref_squeeze %dma_wait3A_745 : memref<1x64x128xf32, #tpu.memory_space<vmem>> -> memref<64x128xf32, #tpu.memory_space<vmem>>
      %dma_wait3A_747 = arith.constant 0 : i32
      %dma_wait3A_748 = arith.constant 0 : i32
      %dma_wait3A_749 = tpu.memref_slice %arg5[%dma_wait3A_747, %dma_wait3A_748] : memref<64x1000000xf32, #tpu.memory_space<hbm>> -> memref<64x128xf32, #tpu.memory_space<hbm>>
      %dma_wait3A_750 = tpu.memref_slice %arg14[%dma_wait3A_742] : memref<8x!tpu.dma_semaphore, #tpu.memory_space<semaphore_mem>> -> memref<1x!tpu.dma_semaphore, #tpu.memory_space<semaphore_mem>>
      %dma_wait3A_751 = tpu.memref_squeeze %dma_wait3A_750 : memref<1x!tpu.dma_semaphore, #tpu.memory_space<semaphore_mem>> -> memref<!tpu.dma_semaphore, #tpu.memory_space<semaphore_mem>>
      %dma_wait3A_752 = arith.constant 0 : i32
      %dma_wait3A_753 = arith.constant 0 : i32
      %dma_wait3A_754 = tpu.memref_slice %arg11[%dma_wait3A_741, %dma_wait3A_752, %dma_wait3A_753] : memref<8x64x128xf32, #tpu.memory_space<vmem>> -> memref<1x64x128xf32, #tpu.memory_space<vmem>>
      %dma_wait3A_755 = tpu.memref_squeeze %dma_wait3A_754 : memref<1x64x128xf32, #tpu.memory_space<vmem>> -> memref<64x128xf32, #tpu.memory_space<vmem>>
      %dma_wait3A_756 = arith.constant 0 : i32
      %dma_wait3A_757 = arith.constant 0 : i32
      %dma_wait3A_758 = tpu.memref_slice %arg5[%dma_wait3A_756, %dma_wait3A_757] : memref<64x1000000xf32, #tpu.memory_space<hbm>> -> memref<64x128xf32, #tpu.memory_space<hbm>>
      tpu.wait_dma2 semaphore(%dma_wait3A_751 : memref<!tpu.dma_semaphore, #tpu.memory_space<semaphore_mem>>) src(%dma_wait3A_758 : memref<64x128xf32, #tpu.memory_space<hbm>>) dst(%dma_wait3A_755 : memref<64x128xf32, #tpu.memory_space<vmem>>)
      %dma_wait3A_759 = arith.constant 2 : i32
      %dma_wait3A_760 = arith.constant 2 : i32
      %dma_wait3A_761 = arith.constant 0 : i32
      %dma_wait3A_762 = arith.constant 0 : i32
      %dma_wait3A_763 = tpu.memref_slice %arg12[%dma_wait3A_759, %dma_wait3A_761, %dma_wait3A_762] : memref<4x64x128xf32, #tpu.memory_space<vmem>> -> memref<1x64x128xf32, #tpu.memory_space<vmem>>
      %dma_wait3A_764 = tpu.memref_squeeze %dma_wait3A_763 : memref<1x64x128xf32, #tpu.memory_space<vmem>> -> memref<64x128xf32, #tpu.memory_space<vmem>>
      %dma_wait3A_765 = arith.constant 0 : i32
      %dma_wait3A_766 = arith.constant 0 : i32
      %dma_wait3A_767 = tpu.memref_slice %arg6[%dma_wait3A_765, %dma_wait3A_766] : memref<64x1000000xf32, #tpu.memory_space<hbm>> -> memref<64x128xf32, #tpu.memory_space<hbm>>
      %dma_wait3A_768 = tpu.memref_slice %arg15[%dma_wait3A_760] : memref<4x!tpu.dma_semaphore, #tpu.memory_space<semaphore_mem>> -> memref<1x!tpu.dma_semaphore, #tpu.memory_space<semaphore_mem>>
      %dma_wait3A_769 = tpu.memref_squeeze %dma_wait3A_768 : memref<1x!tpu.dma_semaphore, #tpu.memory_space<semaphore_mem>> -> memref<!tpu.dma_semaphore, #tpu.memory_space<semaphore_mem>>
      %dma_wait3A_770 = arith.constant 0 : i32
      %dma_wait3A_771 = arith.constant 0 : i32
      %dma_wait3A_772 = tpu.memref_slice %arg12[%dma_wait3A_759, %dma_wait3A_770, %dma_wait3A_771] : memref<4x64x128xf32, #tpu.memory_space<vmem>> -> memref<1x64x128xf32, #tpu.memory_space<vmem>>
      %dma_wait3A_773 = tpu.memref_squeeze %dma_wait3A_772 : memref<1x64x128xf32, #tpu.memory_space<vmem>> -> memref<64x128xf32, #tpu.memory_space<vmem>>
      %dma_wait3A_774 = arith.constant 0 : i32
      %dma_wait3A_775 = arith.constant 0 : i32
      %dma_wait3A_776 = tpu.memref_slice %arg6[%dma_wait3A_774, %dma_wait3A_775] : memref<64x1000000xf32, #tpu.memory_space<hbm>> -> memref<64x128xf32, #tpu.memory_space<hbm>>
      tpu.wait_dma2 semaphore(%dma_wait3A_769 : memref<!tpu.dma_semaphore, #tpu.memory_space<semaphore_mem>>) src(%dma_wait3A_776 : memref<64x128xf32, #tpu.memory_space<hbm>>) dst(%dma_wait3A_773 : memref<64x128xf32, #tpu.memory_space<vmem>>)
      %slice3A_777 = vector.extract_strided_slice %get3A_423 {offsets = [2], sizes = [1], strides = [1]} : vector<16xi32> to vector<1xi32>
      %squeeze3A_778 = vector.extract %slice3A_777[0] : i32 from vector<1xi32>
      %and3A_779 = arith.constant 127 : i32
      %and3A_780 = arith.andi %squeeze3A_778, %and3A_779 : i32
      %broadcast_in_dim3A_781 = vector.broadcast %and3A_780 : i32 to vector<16xi32>
      %slice3A_782 = vector.extract_strided_slice %get3A_425 {offsets = [2], sizes = [1], strides = [1]} : vector<16xi32> to vector<1xi32>
      %squeeze3A_783 = vector.extract %slice3A_782[0] : i32 from vector<1xi32>
      %and3A_784 = arith.constant 127 : i32
      %and3A_785 = arith.andi %squeeze3A_783, %and3A_784 : i32
      %broadcast_in_dim3A_786 = vector.broadcast %and3A_785 : i32 to vector<16xi32>
      %gather3A_787 = arith.constant 2 : i32
      %gather3A_788 = arith.constant 0 : i32
      %gather3A_789 = arith.constant 0 : i32
      %gather3A_790 = tpu.memref_slice %arg11[%gather3A_787, %gather3A_788, %gather3A_789] : memref<8x64x128xf32, #tpu.memory_space<vmem>> -> memref<1x64x128xf32, #tpu.memory_space<vmem>>
      %gather3A_791 = tpu.memref_squeeze %gather3A_790 : memref<1x64x128xf32, #tpu.memory_space<vmem>> -> memref<64x128xf32, #tpu.memory_space<vmem>>
      %gather3A_792 = tpu.vector_load_idx %gather3A_791[%add3A_5, %broadcast_in_dim3A_781] : memref<64x128xf32, #tpu.memory_space<vmem>>[vector<16xi32>, vector<16xi32>], vector<16xf32>,
      %gather3A_793 = arith.constant 2 : i32
      %gather3A_794 = arith.constant 0 : i32
      %gather3A_795 = arith.constant 0 : i32
      %gather3A_796 = tpu.memref_slice %arg12[%gather3A_793, %gather3A_794, %gather3A_795] : memref<4x64x128xf32, #tpu.memory_space<vmem>> -> memref<1x64x128xf32, #tpu.memory_space<vmem>>
      %gather3A_797 = tpu.memref_squeeze %gather3A_796 : memref<1x64x128xf32, #tpu.memory_space<vmem>> -> memref<64x128xf32, #tpu.memory_space<vmem>>
      %gather3A_798 = tpu.vector_load_idx %gather3A_797[%add3A_5, %broadcast_in_dim3A_786] : memref<64x128xf32, #tpu.memory_space<vmem>>[vector<16xi32>, vector<16xi32>], vector<16xf32>,
      %mul3A_799 = arith.mulf %gather3A_792, %gather3A_798 : vector<16xf32>
      %gather3A_800 = arith.constant 2 : i32
      %gather3A_801 = arith.constant 0 : i32
      %gather3A_802 = arith.constant 0 : i32
      %gather3A_803 = tpu.memref_slice %arg11[%gather3A_800, %gather3A_801, %gather3A_802] : memref<8x64x128xf32, #tpu.memory_space<vmem>> -> memref<1x64x128xf32, #tpu.memory_space<vmem>>
      %gather3A_804 = tpu.memref_squeeze %gather3A_803 : memref<1x64x128xf32, #tpu.memory_space<vmem>> -> memref<64x128xf32, #tpu.memory_space<vmem>>
      %gather3A_805 = tpu.vector_load_idx %gather3A_804[%add3A_8, %broadcast_in_dim3A_781] : memref<64x128xf32, #tpu.memory_space<vmem>>[vector<16xi32>, vector<16xi32>], vector<16xf32>,
      %gather3A_806 = arith.constant 2 : i32
      %gather3A_807 = arith.constant 0 : i32
      %gather3A_808 = arith.constant 0 : i32
      %gather3A_809 = tpu.memref_slice %arg12[%gather3A_806, %gather3A_807, %gather3A_808] : memref<4x64x128xf32, #tpu.memory_space<vmem>> -> memref<1x64x128xf32, #tpu.memory_space<vmem>>
      %gather3A_810 = tpu.memref_squeeze %gather3A_809 : memref<1x64x128xf32, #tpu.memory_space<vmem>> -> memref<64x128xf32, #tpu.memory_space<vmem>>
      %gather3A_811 = tpu.vector_load_idx %gather3A_810[%add3A_8, %broadcast_in_dim3A_786] : memref<64x128xf32, #tpu.memory_space<vmem>>[vector<16xi32>, vector<16xi32>], vector<16xf32>,
      %mul3A_812 = arith.mulf %gather3A_805, %gather3A_811 : vector<16xf32>
      %add3A_813 = arith.addf %mul3A_799, %mul3A_812 : vector<16xf32>
      %gather3A_814 = arith.constant 2 : i32
      %gather3A_815 = arith.constant 0 : i32
      %gather3A_816 = arith.constant 0 : i32
      %gather3A_817 = tpu.memref_slice %arg11[%gather3A_814, %gather3A_815, %gather3A_816] : memref<8x64x128xf32, #tpu.memory_space<vmem>> -> memref<1x64x128xf32, #tpu.memory_space<vmem>>
      %gather3A_818 = tpu.memref_squeeze %gather3A_817 : memref<1x64x128xf32, #tpu.memory_space<vmem>> -> memref<64x128xf32, #tpu.memory_space<vmem>>
      %gather3A_819 = tpu.vector_load_idx %gather3A_818[%add3A_11, %broadcast_in_dim3A_781] : memref<64x128xf32, #tpu.memory_space<vmem>>[vector<16xi32>, vector<16xi32>], vector<16xf32>,
      %gather3A_820 = arith.constant 2 : i32
      %gather3A_821 = arith.constant 0 : i32
      %gather3A_822 = arith.constant 0 : i32
      %gather3A_823 = tpu.memref_slice %arg12[%gather3A_820, %gather3A_821, %gather3A_822] : memref<4x64x128xf32, #tpu.memory_space<vmem>> -> memref<1x64x128xf32, #tpu.memory_space<vmem>>
      %gather3A_824 = tpu.memref_squeeze %gather3A_823 : memref<1x64x128xf32, #tpu.memory_space<vmem>> -> memref<64x128xf32, #tpu.memory_space<vmem>>
      %gather3A_825 = tpu.vector_load_idx %gather3A_824[%add3A_11, %broadcast_in_dim3A_786] : memref<64x128xf32, #tpu.memory_space<vmem>>[vector<16xi32>, vector<16xi32>], vector<16xf32>,
      %mul3A_826 = arith.mulf %gather3A_819, %gather3A_825 : vector<16xf32>
      %add3A_827 = arith.addf %add3A_813, %mul3A_826 : vector<16xf32>
      %gather3A_828 = arith.constant 2 : i32
      %gather3A_829 = arith.constant 0 : i32
      %gather3A_830 = arith.constant 0 : i32
      %gather3A_831 = tpu.memref_slice %arg11[%gather3A_828, %gather3A_829, %gather3A_830] : memref<8x64x128xf32, #tpu.memory_space<vmem>> -> memref<1x64x128xf32, #tpu.memory_space<vmem>>
      %gather3A_832 = tpu.memref_squeeze %gather3A_831 : memref<1x64x128xf32, #tpu.memory_space<vmem>> -> memref<64x128xf32, #tpu.memory_space<vmem>>
      %gather3A_833 = tpu.vector_load_idx %gather3A_832[%add3A_14, %broadcast_in_dim3A_781] : memref<64x128xf32, #tpu.memory_space<vmem>>[vector<16xi32>, vector<16xi32>], vector<16xf32>,
      %gather3A_834 = arith.constant 2 : i32
      %gather3A_835 = arith.constant 0 : i32
      %gather3A_836 = arith.constant 0 : i32
      %gather3A_837 = tpu.memref_slice %arg12[%gather3A_834, %gather3A_835, %gather3A_836] : memref<4x64x128xf32, #tpu.memory_space<vmem>> -> memref<1x64x128xf32, #tpu.memory_space<vmem>>
      %gather3A_838 = tpu.memref_squeeze %gather3A_837 : memref<1x64x128xf32, #tpu.memory_space<vmem>> -> memref<64x128xf32, #tpu.memory_space<vmem>>
      %gather3A_839 = tpu.vector_load_idx %gather3A_838[%add3A_14, %broadcast_in_dim3A_786] : memref<64x128xf32, #tpu.memory_space<vmem>>[vector<16xi32>, vector<16xi32>], vector<16xf32>,
      %mul3A_840 = arith.mulf %gather3A_833, %gather3A_839 : vector<16xf32>
      %add3A_841 = arith.addf %add3A_827, %mul3A_840 : vector<16xf32>
      %reduce_sum3A_842 = arith.constant true
      %reduce_sum3A_843 = vector.broadcast %reduce_sum3A_842 : i1 to vector<16xi1>
      %reduce_sum3A_844 = tpu.scan <sum>, %add3A_841 masked %reduce_sum3A_843 : vector<16xf32>, vector<16xi1> -> vector<16xf32>
      %reduce_sum3A_845 = vector.extract %reduce_sum3A_844[15] : f32 from vector<16xf32>
      %mul3A_846 = vector.broadcast %reduce_sum3A_845 : f32 to vector<16xf32>
      %mul3A_847 = arith.mulf %mul3A_846, %select_n3A_34 : vector<16xf32>
      %add3A_848 = arith.addf %add3A_694, %mul3A_847 : vector<16xf32>
      %slice3A_849 = vector.extract_strided_slice %get3A_423 {offsets = [10], sizes = [1], strides = [1]} : vector<16xi32> to vector<1xi32>
      %squeeze3A_850 = vector.extract %slice3A_849[0] : i32 from vector<1xi32>
      %shift_right_arithmetic3A_851 = arith.constant 7 : i32
      %shift_right_arithmetic3A_852 = arith.shrsi %squeeze3A_850, %shift_right_arithmetic3A_851 : i32
      %shift_left3A_853 = arith.constant 7 : i32
      %shift_left3A_854 = arith.shli %shift_right_arithmetic3A_852, %shift_left3A_853 : i32
      %multiple_of3A_855 = tpu.assume_multiple %shift_left3A_854, 128 : i32
      %dma_start3A_856 = arith.constant 2 : i32
      %dma_start3A_857 = arith.constant 2 : i32
      %dma_start3A_858 = arith.constant 0 : i32
      %dma_start3A_859 = arith.constant 0 : i32
      %dma_start3A_860 = tpu.memref_slice %arg11[%dma_start3A_856, %dma_start3A_858, %dma_start3A_859] : memref<8x64x128xf32, #tpu.memory_space<vmem>> -> memref<1x64x128xf32, #tpu.memory_space<vmem>>
      %dma_start3A_861 = tpu.memref_squeeze %dma_start3A_860 : memref<1x64x128xf32, #tpu.memory_space<vmem>> -> memref<64x128xf32, #tpu.memory_space<vmem>>
      %dma_start3A_862 = arith.constant 0 : i32
      %dma_start3A_863 = tpu.memref_slice %arg5[%dma_start3A_862, %multiple_of3A_855] : memref<64x1000000xf32, #tpu.memory_space<hbm>> -> memref<64x128xf32, #tpu.memory_space<hbm>>
      %dma_start3A_864 = tpu.memref_slice %arg14[%dma_start3A_857] : memref<8x!tpu.dma_semaphore, #tpu.memory_space<semaphore_mem>> -> memref<1x!tpu.dma_semaphore, #tpu.memory_space<semaphore_mem>>
      %dma_start3A_865 = tpu.memref_squeeze %dma_start3A_864 : memref<1x!tpu.dma_semaphore, #tpu.memory_space<semaphore_mem>> -> memref<!tpu.dma_semaphore, #tpu.memory_space<semaphore_mem>>
      %dma_start3A_866 = arith.constant 0 : i32
      %dma_start3A_867 = arith.constant 0 : i32
      %dma_start3A_868 = tpu.memref_slice %arg11[%dma_start3A_856, %dma_start3A_866, %dma_start3A_867] : memref<8x64x128xf32, #tpu.memory_space<vmem>> -> memref<1x64x128xf32, #tpu.memory_space<vmem>>
      %dma_start3A_869 = tpu.memref_squeeze %dma_start3A_868 : memref<1x64x128xf32, #tpu.memory_space<vmem>> -> memref<64x128xf32, #tpu.memory_space<vmem>>
      %dma_start3A_870 = arith.constant 0 : i32
      %dma_start3A_871 = tpu.memref_slice %arg5[%dma_start3A_870, %multiple_of3A_855] : memref<64x1000000xf32, #tpu.memory_space<hbm>> -> memref<64x128xf32, #tpu.memory_space<hbm>>
      tpu.enqueue_dma source(%dma_start3A_871 : memref<64x128xf32, #tpu.memory_space<hbm>>) target(%dma_start3A_869 : memref<64x128xf32, #tpu.memory_space<vmem>>) target_semaphore(%dma_start3A_865 : memref<!tpu.dma_semaphore, #tpu.memory_space<semaphore_mem>>)
      %slice3A_872 = vector.extract_strided_slice %get3A_425 {offsets = [6], sizes = [1], strides = [1]} : vector<16xi32> to vector<1xi32>
      %squeeze3A_873 = vector.extract %slice3A_872[0] : i32 from vector<1xi32>
      %shift_right_arithmetic3A_874 = arith.constant 7 : i32
      %shift_right_arithmetic3A_875 = arith.shrsi %squeeze3A_873, %shift_right_arithmetic3A_874 : i32
      %shift_left3A_876 = arith.constant 7 : i32
      %shift_left3A_877 = arith.shli %shift_right_arithmetic3A_875, %shift_left3A_876 : i32
      %multiple_of3A_878 = tpu.assume_multiple %shift_left3A_877, 128 : i32
      %dma_start3A_879 = arith.constant 2 : i32
      %dma_start3A_880 = arith.constant 2 : i32
      %dma_start3A_881 = arith.constant 0 : i32
      %dma_start3A_882 = arith.constant 0 : i32
      %dma_start3A_883 = tpu.memref_slice %arg12[%dma_start3A_879, %dma_start3A_881, %dma_start3A_882] : memref<4x64x128xf32, #tpu.memory_space<vmem>> -> memref<1x64x128xf32, #tpu.memory_space<vmem>>
      %dma_start3A_884 = tpu.memref_squeeze %dma_start3A_883 : memref<1x64x128xf32, #tpu.memory_space<vmem>> -> memref<64x128xf32, #tpu.memory_space<vmem>>
      %dma_start3A_885 = arith.constant 0 : i32
      %dma_start3A_886 = tpu.memref_slice %arg6[%dma_start3A_885, %multiple_of3A_878] : memref<64x1000000xf32, #tpu.memory_space<hbm>> -> memref<64x128xf32, #tpu.memory_space<hbm>>
      %dma_start3A_887 = tpu.memref_slice %arg15[%dma_start3A_880] : memref<4x!tpu.dma_semaphore, #tpu.memory_space<semaphore_mem>> -> memref<1x!tpu.dma_semaphore, #tpu.memory_space<semaphore_mem>>
      %dma_start3A_888 = tpu.memref_squeeze %dma_start3A_887 : memref<1x!tpu.dma_semaphore, #tpu.memory_space<semaphore_mem>> -> memref<!tpu.dma_semaphore, #tpu.memory_space<semaphore_mem>>
      %dma_start3A_889 = arith.constant 0 : i32
      %dma_start3A_890 = arith.constant 0 : i32
      %dma_start3A_891 = tpu.memref_slice %arg12[%dma_start3A_879, %dma_start3A_889, %dma_start3A_890] : memref<4x64x128xf32, #tpu.memory_space<vmem>> -> memref<1x64x128xf32, #tpu.memory_space<vmem>>
      %dma_start3A_892 = tpu.memref_squeeze %dma_start3A_891 : memref<1x64x128xf32, #tpu.memory_space<vmem>> -> memref<64x128xf32, #tpu.memory_space<vmem>>
      %dma_start3A_893 = arith.constant 0 : i32
      %dma_start3A_894 = tpu.memref_slice %arg6[%dma_start3A_893, %multiple_of3A_878] : memref<64x1000000xf32, #tpu.memory_space<hbm>> -> memref<64x128xf32, #tpu.memory_space<hbm>>
      tpu.enqueue_dma source(%dma_start3A_894 : memref<64x128xf32, #tpu.memory_space<hbm>>) target(%dma_start3A_892 : memref<64x128xf32, #tpu.memory_space<vmem>>) target_semaphore(%dma_start3A_888 : memref<!tpu.dma_semaphore, #tpu.memory_space<semaphore_mem>>)
      %dma_wait3A_895 = arith.constant 3 : i32
      %dma_wait3A_896 = arith.constant 3 : i32
      %dma_wait3A_897 = arith.constant 0 : i32
      %dma_wait3A_898 = arith.constant 0 : i32
      %dma_wait3A_899 = tpu.memref_slice %arg11[%dma_wait3A_895, %dma_wait3A_897, %dma_wait3A_898] : memref<8x64x128xf32, #tpu.memory_space<vmem>> -> memref<1x64x128xf32, #tpu.memory_space<vmem>>
      %dma_wait3A_900 = tpu.memref_squeeze %dma_wait3A_899 : memref<1x64x128xf32, #tpu.memory_space<vmem>> -> memref<64x128xf32, #tpu.memory_space<vmem>>
      %dma_wait3A_901 = arith.constant 0 : i32
      %dma_wait3A_902 = arith.constant 0 : i32
      %dma_wait3A_903 = tpu.memref_slice %arg5[%dma_wait3A_901, %dma_wait3A_902] : memref<64x1000000xf32, #tpu.memory_space<hbm>> -> memref<64x128xf32, #tpu.memory_space<hbm>>
      %dma_wait3A_904 = tpu.memref_slice %arg14[%dma_wait3A_896] : memref<8x!tpu.dma_semaphore, #tpu.memory_space<semaphore_mem>> -> memref<1x!tpu.dma_semaphore, #tpu.memory_space<semaphore_mem>>
      %dma_wait3A_905 = tpu.memref_squeeze %dma_wait3A_904 : memref<1x!tpu.dma_semaphore, #tpu.memory_space<semaphore_mem>> -> memref<!tpu.dma_semaphore, #tpu.memory_space<semaphore_mem>>
      %dma_wait3A_906 = arith.constant 0 : i32
      %dma_wait3A_907 = arith.constant 0 : i32
      %dma_wait3A_908 = tpu.memref_slice %arg11[%dma_wait3A_895, %dma_wait3A_906, %dma_wait3A_907] : memref<8x64x128xf32, #tpu.memory_space<vmem>> -> memref<1x64x128xf32, #tpu.memory_space<vmem>>
      %dma_wait3A_909 = tpu.memref_squeeze %dma_wait3A_908 : memref<1x64x128xf32, #tpu.memory_space<vmem>> -> memref<64x128xf32, #tpu.memory_space<vmem>>
      %dma_wait3A_910 = arith.constant 0 : i32
      %dma_wait3A_911 = arith.constant 0 : i32
      %dma_wait3A_912 = tpu.memref_slice %arg5[%dma_wait3A_910, %dma_wait3A_911] : memref<64x1000000xf32, #tpu.memory_space<hbm>> -> memref<64x128xf32, #tpu.memory_space<hbm>>
      tpu.wait_dma2 semaphore(%dma_wait3A_905 : memref<!tpu.dma_semaphore, #tpu.memory_space<semaphore_mem>>) src(%dma_wait3A_912 : memref<64x128xf32, #tpu.memory_space<hbm>>) dst(%dma_wait3A_909 : memref<64x128xf32, #tpu.memory_space<vmem>>)
      %dma_wait3A_913 = arith.constant 3 : i32
      %dma_wait3A_914 = arith.constant 3 : i32
      %dma_wait3A_915 = arith.constant 0 : i32
      %dma_wait3A_916 = arith.constant 0 : i32
      %dma_wait3A_917 = tpu.memref_slice %arg12[%dma_wait3A_913, %dma_wait3A_915, %dma_wait3A_916] : memref<4x64x128xf32, #tpu.memory_space<vmem>> -> memref<1x64x128xf32, #tpu.memory_space<vmem>>
      %dma_wait3A_918 = tpu.memref_squeeze %dma_wait3A_917 : memref<1x64x128xf32, #tpu.memory_space<vmem>> -> memref<64x128xf32, #tpu.memory_space<vmem>>
      %dma_wait3A_919 = arith.constant 0 : i32
      %dma_wait3A_920 = arith.constant 0 : i32
      %dma_wait3A_921 = tpu.memref_slice %arg6[%dma_wait3A_919, %dma_wait3A_920] : memref<64x1000000xf32, #tpu.memory_space<hbm>> -> memref<64x128xf32, #tpu.memory_space<hbm>>
      %dma_wait3A_922 = tpu.memref_slice %arg15[%dma_wait3A_914] : memref<4x!tpu.dma_semaphore, #tpu.memory_space<semaphore_mem>> -> memref<1x!tpu.dma_semaphore, #tpu.memory_space<semaphore_mem>>
      %dma_wait3A_923 = tpu.memref_squeeze %dma_wait3A_922 : memref<1x!tpu.dma_semaphore, #tpu.memory_space<semaphore_mem>> -> memref<!tpu.dma_semaphore, #tpu.memory_space<semaphore_mem>>
      %dma_wait3A_924 = arith.constant 0 : i32
      %dma_wait3A_925 = arith.constant 0 : i32
      %dma_wait3A_926 = tpu.memref_slice %arg12[%dma_wait3A_913, %dma_wait3A_924, %dma_wait3A_925] : memref<4x64x128xf32, #tpu.memory_space<vmem>> -> memref<1x64x128xf32, #tpu.memory_space<vmem>>
      %dma_wait3A_927 = tpu.memref_squeeze %dma_wait3A_926 : memref<1x64x128xf32, #tpu.memory_space<vmem>> -> memref<64x128xf32, #tpu.memory_space<vmem>>
      %dma_wait3A_928 = arith.constant 0 : i32
      %dma_wait3A_929 = arith.constant 0 : i32
      %dma_wait3A_930 = tpu.memref_slice %arg6[%dma_wait3A_928, %dma_wait3A_929] : memref<64x1000000xf32, #tpu.memory_space<hbm>> -> memref<64x128xf32, #tpu.memory_space<hbm>>
      tpu.wait_dma2 semaphore(%dma_wait3A_923 : memref<!tpu.dma_semaphore, #tpu.memory_space<semaphore_mem>>) src(%dma_wait3A_930 : memref<64x128xf32, #tpu.memory_space<hbm>>) dst(%dma_wait3A_927 : memref<64x128xf32, #tpu.memory_space<vmem>>)
      %slice3A_931 = vector.extract_strided_slice %get3A_423 {offsets = [3], sizes = [1], strides = [1]} : vector<16xi32> to vector<1xi32>
      %squeeze3A_932 = vector.extract %slice3A_931[0] : i32 from vector<1xi32>
      %and3A_933 = arith.constant 127 : i32
      %and3A_934 = arith.andi %squeeze3A_932, %and3A_933 : i32
      %broadcast_in_dim3A_935 = vector.broadcast %and3A_934 : i32 to vector<16xi32>
      %slice3A_936 = vector.extract_strided_slice %get3A_425 {offsets = [3], sizes = [1], strides = [1]} : vector<16xi32> to vector<1xi32>
      %squeeze3A_937 = vector.extract %slice3A_936[0] : i32 from vector<1xi32>
      %and3A_938 = arith.constant 127 : i32
      %and3A_939 = arith.andi %squeeze3A_937, %and3A_938 : i32
      %broadcast_in_dim3A_940 = vector.broadcast %and3A_939 : i32 to vector<16xi32>
      %gather3A_941 = arith.constant 3 : i32
      %gather3A_942 = arith.constant 0 : i32
      %gather3A_943 = arith.constant 0 : i32
      %gather3A_944 = tpu.memref_slice %arg11[%gather3A_941, %gather3A_942, %gather3A_943] : memref<8x64x128xf32, #tpu.memory_space<vmem>> -> memref<1x64x128xf32, #tpu.memory_space<vmem>>
      %gather3A_945 = tpu.memref_squeeze %gather3A_944 : memref<1x64x128xf32, #tpu.memory_space<vmem>> -> memref<64x128xf32, #tpu.memory_space<vmem>>
      %gather3A_946 = tpu.vector_load_idx %gather3A_945[%add3A_5, %broadcast_in_dim3A_935] : memref<64x128xf32, #tpu.memory_space<vmem>>[vector<16xi32>, vector<16xi32>], vector<16xf32>,
      %gather3A_947 = arith.constant 3 : i32
      %gather3A_948 = arith.constant 0 : i32
      %gather3A_949 = arith.constant 0 : i32
      %gather3A_950 = tpu.memref_slice %arg12[%gather3A_947, %gather3A_948, %gather3A_949] : memref<4x64x128xf32, #tpu.memory_space<vmem>> -> memref<1x64x128xf32, #tpu.memory_space<vmem>>
      %gather3A_951 = tpu.memref_squeeze %gather3A_950 : memref<1x64x128xf32, #tpu.memory_space<vmem>> -> memref<64x128xf32, #tpu.memory_space<vmem>>
      %gather3A_952 = tpu.vector_load_idx %gather3A_951[%add3A_5, %broadcast_in_dim3A_940] : memref<64x128xf32, #tpu.memory_space<vmem>>[vector<16xi32>, vector<16xi32>], vector<16xf32>,
      %mul3A_953 = arith.mulf %gather3A_946, %gather3A_952 : vector<16xf32>
      %gather3A_954 = arith.constant 3 : i32
      %gather3A_955 = arith.constant 0 : i32
      %gather3A_956 = arith.constant 0 : i32
      %gather3A_957 = tpu.memref_slice %arg11[%gather3A_954, %gather3A_955, %gather3A_956] : memref<8x64x128xf32, #tpu.memory_space<vmem>> -> memref<1x64x128xf32, #tpu.memory_space<vmem>>
      %gather3A_958 = tpu.memref_squeeze %gather3A_957 : memref<1x64x128xf32, #tpu.memory_space<vmem>> -> memref<64x128xf32, #tpu.memory_space<vmem>>
      %gather3A_959 = tpu.vector_load_idx %gather3A_958[%add3A_8, %broadcast_in_dim3A_935] : memref<64x128xf32, #tpu.memory_space<vmem>>[vector<16xi32>, vector<16xi32>], vector<16xf32>,
      %gather3A_960 = arith.constant 3 : i32
      %gather3A_961 = arith.constant 0 : i32
      %gather3A_962 = arith.constant 0 : i32
      %gather3A_963 = tpu.memref_slice %arg12[%gather3A_960, %gather3A_961, %gather3A_962] : memref<4x64x128xf32, #tpu.memory_space<vmem>> -> memref<1x64x128xf32, #tpu.memory_space<vmem>>
      %gather3A_964 = tpu.memref_squeeze %gather3A_963 : memref<1x64x128xf32, #tpu.memory_space<vmem>> -> memref<64x128xf32, #tpu.memory_space<vmem>>
      %gather3A_965 = tpu.vector_load_idx %gather3A_964[%add3A_8, %broadcast_in_dim3A_940] : memref<64x128xf32, #tpu.memory_space<vmem>>[vector<16xi32>, vector<16xi32>], vector<16xf32>,
      %mul3A_966 = arith.mulf %gather3A_959, %gather3A_965 : vector<16xf32>
      %add3A_967 = arith.addf %mul3A_953, %mul3A_966 : vector<16xf32>
      %gather3A_968 = arith.constant 3 : i32
      %gather3A_969 = arith.constant 0 : i32
      %gather3A_970 = arith.constant 0 : i32
      %gather3A_971 = tpu.memref_slice %arg11[%gather3A_968, %gather3A_969, %gather3A_970] : memref<8x64x128xf32, #tpu.memory_space<vmem>> -> memref<1x64x128xf32, #tpu.memory_space<vmem>>
      %gather3A_972 = tpu.memref_squeeze %gather3A_971 : memref<1x64x128xf32, #tpu.memory_space<vmem>> -> memref<64x128xf32, #tpu.memory_space<vmem>>
      %gather3A_973 = tpu.vector_load_idx %gather3A_972[%add3A_11, %broadcast_in_dim3A_935] : memref<64x128xf32, #tpu.memory_space<vmem>>[vector<16xi32>, vector<16xi32>], vector<16xf32>,
      %gather3A_974 = arith.constant 3 : i32
      %gather3A_975 = arith.constant 0 : i32
      %gather3A_976 = arith.constant 0 : i32
      %gather3A_977 = tpu.memref_slice %arg12[%gather3A_974, %gather3A_975, %gather3A_976] : memref<4x64x128xf32, #tpu.memory_space<vmem>> -> memref<1x64x128xf32, #tpu.memory_space<vmem>>
      %gather3A_978 = tpu.memref_squeeze %gather3A_977 : memref<1x64x128xf32, #tpu.memory_space<vmem>> -> memref<64x128xf32, #tpu.memory_space<vmem>>
      %gather3A_979 = tpu.vector_load_idx %gather3A_978[%add3A_11, %broadcast_in_dim3A_940] : memref<64x128xf32, #tpu.memory_space<vmem>>[vector<16xi32>, vector<16xi32>], vector<16xf32>,
      %mul3A_980 = arith.mulf %gather3A_973, %gather3A_979 : vector<16xf32>
      %add3A_981 = arith.addf %add3A_967, %mul3A_980 : vector<16xf32>
      %gather3A_982 = arith.constant 3 : i32
      %gather3A_983 = arith.constant 0 : i32
      %gather3A_984 = arith.constant 0 : i32
      %gather3A_985 = tpu.memref_slice %arg11[%gather3A_982, %gather3A_983, %gather3A_984] : memref<8x64x128xf32, #tpu.memory_space<vmem>> -> memref<1x64x128xf32, #tpu.memory_space<vmem>>
      %gather3A_986 = tpu.memref_squeeze %gather3A_985 : memref<1x64x128xf32, #tpu.memory_space<vmem>> -> memref<64x128xf32, #tpu.memory_space<vmem>>
      %gather3A_987 = tpu.vector_load_idx %gather3A_986[%add3A_14, %broadcast_in_dim3A_935] : memref<64x128xf32, #tpu.memory_space<vmem>>[vector<16xi32>, vector<16xi32>], vector<16xf32>,
      %gather3A_988 = arith.constant 3 : i32
      %gather3A_989 = arith.constant 0 : i32
      %gather3A_990 = arith.constant 0 : i32
      %gather3A_991 = tpu.memref_slice %arg12[%gather3A_988, %gather3A_989, %gather3A_990] : memref<4x64x128xf32, #tpu.memory_space<vmem>> -> memref<1x64x128xf32, #tpu.memory_space<vmem>>
      %gather3A_992 = tpu.memref_squeeze %gather3A_991 : memref<1x64x128xf32, #tpu.memory_space<vmem>> -> memref<64x128xf32, #tpu.memory_space<vmem>>
      %gather3A_993 = tpu.vector_load_idx %gather3A_992[%add3A_14, %broadcast_in_dim3A_940] : memref<64x128xf32, #tpu.memory_space<vmem>>[vector<16xi32>, vector<16xi32>], vector<16xf32>,
      %mul3A_994 = arith.mulf %gather3A_987, %gather3A_993 : vector<16xf32>
      %add3A_995 = arith.addf %add3A_981, %mul3A_994 : vector<16xf32>
      %reduce_sum3A_996 = arith.constant true
      %reduce_sum3A_997 = vector.broadcast %reduce_sum3A_996 : i1 to vector<16xi1>
      %reduce_sum3A_998 = tpu.scan <sum>, %add3A_995 masked %reduce_sum3A_997 : vector<16xf32>, vector<16xi1> -> vector<16xf32>
      %reduce_sum3A_999 = vector.extract %reduce_sum3A_998[15] : f32 from vector<16xf32>
      %mul3A_1000 = vector.broadcast %reduce_sum3A_999 : f32 to vector<16xf32>
      %mul3A_1001 = arith.mulf %mul3A_1000, %select_n3A_42 : vector<16xf32>
      %add3A_1002 = arith.addf %add3A_848, %mul3A_1001 : vector<16xf32>
      %slice3A_1003 = vector.extract_strided_slice %get3A_423 {offsets = [11], sizes = [1], strides = [1]} : vector<16xi32> to vector<1xi32>
      %squeeze3A_1004 = vector.extract %slice3A_1003[0] : i32 from vector<1xi32>
      %shift_right_arithmetic3A_1005 = arith.constant 7 : i32
      %shift_right_arithmetic3A_1006 = arith.shrsi %squeeze3A_1004, %shift_right_arithmetic3A_1005 : i32
      %shift_left3A_1007 = arith.constant 7 : i32
      %shift_left3A_1008 = arith.shli %shift_right_arithmetic3A_1006, %shift_left3A_1007 : i32
      %multiple_of3A_1009 = tpu.assume_multiple %shift_left3A_1008, 128 : i32
      %dma_start3A_1010 = arith.constant 3 : i32
      %dma_start3A_1011 = arith.constant 3 : i32
      %dma_start3A_1012 = arith.constant 0 : i32
      %dma_start3A_1013 = arith.constant 0 : i32
      %dma_start3A_1014 = tpu.memref_slice %arg11[%dma_start3A_1010, %dma_start3A_1012, %dma_start3A_1013] : memref<8x64x128xf32, #tpu.memory_space<vmem>> -> memref<1x64x128xf32, #tpu.memory_space<vmem>>
      %dma_start3A_1015 = tpu.memref_squeeze %dma_start3A_1014 : memref<1x64x128xf32, #tpu.memory_space<vmem>> -> memref<64x128xf32, #tpu.memory_space<vmem>>
      %dma_start3A_1016 = arith.constant 0 : i32
      %dma_start3A_1017 = tpu.memref_slice %arg5[%dma_start3A_1016, %multiple_of3A_1009] : memref<64x1000000xf32, #tpu.memory_space<hbm>> -> memref<64x128xf32, #tpu.memory_space<hbm>>
      %dma_start3A_1018 = tpu.memref_slice %arg14[%dma_start3A_1011] : memref<8x!tpu.dma_semaphore, #tpu.memory_space<semaphore_mem>> -> memref<1x!tpu.dma_semaphore, #tpu.memory_space<semaphore_mem>>
      %dma_start3A_1019 = tpu.memref_squeeze %dma_start3A_1018 : memref<1x!tpu.dma_semaphore, #tpu.memory_space<semaphore_mem>> -> memref<!tpu.dma_semaphore, #tpu.memory_space<semaphore_mem>>
      %dma_start3A_1020 = arith.constant 0 : i32
      %dma_start3A_1021 = arith.constant 0 : i32
      %dma_start3A_1022 = tpu.memref_slice %arg11[%dma_start3A_1010, %dma_start3A_1020, %dma_start3A_1021] : memref<8x64x128xf32, #tpu.memory_space<vmem>> -> memref<1x64x128xf32, #tpu.memory_space<vmem>>
      %dma_start3A_1023 = tpu.memref_squeeze %dma_start3A_1022 : memref<1x64x128xf32, #tpu.memory_space<vmem>> -> memref<64x128xf32, #tpu.memory_space<vmem>>
      %dma_start3A_1024 = arith.constant 0 : i32
      %dma_start3A_1025 = tpu.memref_slice %arg5[%dma_start3A_1024, %multiple_of3A_1009] : memref<64x1000000xf32, #tpu.memory_space<hbm>> -> memref<64x128xf32, #tpu.memory_space<hbm>>
      tpu.enqueue_dma source(%dma_start3A_1025 : memref<64x128xf32, #tpu.memory_space<hbm>>) target(%dma_start3A_1023 : memref<64x128xf32, #tpu.memory_space<vmem>>) target_semaphore(%dma_start3A_1019 : memref<!tpu.dma_semaphore, #tpu.memory_space<semaphore_mem>>)
      %slice3A_1026 = vector.extract_strided_slice %get3A_425 {offsets = [7], sizes = [1], strides = [1]} : vector<16xi32> to vector<1xi32>
      %squeeze3A_1027 = vector.extract %slice3A_1026[0] : i32 from vector<1xi32>
      %shift_right_arithmetic3A_1028 = arith.constant 7 : i32
      %shift_right_arithmetic3A_1029 = arith.shrsi %squeeze3A_1027, %shift_right_arithmetic3A_1028 : i32
      %shift_left3A_1030 = arith.constant 7 : i32
      %shift_left3A_1031 = arith.shli %shift_right_arithmetic3A_1029, %shift_left3A_1030 : i32
      %multiple_of3A_1032 = tpu.assume_multiple %shift_left3A_1031, 128 : i32
      %dma_start3A_1033 = arith.constant 3 : i32
      %dma_start3A_1034 = arith.constant 3 : i32
      %dma_start3A_1035 = arith.constant 0 : i32
      %dma_start3A_1036 = arith.constant 0 : i32
      %dma_start3A_1037 = tpu.memref_slice %arg12[%dma_start3A_1033, %dma_start3A_1035, %dma_start3A_1036] : memref<4x64x128xf32, #tpu.memory_space<vmem>> -> memref<1x64x128xf32, #tpu.memory_space<vmem>>
      %dma_start3A_1038 = tpu.memref_squeeze %dma_start3A_1037 : memref<1x64x128xf32, #tpu.memory_space<vmem>> -> memref<64x128xf32, #tpu.memory_space<vmem>>
      %dma_start3A_1039 = arith.constant 0 : i32
      %dma_start3A_1040 = tpu.memref_slice %arg6[%dma_start3A_1039, %multiple_of3A_1032] : memref<64x1000000xf32, #tpu.memory_space<hbm>> -> memref<64x128xf32, #tpu.memory_space<hbm>>
      %dma_start3A_1041 = tpu.memref_slice %arg15[%dma_start3A_1034] : memref<4x!tpu.dma_semaphore, #tpu.memory_space<semaphore_mem>> -> memref<1x!tpu.dma_semaphore, #tpu.memory_space<semaphore_mem>>
      %dma_start3A_1042 = tpu.memref_squeeze %dma_start3A_1041 : memref<1x!tpu.dma_semaphore, #tpu.memory_space<semaphore_mem>> -> memref<!tpu.dma_semaphore, #tpu.memory_space<semaphore_mem>>
      %dma_start3A_1043 = arith.constant 0 : i32
      %dma_start3A_1044 = arith.constant 0 : i32
      %dma_start3A_1045 = tpu.memref_slice %arg12[%dma_start3A_1033, %dma_start3A_1043, %dma_start3A_1044] : memref<4x64x128xf32, #tpu.memory_space<vmem>> -> memref<1x64x128xf32, #tpu.memory_space<vmem>>
      %dma_start3A_1046 = tpu.memref_squeeze %dma_start3A_1045 : memref<1x64x128xf32, #tpu.memory_space<vmem>> -> memref<64x128xf32, #tpu.memory_space<vmem>>
      %dma_start3A_1047 = arith.constant 0 : i32
      %dma_start3A_1048 = tpu.memref_slice %arg6[%dma_start3A_1047, %multiple_of3A_1032] : memref<64x1000000xf32, #tpu.memory_space<hbm>> -> memref<64x128xf32, #tpu.memory_space<hbm>>
      tpu.enqueue_dma source(%dma_start3A_1048 : memref<64x128xf32, #tpu.memory_space<hbm>>) target(%dma_start3A_1046 : memref<64x128xf32, #tpu.memory_space<vmem>>) target_semaphore(%dma_start3A_1042 : memref<!tpu.dma_semaphore, #tpu.memory_space<semaphore_mem>>)
      %dma_wait3A_1049 = arith.constant 4 : i32
      %dma_wait3A_1050 = arith.constant 4 : i32
      %dma_wait3A_1051 = arith.constant 0 : i32
      %dma_wait3A_1052 = arith.constant 0 : i32
      %dma_wait3A_1053 = tpu.memref_slice %arg11[%dma_wait3A_1049, %dma_wait3A_1051, %dma_wait3A_1052] : memref<8x64x128xf32, #tpu.memory_space<vmem>> -> memref<1x64x128xf32, #tpu.memory_space<vmem>>
      %dma_wait3A_1054 = tpu.memref_squeeze %dma_wait3A_1053 : memref<1x64x128xf32, #tpu.memory_space<vmem>> -> memref<64x128xf32, #tpu.memory_space<vmem>>
      %dma_wait3A_1055 = arith.constant 0 : i32
      %dma_wait3A_1056 = arith.constant 0 : i32
      %dma_wait3A_1057 = tpu.memref_slice %arg5[%dma_wait3A_1055, %dma_wait3A_1056] : memref<64x1000000xf32, #tpu.memory_space<hbm>> -> memref<64x128xf32, #tpu.memory_space<hbm>>
      %dma_wait3A_1058 = tpu.memref_slice %arg14[%dma_wait3A_1050] : memref<8x!tpu.dma_semaphore, #tpu.memory_space<semaphore_mem>> -> memref<1x!tpu.dma_semaphore, #tpu.memory_space<semaphore_mem>>
      %dma_wait3A_1059 = tpu.memref_squeeze %dma_wait3A_1058 : memref<1x!tpu.dma_semaphore, #tpu.memory_space<semaphore_mem>> -> memref<!tpu.dma_semaphore, #tpu.memory_space<semaphore_mem>>
      %dma_wait3A_1060 = arith.constant 0 : i32
      %dma_wait3A_1061 = arith.constant 0 : i32
      %dma_wait3A_1062 = tpu.memref_slice %arg11[%dma_wait3A_1049, %dma_wait3A_1060, %dma_wait3A_1061] : memref<8x64x128xf32, #tpu.memory_space<vmem>> -> memref<1x64x128xf32, #tpu.memory_space<vmem>>
      %dma_wait3A_1063 = tpu.memref_squeeze %dma_wait3A_1062 : memref<1x64x128xf32, #tpu.memory_space<vmem>> -> memref<64x128xf32, #tpu.memory_space<vmem>>
      %dma_wait3A_1064 = arith.constant 0 : i32
      %dma_wait3A_1065 = arith.constant 0 : i32
      %dma_wait3A_1066 = tpu.memref_slice %arg5[%dma_wait3A_1064, %dma_wait3A_1065] : memref<64x1000000xf32, #tpu.memory_space<hbm>> -> memref<64x128xf32, #tpu.memory_space<hbm>>
      tpu.wait_dma2 semaphore(%dma_wait3A_1059 : memref<!tpu.dma_semaphore, #tpu.memory_space<semaphore_mem>>) src(%dma_wait3A_1066 : memref<64x128xf32, #tpu.memory_space<hbm>>) dst(%dma_wait3A_1063 : memref<64x128xf32, #tpu.memory_space<vmem>>)
      %dma_wait3A_1067 = arith.constant 0 : i32
      %dma_wait3A_1068 = arith.constant 0 : i32
      %dma_wait3A_1069 = arith.constant 0 : i32
      %dma_wait3A_1070 = arith.constant 0 : i32
      %dma_wait3A_1071 = tpu.memref_slice %arg12[%dma_wait3A_1067, %dma_wait3A_1069, %dma_wait3A_1070] : memref<4x64x128xf32, #tpu.memory_space<vmem>> -> memref<1x64x128xf32, #tpu.memory_space<vmem>>
      %dma_wait3A_1072 = tpu.memref_squeeze %dma_wait3A_1071 : memref<1x64x128xf32, #tpu.memory_space<vmem>> -> memref<64x128xf32, #tpu.memory_space<vmem>>
      %dma_wait3A_1073 = arith.constant 0 : i32
      %dma_wait3A_1074 = arith.constant 0 : i32
      %dma_wait3A_1075 = tpu.memref_slice %arg6[%dma_wait3A_1073, %dma_wait3A_1074] : memref<64x1000000xf32, #tpu.memory_space<hbm>> -> memref<64x128xf32, #tpu.memory_space<hbm>>
      %dma_wait3A_1076 = tpu.memref_slice %arg15[%dma_wait3A_1068] : memref<4x!tpu.dma_semaphore, #tpu.memory_space<semaphore_mem>> -> memref<1x!tpu.dma_semaphore, #tpu.memory_space<semaphore_mem>>
      %dma_wait3A_1077 = tpu.memref_squeeze %dma_wait3A_1076 : memref<1x!tpu.dma_semaphore, #tpu.memory_space<semaphore_mem>> -> memref<!tpu.dma_semaphore, #tpu.memory_space<semaphore_mem>>
      %dma_wait3A_1078 = arith.constant 0 : i32
      %dma_wait3A_1079 = arith.constant 0 : i32
      %dma_wait3A_1080 = tpu.memref_slice %arg12[%dma_wait3A_1067, %dma_wait3A_1078, %dma_wait3A_1079] : memref<4x64x128xf32, #tpu.memory_space<vmem>> -> memref<1x64x128xf32, #tpu.memory_space<vmem>>
      %dma_wait3A_1081 = tpu.memref_squeeze %dma_wait3A_1080 : memref<1x64x128xf32, #tpu.memory_space<vmem>> -> memref<64x128xf32, #tpu.memory_space<vmem>>
      %dma_wait3A_1082 = arith.constant 0 : i32
      %dma_wait3A_1083 = arith.constant 0 : i32
      %dma_wait3A_1084 = tpu.memref_slice %arg6[%dma_wait3A_1082, %dma_wait3A_1083] : memref<64x1000000xf32, #tpu.memory_space<hbm>> -> memref<64x128xf32, #tpu.memory_space<hbm>>
      tpu.wait_dma2 semaphore(%dma_wait3A_1077 : memref<!tpu.dma_semaphore, #tpu.memory_space<semaphore_mem>>) src(%dma_wait3A_1084 : memref<64x128xf32, #tpu.memory_space<hbm>>) dst(%dma_wait3A_1081 : memref<64x128xf32, #tpu.memory_space<vmem>>)
      %slice3A_1085 = vector.extract_strided_slice %get3A_423 {offsets = [4], sizes = [1], strides = [1]} : vector<16xi32> to vector<1xi32>
      %squeeze3A_1086 = vector.extract %slice3A_1085[0] : i32 from vector<1xi32>
      %and3A_1087 = arith.constant 127 : i32
      %and3A_1088 = arith.andi %squeeze3A_1086, %and3A_1087 : i32
      %broadcast_in_dim3A_1089 = vector.broadcast %and3A_1088 : i32 to vector<16xi32>
      %slice3A_1090 = vector.extract_strided_slice %get3A_425 {offsets = [4], sizes = [1], strides = [1]} : vector<16xi32> to vector<1xi32>
      %squeeze3A_1091 = vector.extract %slice3A_1090[0] : i32 from vector<1xi32>
      %and3A_1092 = arith.constant 127 : i32
      %and3A_1093 = arith.andi %squeeze3A_1091, %and3A_1092 : i32
      %broadcast_in_dim3A_1094 = vector.broadcast %and3A_1093 : i32 to vector<16xi32>
      %gather3A_1095 = arith.constant 4 : i32
      %gather3A_1096 = arith.constant 0 : i32
      %gather3A_1097 = arith.constant 0 : i32
      %gather3A_1098 = tpu.memref_slice %arg11[%gather3A_1095, %gather3A_1096, %gather3A_1097] : memref<8x64x128xf32, #tpu.memory_space<vmem>> -> memref<1x64x128xf32, #tpu.memory_space<vmem>>
      %gather3A_1099 = tpu.memref_squeeze %gather3A_1098 : memref<1x64x128xf32, #tpu.memory_space<vmem>> -> memref<64x128xf32, #tpu.memory_space<vmem>>
      %gather3A_1100 = tpu.vector_load_idx %gather3A_1099[%add3A_5, %broadcast_in_dim3A_1089] : memref<64x128xf32, #tpu.memory_space<vmem>>[vector<16xi32>, vector<16xi32>], vector<16xf32>,
      %gather3A_1101 = arith.constant 0 : i32
      %gather3A_1102 = arith.constant 0 : i32
      %gather3A_1103 = arith.constant 0 : i32
      %gather3A_1104 = tpu.memref_slice %arg12[%gather3A_1101, %gather3A_1102, %gather3A_1103] : memref<4x64x128xf32, #tpu.memory_space<vmem>> -> memref<1x64x128xf32, #tpu.memory_space<vmem>>
      %gather3A_1105 = tpu.memref_squeeze %gather3A_1104 : memref<1x64x128xf32, #tpu.memory_space<vmem>> -> memref<64x128xf32, #tpu.memory_space<vmem>>
      %gather3A_1106 = tpu.vector_load_idx %gather3A_1105[%add3A_5, %broadcast_in_dim3A_1094] : memref<64x128xf32, #tpu.memory_space<vmem>>[vector<16xi32>, vector<16xi32>], vector<16xf32>,
      %mul3A_1107 = arith.mulf %gather3A_1100, %gather3A_1106 : vector<16xf32>
      %gather3A_1108 = arith.constant 4 : i32
      %gather3A_1109 = arith.constant 0 : i32
      %gather3A_1110 = arith.constant 0 : i32
      %gather3A_1111 = tpu.memref_slice %arg11[%gather3A_1108, %gather3A_1109, %gather3A_1110] : memref<8x64x128xf32, #tpu.memory_space<vmem>> -> memref<1x64x128xf32, #tpu.memory_space<vmem>>
      %gather3A_1112 = tpu.memref_squeeze %gather3A_1111 : memref<1x64x128xf32, #tpu.memory_space<vmem>> -> memref<64x128xf32, #tpu.memory_space<vmem>>
      %gather3A_1113 = tpu.vector_load_idx %gather3A_1112[%add3A_8, %broadcast_in_dim3A_1089] : memref<64x128xf32, #tpu.memory_space<vmem>>[vector<16xi32>, vector<16xi32>], vector<16xf32>,
      %gather3A_1114 = arith.constant 0 : i32
      %gather3A_1115 = arith.constant 0 : i32
      %gather3A_1116 = arith.constant 0 : i32
      %gather3A_1117 = tpu.memref_slice %arg12[%gather3A_1114, %gather3A_1115, %gather3A_1116] : memref<4x64x128xf32, #tpu.memory_space<vmem>> -> memref<1x64x128xf32, #tpu.memory_space<vmem>>
      %gather3A_1118 = tpu.memref_squeeze %gather3A_1117 : memref<1x64x128xf32, #tpu.memory_space<vmem>> -> memref<64x128xf32, #tpu.memory_space<vmem>>
      %gather3A_1119 = tpu.vector_load_idx %gather3A_1118[%add3A_8, %broadcast_in_dim3A_1094] : memref<64x128xf32, #tpu.memory_space<vmem>>[vector<16xi32>, vector<16xi32>], vector<16xf32>,
      %mul3A_1120 = arith.mulf %gather3A_1113, %gather3A_1119 : vector<16xf32>
      %add3A_1121 = arith.addf %mul3A_1107, %mul3A_1120 : vector<16xf32>
      %gather3A_1122 = arith.constant 4 : i32
      %gather3A_1123 = arith.constant 0 : i32
      %gather3A_1124 = arith.constant 0 : i32
      %gather3A_1125 = tpu.memref_slice %arg11[%gather3A_1122, %gather3A_1123, %gather3A_1124] : memref<8x64x128xf32, #tpu.memory_space<vmem>> -> memref<1x64x128xf32, #tpu.memory_space<vmem>>
      %gather3A_1126 = tpu.memref_squeeze %gather3A_1125 : memref<1x64x128xf32, #tpu.memory_space<vmem>> -> memref<64x128xf32, #tpu.memory_space<vmem>>
      %gather3A_1127 = tpu.vector_load_idx %gather3A_1126[%add3A_11, %broadcast_in_dim3A_1089] : memref<64x128xf32, #tpu.memory_space<vmem>>[vector<16xi32>, vector<16xi32>], vector<16xf32>,
      %gather3A_1128 = arith.constant 0 : i32
      %gather3A_1129 = arith.constant 0 : i32
      %gather3A_1130 = arith.constant 0 : i32
      %gather3A_1131 = tpu.memref_slice %arg12[%gather3A_1128, %gather3A_1129, %gather3A_1130] : memref<4x64x128xf32, #tpu.memory_space<vmem>> -> memref<1x64x128xf32, #tpu.memory_space<vmem>>
      %gather3A_1132 = tpu.memref_squeeze %gather3A_1131 : memref<1x64x128xf32, #tpu.memory_space<vmem>> -> memref<64x128xf32, #tpu.memory_space<vmem>>
      %gather3A_1133 = tpu.vector_load_idx %gather3A_1132[%add3A_11, %broadcast_in_dim3A_1094] : memref<64x128xf32, #tpu.memory_space<vmem>>[vector<16xi32>, vector<16xi32>], vector<16xf32>,
      %mul3A_1134 = arith.mulf %gather3A_1127, %gather3A_1133 : vector<16xf32>
      %add3A_1135 = arith.addf %add3A_1121, %mul3A_1134 : vector<16xf32>
      %gather3A_1136 = arith.constant 4 : i32
      %gather3A_1137 = arith.constant 0 : i32
      %gather3A_1138 = arith.constant 0 : i32
      %gather3A_1139 = tpu.memref_slice %arg11[%gather3A_1136, %gather3A_1137, %gather3A_1138] : memref<8x64x128xf32, #tpu.memory_space<vmem>> -> memref<1x64x128xf32, #tpu.memory_space<vmem>>
      %gather3A_1140 = tpu.memref_squeeze %gather3A_1139 : memref<1x64x128xf32, #tpu.memory_space<vmem>> -> memref<64x128xf32, #tpu.memory_space<vmem>>
      %gather3A_1141 = tpu.vector_load_idx %gather3A_1140[%add3A_14, %broadcast_in_dim3A_1089] : memref<64x128xf32, #tpu.memory_space<vmem>>[vector<16xi32>, vector<16xi32>], vector<16xf32>,
      %gather3A_1142 = arith.constant 0 : i32
      %gather3A_1143 = arith.constant 0 : i32
      %gather3A_1144 = arith.constant 0 : i32
      %gather3A_1145 = tpu.memref_slice %arg12[%gather3A_1142, %gather3A_1143, %gather3A_1144] : memref<4x64x128xf32, #tpu.memory_space<vmem>> -> memref<1x64x128xf32, #tpu.memory_space<vmem>>
      %gather3A_1146 = tpu.memref_squeeze %gather3A_1145 : memref<1x64x128xf32, #tpu.memory_space<vmem>> -> memref<64x128xf32, #tpu.memory_space<vmem>>
      %gather3A_1147 = tpu.vector_load_idx %gather3A_1146[%add3A_14, %broadcast_in_dim3A_1094] : memref<64x128xf32, #tpu.memory_space<vmem>>[vector<16xi32>, vector<16xi32>], vector<16xf32>,
      %mul3A_1148 = arith.mulf %gather3A_1141, %gather3A_1147 : vector<16xf32>
      %add3A_1149 = arith.addf %add3A_1135, %mul3A_1148 : vector<16xf32>
      %reduce_sum3A_1150 = arith.constant true
      %reduce_sum3A_1151 = vector.broadcast %reduce_sum3A_1150 : i1 to vector<16xi1>
      %reduce_sum3A_1152 = tpu.scan <sum>, %add3A_1149 masked %reduce_sum3A_1151 : vector<16xf32>, vector<16xi1> -> vector<16xf32>
      %reduce_sum3A_1153 = vector.extract %reduce_sum3A_1152[15] : f32 from vector<16xf32>
      %mul3A_1154 = vector.broadcast %reduce_sum3A_1153 : f32 to vector<16xf32>
      %mul3A_1155 = arith.mulf %mul3A_1154, %select_n3A_50 : vector<16xf32>
      %add3A_1156 = arith.addf %add3A_1002, %mul3A_1155 : vector<16xf32>
      %slice3A_1157 = vector.extract_strided_slice %get3A_423 {offsets = [12], sizes = [1], strides = [1]} : vector<16xi32> to vector<1xi32>
      %squeeze3A_1158 = vector.extract %slice3A_1157[0] : i32 from vector<1xi32>
      %shift_right_arithmetic3A_1159 = arith.constant 7 : i32
      %shift_right_arithmetic3A_1160 = arith.shrsi %squeeze3A_1158, %shift_right_arithmetic3A_1159 : i32
      %shift_left3A_1161 = arith.constant 7 : i32
      %shift_left3A_1162 = arith.shli %shift_right_arithmetic3A_1160, %shift_left3A_1161 : i32
      %multiple_of3A_1163 = tpu.assume_multiple %shift_left3A_1162, 128 : i32
      %dma_start3A_1164 = arith.constant 4 : i32
      %dma_start3A_1165 = arith.constant 4 : i32
      %dma_start3A_1166 = arith.constant 0 : i32
      %dma_start3A_1167 = arith.constant 0 : i32
      %dma_start3A_1168 = tpu.memref_slice %arg11[%dma_start3A_1164, %dma_start3A_1166, %dma_start3A_1167] : memref<8x64x128xf32, #tpu.memory_space<vmem>> -> memref<1x64x128xf32, #tpu.memory_space<vmem>>
      %dma_start3A_1169 = tpu.memref_squeeze %dma_start3A_1168 : memref<1x64x128xf32, #tpu.memory_space<vmem>> -> memref<64x128xf32, #tpu.memory_space<vmem>>
      %dma_start3A_1170 = arith.constant 0 : i32
      %dma_start3A_1171 = tpu.memref_slice %arg5[%dma_start3A_1170, %multiple_of3A_1163] : memref<64x1000000xf32, #tpu.memory_space<hbm>> -> memref<64x128xf32, #tpu.memory_space<hbm>>
      %dma_start3A_1172 = tpu.memref_slice %arg14[%dma_start3A_1165] : memref<8x!tpu.dma_semaphore, #tpu.memory_space<semaphore_mem>> -> memref<1x!tpu.dma_semaphore, #tpu.memory_space<semaphore_mem>>
      %dma_start3A_1173 = tpu.memref_squeeze %dma_start3A_1172 : memref<1x!tpu.dma_semaphore, #tpu.memory_space<semaphore_mem>> -> memref<!tpu.dma_semaphore, #tpu.memory_space<semaphore_mem>>
      %dma_start3A_1174 = arith.constant 0 : i32
      %dma_start3A_1175 = arith.constant 0 : i32
      %dma_start3A_1176 = tpu.memref_slice %arg11[%dma_start3A_1164, %dma_start3A_1174, %dma_start3A_1175] : memref<8x64x128xf32, #tpu.memory_space<vmem>> -> memref<1x64x128xf32, #tpu.memory_space<vmem>>
      %dma_start3A_1177 = tpu.memref_squeeze %dma_start3A_1176 : memref<1x64x128xf32, #tpu.memory_space<vmem>> -> memref<64x128xf32, #tpu.memory_space<vmem>>
      %dma_start3A_1178 = arith.constant 0 : i32
      %dma_start3A_1179 = tpu.memref_slice %arg5[%dma_start3A_1178, %multiple_of3A_1163] : memref<64x1000000xf32, #tpu.memory_space<hbm>> -> memref<64x128xf32, #tpu.memory_space<hbm>>
      tpu.enqueue_dma source(%dma_start3A_1179 : memref<64x128xf32, #tpu.memory_space<hbm>>) target(%dma_start3A_1177 : memref<64x128xf32, #tpu.memory_space<vmem>>) target_semaphore(%dma_start3A_1173 : memref<!tpu.dma_semaphore, #tpu.memory_space<semaphore_mem>>)
      %slice3A_1180 = vector.extract_strided_slice %get3A_425 {offsets = [8], sizes = [1], strides = [1]} : vector<16xi32> to vector<1xi32>
      %squeeze3A_1181 = vector.extract %slice3A_1180[0] : i32 from vector<1xi32>
      %shift_right_arithmetic3A_1182 = arith.constant 7 : i32
      %shift_right_arithmetic3A_1183 = arith.shrsi %squeeze3A_1181, %shift_right_arithmetic3A_1182 : i32
      %shift_left3A_1184 = arith.constant 7 : i32
      %shift_left3A_1185 = arith.shli %shift_right_arithmetic3A_1183, %shift_left3A_1184 : i32
      %multiple_of3A_1186 = tpu.assume_multiple %shift_left3A_1185, 128 : i32
      %dma_start3A_1187 = arith.constant 0 : i32
      %dma_start3A_1188 = arith.constant 0 : i32
      %dma_start3A_1189 = arith.constant 0 : i32
      %dma_start3A_1190 = arith.constant 0 : i32
      %dma_start3A_1191 = tpu.memref_slice %arg12[%dma_start3A_1187, %dma_start3A_1189, %dma_start3A_1190] : memref<4x64x128xf32, #tpu.memory_space<vmem>> -> memref<1x64x128xf32, #tpu.memory_space<vmem>>
      %dma_start3A_1192 = tpu.memref_squeeze %dma_start3A_1191 : memref<1x64x128xf32, #tpu.memory_space<vmem>> -> memref<64x128xf32, #tpu.memory_space<vmem>>
      %dma_start3A_1193 = arith.constant 0 : i32
      %dma_start3A_1194 = tpu.memref_slice %arg6[%dma_start3A_1193, %multiple_of3A_1186] : memref<64x1000000xf32, #tpu.memory_space<hbm>> -> memref<64x128xf32, #tpu.memory_space<hbm>>
      %dma_start3A_1195 = tpu.memref_slice %arg15[%dma_start3A_1188] : memref<4x!tpu.dma_semaphore, #tpu.memory_space<semaphore_mem>> -> memref<1x!tpu.dma_semaphore, #tpu.memory_space<semaphore_mem>>
      %dma_start3A_1196 = tpu.memref_squeeze %dma_start3A_1195 : memref<1x!tpu.dma_semaphore, #tpu.memory_space<semaphore_mem>> -> memref<!tpu.dma_semaphore, #tpu.memory_space<semaphore_mem>>
      %dma_start3A_1197 = arith.constant 0 : i32
      %dma_start3A_1198 = arith.constant 0 : i32
      %dma_start3A_1199 = tpu.memref_slice %arg12[%dma_start3A_1187, %dma_start3A_1197, %dma_start3A_1198] : memref<4x64x128xf32, #tpu.memory_space<vmem>> -> memref<1x64x128xf32, #tpu.memory_space<vmem>>
      %dma_start3A_1200 = tpu.memref_squeeze %dma_start3A_1199 : memref<1x64x128xf32, #tpu.memory_space<vmem>> -> memref<64x128xf32, #tpu.memory_space<vmem>>
      %dma_start3A_1201 = arith.constant 0 : i32
      %dma_start3A_1202 = tpu.memref_slice %arg6[%dma_start3A_1201, %multiple_of3A_1186] : memref<64x1000000xf32, #tpu.memory_space<hbm>> -> memref<64x128xf32, #tpu.memory_space<hbm>>
      tpu.enqueue_dma source(%dma_start3A_1202 : memref<64x128xf32, #tpu.memory_space<hbm>>) target(%dma_start3A_1200 : memref<64x128xf32, #tpu.memory_space<vmem>>) target_semaphore(%dma_start3A_1196 : memref<!tpu.dma_semaphore, #tpu.memory_space<semaphore_mem>>)
      %dma_wait3A_1203 = arith.constant 5 : i32
      %dma_wait3A_1204 = arith.constant 5 : i32
      %dma_wait3A_1205 = arith.constant 0 : i32
      %dma_wait3A_1206 = arith.constant 0 : i32
      %dma_wait3A_1207 = tpu.memref_slice %arg11[%dma_wait3A_1203, %dma_wait3A_1205, %dma_wait3A_1206] : memref<8x64x128xf32, #tpu.memory_space<vmem>> -> memref<1x64x128xf32, #tpu.memory_space<vmem>>
      %dma_wait3A_1208 = tpu.memref_squeeze %dma_wait3A_1207 : memref<1x64x128xf32, #tpu.memory_space<vmem>> -> memref<64x128xf32, #tpu.memory_space<vmem>>
      %dma_wait3A_1209 = arith.constant 0 : i32
      %dma_wait3A_1210 = arith.constant 0 : i32
      %dma_wait3A_1211 = tpu.memref_slice %arg5[%dma_wait3A_1209, %dma_wait3A_1210] : memref<64x1000000xf32, #tpu.memory_space<hbm>> -> memref<64x128xf32, #tpu.memory_space<hbm>>
      %dma_wait3A_1212 = tpu.memref_slice %arg14[%dma_wait3A_1204] : memref<8x!tpu.dma_semaphore, #tpu.memory_space<semaphore_mem>> -> memref<1x!tpu.dma_semaphore, #tpu.memory_space<semaphore_mem>>
      %dma_wait3A_1213 = tpu.memref_squeeze %dma_wait3A_1212 : memref<1x!tpu.dma_semaphore, #tpu.memory_space<semaphore_mem>> -> memref<!tpu.dma_semaphore, #tpu.memory_space<semaphore_mem>>
      %dma_wait3A_1214 = arith.constant 0 : i32
      %dma_wait3A_1215 = arith.constant 0 : i32
      %dma_wait3A_1216 = tpu.memref_slice %arg11[%dma_wait3A_1203, %dma_wait3A_1214, %dma_wait3A_1215] : memref<8x64x128xf32, #tpu.memory_space<vmem>> -> memref<1x64x128xf32, #tpu.memory_space<vmem>>
      %dma_wait3A_1217 = tpu.memref_squeeze %dma_wait3A_1216 : memref<1x64x128xf32, #tpu.memory_space<vmem>> -> memref<64x128xf32, #tpu.memory_space<vmem>>
      %dma_wait3A_1218 = arith.constant 0 : i32
      %dma_wait3A_1219 = arith.constant 0 : i32
      %dma_wait3A_1220 = tpu.memref_slice %arg5[%dma_wait3A_1218, %dma_wait3A_1219] : memref<64x1000000xf32, #tpu.memory_space<hbm>> -> memref<64x128xf32, #tpu.memory_space<hbm>>
      tpu.wait_dma2 semaphore(%dma_wait3A_1213 : memref<!tpu.dma_semaphore, #tpu.memory_space<semaphore_mem>>) src(%dma_wait3A_1220 : memref<64x128xf32, #tpu.memory_space<hbm>>) dst(%dma_wait3A_1217 : memref<64x128xf32, #tpu.memory_space<vmem>>)
      %dma_wait3A_1221 = arith.constant 1 : i32
      %dma_wait3A_1222 = arith.constant 1 : i32
      %dma_wait3A_1223 = arith.constant 0 : i32
      %dma_wait3A_1224 = arith.constant 0 : i32
      %dma_wait3A_1225 = tpu.memref_slice %arg12[%dma_wait3A_1221, %dma_wait3A_1223, %dma_wait3A_1224] : memref<4x64x128xf32, #tpu.memory_space<vmem>> -> memref<1x64x128xf32, #tpu.memory_space<vmem>>
      %dma_wait3A_1226 = tpu.memref_squeeze %dma_wait3A_1225 : memref<1x64x128xf32, #tpu.memory_space<vmem>> -> memref<64x128xf32, #tpu.memory_space<vmem>>
      %dma_wait3A_1227 = arith.constant 0 : i32
      %dma_wait3A_1228 = arith.constant 0 : i32
      %dma_wait3A_1229 = tpu.memref_slice %arg6[%dma_wait3A_1227, %dma_wait3A_1228] : memref<64x1000000xf32, #tpu.memory_space<hbm>> -> memref<64x128xf32, #tpu.memory_space<hbm>>
      %dma_wait3A_1230 = tpu.memref_slice %arg15[%dma_wait3A_1222] : memref<4x!tpu.dma_semaphore, #tpu.memory_space<semaphore_mem>> -> memref<1x!tpu.dma_semaphore, #tpu.memory_space<semaphore_mem>>
      %dma_wait3A_1231 = tpu.memref_squeeze %dma_wait3A_1230 : memref<1x!tpu.dma_semaphore, #tpu.memory_space<semaphore_mem>> -> memref<!tpu.dma_semaphore, #tpu.memory_space<semaphore_mem>>
      %dma_wait3A_1232 = arith.constant 0 : i32
      %dma_wait3A_1233 = arith.constant 0 : i32
      %dma_wait3A_1234 = tpu.memref_slice %arg12[%dma_wait3A_1221, %dma_wait3A_1232, %dma_wait3A_1233] : memref<4x64x128xf32, #tpu.memory_space<vmem>> -> memref<1x64x128xf32, #tpu.memory_space<vmem>>
      %dma_wait3A_1235 = tpu.memref_squeeze %dma_wait3A_1234 : memref<1x64x128xf32, #tpu.memory_space<vmem>> -> memref<64x128xf32, #tpu.memory_space<vmem>>
      %dma_wait3A_1236 = arith.constant 0 : i32
      %dma_wait3A_1237 = arith.constant 0 : i32
      %dma_wait3A_1238 = tpu.memref_slice %arg6[%dma_wait3A_1236, %dma_wait3A_1237] : memref<64x1000000xf32, #tpu.memory_space<hbm>> -> memref<64x128xf32, #tpu.memory_space<hbm>>
      tpu.wait_dma2 semaphore(%dma_wait3A_1231 : memref<!tpu.dma_semaphore, #tpu.memory_space<semaphore_mem>>) src(%dma_wait3A_1238 : memref<64x128xf32, #tpu.memory_space<hbm>>) dst(%dma_wait3A_1235 : memref<64x128xf32, #tpu.memory_space<vmem>>)
      %slice3A_1239 = vector.extract_strided_slice %get3A_423 {offsets = [5], sizes = [1], strides = [1]} : vector<16xi32> to vector<1xi32>
      %squeeze3A_1240 = vector.extract %slice3A_1239[0] : i32 from vector<1xi32>
      %and3A_1241 = arith.constant 127 : i32
      %and3A_1242 = arith.andi %squeeze3A_1240, %and3A_1241 : i32
      %broadcast_in_dim3A_1243 = vector.broadcast %and3A_1242 : i32 to vector<16xi32>
      %slice3A_1244 = vector.extract_strided_slice %get3A_425 {offsets = [5], sizes = [1], strides = [1]} : vector<16xi32> to vector<1xi32>
      %squeeze3A_1245 = vector.extract %slice3A_1244[0] : i32 from vector<1xi32>
      %and3A_1246 = arith.constant 127 : i32
      %and3A_1247 = arith.andi %squeeze3A_1245, %and3A_1246 : i32
      %broadcast_in_dim3A_1248 = vector.broadcast %and3A_1247 : i32 to vector<16xi32>
      %gather3A_1249 = arith.constant 5 : i32
      %gather3A_1250 = arith.constant 0 : i32
      %gather3A_1251 = arith.constant 0 : i32
      %gather3A_1252 = tpu.memref_slice %arg11[%gather3A_1249, %gather3A_1250, %gather3A_1251] : memref<8x64x128xf32, #tpu.memory_space<vmem>> -> memref<1x64x128xf32, #tpu.memory_space<vmem>>
      %gather3A_1253 = tpu.memref_squeeze %gather3A_1252 : memref<1x64x128xf32, #tpu.memory_space<vmem>> -> memref<64x128xf32, #tpu.memory_space<vmem>>
      %gather3A_1254 = tpu.vector_load_idx %gather3A_1253[%add3A_5, %broadcast_in_dim3A_1243] : memref<64x128xf32, #tpu.memory_space<vmem>>[vector<16xi32>, vector<16xi32>], vector<16xf32>,
      %gather3A_1255 = arith.constant 1 : i32
      %gather3A_1256 = arith.constant 0 : i32
      %gather3A_1257 = arith.constant 0 : i32
      %gather3A_1258 = tpu.memref_slice %arg12[%gather3A_1255, %gather3A_1256, %gather3A_1257] : memref<4x64x128xf32, #tpu.memory_space<vmem>> -> memref<1x64x128xf32, #tpu.memory_space<vmem>>
      %gather3A_1259 = tpu.memref_squeeze %gather3A_1258 : memref<1x64x128xf32, #tpu.memory_space<vmem>> -> memref<64x128xf32, #tpu.memory_space<vmem>>
      %gather3A_1260 = tpu.vector_load_idx %gather3A_1259[%add3A_5, %broadcast_in_dim3A_1248] : memref<64x128xf32, #tpu.memory_space<vmem>>[vector<16xi32>, vector<16xi32>], vector<16xf32>,
      %mul3A_1261 = arith.mulf %gather3A_1254, %gather3A_1260 : vector<16xf32>
      %gather3A_1262 = arith.constant 5 : i32
      %gather3A_1263 = arith.constant 0 : i32
      %gather3A_1264 = arith.constant 0 : i32
      %gather3A_1265 = tpu.memref_slice %arg11[%gather3A_1262, %gather3A_1263, %gather3A_1264] : memref<8x64x128xf32, #tpu.memory_space<vmem>> -> memref<1x64x128xf32, #tpu.memory_space<vmem>>
      %gather3A_1266 = tpu.memref_squeeze %gather3A_1265 : memref<1x64x128xf32, #tpu.memory_space<vmem>> -> memref<64x128xf32, #tpu.memory_space<vmem>>
      %gather3A_1267 = tpu.vector_load_idx %gather3A_1266[%add3A_8, %broadcast_in_dim3A_1243] : memref<64x128xf32, #tpu.memory_space<vmem>>[vector<16xi32>, vector<16xi32>], vector<16xf32>,
      %gather3A_1268 = arith.constant 1 : i32
      %gather3A_1269 = arith.constant 0 : i32
      %gather3A_1270 = arith.constant 0 : i32
      %gather3A_1271 = tpu.memref_slice %arg12[%gather3A_1268, %gather3A_1269, %gather3A_1270] : memref<4x64x128xf32, #tpu.memory_space<vmem>> -> memref<1x64x128xf32, #tpu.memory_space<vmem>>
      %gather3A_1272 = tpu.memref_squeeze %gather3A_1271 : memref<1x64x128xf32, #tpu.memory_space<vmem>> -> memref<64x128xf32, #tpu.memory_space<vmem>>
      %gather3A_1273 = tpu.vector_load_idx %gather3A_1272[%add3A_8, %broadcast_in_dim3A_1248] : memref<64x128xf32, #tpu.memory_space<vmem>>[vector<16xi32>, vector<16xi32>], vector<16xf32>,
      %mul3A_1274 = arith.mulf %gather3A_1267, %gather3A_1273 : vector<16xf32>
      %add3A_1275 = arith.addf %mul3A_1261, %mul3A_1274 : vector<16xf32>
      %gather3A_1276 = arith.constant 5 : i32
      %gather3A_1277 = arith.constant 0 : i32
      %gather3A_1278 = arith.constant 0 : i32
      %gather3A_1279 = tpu.memref_slice %arg11[%gather3A_1276, %gather3A_1277, %gather3A_1278] : memref<8x64x128xf32, #tpu.memory_space<vmem>> -> memref<1x64x128xf32, #tpu.memory_space<vmem>>
      %gather3A_1280 = tpu.memref_squeeze %gather3A_1279 : memref<1x64x128xf32, #tpu.memory_space<vmem>> -> memref<64x128xf32, #tpu.memory_space<vmem>>
      %gather3A_1281 = tpu.vector_load_idx %gather3A_1280[%add3A_11, %broadcast_in_dim3A_1243] : memref<64x128xf32, #tpu.memory_space<vmem>>[vector<16xi32>, vector<16xi32>], vector<16xf32>,
      %gather3A_1282 = arith.constant 1 : i32
      %gather3A_1283 = arith.constant 0 : i32
      %gather3A_1284 = arith.constant 0 : i32
      %gather3A_1285 = tpu.memref_slice %arg12[%gather3A_1282, %gather3A_1283, %gather3A_1284] : memref<4x64x128xf32, #tpu.memory_space<vmem>> -> memref<1x64x128xf32, #tpu.memory_space<vmem>>
      %gather3A_1286 = tpu.memref_squeeze %gather3A_1285 : memref<1x64x128xf32, #tpu.memory_space<vmem>> -> memref<64x128xf32, #tpu.memory_space<vmem>>
      %gather3A_1287 = tpu.vector_load_idx %gather3A_1286[%add3A_11, %broadcast_in_dim3A_1248] : memref<64x128xf32, #tpu.memory_space<vmem>>[vector<16xi32>, vector<16xi32>], vector<16xf32>,
      %mul3A_1288 = arith.mulf %gather3A_1281, %gather3A_1287 : vector<16xf32>
      %add3A_1289 = arith.addf %add3A_1275, %mul3A_1288 : vector<16xf32>
      %gather3A_1290 = arith.constant 5 : i32
      %gather3A_1291 = arith.constant 0 : i32
      %gather3A_1292 = arith.constant 0 : i32
      %gather3A_1293 = tpu.memref_slice %arg11[%gather3A_1290, %gather3A_1291, %gather3A_1292] : memref<8x64x128xf32, #tpu.memory_space<vmem>> -> memref<1x64x128xf32, #tpu.memory_space<vmem>>
      %gather3A_1294 = tpu.memref_squeeze %gather3A_1293 : memref<1x64x128xf32, #tpu.memory_space<vmem>> -> memref<64x128xf32, #tpu.memory_space<vmem>>
      %gather3A_1295 = tpu.vector_load_idx %gather3A_1294[%add3A_14, %broadcast_in_dim3A_1243] : memref<64x128xf32, #tpu.memory_space<vmem>>[vector<16xi32>, vector<16xi32>], vector<16xf32>,
      %gather3A_1296 = arith.constant 1 : i32
      %gather3A_1297 = arith.constant 0 : i32
      %gather3A_1298 = arith.constant 0 : i32
      %gather3A_1299 = tpu.memref_slice %arg12[%gather3A_1296, %gather3A_1297, %gather3A_1298] : memref<4x64x128xf32, #tpu.memory_space<vmem>> -> memref<1x64x128xf32, #tpu.memory_space<vmem>>
      %gather3A_1300 = tpu.memref_squeeze %gather3A_1299 : memref<1x64x128xf32, #tpu.memory_space<vmem>> -> memref<64x128xf32, #tpu.memory_space<vmem>>
      %gather3A_1301 = tpu.vector_load_idx %gather3A_1300[%add3A_14, %broadcast_in_dim3A_1248] : memref<64x128xf32, #tpu.memory_space<vmem>>[vector<16xi32>, vector<16xi32>], vector<16xf32>,
      %mul3A_1302 = arith.mulf %gather3A_1295, %gather3A_1301 : vector<16xf32>
      %add3A_1303 = arith.addf %add3A_1289, %mul3A_1302 : vector<16xf32>
      %reduce_sum3A_1304 = arith.constant true
      %reduce_sum3A_1305 = vector.broadcast %reduce_sum3A_1304 : i1 to vector<16xi1>
      %reduce_sum3A_1306 = tpu.scan <sum>, %add3A_1303 masked %reduce_sum3A_1305 : vector<16xf32>, vector<16xi1> -> vector<16xf32>
      %reduce_sum3A_1307 = vector.extract %reduce_sum3A_1306[15] : f32 from vector<16xf32>
      %mul3A_1308 = vector.broadcast %reduce_sum3A_1307 : f32 to vector<16xf32>
      %mul3A_1309 = arith.mulf %mul3A_1308, %select_n3A_58 : vector<16xf32>
      %add3A_1310 = arith.addf %add3A_1156, %mul3A_1309 : vector<16xf32>
      %slice3A_1311 = vector.extract_strided_slice %get3A_423 {offsets = [13], sizes = [1], strides = [1]} : vector<16xi32> to vector<1xi32>
      %squeeze3A_1312 = vector.extract %slice3A_1311[0] : i32 from vector<1xi32>
      %shift_right_arithmetic3A_1313 = arith.constant 7 : i32
      %shift_right_arithmetic3A_1314 = arith.shrsi %squeeze3A_1312, %shift_right_arithmetic3A_1313 : i32
      %shift_left3A_1315 = arith.constant 7 : i32
      %shift_left3A_1316 = arith.shli %shift_right_arithmetic3A_1314, %shift_left3A_1315 : i32
      %multiple_of3A_1317 = tpu.assume_multiple %shift_left3A_1316, 128 : i32
      %dma_start3A_1318 = arith.constant 5 : i32
      %dma_start3A_1319 = arith.constant 5 : i32
      %dma_start3A_1320 = arith.constant 0 : i32
      %dma_start3A_1321 = arith.constant 0 : i32
      %dma_start3A_1322 = tpu.memref_slice %arg11[%dma_start3A_1318, %dma_start3A_1320, %dma_start3A_1321] : memref<8x64x128xf32, #tpu.memory_space<vmem>> -> memref<1x64x128xf32, #tpu.memory_space<vmem>>
      %dma_start3A_1323 = tpu.memref_squeeze %dma_start3A_1322 : memref<1x64x128xf32, #tpu.memory_space<vmem>> -> memref<64x128xf32, #tpu.memory_space<vmem>>
      %dma_start3A_1324 = arith.constant 0 : i32
      %dma_start3A_1325 = tpu.memref_slice %arg5[%dma_start3A_1324, %multiple_of3A_1317] : memref<64x1000000xf32, #tpu.memory_space<hbm>> -> memref<64x128xf32, #tpu.memory_space<hbm>>
      %dma_start3A_1326 = tpu.memref_slice %arg14[%dma_start3A_1319] : memref<8x!tpu.dma_semaphore, #tpu.memory_space<semaphore_mem>> -> memref<1x!tpu.dma_semaphore, #tpu.memory_space<semaphore_mem>>
      %dma_start3A_1327 = tpu.memref_squeeze %dma_start3A_1326 : memref<1x!tpu.dma_semaphore, #tpu.memory_space<semaphore_mem>> -> memref<!tpu.dma_semaphore, #tpu.memory_space<semaphore_mem>>
      %dma_start3A_1328 = arith.constant 0 : i32
      %dma_start3A_1329 = arith.constant 0 : i32
      %dma_start3A_1330 = tpu.memref_slice %arg11[%dma_start3A_1318, %dma_start3A_1328, %dma_start3A_1329] : memref<8x64x128xf32, #tpu.memory_space<vmem>> -> memref<1x64x128xf32, #tpu.memory_space<vmem>>
      %dma_start3A_1331 = tpu.memref_squeeze %dma_start3A_1330 : memref<1x64x128xf32, #tpu.memory_space<vmem>> -> memref<64x128xf32, #tpu.memory_space<vmem>>
      %dma_start3A_1332 = arith.constant 0 : i32
      %dma_start3A_1333 = tpu.memref_slice %arg5[%dma_start3A_1332, %multiple_of3A_1317] : memref<64x1000000xf32, #tpu.memory_space<hbm>> -> memref<64x128xf32, #tpu.memory_space<hbm>>
      tpu.enqueue_dma source(%dma_start3A_1333 : memref<64x128xf32, #tpu.memory_space<hbm>>) target(%dma_start3A_1331 : memref<64x128xf32, #tpu.memory_space<vmem>>) target_semaphore(%dma_start3A_1327 : memref<!tpu.dma_semaphore, #tpu.memory_space<semaphore_mem>>)
      %slice3A_1334 = vector.extract_strided_slice %get3A_425 {offsets = [9], sizes = [1], strides = [1]} : vector<16xi32> to vector<1xi32>
      %squeeze3A_1335 = vector.extract %slice3A_1334[0] : i32 from vector<1xi32>
      %shift_right_arithmetic3A_1336 = arith.constant 7 : i32
      %shift_right_arithmetic3A_1337 = arith.shrsi %squeeze3A_1335, %shift_right_arithmetic3A_1336 : i32
      %shift_left3A_1338 = arith.constant 7 : i32
      %shift_left3A_1339 = arith.shli %shift_right_arithmetic3A_1337, %shift_left3A_1338 : i32
      %multiple_of3A_1340 = tpu.assume_multiple %shift_left3A_1339, 128 : i32
      %dma_start3A_1341 = arith.constant 1 : i32
      %dma_start3A_1342 = arith.constant 1 : i32
      %dma_start3A_1343 = arith.constant 0 : i32
      %dma_start3A_1344 = arith.constant 0 : i32
      %dma_start3A_1345 = tpu.memref_slice %arg12[%dma_start3A_1341, %dma_start3A_1343, %dma_start3A_1344] : memref<4x64x128xf32, #tpu.memory_space<vmem>> -> memref<1x64x128xf32, #tpu.memory_space<vmem>>
      %dma_start3A_1346 = tpu.memref_squeeze %dma_start3A_1345 : memref<1x64x128xf32, #tpu.memory_space<vmem>> -> memref<64x128xf32, #tpu.memory_space<vmem>>
      %dma_start3A_1347 = arith.constant 0 : i32
      %dma_start3A_1348 = tpu.memref_slice %arg6[%dma_start3A_1347, %multiple_of3A_1340] : memref<64x1000000xf32, #tpu.memory_space<hbm>> -> memref<64x128xf32, #tpu.memory_space<hbm>>
      %dma_start3A_1349 = tpu.memref_slice %arg15[%dma_start3A_1342] : memref<4x!tpu.dma_semaphore, #tpu.memory_space<semaphore_mem>> -> memref<1x!tpu.dma_semaphore, #tpu.memory_space<semaphore_mem>>
      %dma_start3A_1350 = tpu.memref_squeeze %dma_start3A_1349 : memref<1x!tpu.dma_semaphore, #tpu.memory_space<semaphore_mem>> -> memref<!tpu.dma_semaphore, #tpu.memory_space<semaphore_mem>>
      %dma_start3A_1351 = arith.constant 0 : i32
      %dma_start3A_1352 = arith.constant 0 : i32
      %dma_start3A_1353 = tpu.memref_slice %arg12[%dma_start3A_1341, %dma_start3A_1351, %dma_start3A_1352] : memref<4x64x128xf32, #tpu.memory_space<vmem>> -> memref<1x64x128xf32, #tpu.memory_space<vmem>>
      %dma_start3A_1354 = tpu.memref_squeeze %dma_start3A_1353 : memref<1x64x128xf32, #tpu.memory_space<vmem>> -> memref<64x128xf32, #tpu.memory_space<vmem>>
      %dma_start3A_1355 = arith.constant 0 : i32
      %dma_start3A_1356 = tpu.memref_slice %arg6[%dma_start3A_1355, %multiple_of3A_1340] : memref<64x1000000xf32, #tpu.memory_space<hbm>> -> memref<64x128xf32, #tpu.memory_space<hbm>>
      tpu.enqueue_dma source(%dma_start3A_1356 : memref<64x128xf32, #tpu.memory_space<hbm>>) target(%dma_start3A_1354 : memref<64x128xf32, #tpu.memory_space<vmem>>) target_semaphore(%dma_start3A_1350 : memref<!tpu.dma_semaphore, #tpu.memory_space<semaphore_mem>>)
      %dma_wait3A_1357 = arith.constant 6 : i32
      %dma_wait3A_1358 = arith.constant 6 : i32
      %dma_wait3A_1359 = arith.constant 0 : i32
      %dma_wait3A_1360 = arith.constant 0 : i32
      %dma_wait3A_1361 = tpu.memref_slice %arg11[%dma_wait3A_1357, %dma_wait3A_1359, %dma_wait3A_1360] : memref<8x64x128xf32, #tpu.memory_space<vmem>> -> memref<1x64x128xf32, #tpu.memory_space<vmem>>
      %dma_wait3A_1362 = tpu.memref_squeeze %dma_wait3A_1361 : memref<1x64x128xf32, #tpu.memory_space<vmem>> -> memref<64x128xf32, #tpu.memory_space<vmem>>
      %dma_wait3A_1363 = arith.constant 0 : i32
      %dma_wait3A_1364 = arith.constant 0 : i32
      %dma_wait3A_1365 = tpu.memref_slice %arg5[%dma_wait3A_1363, %dma_wait3A_1364] : memref<64x1000000xf32, #tpu.memory_space<hbm>> -> memref<64x128xf32, #tpu.memory_space<hbm>>
      %dma_wait3A_1366 = tpu.memref_slice %arg14[%dma_wait3A_1358] : memref<8x!tpu.dma_semaphore, #tpu.memory_space<semaphore_mem>> -> memref<1x!tpu.dma_semaphore, #tpu.memory_space<semaphore_mem>>
      %dma_wait3A_1367 = tpu.memref_squeeze %dma_wait3A_1366 : memref<1x!tpu.dma_semaphore, #tpu.memory_space<semaphore_mem>> -> memref<!tpu.dma_semaphore, #tpu.memory_space<semaphore_mem>>
      %dma_wait3A_1368 = arith.constant 0 : i32
      %dma_wait3A_1369 = arith.constant 0 : i32
      %dma_wait3A_1370 = tpu.memref_slice %arg11[%dma_wait3A_1357, %dma_wait3A_1368, %dma_wait3A_1369] : memref<8x64x128xf32, #tpu.memory_space<vmem>> -> memref<1x64x128xf32, #tpu.memory_space<vmem>>
      %dma_wait3A_1371 = tpu.memref_squeeze %dma_wait3A_1370 : memref<1x64x128xf32, #tpu.memory_space<vmem>> -> memref<64x128xf32, #tpu.memory_space<vmem>>
      %dma_wait3A_1372 = arith.constant 0 : i32
      %dma_wait3A_1373 = arith.constant 0 : i32
      %dma_wait3A_1374 = tpu.memref_slice %arg5[%dma_wait3A_1372, %dma_wait3A_1373] : memref<64x1000000xf32, #tpu.memory_space<hbm>> -> memref<64x128xf32, #tpu.memory_space<hbm>>
      tpu.wait_dma2 semaphore(%dma_wait3A_1367 : memref<!tpu.dma_semaphore, #tpu.memory_space<semaphore_mem>>) src(%dma_wait3A_1374 : memref<64x128xf32, #tpu.memory_space<hbm>>) dst(%dma_wait3A_1371 : memref<64x128xf32, #tpu.memory_space<vmem>>)
      %dma_wait3A_1375 = arith.constant 2 : i32
      %dma_wait3A_1376 = arith.constant 2 : i32
      %dma_wait3A_1377 = arith.constant 0 : i32
      %dma_wait3A_1378 = arith.constant 0 : i32
      %dma_wait3A_1379 = tpu.memref_slice %arg12[%dma_wait3A_1375, %dma_wait3A_1377, %dma_wait3A_1378] : memref<4x64x128xf32, #tpu.memory_space<vmem>> -> memref<1x64x128xf32, #tpu.memory_space<vmem>>
      %dma_wait3A_1380 = tpu.memref_squeeze %dma_wait3A_1379 : memref<1x64x128xf32, #tpu.memory_space<vmem>> -> memref<64x128xf32, #tpu.memory_space<vmem>>
      %dma_wait3A_1381 = arith.constant 0 : i32
      %dma_wait3A_1382 = arith.constant 0 : i32
      %dma_wait3A_1383 = tpu.memref_slice %arg6[%dma_wait3A_1381, %dma_wait3A_1382] : memref<64x1000000xf32, #tpu.memory_space<hbm>> -> memref<64x128xf32, #tpu.memory_space<hbm>>
      %dma_wait3A_1384 = tpu.memref_slice %arg15[%dma_wait3A_1376] : memref<4x!tpu.dma_semaphore, #tpu.memory_space<semaphore_mem>> -> memref<1x!tpu.dma_semaphore, #tpu.memory_space<semaphore_mem>>
      %dma_wait3A_1385 = tpu.memref_squeeze %dma_wait3A_1384 : memref<1x!tpu.dma_semaphore, #tpu.memory_space<semaphore_mem>> -> memref<!tpu.dma_semaphore, #tpu.memory_space<semaphore_mem>>
      %dma_wait3A_1386 = arith.constant 0 : i32
      %dma_wait3A_1387 = arith.constant 0 : i32
      %dma_wait3A_1388 = tpu.memref_slice %arg12[%dma_wait3A_1375, %dma_wait3A_1386, %dma_wait3A_1387] : memref<4x64x128xf32, #tpu.memory_space<vmem>> -> memref<1x64x128xf32, #tpu.memory_space<vmem>>
      %dma_wait3A_1389 = tpu.memref_squeeze %dma_wait3A_1388 : memref<1x64x128xf32, #tpu.memory_space<vmem>> -> memref<64x128xf32, #tpu.memory_space<vmem>>
      %dma_wait3A_1390 = arith.constant 0 : i32
      %dma_wait3A_1391 = arith.constant 0 : i32
      %dma_wait3A_1392 = tpu.memref_slice %arg6[%dma_wait3A_1390, %dma_wait3A_1391] : memref<64x1000000xf32, #tpu.memory_space<hbm>> -> memref<64x128xf32, #tpu.memory_space<hbm>>
      tpu.wait_dma2 semaphore(%dma_wait3A_1385 : memref<!tpu.dma_semaphore, #tpu.memory_space<semaphore_mem>>) src(%dma_wait3A_1392 : memref<64x128xf32, #tpu.memory_space<hbm>>) dst(%dma_wait3A_1389 : memref<64x128xf32, #tpu.memory_space<vmem>>)
      %slice3A_1393 = vector.extract_strided_slice %get3A_423 {offsets = [6], sizes = [1], strides = [1]} : vector<16xi32> to vector<1xi32>
      %squeeze3A_1394 = vector.extract %slice3A_1393[0] : i32 from vector<1xi32>
      %and3A_1395 = arith.constant 127 : i32
      %and3A_1396 = arith.andi %squeeze3A_1394, %and3A_1395 : i32
      %broadcast_in_dim3A_1397 = vector.broadcast %and3A_1396 : i32 to vector<16xi32>
      %slice3A_1398 = vector.extract_strided_slice %get3A_425 {offsets = [6], sizes = [1], strides = [1]} : vector<16xi32> to vector<1xi32>
      %squeeze3A_1399 = vector.extract %slice3A_1398[0] : i32 from vector<1xi32>
      %and3A_1400 = arith.constant 127 : i32
      %and3A_1401 = arith.andi %squeeze3A_1399, %and3A_1400 : i32
      %broadcast_in_dim3A_1402 = vector.broadcast %and3A_1401 : i32 to vector<16xi32>
      %gather3A_1403 = arith.constant 6 : i32
      %gather3A_1404 = arith.constant 0 : i32
      %gather3A_1405 = arith.constant 0 : i32
      %gather3A_1406 = tpu.memref_slice %arg11[%gather3A_1403, %gather3A_1404, %gather3A_1405] : memref<8x64x128xf32, #tpu.memory_space<vmem>> -> memref<1x64x128xf32, #tpu.memory_space<vmem>>
      %gather3A_1407 = tpu.memref_squeeze %gather3A_1406 : memref<1x64x128xf32, #tpu.memory_space<vmem>> -> memref<64x128xf32, #tpu.memory_space<vmem>>
      %gather3A_1408 = tpu.vector_load_idx %gather3A_1407[%add3A_5, %broadcast_in_dim3A_1397] : memref<64x128xf32, #tpu.memory_space<vmem>>[vector<16xi32>, vector<16xi32>], vector<16xf32>,
      %gather3A_1409 = arith.constant 2 : i32
      %gather3A_1410 = arith.constant 0 : i32
      %gather3A_1411 = arith.constant 0 : i32
      %gather3A_1412 = tpu.memref_slice %arg12[%gather3A_1409, %gather3A_1410, %gather3A_1411] : memref<4x64x128xf32, #tpu.memory_space<vmem>> -> memref<1x64x128xf32, #tpu.memory_space<vmem>>
      %gather3A_1413 = tpu.memref_squeeze %gather3A_1412 : memref<1x64x128xf32, #tpu.memory_space<vmem>> -> memref<64x128xf32, #tpu.memory_space<vmem>>
      %gather3A_1414 = tpu.vector_load_idx %gather3A_1413[%add3A_5, %broadcast_in_dim3A_1402] : memref<64x128xf32, #tpu.memory_space<vmem>>[vector<16xi32>, vector<16xi32>], vector<16xf32>,
      %mul3A_1415 = arith.mulf %gather3A_1408, %gather3A_1414 : vector<16xf32>
      %gather3A_1416 = arith.constant 6 : i32
      %gather3A_1417 = arith.constant 0 : i32
      %gather3A_1418 = arith.constant 0 : i32
      %gather3A_1419 = tpu.memref_slice %arg11[%gather3A_1416, %gather3A_1417, %gather3A_1418] : memref<8x64x128xf32, #tpu.memory_space<vmem>> -> memref<1x64x128xf32, #tpu.memory_space<vmem>>
      %gather3A_1420 = tpu.memref_squeeze %gather3A_1419 : memref<1x64x128xf32, #tpu.memory_space<vmem>> -> memref<64x128xf32, #tpu.memory_space<vmem>>
      %gather3A_1421 = tpu.vector_load_idx %gather3A_1420[%add3A_8, %broadcast_in_dim3A_1397] : memref<64x128xf32, #tpu.memory_space<vmem>>[vector<16xi32>, vector<16xi32>], vector<16xf32>,
      %gather3A_1422 = arith.constant 2 : i32
      %gather3A_1423 = arith.constant 0 : i32
      %gather3A_1424 = arith.constant 0 : i32
      %gather3A_1425 = tpu.memref_slice %arg12[%gather3A_1422, %gather3A_1423, %gather3A_1424] : memref<4x64x128xf32, #tpu.memory_space<vmem>> -> memref<1x64x128xf32, #tpu.memory_space<vmem>>
      %gather3A_1426 = tpu.memref_squeeze %gather3A_1425 : memref<1x64x128xf32, #tpu.memory_space<vmem>> -> memref<64x128xf32, #tpu.memory_space<vmem>>
      %gather3A_1427 = tpu.vector_load_idx %gather3A_1426[%add3A_8, %broadcast_in_dim3A_1402] : memref<64x128xf32, #tpu.memory_space<vmem>>[vector<16xi32>, vector<16xi32>], vector<16xf32>,
      %mul3A_1428 = arith.mulf %gather3A_1421, %gather3A_1427 : vector<16xf32>
      %add3A_1429 = arith.addf %mul3A_1415, %mul3A_1428 : vector<16xf32>
      %gather3A_1430 = arith.constant 6 : i32
      %gather3A_1431 = arith.constant 0 : i32
      %gather3A_1432 = arith.constant 0 : i32
      %gather3A_1433 = tpu.memref_slice %arg11[%gather3A_1430, %gather3A_1431, %gather3A_1432] : memref<8x64x128xf32, #tpu.memory_space<vmem>> -> memref<1x64x128xf32, #tpu.memory_space<vmem>>
      %gather3A_1434 = tpu.memref_squeeze %gather3A_1433 : memref<1x64x128xf32, #tpu.memory_space<vmem>> -> memref<64x128xf32, #tpu.memory_space<vmem>>
      %gather3A_1435 = tpu.vector_load_idx %gather3A_1434[%add3A_11, %broadcast_in_dim3A_1397] : memref<64x128xf32, #tpu.memory_space<vmem>>[vector<16xi32>, vector<16xi32>], vector<16xf32>,
      %gather3A_1436 = arith.constant 2 : i32
      %gather3A_1437 = arith.constant 0 : i32
      %gather3A_1438 = arith.constant 0 : i32
      %gather3A_1439 = tpu.memref_slice %arg12[%gather3A_1436, %gather3A_1437, %gather3A_1438] : memref<4x64x128xf32, #tpu.memory_space<vmem>> -> memref<1x64x128xf32, #tpu.memory_space<vmem>>
      %gather3A_1440 = tpu.memref_squeeze %gather3A_1439 : memref<1x64x128xf32, #tpu.memory_space<vmem>> -> memref<64x128xf32, #tpu.memory_space<vmem>>
      %gather3A_1441 = tpu.vector_load_idx %gather3A_1440[%add3A_11, %broadcast_in_dim3A_1402] : memref<64x128xf32, #tpu.memory_space<vmem>>[vector<16xi32>, vector<16xi32>], vector<16xf32>,
      %mul3A_1442 = arith.mulf %gather3A_1435, %gather3A_1441 : vector<16xf32>
      %add3A_1443 = arith.addf %add3A_1429, %mul3A_1442 : vector<16xf32>
      %gather3A_1444 = arith.constant 6 : i32
      %gather3A_1445 = arith.constant 0 : i32
      %gather3A_1446 = arith.constant 0 : i32
      %gather3A_1447 = tpu.memref_slice %arg11[%gather3A_1444, %gather3A_1445, %gather3A_1446] : memref<8x64x128xf32, #tpu.memory_space<vmem>> -> memref<1x64x128xf32, #tpu.memory_space<vmem>>
      %gather3A_1448 = tpu.memref_squeeze %gather3A_1447 : memref<1x64x128xf32, #tpu.memory_space<vmem>> -> memref<64x128xf32, #tpu.memory_space<vmem>>
      %gather3A_1449 = tpu.vector_load_idx %gather3A_1448[%add3A_14, %broadcast_in_dim3A_1397] : memref<64x128xf32, #tpu.memory_space<vmem>>[vector<16xi32>, vector<16xi32>], vector<16xf32>,
      %gather3A_1450 = arith.constant 2 : i32
      %gather3A_1451 = arith.constant 0 : i32
      %gather3A_1452 = arith.constant 0 : i32
      %gather3A_1453 = tpu.memref_slice %arg12[%gather3A_1450, %gather3A_1451, %gather3A_1452] : memref<4x64x128xf32, #tpu.memory_space<vmem>> -> memref<1x64x128xf32, #tpu.memory_space<vmem>>
      %gather3A_1454 = tpu.memref_squeeze %gather3A_1453 : memref<1x64x128xf32, #tpu.memory_space<vmem>> -> memref<64x128xf32, #tpu.memory_space<vmem>>
      %gather3A_1455 = tpu.vector_load_idx %gather3A_1454[%add3A_14, %broadcast_in_dim3A_1402] : memref<64x128xf32, #tpu.memory_space<vmem>>[vector<16xi32>, vector<16xi32>], vector<16xf32>,
      %mul3A_1456 = arith.mulf %gather3A_1449, %gather3A_1455 : vector<16xf32>
      %add3A_1457 = arith.addf %add3A_1443, %mul3A_1456 : vector<16xf32>
      %reduce_sum3A_1458 = arith.constant true
      %reduce_sum3A_1459 = vector.broadcast %reduce_sum3A_1458 : i1 to vector<16xi1>
      %reduce_sum3A_1460 = tpu.scan <sum>, %add3A_1457 masked %reduce_sum3A_1459 : vector<16xf32>, vector<16xi1> -> vector<16xf32>
      %reduce_sum3A_1461 = vector.extract %reduce_sum3A_1460[15] : f32 from vector<16xf32>
      %mul3A_1462 = vector.broadcast %reduce_sum3A_1461 : f32 to vector<16xf32>
      %mul3A_1463 = arith.mulf %mul3A_1462, %select_n3A_66 : vector<16xf32>
      %add3A_1464 = arith.addf %add3A_1310, %mul3A_1463 : vector<16xf32>
      %slice3A_1465 = vector.extract_strided_slice %get3A_423 {offsets = [14], sizes = [1], strides = [1]} : vector<16xi32> to vector<1xi32>
      %squeeze3A_1466 = vector.extract %slice3A_1465[0] : i32 from vector<1xi32>
      %shift_right_arithmetic3A_1467 = arith.constant 7 : i32
      %shift_right_arithmetic3A_1468 = arith.shrsi %squeeze3A_1466, %shift_right_arithmetic3A_1467 : i32
      %shift_left3A_1469 = arith.constant 7 : i32
      %shift_left3A_1470 = arith.shli %shift_right_arithmetic3A_1468, %shift_left3A_1469 : i32
      %multiple_of3A_1471 = tpu.assume_multiple %shift_left3A_1470, 128 : i32
      %dma_start3A_1472 = arith.constant 6 : i32
      %dma_start3A_1473 = arith.constant 6 : i32
      %dma_start3A_1474 = arith.constant 0 : i32
      %dma_start3A_1475 = arith.constant 0 : i32
      %dma_start3A_1476 = tpu.memref_slice %arg11[%dma_start3A_1472, %dma_start3A_1474, %dma_start3A_1475] : memref<8x64x128xf32, #tpu.memory_space<vmem>> -> memref<1x64x128xf32, #tpu.memory_space<vmem>>
      %dma_start3A_1477 = tpu.memref_squeeze %dma_start3A_1476 : memref<1x64x128xf32, #tpu.memory_space<vmem>> -> memref<64x128xf32, #tpu.memory_space<vmem>>
      %dma_start3A_1478 = arith.constant 0 : i32
      %dma_start3A_1479 = tpu.memref_slice %arg5[%dma_start3A_1478, %multiple_of3A_1471] : memref<64x1000000xf32, #tpu.memory_space<hbm>> -> memref<64x128xf32, #tpu.memory_space<hbm>>
      %dma_start3A_1480 = tpu.memref_slice %arg14[%dma_start3A_1473] : memref<8x!tpu.dma_semaphore, #tpu.memory_space<semaphore_mem>> -> memref<1x!tpu.dma_semaphore, #tpu.memory_space<semaphore_mem>>
      %dma_start3A_1481 = tpu.memref_squeeze %dma_start3A_1480 : memref<1x!tpu.dma_semaphore, #tpu.memory_space<semaphore_mem>> -> memref<!tpu.dma_semaphore, #tpu.memory_space<semaphore_mem>>
      %dma_start3A_1482 = arith.constant 0 : i32
      %dma_start3A_1483 = arith.constant 0 : i32
      %dma_start3A_1484 = tpu.memref_slice %arg11[%dma_start3A_1472, %dma_start3A_1482, %dma_start3A_1483] : memref<8x64x128xf32, #tpu.memory_space<vmem>> -> memref<1x64x128xf32, #tpu.memory_space<vmem>>
      %dma_start3A_1485 = tpu.memref_squeeze %dma_start3A_1484 : memref<1x64x128xf32, #tpu.memory_space<vmem>> -> memref<64x128xf32, #tpu.memory_space<vmem>>
      %dma_start3A_1486 = arith.constant 0 : i32
      %dma_start3A_1487 = tpu.memref_slice %arg5[%dma_start3A_1486, %multiple_of3A_1471] : memref<64x1000000xf32, #tpu.memory_space<hbm>> -> memref<64x128xf32, #tpu.memory_space<hbm>>
      tpu.enqueue_dma source(%dma_start3A_1487 : memref<64x128xf32, #tpu.memory_space<hbm>>) target(%dma_start3A_1485 : memref<64x128xf32, #tpu.memory_space<vmem>>) target_semaphore(%dma_start3A_1481 : memref<!tpu.dma_semaphore, #tpu.memory_space<semaphore_mem>>)
      %slice3A_1488 = vector.extract_strided_slice %get3A_425 {offsets = [10], sizes = [1], strides = [1]} : vector<16xi32> to vector<1xi32>
      %squeeze3A_1489 = vector.extract %slice3A_1488[0] : i32 from vector<1xi32>
      %shift_right_arithmetic3A_1490 = arith.constant 7 : i32
      %shift_right_arithmetic3A_1491 = arith.shrsi %squeeze3A_1489, %shift_right_arithmetic3A_1490 : i32
      %shift_left3A_1492 = arith.constant 7 : i32
      %shift_left3A_1493 = arith.shli %shift_right_arithmetic3A_1491, %shift_left3A_1492 : i32
      %multiple_of3A_1494 = tpu.assume_multiple %shift_left3A_1493, 128 : i32
      %dma_start3A_1495 = arith.constant 2 : i32
      %dma_start3A_1496 = arith.constant 2 : i32
      %dma_start3A_1497 = arith.constant 0 : i32
      %dma_start3A_1498 = arith.constant 0 : i32
      %dma_start3A_1499 = tpu.memref_slice %arg12[%dma_start3A_1495, %dma_start3A_1497, %dma_start3A_1498] : memref<4x64x128xf32, #tpu.memory_space<vmem>> -> memref<1x64x128xf32, #tpu.memory_space<vmem>>
      %dma_start3A_1500 = tpu.memref_squeeze %dma_start3A_1499 : memref<1x64x128xf32, #tpu.memory_space<vmem>> -> memref<64x128xf32, #tpu.memory_space<vmem>>
      %dma_start3A_1501 = arith.constant 0 : i32
      %dma_start3A_1502 = tpu.memref_slice %arg6[%dma_start3A_1501, %multiple_of3A_1494] : memref<64x1000000xf32, #tpu.memory_space<hbm>> -> memref<64x128xf32, #tpu.memory_space<hbm>>
      %dma_start3A_1503 = tpu.memref_slice %arg15[%dma_start3A_1496] : memref<4x!tpu.dma_semaphore, #tpu.memory_space<semaphore_mem>> -> memref<1x!tpu.dma_semaphore, #tpu.memory_space<semaphore_mem>>
      %dma_start3A_1504 = tpu.memref_squeeze %dma_start3A_1503 : memref<1x!tpu.dma_semaphore, #tpu.memory_space<semaphore_mem>> -> memref<!tpu.dma_semaphore, #tpu.memory_space<semaphore_mem>>
      %dma_start3A_1505 = arith.constant 0 : i32
      %dma_start3A_1506 = arith.constant 0 : i32
      %dma_start3A_1507 = tpu.memref_slice %arg12[%dma_start3A_1495, %dma_start3A_1505, %dma_start3A_1506] : memref<4x64x128xf32, #tpu.memory_space<vmem>> -> memref<1x64x128xf32, #tpu.memory_space<vmem>>
      %dma_start3A_1508 = tpu.memref_squeeze %dma_start3A_1507 : memref<1x64x128xf32, #tpu.memory_space<vmem>> -> memref<64x128xf32, #tpu.memory_space<vmem>>
      %dma_start3A_1509 = arith.constant 0 : i32
      %dma_start3A_1510 = tpu.memref_slice %arg6[%dma_start3A_1509, %multiple_of3A_1494] : memref<64x1000000xf32, #tpu.memory_space<hbm>> -> memref<64x128xf32, #tpu.memory_space<hbm>>
      tpu.enqueue_dma source(%dma_start3A_1510 : memref<64x128xf32, #tpu.memory_space<hbm>>) target(%dma_start3A_1508 : memref<64x128xf32, #tpu.memory_space<vmem>>) target_semaphore(%dma_start3A_1504 : memref<!tpu.dma_semaphore, #tpu.memory_space<semaphore_mem>>)
      %dma_wait3A_1511 = arith.constant 7 : i32
      %dma_wait3A_1512 = arith.constant 7 : i32
      %dma_wait3A_1513 = arith.constant 0 : i32
      %dma_wait3A_1514 = arith.constant 0 : i32
      %dma_wait3A_1515 = tpu.memref_slice %arg11[%dma_wait3A_1511, %dma_wait3A_1513, %dma_wait3A_1514] : memref<8x64x128xf32, #tpu.memory_space<vmem>> -> memref<1x64x128xf32, #tpu.memory_space<vmem>>
      %dma_wait3A_1516 = tpu.memref_squeeze %dma_wait3A_1515 : memref<1x64x128xf32, #tpu.memory_space<vmem>> -> memref<64x128xf32, #tpu.memory_space<vmem>>
      %dma_wait3A_1517 = arith.constant 0 : i32
      %dma_wait3A_1518 = arith.constant 0 : i32
      %dma_wait3A_1519 = tpu.memref_slice %arg5[%dma_wait3A_1517, %dma_wait3A_1518] : memref<64x1000000xf32, #tpu.memory_space<hbm>> -> memref<64x128xf32, #tpu.memory_space<hbm>>
      %dma_wait3A_1520 = tpu.memref_slice %arg14[%dma_wait3A_1512] : memref<8x!tpu.dma_semaphore, #tpu.memory_space<semaphore_mem>> -> memref<1x!tpu.dma_semaphore, #tpu.memory_space<semaphore_mem>>
      %dma_wait3A_1521 = tpu.memref_squeeze %dma_wait3A_1520 : memref<1x!tpu.dma_semaphore, #tpu.memory_space<semaphore_mem>> -> memref<!tpu.dma_semaphore, #tpu.memory_space<semaphore_mem>>
      %dma_wait3A_1522 = arith.constant 0 : i32
      %dma_wait3A_1523 = arith.constant 0 : i32
      %dma_wait3A_1524 = tpu.memref_slice %arg11[%dma_wait3A_1511, %dma_wait3A_1522, %dma_wait3A_1523] : memref<8x64x128xf32, #tpu.memory_space<vmem>> -> memref<1x64x128xf32, #tpu.memory_space<vmem>>
      %dma_wait3A_1525 = tpu.memref_squeeze %dma_wait3A_1524 : memref<1x64x128xf32, #tpu.memory_space<vmem>> -> memref<64x128xf32, #tpu.memory_space<vmem>>
      %dma_wait3A_1526 = arith.constant 0 : i32
      %dma_wait3A_1527 = arith.constant 0 : i32
      %dma_wait3A_1528 = tpu.memref_slice %arg5[%dma_wait3A_1526, %dma_wait3A_1527] : memref<64x1000000xf32, #tpu.memory_space<hbm>> -> memref<64x128xf32, #tpu.memory_space<hbm>>
      tpu.wait_dma2 semaphore(%dma_wait3A_1521 : memref<!tpu.dma_semaphore, #tpu.memory_space<semaphore_mem>>) src(%dma_wait3A_1528 : memref<64x128xf32, #tpu.memory_space<hbm>>) dst(%dma_wait3A_1525 : memref<64x128xf32, #tpu.memory_space<vmem>>)
      %dma_wait3A_1529 = arith.constant 3 : i32
      %dma_wait3A_1530 = arith.constant 3 : i32
      %dma_wait3A_1531 = arith.constant 0 : i32
      %dma_wait3A_1532 = arith.constant 0 : i32
      %dma_wait3A_1533 = tpu.memref_slice %arg12[%dma_wait3A_1529, %dma_wait3A_1531, %dma_wait3A_1532] : memref<4x64x128xf32, #tpu.memory_space<vmem>> -> memref<1x64x128xf32, #tpu.memory_space<vmem>>
      %dma_wait3A_1534 = tpu.memref_squeeze %dma_wait3A_1533 : memref<1x64x128xf32, #tpu.memory_space<vmem>> -> memref<64x128xf32, #tpu.memory_space<vmem>>
      %dma_wait3A_1535 = arith.constant 0 : i32
      %dma_wait3A_1536 = arith.constant 0 : i32
      %dma_wait3A_1537 = tpu.memref_slice %arg6[%dma_wait3A_1535, %dma_wait3A_1536] : memref<64x1000000xf32, #tpu.memory_space<hbm>> -> memref<64x128xf32, #tpu.memory_space<hbm>>
      %dma_wait3A_1538 = tpu.memref_slice %arg15[%dma_wait3A_1530] : memref<4x!tpu.dma_semaphore, #tpu.memory_space<semaphore_mem>> -> memref<1x!tpu.dma_semaphore, #tpu.memory_space<semaphore_mem>>
      %dma_wait3A_1539 = tpu.memref_squeeze %dma_wait3A_1538 : memref<1x!tpu.dma_semaphore, #tpu.memory_space<semaphore_mem>> -> memref<!tpu.dma_semaphore, #tpu.memory_space<semaphore_mem>>
      %dma_wait3A_1540 = arith.constant 0 : i32
      %dma_wait3A_1541 = arith.constant 0 : i32
      %dma_wait3A_1542 = tpu.memref_slice %arg12[%dma_wait3A_1529, %dma_wait3A_1540, %dma_wait3A_1541] : memref<4x64x128xf32, #tpu.memory_space<vmem>> -> memref<1x64x128xf32, #tpu.memory_space<vmem>>
      %dma_wait3A_1543 = tpu.memref_squeeze %dma_wait3A_1542 : memref<1x64x128xf32, #tpu.memory_space<vmem>> -> memref<64x128xf32, #tpu.memory_space<vmem>>
      %dma_wait3A_1544 = arith.constant 0 : i32
      %dma_wait3A_1545 = arith.constant 0 : i32
      %dma_wait3A_1546 = tpu.memref_slice %arg6[%dma_wait3A_1544, %dma_wait3A_1545] : memref<64x1000000xf32, #tpu.memory_space<hbm>> -> memref<64x128xf32, #tpu.memory_space<hbm>>
      tpu.wait_dma2 semaphore(%dma_wait3A_1539 : memref<!tpu.dma_semaphore, #tpu.memory_space<semaphore_mem>>) src(%dma_wait3A_1546 : memref<64x128xf32, #tpu.memory_space<hbm>>) dst(%dma_wait3A_1543 : memref<64x128xf32, #tpu.memory_space<vmem>>)
      %slice3A_1547 = vector.extract_strided_slice %get3A_423 {offsets = [7], sizes = [1], strides = [1]} : vector<16xi32> to vector<1xi32>
      %squeeze3A_1548 = vector.extract %slice3A_1547[0] : i32 from vector<1xi32>
      %and3A_1549 = arith.constant 127 : i32
      %and3A_1550 = arith.andi %squeeze3A_1548, %and3A_1549 : i32
      %broadcast_in_dim3A_1551 = vector.broadcast %and3A_1550 : i32 to vector<16xi32>
      %slice3A_1552 = vector.extract_strided_slice %get3A_425 {offsets = [7], sizes = [1], strides = [1]} : vector<16xi32> to vector<1xi32>
      %squeeze3A_1553 = vector.extract %slice3A_1552[0] : i32 from vector<1xi32>
      %and3A_1554 = arith.constant 127 : i32
      %and3A_1555 = arith.andi %squeeze3A_1553, %and3A_1554 : i32
      %broadcast_in_dim3A_1556 = vector.broadcast %and3A_1555 : i32 to vector<16xi32>
      %gather3A_1557 = arith.constant 7 : i32
      %gather3A_1558 = arith.constant 0 : i32
      %gather3A_1559 = arith.constant 0 : i32
      %gather3A_1560 = tpu.memref_slice %arg11[%gather3A_1557, %gather3A_1558, %gather3A_1559] : memref<8x64x128xf32, #tpu.memory_space<vmem>> -> memref<1x64x128xf32, #tpu.memory_space<vmem>>
      %gather3A_1561 = tpu.memref_squeeze %gather3A_1560 : memref<1x64x128xf32, #tpu.memory_space<vmem>> -> memref<64x128xf32, #tpu.memory_space<vmem>>
      %gather3A_1562 = tpu.vector_load_idx %gather3A_1561[%add3A_5, %broadcast_in_dim3A_1551] : memref<64x128xf32, #tpu.memory_space<vmem>>[vector<16xi32>, vector<16xi32>], vector<16xf32>,
      %gather3A_1563 = arith.constant 3 : i32
      %gather3A_1564 = arith.constant 0 : i32
      %gather3A_1565 = arith.constant 0 : i32
      %gather3A_1566 = tpu.memref_slice %arg12[%gather3A_1563, %gather3A_1564, %gather3A_1565] : memref<4x64x128xf32, #tpu.memory_space<vmem>> -> memref<1x64x128xf32, #tpu.memory_space<vmem>>
      %gather3A_1567 = tpu.memref_squeeze %gather3A_1566 : memref<1x64x128xf32, #tpu.memory_space<vmem>> -> memref<64x128xf32, #tpu.memory_space<vmem>>
      %gather3A_1568 = tpu.vector_load_idx %gather3A_1567[%add3A_5, %broadcast_in_dim3A_1556] : memref<64x128xf32, #tpu.memory_space<vmem>>[vector<16xi32>, vector<16xi32>], vector<16xf32>,
      %mul3A_1569 = arith.mulf %gather3A_1562, %gather3A_1568 : vector<16xf32>
      %gather3A_1570 = arith.constant 7 : i32
      %gather3A_1571 = arith.constant 0 : i32
      %gather3A_1572 = arith.constant 0 : i32
      %gather3A_1573 = tpu.memref_slice %arg11[%gather3A_1570, %gather3A_1571, %gather3A_1572] : memref<8x64x128xf32, #tpu.memory_space<vmem>> -> memref<1x64x128xf32, #tpu.memory_space<vmem>>
      %gather3A_1574 = tpu.memref_squeeze %gather3A_1573 : memref<1x64x128xf32, #tpu.memory_space<vmem>> -> memref<64x128xf32, #tpu.memory_space<vmem>>
      %gather3A_1575 = tpu.vector_load_idx %gather3A_1574[%add3A_8, %broadcast_in_dim3A_1551] : memref<64x128xf32, #tpu.memory_space<vmem>>[vector<16xi32>, vector<16xi32>], vector<16xf32>,
      %gather3A_1576 = arith.constant 3 : i32
      %gather3A_1577 = arith.constant 0 : i32
      %gather3A_1578 = arith.constant 0 : i32
      %gather3A_1579 = tpu.memref_slice %arg12[%gather3A_1576, %gather3A_1577, %gather3A_1578] : memref<4x64x128xf32, #tpu.memory_space<vmem>> -> memref<1x64x128xf32, #tpu.memory_space<vmem>>
      %gather3A_1580 = tpu.memref_squeeze %gather3A_1579 : memref<1x64x128xf32, #tpu.memory_space<vmem>> -> memref<64x128xf32, #tpu.memory_space<vmem>>
      %gather3A_1581 = tpu.vector_load_idx %gather3A_1580[%add3A_8, %broadcast_in_dim3A_1556] : memref<64x128xf32, #tpu.memory_space<vmem>>[vector<16xi32>, vector<16xi32>], vector<16xf32>,
      %mul3A_1582 = arith.mulf %gather3A_1575, %gather3A_1581 : vector<16xf32>
      %add3A_1583 = arith.addf %mul3A_1569, %mul3A_1582 : vector<16xf32>
      %gather3A_1584 = arith.constant 7 : i32
      %gather3A_1585 = arith.constant 0 : i32
      %gather3A_1586 = arith.constant 0 : i32
      %gather3A_1587 = tpu.memref_slice %arg11[%gather3A_1584, %gather3A_1585, %gather3A_1586] : memref<8x64x128xf32, #tpu.memory_space<vmem>> -> memref<1x64x128xf32, #tpu.memory_space<vmem>>
      %gather3A_1588 = tpu.memref_squeeze %gather3A_1587 : memref<1x64x128xf32, #tpu.memory_space<vmem>> -> memref<64x128xf32, #tpu.memory_space<vmem>>
      %gather3A_1589 = tpu.vector_load_idx %gather3A_1588[%add3A_11, %broadcast_in_dim3A_1551] : memref<64x128xf32, #tpu.memory_space<vmem>>[vector<16xi32>, vector<16xi32>], vector<16xf32>,
      %gather3A_1590 = arith.constant 3 : i32
      %gather3A_1591 = arith.constant 0 : i32
      %gather3A_1592 = arith.constant 0 : i32
      %gather3A_1593 = tpu.memref_slice %arg12[%gather3A_1590, %gather3A_1591, %gather3A_1592] : memref<4x64x128xf32, #tpu.memory_space<vmem>> -> memref<1x64x128xf32, #tpu.memory_space<vmem>>
      %gather3A_1594 = tpu.memref_squeeze %gather3A_1593 : memref<1x64x128xf32, #tpu.memory_space<vmem>> -> memref<64x128xf32, #tpu.memory_space<vmem>>
      %gather3A_1595 = tpu.vector_load_idx %gather3A_1594[%add3A_11, %broadcast_in_dim3A_1556] : memref<64x128xf32, #tpu.memory_space<vmem>>[vector<16xi32>, vector<16xi32>], vector<16xf32>,
      %mul3A_1596 = arith.mulf %gather3A_1589, %gather3A_1595 : vector<16xf32>
      %add3A_1597 = arith.addf %add3A_1583, %mul3A_1596 : vector<16xf32>
      %gather3A_1598 = arith.constant 7 : i32
      %gather3A_1599 = arith.constant 0 : i32
      %gather3A_1600 = arith.constant 0 : i32
      %gather3A_1601 = tpu.memref_slice %arg11[%gather3A_1598, %gather3A_1599, %gather3A_1600] : memref<8x64x128xf32, #tpu.memory_space<vmem>> -> memref<1x64x128xf32, #tpu.memory_space<vmem>>
      %gather3A_1602 = tpu.memref_squeeze %gather3A_1601 : memref<1x64x128xf32, #tpu.memory_space<vmem>> -> memref<64x128xf32, #tpu.memory_space<vmem>>
      %gather3A_1603 = tpu.vector_load_idx %gather3A_1602[%add3A_14, %broadcast_in_dim3A_1551] : memref<64x128xf32, #tpu.memory_space<vmem>>[vector<16xi32>, vector<16xi32>], vector<16xf32>,
      %gather3A_1604 = arith.constant 3 : i32
      %gather3A_1605 = arith.constant 0 : i32
      %gather3A_1606 = arith.constant 0 : i32
      %gather3A_1607 = tpu.memref_slice %arg12[%gather3A_1604, %gather3A_1605, %gather3A_1606] : memref<4x64x128xf32, #tpu.memory_space<vmem>> -> memref<1x64x128xf32, #tpu.memory_space<vmem>>
      %gather3A_1608 = tpu.memref_squeeze %gather3A_1607 : memref<1x64x128xf32, #tpu.memory_space<vmem>> -> memref<64x128xf32, #tpu.memory_space<vmem>>
      %gather3A_1609 = tpu.vector_load_idx %gather3A_1608[%add3A_14, %broadcast_in_dim3A_1556] : memref<64x128xf32, #tpu.memory_space<vmem>>[vector<16xi32>, vector<16xi32>], vector<16xf32>,
      %mul3A_1610 = arith.mulf %gather3A_1603, %gather3A_1609 : vector<16xf32>
      %add3A_1611 = arith.addf %add3A_1597, %mul3A_1610 : vector<16xf32>
      %reduce_sum3A_1612 = arith.constant true
      %reduce_sum3A_1613 = vector.broadcast %reduce_sum3A_1612 : i1 to vector<16xi1>
      %reduce_sum3A_1614 = tpu.scan <sum>, %add3A_1611 masked %reduce_sum3A_1613 : vector<16xf32>, vector<16xi1> -> vector<16xf32>
      %reduce_sum3A_1615 = vector.extract %reduce_sum3A_1614[15] : f32 from vector<16xf32>
      %mul3A_1616 = vector.broadcast %reduce_sum3A_1615 : f32 to vector<16xf32>
      %mul3A_1617 = arith.mulf %mul3A_1616, %select_n3A_74 : vector<16xf32>
      %add3A_1618 = arith.addf %add3A_1464, %mul3A_1617 : vector<16xf32>
      %slice3A_1619 = vector.extract_strided_slice %get3A_423 {offsets = [15], sizes = [1], strides = [1]} : vector<16xi32> to vector<1xi32>
      %squeeze3A_1620 = vector.extract %slice3A_1619[0] : i32 from vector<1xi32>
      %shift_right_arithmetic3A_1621 = arith.constant 7 : i32
      %shift_right_arithmetic3A_1622 = arith.shrsi %squeeze3A_1620, %shift_right_arithmetic3A_1621 : i32
      %shift_left3A_1623 = arith.constant 7 : i32
      %shift_left3A_1624 = arith.shli %shift_right_arithmetic3A_1622, %shift_left3A_1623 : i32
      %multiple_of3A_1625 = tpu.assume_multiple %shift_left3A_1624, 128 : i32
      %dma_start3A_1626 = arith.constant 7 : i32
      %dma_start3A_1627 = arith.constant 7 : i32
      %dma_start3A_1628 = arith.constant 0 : i32
      %dma_start3A_1629 = arith.constant 0 : i32
      %dma_start3A_1630 = tpu.memref_slice %arg11[%dma_start3A_1626, %dma_start3A_1628, %dma_start3A_1629] : memref<8x64x128xf32, #tpu.memory_space<vmem>> -> memref<1x64x128xf32, #tpu.memory_space<vmem>>
      %dma_start3A_1631 = tpu.memref_squeeze %dma_start3A_1630 : memref<1x64x128xf32, #tpu.memory_space<vmem>> -> memref<64x128xf32, #tpu.memory_space<vmem>>
      %dma_start3A_1632 = arith.constant 0 : i32
      %dma_start3A_1633 = tpu.memref_slice %arg5[%dma_start3A_1632, %multiple_of3A_1625] : memref<64x1000000xf32, #tpu.memory_space<hbm>> -> memref<64x128xf32, #tpu.memory_space<hbm>>
      %dma_start3A_1634 = tpu.memref_slice %arg14[%dma_start3A_1627] : memref<8x!tpu.dma_semaphore, #tpu.memory_space<semaphore_mem>> -> memref<1x!tpu.dma_semaphore, #tpu.memory_space<semaphore_mem>>
      %dma_start3A_1635 = tpu.memref_squeeze %dma_start3A_1634 : memref<1x!tpu.dma_semaphore, #tpu.memory_space<semaphore_mem>> -> memref<!tpu.dma_semaphore, #tpu.memory_space<semaphore_mem>>
      %dma_start3A_1636 = arith.constant 0 : i32
      %dma_start3A_1637 = arith.constant 0 : i32
      %dma_start3A_1638 = tpu.memref_slice %arg11[%dma_start3A_1626, %dma_start3A_1636, %dma_start3A_1637] : memref<8x64x128xf32, #tpu.memory_space<vmem>> -> memref<1x64x128xf32, #tpu.memory_space<vmem>>
      %dma_start3A_1639 = tpu.memref_squeeze %dma_start3A_1638 : memref<1x64x128xf32, #tpu.memory_space<vmem>> -> memref<64x128xf32, #tpu.memory_space<vmem>>
      %dma_start3A_1640 = arith.constant 0 : i32
      %dma_start3A_1641 = tpu.memref_slice %arg5[%dma_start3A_1640, %multiple_of3A_1625] : memref<64x1000000xf32, #tpu.memory_space<hbm>> -> memref<64x128xf32, #tpu.memory_space<hbm>>
      tpu.enqueue_dma source(%dma_start3A_1641 : memref<64x128xf32, #tpu.memory_space<hbm>>) target(%dma_start3A_1639 : memref<64x128xf32, #tpu.memory_space<vmem>>) target_semaphore(%dma_start3A_1635 : memref<!tpu.dma_semaphore, #tpu.memory_space<semaphore_mem>>)
      %slice3A_1642 = vector.extract_strided_slice %get3A_425 {offsets = [11], sizes = [1], strides = [1]} : vector<16xi32> to vector<1xi32>
      %squeeze3A_1643 = vector.extract %slice3A_1642[0] : i32 from vector<1xi32>
      %shift_right_arithmetic3A_1644 = arith.constant 7 : i32
      %shift_right_arithmetic3A_1645 = arith.shrsi %squeeze3A_1643, %shift_right_arithmetic3A_1644 : i32
      %shift_left3A_1646 = arith.constant 7 : i32
      %shift_left3A_1647 = arith.shli %shift_right_arithmetic3A_1645, %shift_left3A_1646 : i32
      %multiple_of3A_1648 = tpu.assume_multiple %shift_left3A_1647, 128 : i32
      %dma_start3A_1649 = arith.constant 3 : i32
      %dma_start3A_1650 = arith.constant 3 : i32
      %dma_start3A_1651 = arith.constant 0 : i32
      %dma_start3A_1652 = arith.constant 0 : i32
      %dma_start3A_1653 = tpu.memref_slice %arg12[%dma_start3A_1649, %dma_start3A_1651, %dma_start3A_1652] : memref<4x64x128xf32, #tpu.memory_space<vmem>> -> memref<1x64x128xf32, #tpu.memory_space<vmem>>
      %dma_start3A_1654 = tpu.memref_squeeze %dma_start3A_1653 : memref<1x64x128xf32, #tpu.memory_space<vmem>> -> memref<64x128xf32, #tpu.memory_space<vmem>>
      %dma_start3A_1655 = arith.constant 0 : i32
      %dma_start3A_1656 = tpu.memref_slice %arg6[%dma_start3A_1655, %multiple_of3A_1648] : memref<64x1000000xf32, #tpu.memory_space<hbm>> -> memref<64x128xf32, #tpu.memory_space<hbm>>
      %dma_start3A_1657 = tpu.memref_slice %arg15[%dma_start3A_1650] : memref<4x!tpu.dma_semaphore, #tpu.memory_space<semaphore_mem>> -> memref<1x!tpu.dma_semaphore, #tpu.memory_space<semaphore_mem>>
      %dma_start3A_1658 = tpu.memref_squeeze %dma_start3A_1657 : memref<1x!tpu.dma_semaphore, #tpu.memory_space<semaphore_mem>> -> memref<!tpu.dma_semaphore, #tpu.memory_space<semaphore_mem>>
      %dma_start3A_1659 = arith.constant 0 : i32
      %dma_start3A_1660 = arith.constant 0 : i32
      %dma_start3A_1661 = tpu.memref_slice %arg12[%dma_start3A_1649, %dma_start3A_1659, %dma_start3A_1660] : memref<4x64x128xf32, #tpu.memory_space<vmem>> -> memref<1x64x128xf32, #tpu.memory_space<vmem>>
      %dma_start3A_1662 = tpu.memref_squeeze %dma_start3A_1661 : memref<1x64x128xf32, #tpu.memory_space<vmem>> -> memref<64x128xf32, #tpu.memory_space<vmem>>
      %dma_start3A_1663 = arith.constant 0 : i32
      %dma_start3A_1664 = tpu.memref_slice %arg6[%dma_start3A_1663, %multiple_of3A_1648] : memref<64x1000000xf32, #tpu.memory_space<hbm>> -> memref<64x128xf32, #tpu.memory_space<hbm>>
      tpu.enqueue_dma source(%dma_start3A_1664 : memref<64x128xf32, #tpu.memory_space<hbm>>) target(%dma_start3A_1662 : memref<64x128xf32, #tpu.memory_space<vmem>>) target_semaphore(%dma_start3A_1658 : memref<!tpu.dma_semaphore, #tpu.memory_space<semaphore_mem>>)
      %dma_wait3A_1665 = arith.constant 0 : i32
      %dma_wait3A_1666 = arith.constant 0 : i32
      %dma_wait3A_1667 = arith.constant 0 : i32
      %dma_wait3A_1668 = arith.constant 0 : i32
      %dma_wait3A_1669 = tpu.memref_slice %arg11[%dma_wait3A_1665, %dma_wait3A_1667, %dma_wait3A_1668] : memref<8x64x128xf32, #tpu.memory_space<vmem>> -> memref<1x64x128xf32, #tpu.memory_space<vmem>>
      %dma_wait3A_1670 = tpu.memref_squeeze %dma_wait3A_1669 : memref<1x64x128xf32, #tpu.memory_space<vmem>> -> memref<64x128xf32, #tpu.memory_space<vmem>>
      %dma_wait3A_1671 = arith.constant 0 : i32
      %dma_wait3A_1672 = arith.constant 0 : i32
      %dma_wait3A_1673 = tpu.memref_slice %arg5[%dma_wait3A_1671, %dma_wait3A_1672] : memref<64x1000000xf32, #tpu.memory_space<hbm>> -> memref<64x128xf32, #tpu.memory_space<hbm>>
      %dma_wait3A_1674 = tpu.memref_slice %arg14[%dma_wait3A_1666] : memref<8x!tpu.dma_semaphore, #tpu.memory_space<semaphore_mem>> -> memref<1x!tpu.dma_semaphore, #tpu.memory_space<semaphore_mem>>
      %dma_wait3A_1675 = tpu.memref_squeeze %dma_wait3A_1674 : memref<1x!tpu.dma_semaphore, #tpu.memory_space<semaphore_mem>> -> memref<!tpu.dma_semaphore, #tpu.memory_space<semaphore_mem>>
      %dma_wait3A_1676 = arith.constant 0 : i32
      %dma_wait3A_1677 = arith.constant 0 : i32
      %dma_wait3A_1678 = tpu.memref_slice %arg11[%dma_wait3A_1665, %dma_wait3A_1676, %dma_wait3A_1677] : memref<8x64x128xf32, #tpu.memory_space<vmem>> -> memref<1x64x128xf32, #tpu.memory_space<vmem>>
      %dma_wait3A_1679 = tpu.memref_squeeze %dma_wait3A_1678 : memref<1x64x128xf32, #tpu.memory_space<vmem>> -> memref<64x128xf32, #tpu.memory_space<vmem>>
      %dma_wait3A_1680 = arith.constant 0 : i32
      %dma_wait3A_1681 = arith.constant 0 : i32
      %dma_wait3A_1682 = tpu.memref_slice %arg5[%dma_wait3A_1680, %dma_wait3A_1681] : memref<64x1000000xf32, #tpu.memory_space<hbm>> -> memref<64x128xf32, #tpu.memory_space<hbm>>
      tpu.wait_dma2 semaphore(%dma_wait3A_1675 : memref<!tpu.dma_semaphore, #tpu.memory_space<semaphore_mem>>) src(%dma_wait3A_1682 : memref<64x128xf32, #tpu.memory_space<hbm>>) dst(%dma_wait3A_1679 : memref<64x128xf32, #tpu.memory_space<vmem>>)
      %dma_wait3A_1683 = arith.constant 0 : i32
      %dma_wait3A_1684 = arith.constant 0 : i32
      %dma_wait3A_1685 = arith.constant 0 : i32
      %dma_wait3A_1686 = arith.constant 0 : i32
      %dma_wait3A_1687 = tpu.memref_slice %arg12[%dma_wait3A_1683, %dma_wait3A_1685, %dma_wait3A_1686] : memref<4x64x128xf32, #tpu.memory_space<vmem>> -> memref<1x64x128xf32, #tpu.memory_space<vmem>>
      %dma_wait3A_1688 = tpu.memref_squeeze %dma_wait3A_1687 : memref<1x64x128xf32, #tpu.memory_space<vmem>> -> memref<64x128xf32, #tpu.memory_space<vmem>>
      %dma_wait3A_1689 = arith.constant 0 : i32
      %dma_wait3A_1690 = arith.constant 0 : i32
      %dma_wait3A_1691 = tpu.memref_slice %arg6[%dma_wait3A_1689, %dma_wait3A_1690] : memref<64x1000000xf32, #tpu.memory_space<hbm>> -> memref<64x128xf32, #tpu.memory_space<hbm>>
      %dma_wait3A_1692 = tpu.memref_slice %arg15[%dma_wait3A_1684] : memref<4x!tpu.dma_semaphore, #tpu.memory_space<semaphore_mem>> -> memref<1x!tpu.dma_semaphore, #tpu.memory_space<semaphore_mem>>
      %dma_wait3A_1693 = tpu.memref_squeeze %dma_wait3A_1692 : memref<1x!tpu.dma_semaphore, #tpu.memory_space<semaphore_mem>> -> memref<!tpu.dma_semaphore, #tpu.memory_space<semaphore_mem>>
      %dma_wait3A_1694 = arith.constant 0 : i32
      %dma_wait3A_1695 = arith.constant 0 : i32
      %dma_wait3A_1696 = tpu.memref_slice %arg12[%dma_wait3A_1683, %dma_wait3A_1694, %dma_wait3A_1695] : memref<4x64x128xf32, #tpu.memory_space<vmem>> -> memref<1x64x128xf32, #tpu.memory_space<vmem>>
      %dma_wait3A_1697 = tpu.memref_squeeze %dma_wait3A_1696 : memref<1x64x128xf32, #tpu.memory_space<vmem>> -> memref<64x128xf32, #tpu.memory_space<vmem>>
      %dma_wait3A_1698 = arith.constant 0 : i32
      %dma_wait3A_1699 = arith.constant 0 : i32
      %dma_wait3A_1700 = tpu.memref_slice %arg6[%dma_wait3A_1698, %dma_wait3A_1699] : memref<64x1000000xf32, #tpu.memory_space<hbm>> -> memref<64x128xf32, #tpu.memory_space<hbm>>
      tpu.wait_dma2 semaphore(%dma_wait3A_1693 : memref<!tpu.dma_semaphore, #tpu.memory_space<semaphore_mem>>) src(%dma_wait3A_1700 : memref<64x128xf32, #tpu.memory_space<hbm>>) dst(%dma_wait3A_1697 : memref<64x128xf32, #tpu.memory_space<vmem>>)
      %slice3A_1701 = vector.extract_strided_slice %get3A_423 {offsets = [8], sizes = [1], strides = [1]} : vector<16xi32> to vector<1xi32>
      %squeeze3A_1702 = vector.extract %slice3A_1701[0] : i32 from vector<1xi32>
      %and3A_1703 = arith.constant 127 : i32
      %and3A_1704 = arith.andi %squeeze3A_1702, %and3A_1703 : i32
      %broadcast_in_dim3A_1705 = vector.broadcast %and3A_1704 : i32 to vector<16xi32>
      %slice3A_1706 = vector.extract_strided_slice %get3A_425 {offsets = [8], sizes = [1], strides = [1]} : vector<16xi32> to vector<1xi32>
      %squeeze3A_1707 = vector.extract %slice3A_1706[0] : i32 from vector<1xi32>
      %and3A_1708 = arith.constant 127 : i32
      %and3A_1709 = arith.andi %squeeze3A_1707, %and3A_1708 : i32
      %broadcast_in_dim3A_1710 = vector.broadcast %and3A_1709 : i32 to vector<16xi32>
      %gather3A_1711 = arith.constant 0 : i32
      %gather3A_1712 = arith.constant 0 : i32
      %gather3A_1713 = arith.constant 0 : i32
      %gather3A_1714 = tpu.memref_slice %arg11[%gather3A_1711, %gather3A_1712, %gather3A_1713] : memref<8x64x128xf32, #tpu.memory_space<vmem>> -> memref<1x64x128xf32, #tpu.memory_space<vmem>>
      %gather3A_1715 = tpu.memref_squeeze %gather3A_1714 : memref<1x64x128xf32, #tpu.memory_space<vmem>> -> memref<64x128xf32, #tpu.memory_space<vmem>>
      %gather3A_1716 = tpu.vector_load_idx %gather3A_1715[%add3A_5, %broadcast_in_dim3A_1705] : memref<64x128xf32, #tpu.memory_space<vmem>>[vector<16xi32>, vector<16xi32>], vector<16xf32>,
      %gather3A_1717 = arith.constant 0 : i32
      %gather3A_1718 = arith.constant 0 : i32
      %gather3A_1719 = arith.constant 0 : i32
      %gather3A_1720 = tpu.memref_slice %arg12[%gather3A_1717, %gather3A_1718, %gather3A_1719] : memref<4x64x128xf32, #tpu.memory_space<vmem>> -> memref<1x64x128xf32, #tpu.memory_space<vmem>>
      %gather3A_1721 = tpu.memref_squeeze %gather3A_1720 : memref<1x64x128xf32, #tpu.memory_space<vmem>> -> memref<64x128xf32, #tpu.memory_space<vmem>>
      %gather3A_1722 = tpu.vector_load_idx %gather3A_1721[%add3A_5, %broadcast_in_dim3A_1710] : memref<64x128xf32, #tpu.memory_space<vmem>>[vector<16xi32>, vector<16xi32>], vector<16xf32>,
      %mul3A_1723 = arith.mulf %gather3A_1716, %gather3A_1722 : vector<16xf32>
      %gather3A_1724 = arith.constant 0 : i32
      %gather3A_1725 = arith.constant 0 : i32
      %gather3A_1726 = arith.constant 0 : i32
      %gather3A_1727 = tpu.memref_slice %arg11[%gather3A_1724, %gather3A_1725, %gather3A_1726] : memref<8x64x128xf32, #tpu.memory_space<vmem>> -> memref<1x64x128xf32, #tpu.memory_space<vmem>>
      %gather3A_1728 = tpu.memref_squeeze %gather3A_1727 : memref<1x64x128xf32, #tpu.memory_space<vmem>> -> memref<64x128xf32, #tpu.memory_space<vmem>>
      %gather3A_1729 = tpu.vector_load_idx %gather3A_1728[%add3A_8, %broadcast_in_dim3A_1705] : memref<64x128xf32, #tpu.memory_space<vmem>>[vector<16xi32>, vector<16xi32>], vector<16xf32>,
      %gather3A_1730 = arith.constant 0 : i32
      %gather3A_1731 = arith.constant 0 : i32
      %gather3A_1732 = arith.constant 0 : i32
      %gather3A_1733 = tpu.memref_slice %arg12[%gather3A_1730, %gather3A_1731, %gather3A_1732] : memref<4x64x128xf32, #tpu.memory_space<vmem>> -> memref<1x64x128xf32, #tpu.memory_space<vmem>>
      %gather3A_1734 = tpu.memref_squeeze %gather3A_1733 : memref<1x64x128xf32, #tpu.memory_space<vmem>> -> memref<64x128xf32, #tpu.memory_space<vmem>>
      %gather3A_1735 = tpu.vector_load_idx %gather3A_1734[%add3A_8, %broadcast_in_dim3A_1710] : memref<64x128xf32, #tpu.memory_space<vmem>>[vector<16xi32>, vector<16xi32>], vector<16xf32>,
      %mul3A_1736 = arith.mulf %gather3A_1729, %gather3A_1735 : vector<16xf32>
      %add3A_1737 = arith.addf %mul3A_1723, %mul3A_1736 : vector<16xf32>
      %gather3A_1738 = arith.constant 0 : i32
      %gather3A_1739 = arith.constant 0 : i32
      %gather3A_1740 = arith.constant 0 : i32
      %gather3A_1741 = tpu.memref_slice %arg11[%gather3A_1738, %gather3A_1739, %gather3A_1740] : memref<8x64x128xf32, #tpu.memory_space<vmem>> -> memref<1x64x128xf32, #tpu.memory_space<vmem>>
      %gather3A_1742 = tpu.memref_squeeze %gather3A_1741 : memref<1x64x128xf32, #tpu.memory_space<vmem>> -> memref<64x128xf32, #tpu.memory_space<vmem>>
      %gather3A_1743 = tpu.vector_load_idx %gather3A_1742[%add3A_11, %broadcast_in_dim3A_1705] : memref<64x128xf32, #tpu.memory_space<vmem>>[vector<16xi32>, vector<16xi32>], vector<16xf32>,
      %gather3A_1744 = arith.constant 0 : i32
      %gather3A_1745 = arith.constant 0 : i32
      %gather3A_1746 = arith.constant 0 : i32
      %gather3A_1747 = tpu.memref_slice %arg12[%gather3A_1744, %gather3A_1745, %gather3A_1746] : memref<4x64x128xf32, #tpu.memory_space<vmem>> -> memref<1x64x128xf32, #tpu.memory_space<vmem>>
      %gather3A_1748 = tpu.memref_squeeze %gather3A_1747 : memref<1x64x128xf32, #tpu.memory_space<vmem>> -> memref<64x128xf32, #tpu.memory_space<vmem>>
      %gather3A_1749 = tpu.vector_load_idx %gather3A_1748[%add3A_11, %broadcast_in_dim3A_1710] : memref<64x128xf32, #tpu.memory_space<vmem>>[vector<16xi32>, vector<16xi32>], vector<16xf32>,
      %mul3A_1750 = arith.mulf %gather3A_1743, %gather3A_1749 : vector<16xf32>
      %add3A_1751 = arith.addf %add3A_1737, %mul3A_1750 : vector<16xf32>
      %gather3A_1752 = arith.constant 0 : i32
      %gather3A_1753 = arith.constant 0 : i32
      %gather3A_1754 = arith.constant 0 : i32
      %gather3A_1755 = tpu.memref_slice %arg11[%gather3A_1752, %gather3A_1753, %gather3A_1754] : memref<8x64x128xf32, #tpu.memory_space<vmem>> -> memref<1x64x128xf32, #tpu.memory_space<vmem>>
      %gather3A_1756 = tpu.memref_squeeze %gather3A_1755 : memref<1x64x128xf32, #tpu.memory_space<vmem>> -> memref<64x128xf32, #tpu.memory_space<vmem>>
      %gather3A_1757 = tpu.vector_load_idx %gather3A_1756[%add3A_14, %broadcast_in_dim3A_1705] : memref<64x128xf32, #tpu.memory_space<vmem>>[vector<16xi32>, vector<16xi32>], vector<16xf32>,
      %gather3A_1758 = arith.constant 0 : i32
      %gather3A_1759 = arith.constant 0 : i32
      %gather3A_1760 = arith.constant 0 : i32
      %gather3A_1761 = tpu.memref_slice %arg12[%gather3A_1758, %gather3A_1759, %gather3A_1760] : memref<4x64x128xf32, #tpu.memory_space<vmem>> -> memref<1x64x128xf32, #tpu.memory_space<vmem>>
      %gather3A_1762 = tpu.memref_squeeze %gather3A_1761 : memref<1x64x128xf32, #tpu.memory_space<vmem>> -> memref<64x128xf32, #tpu.memory_space<vmem>>
      %gather3A_1763 = tpu.vector_load_idx %gather3A_1762[%add3A_14, %broadcast_in_dim3A_1710] : memref<64x128xf32, #tpu.memory_space<vmem>>[vector<16xi32>, vector<16xi32>], vector<16xf32>,
      %mul3A_1764 = arith.mulf %gather3A_1757, %gather3A_1763 : vector<16xf32>
      %add3A_1765 = arith.addf %add3A_1751, %mul3A_1764 : vector<16xf32>
      %reduce_sum3A_1766 = arith.constant true
      %reduce_sum3A_1767 = vector.broadcast %reduce_sum3A_1766 : i1 to vector<16xi1>
      %reduce_sum3A_1768 = tpu.scan <sum>, %add3A_1765 masked %reduce_sum3A_1767 : vector<16xf32>, vector<16xi1> -> vector<16xf32>
      %reduce_sum3A_1769 = vector.extract %reduce_sum3A_1768[15] : f32 from vector<16xf32>
      %mul3A_1770 = vector.broadcast %reduce_sum3A_1769 : f32 to vector<16xf32>
      %mul3A_1771 = arith.mulf %mul3A_1770, %select_n3A_82 : vector<16xf32>
      %add3A_1772 = arith.addf %add3A_1618, %mul3A_1771 : vector<16xf32>
      %lt3A = arith.constant 31 : i32
      %lt3A_1773 = arith.cmpi slt, %scan3A_418, %lt3A : i32
      %convert_element_type3A = arith.extui %lt3A_1773 : i1 to i32
      %cond3A = arith.constant 0 : i32
      %cond3A_1774 = arith.cmpi ne, %convert_element_type3A, %cond3A : i32
      scf.if %cond3A_1774 {
        %slice3A_2681 = vector.extract_strided_slice %get3A_432 {offsets = [0], sizes = [1], strides = [1]} : vector<16xi32> to vector<1xi32>
        %squeeze3A_2682 = vector.extract %slice3A_2681[0] : i32 from vector<1xi32>
        %shift_right_arithmetic3A_2683 = arith.constant 7 : i32
        %shift_right_arithmetic3A_2684 = arith.shrsi %squeeze3A_2682, %shift_right_arithmetic3A_2683 : i32
        %shift_left3A_2685 = arith.constant 7 : i32
        %shift_left3A_2686 = arith.shli %shift_right_arithmetic3A_2684, %shift_left3A_2685 : i32
        %multiple_of3A_2687 = tpu.assume_multiple %shift_left3A_2686, 128 : i32
        %dma_start3A_2688 = arith.constant 0 : i32
        %dma_start3A_2689 = arith.constant 0 : i32
        %dma_start3A_2690 = arith.constant 0 : i32
        %dma_start3A_2691 = arith.constant 0 : i32
        %dma_start3A_2692 = tpu.memref_slice %arg11[%dma_start3A_2688, %dma_start3A_2690, %dma_start3A_2691] : memref<8x64x128xf32, #tpu.memory_space<vmem>> -> memref<1x64x128xf32, #tpu.memory_space<vmem>>
        %dma_start3A_2693 = tpu.memref_squeeze %dma_start3A_2692 : memref<1x64x128xf32, #tpu.memory_space<vmem>> -> memref<64x128xf32, #tpu.memory_space<vmem>>
        %dma_start3A_2694 = arith.constant 0 : i32
        %dma_start3A_2695 = tpu.memref_slice %arg5[%dma_start3A_2694, %multiple_of3A_2687] : memref<64x1000000xf32, #tpu.memory_space<hbm>> -> memref<64x128xf32, #tpu.memory_space<hbm>>
        %dma_start3A_2696 = tpu.memref_slice %arg14[%dma_start3A_2689] : memref<8x!tpu.dma_semaphore, #tpu.memory_space<semaphore_mem>> -> memref<1x!tpu.dma_semaphore, #tpu.memory_space<semaphore_mem>>
        %dma_start3A_2697 = tpu.memref_squeeze %dma_start3A_2696 : memref<1x!tpu.dma_semaphore, #tpu.memory_space<semaphore_mem>> -> memref<!tpu.dma_semaphore, #tpu.memory_space<semaphore_mem>>
        %dma_start3A_2698 = arith.constant 0 : i32
        %dma_start3A_2699 = arith.constant 0 : i32
        %dma_start3A_2700 = tpu.memref_slice %arg11[%dma_start3A_2688, %dma_start3A_2698, %dma_start3A_2699] : memref<8x64x128xf32, #tpu.memory_space<vmem>> -> memref<1x64x128xf32, #tpu.memory_space<vmem>>
        %dma_start3A_2701 = tpu.memref_squeeze %dma_start3A_2700 : memref<1x64x128xf32, #tpu.memory_space<vmem>> -> memref<64x128xf32, #tpu.memory_space<vmem>>
        %dma_start3A_2702 = arith.constant 0 : i32
        %dma_start3A_2703 = tpu.memref_slice %arg5[%dma_start3A_2702, %multiple_of3A_2687] : memref<64x1000000xf32, #tpu.memory_space<hbm>> -> memref<64x128xf32, #tpu.memory_space<hbm>>
        tpu.enqueue_dma source(%dma_start3A_2703 : memref<64x128xf32, #tpu.memory_space<hbm>>) target(%dma_start3A_2701 : memref<64x128xf32, #tpu.memory_space<vmem>>) target_semaphore(%dma_start3A_2697 : memref<!tpu.dma_semaphore, #tpu.memory_space<semaphore_mem>>)
      } else {
      }
      %slice3A_1775 = vector.extract_strided_slice %get3A_425 {offsets = [12], sizes = [1], strides = [1]} : vector<16xi32> to vector<1xi32>
      %squeeze3A_1776 = vector.extract %slice3A_1775[0] : i32 from vector<1xi32>
      %shift_right_arithmetic3A_1777 = arith.constant 7 : i32
      %shift_right_arithmetic3A_1778 = arith.shrsi %squeeze3A_1776, %shift_right_arithmetic3A_1777 : i32
      %shift_left3A_1779 = arith.constant 7 : i32
      %shift_left3A_1780 = arith.shli %shift_right_arithmetic3A_1778, %shift_left3A_1779 : i32
      %multiple_of3A_1781 = tpu.assume_multiple %shift_left3A_1780, 128 : i32
      %dma_start3A_1782 = arith.constant 0 : i32
      %dma_start3A_1783 = arith.constant 0 : i32
      %dma_start3A_1784 = arith.constant 0 : i32
      %dma_start3A_1785 = arith.constant 0 : i32
      %dma_start3A_1786 = tpu.memref_slice %arg12[%dma_start3A_1782, %dma_start3A_1784, %dma_start3A_1785] : memref<4x64x128xf32, #tpu.memory_space<vmem>> -> memref<1x64x128xf32, #tpu.memory_space<vmem>>
      %dma_start3A_1787 = tpu.memref_squeeze %dma_start3A_1786 : memref<1x64x128xf32, #tpu.memory_space<vmem>> -> memref<64x128xf32, #tpu.memory_space<vmem>>
      %dma_start3A_1788 = arith.constant 0 : i32
      %dma_start3A_1789 = tpu.memref_slice %arg6[%dma_start3A_1788, %multiple_of3A_1781] : memref<64x1000000xf32, #tpu.memory_space<hbm>> -> memref<64x128xf32, #tpu.memory_space<hbm>>
      %dma_start3A_1790 = tpu.memref_slice %arg15[%dma_start3A_1783] : memref<4x!tpu.dma_semaphore, #tpu.memory_space<semaphore_mem>> -> memref<1x!tpu.dma_semaphore, #tpu.memory_space<semaphore_mem>>
      %dma_start3A_1791 = tpu.memref_squeeze %dma_start3A_1790 : memref<1x!tpu.dma_semaphore, #tpu.memory_space<semaphore_mem>> -> memref<!tpu.dma_semaphore, #tpu.memory_space<semaphore_mem>>
      %dma_start3A_1792 = arith.constant 0 : i32
      %dma_start3A_1793 = arith.constant 0 : i32
      %dma_start3A_1794 = tpu.memref_slice %arg12[%dma_start3A_1782, %dma_start3A_1792, %dma_start3A_1793] : memref<4x64x128xf32, #tpu.memory_space<vmem>> -> memref<1x64x128xf32, #tpu.memory_space<vmem>>
      %dma_start3A_1795 = tpu.memref_squeeze %dma_start3A_1794 : memref<1x64x128xf32, #tpu.memory_space<vmem>> -> memref<64x128xf32, #tpu.memory_space<vmem>>
      %dma_start3A_1796 = arith.constant 0 : i32
      %dma_start3A_1797 = tpu.memref_slice %arg6[%dma_start3A_1796, %multiple_of3A_1781] : memref<64x1000000xf32, #tpu.memory_space<hbm>> -> memref<64x128xf32, #tpu.memory_space<hbm>>
      tpu.enqueue_dma source(%dma_start3A_1797 : memref<64x128xf32, #tpu.memory_space<hbm>>) target(%dma_start3A_1795 : memref<64x128xf32, #tpu.memory_space<vmem>>) target_semaphore(%dma_start3A_1791 : memref<!tpu.dma_semaphore, #tpu.memory_space<semaphore_mem>>)
      %dma_wait3A_1798 = arith.constant 1 : i32
      %dma_wait3A_1799 = arith.constant 1 : i32
      %dma_wait3A_1800 = arith.constant 0 : i32
      %dma_wait3A_1801 = arith.constant 0 : i32
      %dma_wait3A_1802 = tpu.memref_slice %arg11[%dma_wait3A_1798, %dma_wait3A_1800, %dma_wait3A_1801] : memref<8x64x128xf32, #tpu.memory_space<vmem>> -> memref<1x64x128xf32, #tpu.memory_space<vmem>>
      %dma_wait3A_1803 = tpu.memref_squeeze %dma_wait3A_1802 : memref<1x64x128xf32, #tpu.memory_space<vmem>> -> memref<64x128xf32, #tpu.memory_space<vmem>>
      %dma_wait3A_1804 = arith.constant 0 : i32
      %dma_wait3A_1805 = arith.constant 0 : i32
      %dma_wait3A_1806 = tpu.memref_slice %arg5[%dma_wait3A_1804, %dma_wait3A_1805] : memref<64x1000000xf32, #tpu.memory_space<hbm>> -> memref<64x128xf32, #tpu.memory_space<hbm>>
      %dma_wait3A_1807 = tpu.memref_slice %arg14[%dma_wait3A_1799] : memref<8x!tpu.dma_semaphore, #tpu.memory_space<semaphore_mem>> -> memref<1x!tpu.dma_semaphore, #tpu.memory_space<semaphore_mem>>
      %dma_wait3A_1808 = tpu.memref_squeeze %dma_wait3A_1807 : memref<1x!tpu.dma_semaphore, #tpu.memory_space<semaphore_mem>> -> memref<!tpu.dma_semaphore, #tpu.memory_space<semaphore_mem>>
      %dma_wait3A_1809 = arith.constant 0 : i32
      %dma_wait3A_1810 = arith.constant 0 : i32
      %dma_wait3A_1811 = tpu.memref_slice %arg11[%dma_wait3A_1798, %dma_wait3A_1809, %dma_wait3A_1810] : memref<8x64x128xf32, #tpu.memory_space<vmem>> -> memref<1x64x128xf32, #tpu.memory_space<vmem>>
      %dma_wait3A_1812 = tpu.memref_squeeze %dma_wait3A_1811 : memref<1x64x128xf32, #tpu.memory_space<vmem>> -> memref<64x128xf32, #tpu.memory_space<vmem>>
      %dma_wait3A_1813 = arith.constant 0 : i32
      %dma_wait3A_1814 = arith.constant 0 : i32
      %dma_wait3A_1815 = tpu.memref_slice %arg5[%dma_wait3A_1813, %dma_wait3A_1814] : memref<64x1000000xf32, #tpu.memory_space<hbm>> -> memref<64x128xf32, #tpu.memory_space<hbm>>
      tpu.wait_dma2 semaphore(%dma_wait3A_1808 : memref<!tpu.dma_semaphore, #tpu.memory_space<semaphore_mem>>) src(%dma_wait3A_1815 : memref<64x128xf32, #tpu.memory_space<hbm>>) dst(%dma_wait3A_1812 : memref<64x128xf32, #tpu.memory_space<vmem>>)
      %dma_wait3A_1816 = arith.constant 1 : i32
      %dma_wait3A_1817 = arith.constant 1 : i32
      %dma_wait3A_1818 = arith.constant 0 : i32
      %dma_wait3A_1819 = arith.constant 0 : i32
      %dma_wait3A_1820 = tpu.memref_slice %arg12[%dma_wait3A_1816, %dma_wait3A_1818, %dma_wait3A_1819] : memref<4x64x128xf32, #tpu.memory_space<vmem>> -> memref<1x64x128xf32, #tpu.memory_space<vmem>>
      %dma_wait3A_1821 = tpu.memref_squeeze %dma_wait3A_1820 : memref<1x64x128xf32, #tpu.memory_space<vmem>> -> memref<64x128xf32, #tpu.memory_space<vmem>>
      %dma_wait3A_1822 = arith.constant 0 : i32
      %dma_wait3A_1823 = arith.constant 0 : i32
      %dma_wait3A_1824 = tpu.memref_slice %arg6[%dma_wait3A_1822, %dma_wait3A_1823] : memref<64x1000000xf32, #tpu.memory_space<hbm>> -> memref<64x128xf32, #tpu.memory_space<hbm>>
      %dma_wait3A_1825 = tpu.memref_slice %arg15[%dma_wait3A_1817] : memref<4x!tpu.dma_semaphore, #tpu.memory_space<semaphore_mem>> -> memref<1x!tpu.dma_semaphore, #tpu.memory_space<semaphore_mem>>
      %dma_wait3A_1826 = tpu.memref_squeeze %dma_wait3A_1825 : memref<1x!tpu.dma_semaphore, #tpu.memory_space<semaphore_mem>> -> memref<!tpu.dma_semaphore, #tpu.memory_space<semaphore_mem>>
      %dma_wait3A_1827 = arith.constant 0 : i32
      %dma_wait3A_1828 = arith.constant 0 : i32
      %dma_wait3A_1829 = tpu.memref_slice %arg12[%dma_wait3A_1816, %dma_wait3A_1827, %dma_wait3A_1828] : memref<4x64x128xf32, #tpu.memory_space<vmem>> -> memref<1x64x128xf32, #tpu.memory_space<vmem>>
      %dma_wait3A_1830 = tpu.memref_squeeze %dma_wait3A_1829 : memref<1x64x128xf32, #tpu.memory_space<vmem>> -> memref<64x128xf32, #tpu.memory_space<vmem>>
      %dma_wait3A_1831 = arith.constant 0 : i32
      %dma_wait3A_1832 = arith.constant 0 : i32
      %dma_wait3A_1833 = tpu.memref_slice %arg6[%dma_wait3A_1831, %dma_wait3A_1832] : memref<64x1000000xf32, #tpu.memory_space<hbm>> -> memref<64x128xf32, #tpu.memory_space<hbm>>
      tpu.wait_dma2 semaphore(%dma_wait3A_1826 : memref<!tpu.dma_semaphore, #tpu.memory_space<semaphore_mem>>) src(%dma_wait3A_1833 : memref<64x128xf32, #tpu.memory_space<hbm>>) dst(%dma_wait3A_1830 : memref<64x128xf32, #tpu.memory_space<vmem>>)
      %slice3A_1834 = vector.extract_strided_slice %get3A_423 {offsets = [9], sizes = [1], strides = [1]} : vector<16xi32> to vector<1xi32>
      %squeeze3A_1835 = vector.extract %slice3A_1834[0] : i32 from vector<1xi32>
      %and3A_1836 = arith.constant 127 : i32
      %and3A_1837 = arith.andi %squeeze3A_1835, %and3A_1836 : i32
      %broadcast_in_dim3A_1838 = vector.broadcast %and3A_1837 : i32 to vector<16xi32>
      %slice3A_1839 = vector.extract_strided_slice %get3A_425 {offsets = [9], sizes = [1], strides = [1]} : vector<16xi32> to vector<1xi32>
      %squeeze3A_1840 = vector.extract %slice3A_1839[0] : i32 from vector<1xi32>
      %and3A_1841 = arith.constant 127 : i32
      %and3A_1842 = arith.andi %squeeze3A_1840, %and3A_1841 : i32
      %broadcast_in_dim3A_1843 = vector.broadcast %and3A_1842 : i32 to vector<16xi32>
      %gather3A_1844 = arith.constant 1 : i32
      %gather3A_1845 = arith.constant 0 : i32
      %gather3A_1846 = arith.constant 0 : i32
      %gather3A_1847 = tpu.memref_slice %arg11[%gather3A_1844, %gather3A_1845, %gather3A_1846] : memref<8x64x128xf32, #tpu.memory_space<vmem>> -> memref<1x64x128xf32, #tpu.memory_space<vmem>>
      %gather3A_1848 = tpu.memref_squeeze %gather3A_1847 : memref<1x64x128xf32, #tpu.memory_space<vmem>> -> memref<64x128xf32, #tpu.memory_space<vmem>>
      %gather3A_1849 = tpu.vector_load_idx %gather3A_1848[%add3A_5, %broadcast_in_dim3A_1838] : memref<64x128xf32, #tpu.memory_space<vmem>>[vector<16xi32>, vector<16xi32>], vector<16xf32>,
      %gather3A_1850 = arith.constant 1 : i32
      %gather3A_1851 = arith.constant 0 : i32
      %gather3A_1852 = arith.constant 0 : i32
      %gather3A_1853 = tpu.memref_slice %arg12[%gather3A_1850, %gather3A_1851, %gather3A_1852] : memref<4x64x128xf32, #tpu.memory_space<vmem>> -> memref<1x64x128xf32, #tpu.memory_space<vmem>>
      %gather3A_1854 = tpu.memref_squeeze %gather3A_1853 : memref<1x64x128xf32, #tpu.memory_space<vmem>> -> memref<64x128xf32, #tpu.memory_space<vmem>>
      %gather3A_1855 = tpu.vector_load_idx %gather3A_1854[%add3A_5, %broadcast_in_dim3A_1843] : memref<64x128xf32, #tpu.memory_space<vmem>>[vector<16xi32>, vector<16xi32>], vector<16xf32>,
      %mul3A_1856 = arith.mulf %gather3A_1849, %gather3A_1855 : vector<16xf32>
      %gather3A_1857 = arith.constant 1 : i32
      %gather3A_1858 = arith.constant 0 : i32
      %gather3A_1859 = arith.constant 0 : i32
      %gather3A_1860 = tpu.memref_slice %arg11[%gather3A_1857, %gather3A_1858, %gather3A_1859] : memref<8x64x128xf32, #tpu.memory_space<vmem>> -> memref<1x64x128xf32, #tpu.memory_space<vmem>>
      %gather3A_1861 = tpu.memref_squeeze %gather3A_1860 : memref<1x64x128xf32, #tpu.memory_space<vmem>> -> memref<64x128xf32, #tpu.memory_space<vmem>>
      %gather3A_1862 = tpu.vector_load_idx %gather3A_1861[%add3A_8, %broadcast_in_dim3A_1838] : memref<64x128xf32, #tpu.memory_space<vmem>>[vector<16xi32>, vector<16xi32>], vector<16xf32>,
      %gather3A_1863 = arith.constant 1 : i32
      %gather3A_1864 = arith.constant 0 : i32
      %gather3A_1865 = arith.constant 0 : i32
      %gather3A_1866 = tpu.memref_slice %arg12[%gather3A_1863, %gather3A_1864, %gather3A_1865] : memref<4x64x128xf32, #tpu.memory_space<vmem>> -> memref<1x64x128xf32, #tpu.memory_space<vmem>>
      %gather3A_1867 = tpu.memref_squeeze %gather3A_1866 : memref<1x64x128xf32, #tpu.memory_space<vmem>> -> memref<64x128xf32, #tpu.memory_space<vmem>>
      %gather3A_1868 = tpu.vector_load_idx %gather3A_1867[%add3A_8, %broadcast_in_dim3A_1843] : memref<64x128xf32, #tpu.memory_space<vmem>>[vector<16xi32>, vector<16xi32>], vector<16xf32>,
      %mul3A_1869 = arith.mulf %gather3A_1862, %gather3A_1868 : vector<16xf32>
      %add3A_1870 = arith.addf %mul3A_1856, %mul3A_1869 : vector<16xf32>
      %gather3A_1871 = arith.constant 1 : i32
      %gather3A_1872 = arith.constant 0 : i32
      %gather3A_1873 = arith.constant 0 : i32
      %gather3A_1874 = tpu.memref_slice %arg11[%gather3A_1871, %gather3A_1872, %gather3A_1873] : memref<8x64x128xf32, #tpu.memory_space<vmem>> -> memref<1x64x128xf32, #tpu.memory_space<vmem>>
      %gather3A_1875 = tpu.memref_squeeze %gather3A_1874 : memref<1x64x128xf32, #tpu.memory_space<vmem>> -> memref<64x128xf32, #tpu.memory_space<vmem>>
      %gather3A_1876 = tpu.vector_load_idx %gather3A_1875[%add3A_11, %broadcast_in_dim3A_1838] : memref<64x128xf32, #tpu.memory_space<vmem>>[vector<16xi32>, vector<16xi32>], vector<16xf32>,
      %gather3A_1877 = arith.constant 1 : i32
      %gather3A_1878 = arith.constant 0 : i32
      %gather3A_1879 = arith.constant 0 : i32
      %gather3A_1880 = tpu.memref_slice %arg12[%gather3A_1877, %gather3A_1878, %gather3A_1879] : memref<4x64x128xf32, #tpu.memory_space<vmem>> -> memref<1x64x128xf32, #tpu.memory_space<vmem>>
      %gather3A_1881 = tpu.memref_squeeze %gather3A_1880 : memref<1x64x128xf32, #tpu.memory_space<vmem>> -> memref<64x128xf32, #tpu.memory_space<vmem>>
      %gather3A_1882 = tpu.vector_load_idx %gather3A_1881[%add3A_11, %broadcast_in_dim3A_1843] : memref<64x128xf32, #tpu.memory_space<vmem>>[vector<16xi32>, vector<16xi32>], vector<16xf32>,
      %mul3A_1883 = arith.mulf %gather3A_1876, %gather3A_1882 : vector<16xf32>
      %add3A_1884 = arith.addf %add3A_1870, %mul3A_1883 : vector<16xf32>
      %gather3A_1885 = arith.constant 1 : i32
      %gather3A_1886 = arith.constant 0 : i32
      %gather3A_1887 = arith.constant 0 : i32
      %gather3A_1888 = tpu.memref_slice %arg11[%gather3A_1885, %gather3A_1886, %gather3A_1887] : memref<8x64x128xf32, #tpu.memory_space<vmem>> -> memref<1x64x128xf32, #tpu.memory_space<vmem>>
      %gather3A_1889 = tpu.memref_squeeze %gather3A_1888 : memref<1x64x128xf32, #tpu.memory_space<vmem>> -> memref<64x128xf32, #tpu.memory_space<vmem>>
      %gather3A_1890 = tpu.vector_load_idx %gather3A_1889[%add3A_14, %broadcast_in_dim3A_1838] : memref<64x128xf32, #tpu.memory_space<vmem>>[vector<16xi32>, vector<16xi32>], vector<16xf32>,
      %gather3A_1891 = arith.constant 1 : i32
      %gather3A_1892 = arith.constant 0 : i32
      %gather3A_1893 = arith.constant 0 : i32
      %gather3A_1894 = tpu.memref_slice %arg12[%gather3A_1891, %gather3A_1892, %gather3A_1893] : memref<4x64x128xf32, #tpu.memory_space<vmem>> -> memref<1x64x128xf32, #tpu.memory_space<vmem>>
      %gather3A_1895 = tpu.memref_squeeze %gather3A_1894 : memref<1x64x128xf32, #tpu.memory_space<vmem>> -> memref<64x128xf32, #tpu.memory_space<vmem>>
      %gather3A_1896 = tpu.vector_load_idx %gather3A_1895[%add3A_14, %broadcast_in_dim3A_1843] : memref<64x128xf32, #tpu.memory_space<vmem>>[vector<16xi32>, vector<16xi32>], vector<16xf32>,
      %mul3A_1897 = arith.mulf %gather3A_1890, %gather3A_1896 : vector<16xf32>
      %add3A_1898 = arith.addf %add3A_1884, %mul3A_1897 : vector<16xf32>
      %reduce_sum3A_1899 = arith.constant true
      %reduce_sum3A_1900 = vector.broadcast %reduce_sum3A_1899 : i1 to vector<16xi1>
      %reduce_sum3A_1901 = tpu.scan <sum>, %add3A_1898 masked %reduce_sum3A_1900 : vector<16xf32>, vector<16xi1> -> vector<16xf32>
      %reduce_sum3A_1902 = vector.extract %reduce_sum3A_1901[15] : f32 from vector<16xf32>
      %mul3A_1903 = vector.broadcast %reduce_sum3A_1902 : f32 to vector<16xf32>
      %mul3A_1904 = arith.mulf %mul3A_1903, %select_n3A_90 : vector<16xf32>
      %add3A_1905 = arith.addf %add3A_1772, %mul3A_1904 : vector<16xf32>
      %lt3A_1906 = arith.constant 31 : i32
      %lt3A_1907 = arith.cmpi slt, %scan3A_418, %lt3A_1906 : i32
      %convert_element_type3A_1908 = arith.extui %lt3A_1907 : i1 to i32
      %cond3A_1909 = arith.constant 0 : i32
      %cond3A_1910 = arith.cmpi ne, %convert_element_type3A_1908, %cond3A_1909 : i32
      scf.if %cond3A_1910 {
        %slice3A_2681 = vector.extract_strided_slice %get3A_432 {offsets = [1], sizes = [1], strides = [1]} : vector<16xi32> to vector<1xi32>
        %squeeze3A_2682 = vector.extract %slice3A_2681[0] : i32 from vector<1xi32>
        %shift_right_arithmetic3A_2683 = arith.constant 7 : i32
        %shift_right_arithmetic3A_2684 = arith.shrsi %squeeze3A_2682, %shift_right_arithmetic3A_2683 : i32
        %shift_left3A_2685 = arith.constant 7 : i32
        %shift_left3A_2686 = arith.shli %shift_right_arithmetic3A_2684, %shift_left3A_2685 : i32
        %multiple_of3A_2687 = tpu.assume_multiple %shift_left3A_2686, 128 : i32
        %dma_start3A_2688 = arith.constant 1 : i32
        %dma_start3A_2689 = arith.constant 1 : i32
        %dma_start3A_2690 = arith.constant 0 : i32
        %dma_start3A_2691 = arith.constant 0 : i32
        %dma_start3A_2692 = tpu.memref_slice %arg11[%dma_start3A_2688, %dma_start3A_2690, %dma_start3A_2691] : memref<8x64x128xf32, #tpu.memory_space<vmem>> -> memref<1x64x128xf32, #tpu.memory_space<vmem>>
        %dma_start3A_2693 = tpu.memref_squeeze %dma_start3A_2692 : memref<1x64x128xf32, #tpu.memory_space<vmem>> -> memref<64x128xf32, #tpu.memory_space<vmem>>
        %dma_start3A_2694 = arith.constant 0 : i32
        %dma_start3A_2695 = tpu.memref_slice %arg5[%dma_start3A_2694, %multiple_of3A_2687] : memref<64x1000000xf32, #tpu.memory_space<hbm>> -> memref<64x128xf32, #tpu.memory_space<hbm>>
        %dma_start3A_2696 = tpu.memref_slice %arg14[%dma_start3A_2689] : memref<8x!tpu.dma_semaphore, #tpu.memory_space<semaphore_mem>> -> memref<1x!tpu.dma_semaphore, #tpu.memory_space<semaphore_mem>>
        %dma_start3A_2697 = tpu.memref_squeeze %dma_start3A_2696 : memref<1x!tpu.dma_semaphore, #tpu.memory_space<semaphore_mem>> -> memref<!tpu.dma_semaphore, #tpu.memory_space<semaphore_mem>>
        %dma_start3A_2698 = arith.constant 0 : i32
        %dma_start3A_2699 = arith.constant 0 : i32
        %dma_start3A_2700 = tpu.memref_slice %arg11[%dma_start3A_2688, %dma_start3A_2698, %dma_start3A_2699] : memref<8x64x128xf32, #tpu.memory_space<vmem>> -> memref<1x64x128xf32, #tpu.memory_space<vmem>>
        %dma_start3A_2701 = tpu.memref_squeeze %dma_start3A_2700 : memref<1x64x128xf32, #tpu.memory_space<vmem>> -> memref<64x128xf32, #tpu.memory_space<vmem>>
        %dma_start3A_2702 = arith.constant 0 : i32
        %dma_start3A_2703 = tpu.memref_slice %arg5[%dma_start3A_2702, %multiple_of3A_2687] : memref<64x1000000xf32, #tpu.memory_space<hbm>> -> memref<64x128xf32, #tpu.memory_space<hbm>>
        tpu.enqueue_dma source(%dma_start3A_2703 : memref<64x128xf32, #tpu.memory_space<hbm>>) target(%dma_start3A_2701 : memref<64x128xf32, #tpu.memory_space<vmem>>) target_semaphore(%dma_start3A_2697 : memref<!tpu.dma_semaphore, #tpu.memory_space<semaphore_mem>>)
      } else {
      }
      %slice3A_1911 = vector.extract_strided_slice %get3A_425 {offsets = [13], sizes = [1], strides = [1]} : vector<16xi32> to vector<1xi32>
      %squeeze3A_1912 = vector.extract %slice3A_1911[0] : i32 from vector<1xi32>
      %shift_right_arithmetic3A_1913 = arith.constant 7 : i32
      %shift_right_arithmetic3A_1914 = arith.shrsi %squeeze3A_1912, %shift_right_arithmetic3A_1913 : i32
      %shift_left3A_1915 = arith.constant 7 : i32
      %shift_left3A_1916 = arith.shli %shift_right_arithmetic3A_1914, %shift_left3A_1915 : i32
      %multiple_of3A_1917 = tpu.assume_multiple %shift_left3A_1916, 128 : i32
      %dma_start3A_1918 = arith.constant 1 : i32
      %dma_start3A_1919 = arith.constant 1 : i32
      %dma_start3A_1920 = arith.constant 0 : i32
      %dma_start3A_1921 = arith.constant 0 : i32
      %dma_start3A_1922 = tpu.memref_slice %arg12[%dma_start3A_1918, %dma_start3A_1920, %dma_start3A_1921] : memref<4x64x128xf32, #tpu.memory_space<vmem>> -> memref<1x64x128xf32, #tpu.memory_space<vmem>>
      %dma_start3A_1923 = tpu.memref_squeeze %dma_start3A_1922 : memref<1x64x128xf32, #tpu.memory_space<vmem>> -> memref<64x128xf32, #tpu.memory_space<vmem>>
      %dma_start3A_1924 = arith.constant 0 : i32
      %dma_start3A_1925 = tpu.memref_slice %arg6[%dma_start3A_1924, %multiple_of3A_1917] : memref<64x1000000xf32, #tpu.memory_space<hbm>> -> memref<64x128xf32, #tpu.memory_space<hbm>>
      %dma_start3A_1926 = tpu.memref_slice %arg15[%dma_start3A_1919] : memref<4x!tpu.dma_semaphore, #tpu.memory_space<semaphore_mem>> -> memref<1x!tpu.dma_semaphore, #tpu.memory_space<semaphore_mem>>
      %dma_start3A_1927 = tpu.memref_squeeze %dma_start3A_1926 : memref<1x!tpu.dma_semaphore, #tpu.memory_space<semaphore_mem>> -> memref<!tpu.dma_semaphore, #tpu.memory_space<semaphore_mem>>
      %dma_start3A_1928 = arith.constant 0 : i32
      %dma_start3A_1929 = arith.constant 0 : i32
      %dma_start3A_1930 = tpu.memref_slice %arg12[%dma_start3A_1918, %dma_start3A_1928, %dma_start3A_1929] : memref<4x64x128xf32, #tpu.memory_space<vmem>> -> memref<1x64x128xf32, #tpu.memory_space<vmem>>
      %dma_start3A_1931 = tpu.memref_squeeze %dma_start3A_1930 : memref<1x64x128xf32, #tpu.memory_space<vmem>> -> memref<64x128xf32, #tpu.memory_space<vmem>>
      %dma_start3A_1932 = arith.constant 0 : i32
      %dma_start3A_1933 = tpu.memref_slice %arg6[%dma_start3A_1932, %multiple_of3A_1917] : memref<64x1000000xf32, #tpu.memory_space<hbm>> -> memref<64x128xf32, #tpu.memory_space<hbm>>
      tpu.enqueue_dma source(%dma_start3A_1933 : memref<64x128xf32, #tpu.memory_space<hbm>>) target(%dma_start3A_1931 : memref<64x128xf32, #tpu.memory_space<vmem>>) target_semaphore(%dma_start3A_1927 : memref<!tpu.dma_semaphore, #tpu.memory_space<semaphore_mem>>)
      %dma_wait3A_1934 = arith.constant 2 : i32
      %dma_wait3A_1935 = arith.constant 2 : i32
      %dma_wait3A_1936 = arith.constant 0 : i32
      %dma_wait3A_1937 = arith.constant 0 : i32
      %dma_wait3A_1938 = tpu.memref_slice %arg11[%dma_wait3A_1934, %dma_wait3A_1936, %dma_wait3A_1937] : memref<8x64x128xf32, #tpu.memory_space<vmem>> -> memref<1x64x128xf32, #tpu.memory_space<vmem>>
      %dma_wait3A_1939 = tpu.memref_squeeze %dma_wait3A_1938 : memref<1x64x128xf32, #tpu.memory_space<vmem>> -> memref<64x128xf32, #tpu.memory_space<vmem>>
      %dma_wait3A_1940 = arith.constant 0 : i32
      %dma_wait3A_1941 = arith.constant 0 : i32
      %dma_wait3A_1942 = tpu.memref_slice %arg5[%dma_wait3A_1940, %dma_wait3A_1941] : memref<64x1000000xf32, #tpu.memory_space<hbm>> -> memref<64x128xf32, #tpu.memory_space<hbm>>
      %dma_wait3A_1943 = tpu.memref_slice %arg14[%dma_wait3A_1935] : memref<8x!tpu.dma_semaphore, #tpu.memory_space<semaphore_mem>> -> memref<1x!tpu.dma_semaphore, #tpu.memory_space<semaphore_mem>>
      %dma_wait3A_1944 = tpu.memref_squeeze %dma_wait3A_1943 : memref<1x!tpu.dma_semaphore, #tpu.memory_space<semaphore_mem>> -> memref<!tpu.dma_semaphore, #tpu.memory_space<semaphore_mem>>
      %dma_wait3A_1945 = arith.constant 0 : i32
      %dma_wait3A_1946 = arith.constant 0 : i32
      %dma_wait3A_1947 = tpu.memref_slice %arg11[%dma_wait3A_1934, %dma_wait3A_1945, %dma_wait3A_1946] : memref<8x64x128xf32, #tpu.memory_space<vmem>> -> memref<1x64x128xf32, #tpu.memory_space<vmem>>
      %dma_wait3A_1948 = tpu.memref_squeeze %dma_wait3A_1947 : memref<1x64x128xf32, #tpu.memory_space<vmem>> -> memref<64x128xf32, #tpu.memory_space<vmem>>
      %dma_wait3A_1949 = arith.constant 0 : i32
      %dma_wait3A_1950 = arith.constant 0 : i32
      %dma_wait3A_1951 = tpu.memref_slice %arg5[%dma_wait3A_1949, %dma_wait3A_1950] : memref<64x1000000xf32, #tpu.memory_space<hbm>> -> memref<64x128xf32, #tpu.memory_space<hbm>>
      tpu.wait_dma2 semaphore(%dma_wait3A_1944 : memref<!tpu.dma_semaphore, #tpu.memory_space<semaphore_mem>>) src(%dma_wait3A_1951 : memref<64x128xf32, #tpu.memory_space<hbm>>) dst(%dma_wait3A_1948 : memref<64x128xf32, #tpu.memory_space<vmem>>)
      %dma_wait3A_1952 = arith.constant 2 : i32
      %dma_wait3A_1953 = arith.constant 2 : i32
      %dma_wait3A_1954 = arith.constant 0 : i32
      %dma_wait3A_1955 = arith.constant 0 : i32
      %dma_wait3A_1956 = tpu.memref_slice %arg12[%dma_wait3A_1952, %dma_wait3A_1954, %dma_wait3A_1955] : memref<4x64x128xf32, #tpu.memory_space<vmem>> -> memref<1x64x128xf32, #tpu.memory_space<vmem>>
      %dma_wait3A_1957 = tpu.memref_squeeze %dma_wait3A_1956 : memref<1x64x128xf32, #tpu.memory_space<vmem>> -> memref<64x128xf32, #tpu.memory_space<vmem>>
      %dma_wait3A_1958 = arith.constant 0 : i32
      %dma_wait3A_1959 = arith.constant 0 : i32
      %dma_wait3A_1960 = tpu.memref_slice %arg6[%dma_wait3A_1958, %dma_wait3A_1959] : memref<64x1000000xf32, #tpu.memory_space<hbm>> -> memref<64x128xf32, #tpu.memory_space<hbm>>
      %dma_wait3A_1961 = tpu.memref_slice %arg15[%dma_wait3A_1953] : memref<4x!tpu.dma_semaphore, #tpu.memory_space<semaphore_mem>> -> memref<1x!tpu.dma_semaphore, #tpu.memory_space<semaphore_mem>>
      %dma_wait3A_1962 = tpu.memref_squeeze %dma_wait3A_1961 : memref<1x!tpu.dma_semaphore, #tpu.memory_space<semaphore_mem>> -> memref<!tpu.dma_semaphore, #tpu.memory_space<semaphore_mem>>
      %dma_wait3A_1963 = arith.constant 0 : i32
      %dma_wait3A_1964 = arith.constant 0 : i32
      %dma_wait3A_1965 = tpu.memref_slice %arg12[%dma_wait3A_1952, %dma_wait3A_1963, %dma_wait3A_1964] : memref<4x64x128xf32, #tpu.memory_space<vmem>> -> memref<1x64x128xf32, #tpu.memory_space<vmem>>
      %dma_wait3A_1966 = tpu.memref_squeeze %dma_wait3A_1965 : memref<1x64x128xf32, #tpu.memory_space<vmem>> -> memref<64x128xf32, #tpu.memory_space<vmem>>
      %dma_wait3A_1967 = arith.constant 0 : i32
      %dma_wait3A_1968 = arith.constant 0 : i32
      %dma_wait3A_1969 = tpu.memref_slice %arg6[%dma_wait3A_1967, %dma_wait3A_1968] : memref<64x1000000xf32, #tpu.memory_space<hbm>> -> memref<64x128xf32, #tpu.memory_space<hbm>>
      tpu.wait_dma2 semaphore(%dma_wait3A_1962 : memref<!tpu.dma_semaphore, #tpu.memory_space<semaphore_mem>>) src(%dma_wait3A_1969 : memref<64x128xf32, #tpu.memory_space<hbm>>) dst(%dma_wait3A_1966 : memref<64x128xf32, #tpu.memory_space<vmem>>)
      %slice3A_1970 = vector.extract_strided_slice %get3A_423 {offsets = [10], sizes = [1], strides = [1]} : vector<16xi32> to vector<1xi32>
      %squeeze3A_1971 = vector.extract %slice3A_1970[0] : i32 from vector<1xi32>
      %and3A_1972 = arith.constant 127 : i32
      %and3A_1973 = arith.andi %squeeze3A_1971, %and3A_1972 : i32
      %broadcast_in_dim3A_1974 = vector.broadcast %and3A_1973 : i32 to vector<16xi32>
      %slice3A_1975 = vector.extract_strided_slice %get3A_425 {offsets = [10], sizes = [1], strides = [1]} : vector<16xi32> to vector<1xi32>
      %squeeze3A_1976 = vector.extract %slice3A_1975[0] : i32 from vector<1xi32>
      %and3A_1977 = arith.constant 127 : i32
      %and3A_1978 = arith.andi %squeeze3A_1976, %and3A_1977 : i32
      %broadcast_in_dim3A_1979 = vector.broadcast %and3A_1978 : i32 to vector<16xi32>
      %gather3A_1980 = arith.constant 2 : i32
      %gather3A_1981 = arith.constant 0 : i32
      %gather3A_1982 = arith.constant 0 : i32
      %gather3A_1983 = tpu.memref_slice %arg11[%gather3A_1980, %gather3A_1981, %gather3A_1982] : memref<8x64x128xf32, #tpu.memory_space<vmem>> -> memref<1x64x128xf32, #tpu.memory_space<vmem>>
      %gather3A_1984 = tpu.memref_squeeze %gather3A_1983 : memref<1x64x128xf32, #tpu.memory_space<vmem>> -> memref<64x128xf32, #tpu.memory_space<vmem>>
      %gather3A_1985 = tpu.vector_load_idx %gather3A_1984[%add3A_5, %broadcast_in_dim3A_1974] : memref<64x128xf32, #tpu.memory_space<vmem>>[vector<16xi32>, vector<16xi32>], vector<16xf32>,
      %gather3A_1986 = arith.constant 2 : i32
      %gather3A_1987 = arith.constant 0 : i32
      %gather3A_1988 = arith.constant 0 : i32
      %gather3A_1989 = tpu.memref_slice %arg12[%gather3A_1986, %gather3A_1987, %gather3A_1988] : memref<4x64x128xf32, #tpu.memory_space<vmem>> -> memref<1x64x128xf32, #tpu.memory_space<vmem>>
      %gather3A_1990 = tpu.memref_squeeze %gather3A_1989 : memref<1x64x128xf32, #tpu.memory_space<vmem>> -> memref<64x128xf32, #tpu.memory_space<vmem>>
      %gather3A_1991 = tpu.vector_load_idx %gather3A_1990[%add3A_5, %broadcast_in_dim3A_1979] : memref<64x128xf32, #tpu.memory_space<vmem>>[vector<16xi32>, vector<16xi32>], vector<16xf32>,
      %mul3A_1992 = arith.mulf %gather3A_1985, %gather3A_1991 : vector<16xf32>
      %gather3A_1993 = arith.constant 2 : i32
      %gather3A_1994 = arith.constant 0 : i32
      %gather3A_1995 = arith.constant 0 : i32
      %gather3A_1996 = tpu.memref_slice %arg11[%gather3A_1993, %gather3A_1994, %gather3A_1995] : memref<8x64x128xf32, #tpu.memory_space<vmem>> -> memref<1x64x128xf32, #tpu.memory_space<vmem>>
      %gather3A_1997 = tpu.memref_squeeze %gather3A_1996 : memref<1x64x128xf32, #tpu.memory_space<vmem>> -> memref<64x128xf32, #tpu.memory_space<vmem>>
      %gather3A_1998 = tpu.vector_load_idx %gather3A_1997[%add3A_8, %broadcast_in_dim3A_1974] : memref<64x128xf32, #tpu.memory_space<vmem>>[vector<16xi32>, vector<16xi32>], vector<16xf32>,
      %gather3A_1999 = arith.constant 2 : i32
      %gather3A_2000 = arith.constant 0 : i32
      %gather3A_2001 = arith.constant 0 : i32
      %gather3A_2002 = tpu.memref_slice %arg12[%gather3A_1999, %gather3A_2000, %gather3A_2001] : memref<4x64x128xf32, #tpu.memory_space<vmem>> -> memref<1x64x128xf32, #tpu.memory_space<vmem>>
      %gather3A_2003 = tpu.memref_squeeze %gather3A_2002 : memref<1x64x128xf32, #tpu.memory_space<vmem>> -> memref<64x128xf32, #tpu.memory_space<vmem>>
      %gather3A_2004 = tpu.vector_load_idx %gather3A_2003[%add3A_8, %broadcast_in_dim3A_1979] : memref<64x128xf32, #tpu.memory_space<vmem>>[vector<16xi32>, vector<16xi32>], vector<16xf32>,
      %mul3A_2005 = arith.mulf %gather3A_1998, %gather3A_2004 : vector<16xf32>
      %add3A_2006 = arith.addf %mul3A_1992, %mul3A_2005 : vector<16xf32>
      %gather3A_2007 = arith.constant 2 : i32
      %gather3A_2008 = arith.constant 0 : i32
      %gather3A_2009 = arith.constant 0 : i32
      %gather3A_2010 = tpu.memref_slice %arg11[%gather3A_2007, %gather3A_2008, %gather3A_2009] : memref<8x64x128xf32, #tpu.memory_space<vmem>> -> memref<1x64x128xf32, #tpu.memory_space<vmem>>
      %gather3A_2011 = tpu.memref_squeeze %gather3A_2010 : memref<1x64x128xf32, #tpu.memory_space<vmem>> -> memref<64x128xf32, #tpu.memory_space<vmem>>
      %gather3A_2012 = tpu.vector_load_idx %gather3A_2011[%add3A_11, %broadcast_in_dim3A_1974] : memref<64x128xf32, #tpu.memory_space<vmem>>[vector<16xi32>, vector<16xi32>], vector<16xf32>,
      %gather3A_2013 = arith.constant 2 : i32
      %gather3A_2014 = arith.constant 0 : i32
      %gather3A_2015 = arith.constant 0 : i32
      %gather3A_2016 = tpu.memref_slice %arg12[%gather3A_2013, %gather3A_2014, %gather3A_2015] : memref<4x64x128xf32, #tpu.memory_space<vmem>> -> memref<1x64x128xf32, #tpu.memory_space<vmem>>
      %gather3A_2017 = tpu.memref_squeeze %gather3A_2016 : memref<1x64x128xf32, #tpu.memory_space<vmem>> -> memref<64x128xf32, #tpu.memory_space<vmem>>
      %gather3A_2018 = tpu.vector_load_idx %gather3A_2017[%add3A_11, %broadcast_in_dim3A_1979] : memref<64x128xf32, #tpu.memory_space<vmem>>[vector<16xi32>, vector<16xi32>], vector<16xf32>,
      %mul3A_2019 = arith.mulf %gather3A_2012, %gather3A_2018 : vector<16xf32>
      %add3A_2020 = arith.addf %add3A_2006, %mul3A_2019 : vector<16xf32>
      %gather3A_2021 = arith.constant 2 : i32
      %gather3A_2022 = arith.constant 0 : i32
      %gather3A_2023 = arith.constant 0 : i32
      %gather3A_2024 = tpu.memref_slice %arg11[%gather3A_2021, %gather3A_2022, %gather3A_2023] : memref<8x64x128xf32, #tpu.memory_space<vmem>> -> memref<1x64x128xf32, #tpu.memory_space<vmem>>
      %gather3A_2025 = tpu.memref_squeeze %gather3A_2024 : memref<1x64x128xf32, #tpu.memory_space<vmem>> -> memref<64x128xf32, #tpu.memory_space<vmem>>
      %gather3A_2026 = tpu.vector_load_idx %gather3A_2025[%add3A_14, %broadcast_in_dim3A_1974] : memref<64x128xf32, #tpu.memory_space<vmem>>[vector<16xi32>, vector<16xi32>], vector<16xf32>,
      %gather3A_2027 = arith.constant 2 : i32
      %gather3A_2028 = arith.constant 0 : i32
      %gather3A_2029 = arith.constant 0 : i32
      %gather3A_2030 = tpu.memref_slice %arg12[%gather3A_2027, %gather3A_2028, %gather3A_2029] : memref<4x64x128xf32, #tpu.memory_space<vmem>> -> memref<1x64x128xf32, #tpu.memory_space<vmem>>
      %gather3A_2031 = tpu.memref_squeeze %gather3A_2030 : memref<1x64x128xf32, #tpu.memory_space<vmem>> -> memref<64x128xf32, #tpu.memory_space<vmem>>
      %gather3A_2032 = tpu.vector_load_idx %gather3A_2031[%add3A_14, %broadcast_in_dim3A_1979] : memref<64x128xf32, #tpu.memory_space<vmem>>[vector<16xi32>, vector<16xi32>], vector<16xf32>,
      %mul3A_2033 = arith.mulf %gather3A_2026, %gather3A_2032 : vector<16xf32>
      %add3A_2034 = arith.addf %add3A_2020, %mul3A_2033 : vector<16xf32>
      %reduce_sum3A_2035 = arith.constant true
      %reduce_sum3A_2036 = vector.broadcast %reduce_sum3A_2035 : i1 to vector<16xi1>
      %reduce_sum3A_2037 = tpu.scan <sum>, %add3A_2034 masked %reduce_sum3A_2036 : vector<16xf32>, vector<16xi1> -> vector<16xf32>
      %reduce_sum3A_2038 = vector.extract %reduce_sum3A_2037[15] : f32 from vector<16xf32>
      %mul3A_2039 = vector.broadcast %reduce_sum3A_2038 : f32 to vector<16xf32>
      %mul3A_2040 = arith.mulf %mul3A_2039, %select_n3A_98 : vector<16xf32>
      %add3A_2041 = arith.addf %add3A_1905, %mul3A_2040 : vector<16xf32>
      %lt3A_2042 = arith.constant 31 : i32
      %lt3A_2043 = arith.cmpi slt, %scan3A_418, %lt3A_2042 : i32
      %convert_element_type3A_2044 = arith.extui %lt3A_2043 : i1 to i32
      %cond3A_2045 = arith.constant 0 : i32
      %cond3A_2046 = arith.cmpi ne, %convert_element_type3A_2044, %cond3A_2045 : i32
      scf.if %cond3A_2046 {
        %slice3A_2681 = vector.extract_strided_slice %get3A_432 {offsets = [2], sizes = [1], strides = [1]} : vector<16xi32> to vector<1xi32>
        %squeeze3A_2682 = vector.extract %slice3A_2681[0] : i32 from vector<1xi32>
        %shift_right_arithmetic3A_2683 = arith.constant 7 : i32
        %shift_right_arithmetic3A_2684 = arith.shrsi %squeeze3A_2682, %shift_right_arithmetic3A_2683 : i32
        %shift_left3A_2685 = arith.constant 7 : i32
        %shift_left3A_2686 = arith.shli %shift_right_arithmetic3A_2684, %shift_left3A_2685 : i32
        %multiple_of3A_2687 = tpu.assume_multiple %shift_left3A_2686, 128 : i32
        %dma_start3A_2688 = arith.constant 2 : i32
        %dma_start3A_2689 = arith.constant 2 : i32
        %dma_start3A_2690 = arith.constant 0 : i32
        %dma_start3A_2691 = arith.constant 0 : i32
        %dma_start3A_2692 = tpu.memref_slice %arg11[%dma_start3A_2688, %dma_start3A_2690, %dma_start3A_2691] : memref<8x64x128xf32, #tpu.memory_space<vmem>> -> memref<1x64x128xf32, #tpu.memory_space<vmem>>
        %dma_start3A_2693 = tpu.memref_squeeze %dma_start3A_2692 : memref<1x64x128xf32, #tpu.memory_space<vmem>> -> memref<64x128xf32, #tpu.memory_space<vmem>>
        %dma_start3A_2694 = arith.constant 0 : i32
        %dma_start3A_2695 = tpu.memref_slice %arg5[%dma_start3A_2694, %multiple_of3A_2687] : memref<64x1000000xf32, #tpu.memory_space<hbm>> -> memref<64x128xf32, #tpu.memory_space<hbm>>
        %dma_start3A_2696 = tpu.memref_slice %arg14[%dma_start3A_2689] : memref<8x!tpu.dma_semaphore, #tpu.memory_space<semaphore_mem>> -> memref<1x!tpu.dma_semaphore, #tpu.memory_space<semaphore_mem>>
        %dma_start3A_2697 = tpu.memref_squeeze %dma_start3A_2696 : memref<1x!tpu.dma_semaphore, #tpu.memory_space<semaphore_mem>> -> memref<!tpu.dma_semaphore, #tpu.memory_space<semaphore_mem>>
        %dma_start3A_2698 = arith.constant 0 : i32
        %dma_start3A_2699 = arith.constant 0 : i32
        %dma_start3A_2700 = tpu.memref_slice %arg11[%dma_start3A_2688, %dma_start3A_2698, %dma_start3A_2699] : memref<8x64x128xf32, #tpu.memory_space<vmem>> -> memref<1x64x128xf32, #tpu.memory_space<vmem>>
        %dma_start3A_2701 = tpu.memref_squeeze %dma_start3A_2700 : memref<1x64x128xf32, #tpu.memory_space<vmem>> -> memref<64x128xf32, #tpu.memory_space<vmem>>
        %dma_start3A_2702 = arith.constant 0 : i32
        %dma_start3A_2703 = tpu.memref_slice %arg5[%dma_start3A_2702, %multiple_of3A_2687] : memref<64x1000000xf32, #tpu.memory_space<hbm>> -> memref<64x128xf32, #tpu.memory_space<hbm>>
        tpu.enqueue_dma source(%dma_start3A_2703 : memref<64x128xf32, #tpu.memory_space<hbm>>) target(%dma_start3A_2701 : memref<64x128xf32, #tpu.memory_space<vmem>>) target_semaphore(%dma_start3A_2697 : memref<!tpu.dma_semaphore, #tpu.memory_space<semaphore_mem>>)
      } else {
      }
      %slice3A_2047 = vector.extract_strided_slice %get3A_425 {offsets = [14], sizes = [1], strides = [1]} : vector<16xi32> to vector<1xi32>
      %squeeze3A_2048 = vector.extract %slice3A_2047[0] : i32 from vector<1xi32>
      %shift_right_arithmetic3A_2049 = arith.constant 7 : i32
      %shift_right_arithmetic3A_2050 = arith.shrsi %squeeze3A_2048, %shift_right_arithmetic3A_2049 : i32
      %shift_left3A_2051 = arith.constant 7 : i32
      %shift_left3A_2052 = arith.shli %shift_right_arithmetic3A_2050, %shift_left3A_2051 : i32
      %multiple_of3A_2053 = tpu.assume_multiple %shift_left3A_2052, 128 : i32
      %dma_start3A_2054 = arith.constant 2 : i32
      %dma_start3A_2055 = arith.constant 2 : i32
      %dma_start3A_2056 = arith.constant 0 : i32
      %dma_start3A_2057 = arith.constant 0 : i32
      %dma_start3A_2058 = tpu.memref_slice %arg12[%dma_start3A_2054, %dma_start3A_2056, %dma_start3A_2057] : memref<4x64x128xf32, #tpu.memory_space<vmem>> -> memref<1x64x128xf32, #tpu.memory_space<vmem>>
      %dma_start3A_2059 = tpu.memref_squeeze %dma_start3A_2058 : memref<1x64x128xf32, #tpu.memory_space<vmem>> -> memref<64x128xf32, #tpu.memory_space<vmem>>
      %dma_start3A_2060 = arith.constant 0 : i32
      %dma_start3A_2061 = tpu.memref_slice %arg6[%dma_start3A_2060, %multiple_of3A_2053] : memref<64x1000000xf32, #tpu.memory_space<hbm>> -> memref<64x128xf32, #tpu.memory_space<hbm>>
      %dma_start3A_2062 = tpu.memref_slice %arg15[%dma_start3A_2055] : memref<4x!tpu.dma_semaphore, #tpu.memory_space<semaphore_mem>> -> memref<1x!tpu.dma_semaphore, #tpu.memory_space<semaphore_mem>>
      %dma_start3A_2063 = tpu.memref_squeeze %dma_start3A_2062 : memref<1x!tpu.dma_semaphore, #tpu.memory_space<semaphore_mem>> -> memref<!tpu.dma_semaphore, #tpu.memory_space<semaphore_mem>>
      %dma_start3A_2064 = arith.constant 0 : i32
      %dma_start3A_2065 = arith.constant 0 : i32
      %dma_start3A_2066 = tpu.memref_slice %arg12[%dma_start3A_2054, %dma_start3A_2064, %dma_start3A_2065] : memref<4x64x128xf32, #tpu.memory_space<vmem>> -> memref<1x64x128xf32, #tpu.memory_space<vmem>>
      %dma_start3A_2067 = tpu.memref_squeeze %dma_start3A_2066 : memref<1x64x128xf32, #tpu.memory_space<vmem>> -> memref<64x128xf32, #tpu.memory_space<vmem>>
      %dma_start3A_2068 = arith.constant 0 : i32
      %dma_start3A_2069 = tpu.memref_slice %arg6[%dma_start3A_2068, %multiple_of3A_2053] : memref<64x1000000xf32, #tpu.memory_space<hbm>> -> memref<64x128xf32, #tpu.memory_space<hbm>>
      tpu.enqueue_dma source(%dma_start3A_2069 : memref<64x128xf32, #tpu.memory_space<hbm>>) target(%dma_start3A_2067 : memref<64x128xf32, #tpu.memory_space<vmem>>) target_semaphore(%dma_start3A_2063 : memref<!tpu.dma_semaphore, #tpu.memory_space<semaphore_mem>>)
      %dma_wait3A_2070 = arith.constant 3 : i32
      %dma_wait3A_2071 = arith.constant 3 : i32
      %dma_wait3A_2072 = arith.constant 0 : i32
      %dma_wait3A_2073 = arith.constant 0 : i32
      %dma_wait3A_2074 = tpu.memref_slice %arg11[%dma_wait3A_2070, %dma_wait3A_2072, %dma_wait3A_2073] : memref<8x64x128xf32, #tpu.memory_space<vmem>> -> memref<1x64x128xf32, #tpu.memory_space<vmem>>
      %dma_wait3A_2075 = tpu.memref_squeeze %dma_wait3A_2074 : memref<1x64x128xf32, #tpu.memory_space<vmem>> -> memref<64x128xf32, #tpu.memory_space<vmem>>
      %dma_wait3A_2076 = arith.constant 0 : i32
      %dma_wait3A_2077 = arith.constant 0 : i32
      %dma_wait3A_2078 = tpu.memref_slice %arg5[%dma_wait3A_2076, %dma_wait3A_2077] : memref<64x1000000xf32, #tpu.memory_space<hbm>> -> memref<64x128xf32, #tpu.memory_space<hbm>>
      %dma_wait3A_2079 = tpu.memref_slice %arg14[%dma_wait3A_2071] : memref<8x!tpu.dma_semaphore, #tpu.memory_space<semaphore_mem>> -> memref<1x!tpu.dma_semaphore, #tpu.memory_space<semaphore_mem>>
      %dma_wait3A_2080 = tpu.memref_squeeze %dma_wait3A_2079 : memref<1x!tpu.dma_semaphore, #tpu.memory_space<semaphore_mem>> -> memref<!tpu.dma_semaphore, #tpu.memory_space<semaphore_mem>>
      %dma_wait3A_2081 = arith.constant 0 : i32
      %dma_wait3A_2082 = arith.constant 0 : i32
      %dma_wait3A_2083 = tpu.memref_slice %arg11[%dma_wait3A_2070, %dma_wait3A_2081, %dma_wait3A_2082] : memref<8x64x128xf32, #tpu.memory_space<vmem>> -> memref<1x64x128xf32, #tpu.memory_space<vmem>>
      %dma_wait3A_2084 = tpu.memref_squeeze %dma_wait3A_2083 : memref<1x64x128xf32, #tpu.memory_space<vmem>> -> memref<64x128xf32, #tpu.memory_space<vmem>>
      %dma_wait3A_2085 = arith.constant 0 : i32
      %dma_wait3A_2086 = arith.constant 0 : i32
      %dma_wait3A_2087 = tpu.memref_slice %arg5[%dma_wait3A_2085, %dma_wait3A_2086] : memref<64x1000000xf32, #tpu.memory_space<hbm>> -> memref<64x128xf32, #tpu.memory_space<hbm>>
      tpu.wait_dma2 semaphore(%dma_wait3A_2080 : memref<!tpu.dma_semaphore, #tpu.memory_space<semaphore_mem>>) src(%dma_wait3A_2087 : memref<64x128xf32, #tpu.memory_space<hbm>>) dst(%dma_wait3A_2084 : memref<64x128xf32, #tpu.memory_space<vmem>>)
      %dma_wait3A_2088 = arith.constant 3 : i32
      %dma_wait3A_2089 = arith.constant 3 : i32
      %dma_wait3A_2090 = arith.constant 0 : i32
      %dma_wait3A_2091 = arith.constant 0 : i32
      %dma_wait3A_2092 = tpu.memref_slice %arg12[%dma_wait3A_2088, %dma_wait3A_2090, %dma_wait3A_2091] : memref<4x64x128xf32, #tpu.memory_space<vmem>> -> memref<1x64x128xf32, #tpu.memory_space<vmem>>
      %dma_wait3A_2093 = tpu.memref_squeeze %dma_wait3A_2092 : memref<1x64x128xf32, #tpu.memory_space<vmem>> -> memref<64x128xf32, #tpu.memory_space<vmem>>
      %dma_wait3A_2094 = arith.constant 0 : i32
      %dma_wait3A_2095 = arith.constant 0 : i32
      %dma_wait3A_2096 = tpu.memref_slice %arg6[%dma_wait3A_2094, %dma_wait3A_2095] : memref<64x1000000xf32, #tpu.memory_space<hbm>> -> memref<64x128xf32, #tpu.memory_space<hbm>>
      %dma_wait3A_2097 = tpu.memref_slice %arg15[%dma_wait3A_2089] : memref<4x!tpu.dma_semaphore, #tpu.memory_space<semaphore_mem>> -> memref<1x!tpu.dma_semaphore, #tpu.memory_space<semaphore_mem>>
      %dma_wait3A_2098 = tpu.memref_squeeze %dma_wait3A_2097 : memref<1x!tpu.dma_semaphore, #tpu.memory_space<semaphore_mem>> -> memref<!tpu.dma_semaphore, #tpu.memory_space<semaphore_mem>>
      %dma_wait3A_2099 = arith.constant 0 : i32
      %dma_wait3A_2100 = arith.constant 0 : i32
      %dma_wait3A_2101 = tpu.memref_slice %arg12[%dma_wait3A_2088, %dma_wait3A_2099, %dma_wait3A_2100] : memref<4x64x128xf32, #tpu.memory_space<vmem>> -> memref<1x64x128xf32, #tpu.memory_space<vmem>>
      %dma_wait3A_2102 = tpu.memref_squeeze %dma_wait3A_2101 : memref<1x64x128xf32, #tpu.memory_space<vmem>> -> memref<64x128xf32, #tpu.memory_space<vmem>>
      %dma_wait3A_2103 = arith.constant 0 : i32
      %dma_wait3A_2104 = arith.constant 0 : i32
      %dma_wait3A_2105 = tpu.memref_slice %arg6[%dma_wait3A_2103, %dma_wait3A_2104] : memref<64x1000000xf32, #tpu.memory_space<hbm>> -> memref<64x128xf32, #tpu.memory_space<hbm>>
      tpu.wait_dma2 semaphore(%dma_wait3A_2098 : memref<!tpu.dma_semaphore, #tpu.memory_space<semaphore_mem>>) src(%dma_wait3A_2105 : memref<64x128xf32, #tpu.memory_space<hbm>>) dst(%dma_wait3A_2102 : memref<64x128xf32, #tpu.memory_space<vmem>>)
      %slice3A_2106 = vector.extract_strided_slice %get3A_423 {offsets = [11], sizes = [1], strides = [1]} : vector<16xi32> to vector<1xi32>
      %squeeze3A_2107 = vector.extract %slice3A_2106[0] : i32 from vector<1xi32>
      %and3A_2108 = arith.constant 127 : i32
      %and3A_2109 = arith.andi %squeeze3A_2107, %and3A_2108 : i32
      %broadcast_in_dim3A_2110 = vector.broadcast %and3A_2109 : i32 to vector<16xi32>
      %slice3A_2111 = vector.extract_strided_slice %get3A_425 {offsets = [11], sizes = [1], strides = [1]} : vector<16xi32> to vector<1xi32>
      %squeeze3A_2112 = vector.extract %slice3A_2111[0] : i32 from vector<1xi32>
      %and3A_2113 = arith.constant 127 : i32
      %and3A_2114 = arith.andi %squeeze3A_2112, %and3A_2113 : i32
      %broadcast_in_dim3A_2115 = vector.broadcast %and3A_2114 : i32 to vector<16xi32>
      %gather3A_2116 = arith.constant 3 : i32
      %gather3A_2117 = arith.constant 0 : i32
      %gather3A_2118 = arith.constant 0 : i32
      %gather3A_2119 = tpu.memref_slice %arg11[%gather3A_2116, %gather3A_2117, %gather3A_2118] : memref<8x64x128xf32, #tpu.memory_space<vmem>> -> memref<1x64x128xf32, #tpu.memory_space<vmem>>
      %gather3A_2120 = tpu.memref_squeeze %gather3A_2119 : memref<1x64x128xf32, #tpu.memory_space<vmem>> -> memref<64x128xf32, #tpu.memory_space<vmem>>
      %gather3A_2121 = tpu.vector_load_idx %gather3A_2120[%add3A_5, %broadcast_in_dim3A_2110] : memref<64x128xf32, #tpu.memory_space<vmem>>[vector<16xi32>, vector<16xi32>], vector<16xf32>,
      %gather3A_2122 = arith.constant 3 : i32
      %gather3A_2123 = arith.constant 0 : i32
      %gather3A_2124 = arith.constant 0 : i32
      %gather3A_2125 = tpu.memref_slice %arg12[%gather3A_2122, %gather3A_2123, %gather3A_2124] : memref<4x64x128xf32, #tpu.memory_space<vmem>> -> memref<1x64x128xf32, #tpu.memory_space<vmem>>
      %gather3A_2126 = tpu.memref_squeeze %gather3A_2125 : memref<1x64x128xf32, #tpu.memory_space<vmem>> -> memref<64x128xf32, #tpu.memory_space<vmem>>
      %gather3A_2127 = tpu.vector_load_idx %gather3A_2126[%add3A_5, %broadcast_in_dim3A_2115] : memref<64x128xf32, #tpu.memory_space<vmem>>[vector<16xi32>, vector<16xi32>], vector<16xf32>,
      %mul3A_2128 = arith.mulf %gather3A_2121, %gather3A_2127 : vector<16xf32>
      %gather3A_2129 = arith.constant 3 : i32
      %gather3A_2130 = arith.constant 0 : i32
      %gather3A_2131 = arith.constant 0 : i32
      %gather3A_2132 = tpu.memref_slice %arg11[%gather3A_2129, %gather3A_2130, %gather3A_2131] : memref<8x64x128xf32, #tpu.memory_space<vmem>> -> memref<1x64x128xf32, #tpu.memory_space<vmem>>
      %gather3A_2133 = tpu.memref_squeeze %gather3A_2132 : memref<1x64x128xf32, #tpu.memory_space<vmem>> -> memref<64x128xf32, #tpu.memory_space<vmem>>
      %gather3A_2134 = tpu.vector_load_idx %gather3A_2133[%add3A_8, %broadcast_in_dim3A_2110] : memref<64x128xf32, #tpu.memory_space<vmem>>[vector<16xi32>, vector<16xi32>], vector<16xf32>,
      %gather3A_2135 = arith.constant 3 : i32
      %gather3A_2136 = arith.constant 0 : i32
      %gather3A_2137 = arith.constant 0 : i32
      %gather3A_2138 = tpu.memref_slice %arg12[%gather3A_2135, %gather3A_2136, %gather3A_2137] : memref<4x64x128xf32, #tpu.memory_space<vmem>> -> memref<1x64x128xf32, #tpu.memory_space<vmem>>
      %gather3A_2139 = tpu.memref_squeeze %gather3A_2138 : memref<1x64x128xf32, #tpu.memory_space<vmem>> -> memref<64x128xf32, #tpu.memory_space<vmem>>
      %gather3A_2140 = tpu.vector_load_idx %gather3A_2139[%add3A_8, %broadcast_in_dim3A_2115] : memref<64x128xf32, #tpu.memory_space<vmem>>[vector<16xi32>, vector<16xi32>], vector<16xf32>,
      %mul3A_2141 = arith.mulf %gather3A_2134, %gather3A_2140 : vector<16xf32>
      %add3A_2142 = arith.addf %mul3A_2128, %mul3A_2141 : vector<16xf32>
      %gather3A_2143 = arith.constant 3 : i32
      %gather3A_2144 = arith.constant 0 : i32
      %gather3A_2145 = arith.constant 0 : i32
      %gather3A_2146 = tpu.memref_slice %arg11[%gather3A_2143, %gather3A_2144, %gather3A_2145] : memref<8x64x128xf32, #tpu.memory_space<vmem>> -> memref<1x64x128xf32, #tpu.memory_space<vmem>>
      %gather3A_2147 = tpu.memref_squeeze %gather3A_2146 : memref<1x64x128xf32, #tpu.memory_space<vmem>> -> memref<64x128xf32, #tpu.memory_space<vmem>>
      %gather3A_2148 = tpu.vector_load_idx %gather3A_2147[%add3A_11, %broadcast_in_dim3A_2110] : memref<64x128xf32, #tpu.memory_space<vmem>>[vector<16xi32>, vector<16xi32>], vector<16xf32>,
      %gather3A_2149 = arith.constant 3 : i32
      %gather3A_2150 = arith.constant 0 : i32
      %gather3A_2151 = arith.constant 0 : i32
      %gather3A_2152 = tpu.memref_slice %arg12[%gather3A_2149, %gather3A_2150, %gather3A_2151] : memref<4x64x128xf32, #tpu.memory_space<vmem>> -> memref<1x64x128xf32, #tpu.memory_space<vmem>>
      %gather3A_2153 = tpu.memref_squeeze %gather3A_2152 : memref<1x64x128xf32, #tpu.memory_space<vmem>> -> memref<64x128xf32, #tpu.memory_space<vmem>>
      %gather3A_2154 = tpu.vector_load_idx %gather3A_2153[%add3A_11, %broadcast_in_dim3A_2115] : memref<64x128xf32, #tpu.memory_space<vmem>>[vector<16xi32>, vector<16xi32>], vector<16xf32>,
      %mul3A_2155 = arith.mulf %gather3A_2148, %gather3A_2154 : vector<16xf32>
      %add3A_2156 = arith.addf %add3A_2142, %mul3A_2155 : vector<16xf32>
      %gather3A_2157 = arith.constant 3 : i32
      %gather3A_2158 = arith.constant 0 : i32
      %gather3A_2159 = arith.constant 0 : i32
      %gather3A_2160 = tpu.memref_slice %arg11[%gather3A_2157, %gather3A_2158, %gather3A_2159] : memref<8x64x128xf32, #tpu.memory_space<vmem>> -> memref<1x64x128xf32, #tpu.memory_space<vmem>>
      %gather3A_2161 = tpu.memref_squeeze %gather3A_2160 : memref<1x64x128xf32, #tpu.memory_space<vmem>> -> memref<64x128xf32, #tpu.memory_space<vmem>>
      %gather3A_2162 = tpu.vector_load_idx %gather3A_2161[%add3A_14, %broadcast_in_dim3A_2110] : memref<64x128xf32, #tpu.memory_space<vmem>>[vector<16xi32>, vector<16xi32>], vector<16xf32>,
      %gather3A_2163 = arith.constant 3 : i32
      %gather3A_2164 = arith.constant 0 : i32
      %gather3A_2165 = arith.constant 0 : i32
      %gather3A_2166 = tpu.memref_slice %arg12[%gather3A_2163, %gather3A_2164, %gather3A_2165] : memref<4x64x128xf32, #tpu.memory_space<vmem>> -> memref<1x64x128xf32, #tpu.memory_space<vmem>>
      %gather3A_2167 = tpu.memref_squeeze %gather3A_2166 : memref<1x64x128xf32, #tpu.memory_space<vmem>> -> memref<64x128xf32, #tpu.memory_space<vmem>>
      %gather3A_2168 = tpu.vector_load_idx %gather3A_2167[%add3A_14, %broadcast_in_dim3A_2115] : memref<64x128xf32, #tpu.memory_space<vmem>>[vector<16xi32>, vector<16xi32>], vector<16xf32>,
      %mul3A_2169 = arith.mulf %gather3A_2162, %gather3A_2168 : vector<16xf32>
      %add3A_2170 = arith.addf %add3A_2156, %mul3A_2169 : vector<16xf32>
      %reduce_sum3A_2171 = arith.constant true
      %reduce_sum3A_2172 = vector.broadcast %reduce_sum3A_2171 : i1 to vector<16xi1>
      %reduce_sum3A_2173 = tpu.scan <sum>, %add3A_2170 masked %reduce_sum3A_2172 : vector<16xf32>, vector<16xi1> -> vector<16xf32>
      %reduce_sum3A_2174 = vector.extract %reduce_sum3A_2173[15] : f32 from vector<16xf32>
      %mul3A_2175 = vector.broadcast %reduce_sum3A_2174 : f32 to vector<16xf32>
      %mul3A_2176 = arith.mulf %mul3A_2175, %select_n3A_106 : vector<16xf32>
      %add3A_2177 = arith.addf %add3A_2041, %mul3A_2176 : vector<16xf32>
      %lt3A_2178 = arith.constant 31 : i32
      %lt3A_2179 = arith.cmpi slt, %scan3A_418, %lt3A_2178 : i32
      %convert_element_type3A_2180 = arith.extui %lt3A_2179 : i1 to i32
      %cond3A_2181 = arith.constant 0 : i32
      %cond3A_2182 = arith.cmpi ne, %convert_element_type3A_2180, %cond3A_2181 : i32
      scf.if %cond3A_2182 {
        %slice3A_2681 = vector.extract_strided_slice %get3A_432 {offsets = [3], sizes = [1], strides = [1]} : vector<16xi32> to vector<1xi32>
        %squeeze3A_2682 = vector.extract %slice3A_2681[0] : i32 from vector<1xi32>
        %shift_right_arithmetic3A_2683 = arith.constant 7 : i32
        %shift_right_arithmetic3A_2684 = arith.shrsi %squeeze3A_2682, %shift_right_arithmetic3A_2683 : i32
        %shift_left3A_2685 = arith.constant 7 : i32
        %shift_left3A_2686 = arith.shli %shift_right_arithmetic3A_2684, %shift_left3A_2685 : i32
        %multiple_of3A_2687 = tpu.assume_multiple %shift_left3A_2686, 128 : i32
        %dma_start3A_2688 = arith.constant 3 : i32
        %dma_start3A_2689 = arith.constant 3 : i32
        %dma_start3A_2690 = arith.constant 0 : i32
        %dma_start3A_2691 = arith.constant 0 : i32
        %dma_start3A_2692 = tpu.memref_slice %arg11[%dma_start3A_2688, %dma_start3A_2690, %dma_start3A_2691] : memref<8x64x128xf32, #tpu.memory_space<vmem>> -> memref<1x64x128xf32, #tpu.memory_space<vmem>>
        %dma_start3A_2693 = tpu.memref_squeeze %dma_start3A_2692 : memref<1x64x128xf32, #tpu.memory_space<vmem>> -> memref<64x128xf32, #tpu.memory_space<vmem>>
        %dma_start3A_2694 = arith.constant 0 : i32
        %dma_start3A_2695 = tpu.memref_slice %arg5[%dma_start3A_2694, %multiple_of3A_2687] : memref<64x1000000xf32, #tpu.memory_space<hbm>> -> memref<64x128xf32, #tpu.memory_space<hbm>>
        %dma_start3A_2696 = tpu.memref_slice %arg14[%dma_start3A_2689] : memref<8x!tpu.dma_semaphore, #tpu.memory_space<semaphore_mem>> -> memref<1x!tpu.dma_semaphore, #tpu.memory_space<semaphore_mem>>
        %dma_start3A_2697 = tpu.memref_squeeze %dma_start3A_2696 : memref<1x!tpu.dma_semaphore, #tpu.memory_space<semaphore_mem>> -> memref<!tpu.dma_semaphore, #tpu.memory_space<semaphore_mem>>
        %dma_start3A_2698 = arith.constant 0 : i32
        %dma_start3A_2699 = arith.constant 0 : i32
        %dma_start3A_2700 = tpu.memref_slice %arg11[%dma_start3A_2688, %dma_start3A_2698, %dma_start3A_2699] : memref<8x64x128xf32, #tpu.memory_space<vmem>> -> memref<1x64x128xf32, #tpu.memory_space<vmem>>
        %dma_start3A_2701 = tpu.memref_squeeze %dma_start3A_2700 : memref<1x64x128xf32, #tpu.memory_space<vmem>> -> memref<64x128xf32, #tpu.memory_space<vmem>>
        %dma_start3A_2702 = arith.constant 0 : i32
        %dma_start3A_2703 = tpu.memref_slice %arg5[%dma_start3A_2702, %multiple_of3A_2687] : memref<64x1000000xf32, #tpu.memory_space<hbm>> -> memref<64x128xf32, #tpu.memory_space<hbm>>
        tpu.enqueue_dma source(%dma_start3A_2703 : memref<64x128xf32, #tpu.memory_space<hbm>>) target(%dma_start3A_2701 : memref<64x128xf32, #tpu.memory_space<vmem>>) target_semaphore(%dma_start3A_2697 : memref<!tpu.dma_semaphore, #tpu.memory_space<semaphore_mem>>)
      } else {
      }
      %slice3A_2183 = vector.extract_strided_slice %get3A_425 {offsets = [15], sizes = [1], strides = [1]} : vector<16xi32> to vector<1xi32>
      %squeeze3A_2184 = vector.extract %slice3A_2183[0] : i32 from vector<1xi32>
      %shift_right_arithmetic3A_2185 = arith.constant 7 : i32
      %shift_right_arithmetic3A_2186 = arith.shrsi %squeeze3A_2184, %shift_right_arithmetic3A_2185 : i32
      %shift_left3A_2187 = arith.constant 7 : i32
      %shift_left3A_2188 = arith.shli %shift_right_arithmetic3A_2186, %shift_left3A_2187 : i32
      %multiple_of3A_2189 = tpu.assume_multiple %shift_left3A_2188, 128 : i32
      %dma_start3A_2190 = arith.constant 3 : i32
      %dma_start3A_2191 = arith.constant 3 : i32
      %dma_start3A_2192 = arith.constant 0 : i32
      %dma_start3A_2193 = arith.constant 0 : i32
      %dma_start3A_2194 = tpu.memref_slice %arg12[%dma_start3A_2190, %dma_start3A_2192, %dma_start3A_2193] : memref<4x64x128xf32, #tpu.memory_space<vmem>> -> memref<1x64x128xf32, #tpu.memory_space<vmem>>
      %dma_start3A_2195 = tpu.memref_squeeze %dma_start3A_2194 : memref<1x64x128xf32, #tpu.memory_space<vmem>> -> memref<64x128xf32, #tpu.memory_space<vmem>>
      %dma_start3A_2196 = arith.constant 0 : i32
      %dma_start3A_2197 = tpu.memref_slice %arg6[%dma_start3A_2196, %multiple_of3A_2189] : memref<64x1000000xf32, #tpu.memory_space<hbm>> -> memref<64x128xf32, #tpu.memory_space<hbm>>
      %dma_start3A_2198 = tpu.memref_slice %arg15[%dma_start3A_2191] : memref<4x!tpu.dma_semaphore, #tpu.memory_space<semaphore_mem>> -> memref<1x!tpu.dma_semaphore, #tpu.memory_space<semaphore_mem>>
      %dma_start3A_2199 = tpu.memref_squeeze %dma_start3A_2198 : memref<1x!tpu.dma_semaphore, #tpu.memory_space<semaphore_mem>> -> memref<!tpu.dma_semaphore, #tpu.memory_space<semaphore_mem>>
      %dma_start3A_2200 = arith.constant 0 : i32
      %dma_start3A_2201 = arith.constant 0 : i32
      %dma_start3A_2202 = tpu.memref_slice %arg12[%dma_start3A_2190, %dma_start3A_2200, %dma_start3A_2201] : memref<4x64x128xf32, #tpu.memory_space<vmem>> -> memref<1x64x128xf32, #tpu.memory_space<vmem>>
      %dma_start3A_2203 = tpu.memref_squeeze %dma_start3A_2202 : memref<1x64x128xf32, #tpu.memory_space<vmem>> -> memref<64x128xf32, #tpu.memory_space<vmem>>
      %dma_start3A_2204 = arith.constant 0 : i32
      %dma_start3A_2205 = tpu.memref_slice %arg6[%dma_start3A_2204, %multiple_of3A_2189] : memref<64x1000000xf32, #tpu.memory_space<hbm>> -> memref<64x128xf32, #tpu.memory_space<hbm>>
      tpu.enqueue_dma source(%dma_start3A_2205 : memref<64x128xf32, #tpu.memory_space<hbm>>) target(%dma_start3A_2203 : memref<64x128xf32, #tpu.memory_space<vmem>>) target_semaphore(%dma_start3A_2199 : memref<!tpu.dma_semaphore, #tpu.memory_space<semaphore_mem>>)
      %dma_wait3A_2206 = arith.constant 4 : i32
      %dma_wait3A_2207 = arith.constant 4 : i32
      %dma_wait3A_2208 = arith.constant 0 : i32
      %dma_wait3A_2209 = arith.constant 0 : i32
      %dma_wait3A_2210 = tpu.memref_slice %arg11[%dma_wait3A_2206, %dma_wait3A_2208, %dma_wait3A_2209] : memref<8x64x128xf32, #tpu.memory_space<vmem>> -> memref<1x64x128xf32, #tpu.memory_space<vmem>>
      %dma_wait3A_2211 = tpu.memref_squeeze %dma_wait3A_2210 : memref<1x64x128xf32, #tpu.memory_space<vmem>> -> memref<64x128xf32, #tpu.memory_space<vmem>>
      %dma_wait3A_2212 = arith.constant 0 : i32
      %dma_wait3A_2213 = arith.constant 0 : i32
      %dma_wait3A_2214 = tpu.memref_slice %arg5[%dma_wait3A_2212, %dma_wait3A_2213] : memref<64x1000000xf32, #tpu.memory_space<hbm>> -> memref<64x128xf32, #tpu.memory_space<hbm>>
      %dma_wait3A_2215 = tpu.memref_slice %arg14[%dma_wait3A_2207] : memref<8x!tpu.dma_semaphore, #tpu.memory_space<semaphore_mem>> -> memref<1x!tpu.dma_semaphore, #tpu.memory_space<semaphore_mem>>
      %dma_wait3A_2216 = tpu.memref_squeeze %dma_wait3A_2215 : memref<1x!tpu.dma_semaphore, #tpu.memory_space<semaphore_mem>> -> memref<!tpu.dma_semaphore, #tpu.memory_space<semaphore_mem>>
      %dma_wait3A_2217 = arith.constant 0 : i32
      %dma_wait3A_2218 = arith.constant 0 : i32
      %dma_wait3A_2219 = tpu.memref_slice %arg11[%dma_wait3A_2206, %dma_wait3A_2217, %dma_wait3A_2218] : memref<8x64x128xf32, #tpu.memory_space<vmem>> -> memref<1x64x128xf32, #tpu.memory_space<vmem>>
      %dma_wait3A_2220 = tpu.memref_squeeze %dma_wait3A_2219 : memref<1x64x128xf32, #tpu.memory_space<vmem>> -> memref<64x128xf32, #tpu.memory_space<vmem>>
      %dma_wait3A_2221 = arith.constant 0 : i32
      %dma_wait3A_2222 = arith.constant 0 : i32
      %dma_wait3A_2223 = tpu.memref_slice %arg5[%dma_wait3A_2221, %dma_wait3A_2222] : memref<64x1000000xf32, #tpu.memory_space<hbm>> -> memref<64x128xf32, #tpu.memory_space<hbm>>
      tpu.wait_dma2 semaphore(%dma_wait3A_2216 : memref<!tpu.dma_semaphore, #tpu.memory_space<semaphore_mem>>) src(%dma_wait3A_2223 : memref<64x128xf32, #tpu.memory_space<hbm>>) dst(%dma_wait3A_2220 : memref<64x128xf32, #tpu.memory_space<vmem>>)
      %dma_wait3A_2224 = arith.constant 0 : i32
      %dma_wait3A_2225 = arith.constant 0 : i32
      %dma_wait3A_2226 = arith.constant 0 : i32
      %dma_wait3A_2227 = arith.constant 0 : i32
      %dma_wait3A_2228 = tpu.memref_slice %arg12[%dma_wait3A_2224, %dma_wait3A_2226, %dma_wait3A_2227] : memref<4x64x128xf32, #tpu.memory_space<vmem>> -> memref<1x64x128xf32, #tpu.memory_space<vmem>>
      %dma_wait3A_2229 = tpu.memref_squeeze %dma_wait3A_2228 : memref<1x64x128xf32, #tpu.memory_space<vmem>> -> memref<64x128xf32, #tpu.memory_space<vmem>>
      %dma_wait3A_2230 = arith.constant 0 : i32
      %dma_wait3A_2231 = arith.constant 0 : i32
      %dma_wait3A_2232 = tpu.memref_slice %arg6[%dma_wait3A_2230, %dma_wait3A_2231] : memref<64x1000000xf32, #tpu.memory_space<hbm>> -> memref<64x128xf32, #tpu.memory_space<hbm>>
      %dma_wait3A_2233 = tpu.memref_slice %arg15[%dma_wait3A_2225] : memref<4x!tpu.dma_semaphore, #tpu.memory_space<semaphore_mem>> -> memref<1x!tpu.dma_semaphore, #tpu.memory_space<semaphore_mem>>
      %dma_wait3A_2234 = tpu.memref_squeeze %dma_wait3A_2233 : memref<1x!tpu.dma_semaphore, #tpu.memory_space<semaphore_mem>> -> memref<!tpu.dma_semaphore, #tpu.memory_space<semaphore_mem>>
      %dma_wait3A_2235 = arith.constant 0 : i32
      %dma_wait3A_2236 = arith.constant 0 : i32
      %dma_wait3A_2237 = tpu.memref_slice %arg12[%dma_wait3A_2224, %dma_wait3A_2235, %dma_wait3A_2236] : memref<4x64x128xf32, #tpu.memory_space<vmem>> -> memref<1x64x128xf32, #tpu.memory_space<vmem>>
      %dma_wait3A_2238 = tpu.memref_squeeze %dma_wait3A_2237 : memref<1x64x128xf32, #tpu.memory_space<vmem>> -> memref<64x128xf32, #tpu.memory_space<vmem>>
      %dma_wait3A_2239 = arith.constant 0 : i32
      %dma_wait3A_2240 = arith.constant 0 : i32
      %dma_wait3A_2241 = tpu.memref_slice %arg6[%dma_wait3A_2239, %dma_wait3A_2240] : memref<64x1000000xf32, #tpu.memory_space<hbm>> -> memref<64x128xf32, #tpu.memory_space<hbm>>
      tpu.wait_dma2 semaphore(%dma_wait3A_2234 : memref<!tpu.dma_semaphore, #tpu.memory_space<semaphore_mem>>) src(%dma_wait3A_2241 : memref<64x128xf32, #tpu.memory_space<hbm>>) dst(%dma_wait3A_2238 : memref<64x128xf32, #tpu.memory_space<vmem>>)
      %slice3A_2242 = vector.extract_strided_slice %get3A_423 {offsets = [12], sizes = [1], strides = [1]} : vector<16xi32> to vector<1xi32>
      %squeeze3A_2243 = vector.extract %slice3A_2242[0] : i32 from vector<1xi32>
      %and3A_2244 = arith.constant 127 : i32
      %and3A_2245 = arith.andi %squeeze3A_2243, %and3A_2244 : i32
      %broadcast_in_dim3A_2246 = vector.broadcast %and3A_2245 : i32 to vector<16xi32>
      %slice3A_2247 = vector.extract_strided_slice %get3A_425 {offsets = [12], sizes = [1], strides = [1]} : vector<16xi32> to vector<1xi32>
      %squeeze3A_2248 = vector.extract %slice3A_2247[0] : i32 from vector<1xi32>
      %and3A_2249 = arith.constant 127 : i32
      %and3A_2250 = arith.andi %squeeze3A_2248, %and3A_2249 : i32
      %broadcast_in_dim3A_2251 = vector.broadcast %and3A_2250 : i32 to vector<16xi32>
      %gather3A_2252 = arith.constant 4 : i32
      %gather3A_2253 = arith.constant 0 : i32
      %gather3A_2254 = arith.constant 0 : i32
      %gather3A_2255 = tpu.memref_slice %arg11[%gather3A_2252, %gather3A_2253, %gather3A_2254] : memref<8x64x128xf32, #tpu.memory_space<vmem>> -> memref<1x64x128xf32, #tpu.memory_space<vmem>>
      %gather3A_2256 = tpu.memref_squeeze %gather3A_2255 : memref<1x64x128xf32, #tpu.memory_space<vmem>> -> memref<64x128xf32, #tpu.memory_space<vmem>>
      %gather3A_2257 = tpu.vector_load_idx %gather3A_2256[%add3A_5, %broadcast_in_dim3A_2246] : memref<64x128xf32, #tpu.memory_space<vmem>>[vector<16xi32>, vector<16xi32>], vector<16xf32>,
      %gather3A_2258 = arith.constant 0 : i32
      %gather3A_2259 = arith.constant 0 : i32
      %gather3A_2260 = arith.constant 0 : i32
      %gather3A_2261 = tpu.memref_slice %arg12[%gather3A_2258, %gather3A_2259, %gather3A_2260] : memref<4x64x128xf32, #tpu.memory_space<vmem>> -> memref<1x64x128xf32, #tpu.memory_space<vmem>>
      %gather3A_2262 = tpu.memref_squeeze %gather3A_2261 : memref<1x64x128xf32, #tpu.memory_space<vmem>> -> memref<64x128xf32, #tpu.memory_space<vmem>>
      %gather3A_2263 = tpu.vector_load_idx %gather3A_2262[%add3A_5, %broadcast_in_dim3A_2251] : memref<64x128xf32, #tpu.memory_space<vmem>>[vector<16xi32>, vector<16xi32>], vector<16xf32>,
      %mul3A_2264 = arith.mulf %gather3A_2257, %gather3A_2263 : vector<16xf32>
      %gather3A_2265 = arith.constant 4 : i32
      %gather3A_2266 = arith.constant 0 : i32
      %gather3A_2267 = arith.constant 0 : i32
      %gather3A_2268 = tpu.memref_slice %arg11[%gather3A_2265, %gather3A_2266, %gather3A_2267] : memref<8x64x128xf32, #tpu.memory_space<vmem>> -> memref<1x64x128xf32, #tpu.memory_space<vmem>>
      %gather3A_2269 = tpu.memref_squeeze %gather3A_2268 : memref<1x64x128xf32, #tpu.memory_space<vmem>> -> memref<64x128xf32, #tpu.memory_space<vmem>>
      %gather3A_2270 = tpu.vector_load_idx %gather3A_2269[%add3A_8, %broadcast_in_dim3A_2246] : memref<64x128xf32, #tpu.memory_space<vmem>>[vector<16xi32>, vector<16xi32>], vector<16xf32>,
      %gather3A_2271 = arith.constant 0 : i32
      %gather3A_2272 = arith.constant 0 : i32
      %gather3A_2273 = arith.constant 0 : i32
      %gather3A_2274 = tpu.memref_slice %arg12[%gather3A_2271, %gather3A_2272, %gather3A_2273] : memref<4x64x128xf32, #tpu.memory_space<vmem>> -> memref<1x64x128xf32, #tpu.memory_space<vmem>>
      %gather3A_2275 = tpu.memref_squeeze %gather3A_2274 : memref<1x64x128xf32, #tpu.memory_space<vmem>> -> memref<64x128xf32, #tpu.memory_space<vmem>>
      %gather3A_2276 = tpu.vector_load_idx %gather3A_2275[%add3A_8, %broadcast_in_dim3A_2251] : memref<64x128xf32, #tpu.memory_space<vmem>>[vector<16xi32>, vector<16xi32>], vector<16xf32>,
      %mul3A_2277 = arith.mulf %gather3A_2270, %gather3A_2276 : vector<16xf32>
      %add3A_2278 = arith.addf %mul3A_2264, %mul3A_2277 : vector<16xf32>
      %gather3A_2279 = arith.constant 4 : i32
      %gather3A_2280 = arith.constant 0 : i32
      %gather3A_2281 = arith.constant 0 : i32
      %gather3A_2282 = tpu.memref_slice %arg11[%gather3A_2279, %gather3A_2280, %gather3A_2281] : memref<8x64x128xf32, #tpu.memory_space<vmem>> -> memref<1x64x128xf32, #tpu.memory_space<vmem>>
      %gather3A_2283 = tpu.memref_squeeze %gather3A_2282 : memref<1x64x128xf32, #tpu.memory_space<vmem>> -> memref<64x128xf32, #tpu.memory_space<vmem>>
      %gather3A_2284 = tpu.vector_load_idx %gather3A_2283[%add3A_11, %broadcast_in_dim3A_2246] : memref<64x128xf32, #tpu.memory_space<vmem>>[vector<16xi32>, vector<16xi32>], vector<16xf32>,
      %gather3A_2285 = arith.constant 0 : i32
      %gather3A_2286 = arith.constant 0 : i32
      %gather3A_2287 = arith.constant 0 : i32
      %gather3A_2288 = tpu.memref_slice %arg12[%gather3A_2285, %gather3A_2286, %gather3A_2287] : memref<4x64x128xf32, #tpu.memory_space<vmem>> -> memref<1x64x128xf32, #tpu.memory_space<vmem>>
      %gather3A_2289 = tpu.memref_squeeze %gather3A_2288 : memref<1x64x128xf32, #tpu.memory_space<vmem>> -> memref<64x128xf32, #tpu.memory_space<vmem>>
      %gather3A_2290 = tpu.vector_load_idx %gather3A_2289[%add3A_11, %broadcast_in_dim3A_2251] : memref<64x128xf32, #tpu.memory_space<vmem>>[vector<16xi32>, vector<16xi32>], vector<16xf32>,
      %mul3A_2291 = arith.mulf %gather3A_2284, %gather3A_2290 : vector<16xf32>
      %add3A_2292 = arith.addf %add3A_2278, %mul3A_2291 : vector<16xf32>
      %gather3A_2293 = arith.constant 4 : i32
      %gather3A_2294 = arith.constant 0 : i32
      %gather3A_2295 = arith.constant 0 : i32
      %gather3A_2296 = tpu.memref_slice %arg11[%gather3A_2293, %gather3A_2294, %gather3A_2295] : memref<8x64x128xf32, #tpu.memory_space<vmem>> -> memref<1x64x128xf32, #tpu.memory_space<vmem>>
      %gather3A_2297 = tpu.memref_squeeze %gather3A_2296 : memref<1x64x128xf32, #tpu.memory_space<vmem>> -> memref<64x128xf32, #tpu.memory_space<vmem>>
      %gather3A_2298 = tpu.vector_load_idx %gather3A_2297[%add3A_14, %broadcast_in_dim3A_2246] : memref<64x128xf32, #tpu.memory_space<vmem>>[vector<16xi32>, vector<16xi32>], vector<16xf32>,
      %gather3A_2299 = arith.constant 0 : i32
      %gather3A_2300 = arith.constant 0 : i32
      %gather3A_2301 = arith.constant 0 : i32
      %gather3A_2302 = tpu.memref_slice %arg12[%gather3A_2299, %gather3A_2300, %gather3A_2301] : memref<4x64x128xf32, #tpu.memory_space<vmem>> -> memref<1x64x128xf32, #tpu.memory_space<vmem>>
      %gather3A_2303 = tpu.memref_squeeze %gather3A_2302 : memref<1x64x128xf32, #tpu.memory_space<vmem>> -> memref<64x128xf32, #tpu.memory_space<vmem>>
      %gather3A_2304 = tpu.vector_load_idx %gather3A_2303[%add3A_14, %broadcast_in_dim3A_2251] : memref<64x128xf32, #tpu.memory_space<vmem>>[vector<16xi32>, vector<16xi32>], vector<16xf32>,
      %mul3A_2305 = arith.mulf %gather3A_2298, %gather3A_2304 : vector<16xf32>
      %add3A_2306 = arith.addf %add3A_2292, %mul3A_2305 : vector<16xf32>
      %reduce_sum3A_2307 = arith.constant true
      %reduce_sum3A_2308 = vector.broadcast %reduce_sum3A_2307 : i1 to vector<16xi1>
      %reduce_sum3A_2309 = tpu.scan <sum>, %add3A_2306 masked %reduce_sum3A_2308 : vector<16xf32>, vector<16xi1> -> vector<16xf32>
      %reduce_sum3A_2310 = vector.extract %reduce_sum3A_2309[15] : f32 from vector<16xf32>
      %mul3A_2311 = vector.broadcast %reduce_sum3A_2310 : f32 to vector<16xf32>
      %mul3A_2312 = arith.mulf %mul3A_2311, %select_n3A_114 : vector<16xf32>
      %add3A_2313 = arith.addf %add3A_2177, %mul3A_2312 : vector<16xf32>
      %lt3A_2314 = arith.constant 31 : i32
      %lt3A_2315 = arith.cmpi slt, %scan3A_418, %lt3A_2314 : i32
      %convert_element_type3A_2316 = arith.extui %lt3A_2315 : i1 to i32
      %cond3A_2317 = arith.constant 0 : i32
      %cond3A_2318 = arith.cmpi ne, %convert_element_type3A_2316, %cond3A_2317 : i32
      scf.if %cond3A_2318 {
        %slice3A_2681 = vector.extract_strided_slice %get3A_432 {offsets = [4], sizes = [1], strides = [1]} : vector<16xi32> to vector<1xi32>
        %squeeze3A_2682 = vector.extract %slice3A_2681[0] : i32 from vector<1xi32>
        %shift_right_arithmetic3A_2683 = arith.constant 7 : i32
        %shift_right_arithmetic3A_2684 = arith.shrsi %squeeze3A_2682, %shift_right_arithmetic3A_2683 : i32
        %shift_left3A_2685 = arith.constant 7 : i32
        %shift_left3A_2686 = arith.shli %shift_right_arithmetic3A_2684, %shift_left3A_2685 : i32
        %multiple_of3A_2687 = tpu.assume_multiple %shift_left3A_2686, 128 : i32
        %dma_start3A_2688 = arith.constant 4 : i32
        %dma_start3A_2689 = arith.constant 4 : i32
        %dma_start3A_2690 = arith.constant 0 : i32
        %dma_start3A_2691 = arith.constant 0 : i32
        %dma_start3A_2692 = tpu.memref_slice %arg11[%dma_start3A_2688, %dma_start3A_2690, %dma_start3A_2691] : memref<8x64x128xf32, #tpu.memory_space<vmem>> -> memref<1x64x128xf32, #tpu.memory_space<vmem>>
        %dma_start3A_2693 = tpu.memref_squeeze %dma_start3A_2692 : memref<1x64x128xf32, #tpu.memory_space<vmem>> -> memref<64x128xf32, #tpu.memory_space<vmem>>
        %dma_start3A_2694 = arith.constant 0 : i32
        %dma_start3A_2695 = tpu.memref_slice %arg5[%dma_start3A_2694, %multiple_of3A_2687] : memref<64x1000000xf32, #tpu.memory_space<hbm>> -> memref<64x128xf32, #tpu.memory_space<hbm>>
        %dma_start3A_2696 = tpu.memref_slice %arg14[%dma_start3A_2689] : memref<8x!tpu.dma_semaphore, #tpu.memory_space<semaphore_mem>> -> memref<1x!tpu.dma_semaphore, #tpu.memory_space<semaphore_mem>>
        %dma_start3A_2697 = tpu.memref_squeeze %dma_start3A_2696 : memref<1x!tpu.dma_semaphore, #tpu.memory_space<semaphore_mem>> -> memref<!tpu.dma_semaphore, #tpu.memory_space<semaphore_mem>>
        %dma_start3A_2698 = arith.constant 0 : i32
        %dma_start3A_2699 = arith.constant 0 : i32
        %dma_start3A_2700 = tpu.memref_slice %arg11[%dma_start3A_2688, %dma_start3A_2698, %dma_start3A_2699] : memref<8x64x128xf32, #tpu.memory_space<vmem>> -> memref<1x64x128xf32, #tpu.memory_space<vmem>>
        %dma_start3A_2701 = tpu.memref_squeeze %dma_start3A_2700 : memref<1x64x128xf32, #tpu.memory_space<vmem>> -> memref<64x128xf32, #tpu.memory_space<vmem>>
        %dma_start3A_2702 = arith.constant 0 : i32
        %dma_start3A_2703 = tpu.memref_slice %arg5[%dma_start3A_2702, %multiple_of3A_2687] : memref<64x1000000xf32, #tpu.memory_space<hbm>> -> memref<64x128xf32, #tpu.memory_space<hbm>>
        tpu.enqueue_dma source(%dma_start3A_2703 : memref<64x128xf32, #tpu.memory_space<hbm>>) target(%dma_start3A_2701 : memref<64x128xf32, #tpu.memory_space<vmem>>) target_semaphore(%dma_start3A_2697 : memref<!tpu.dma_semaphore, #tpu.memory_space<semaphore_mem>>)
      } else {
      }
      %lt3A_2319 = arith.constant 31 : i32
      %lt3A_2320 = arith.cmpi slt, %scan3A_418, %lt3A_2319 : i32
      %convert_element_type3A_2321 = arith.extui %lt3A_2320 : i1 to i32
      %cond3A_2322 = arith.constant 0 : i32
      %cond3A_2323 = arith.cmpi ne, %convert_element_type3A_2321, %cond3A_2322 : i32
      scf.if %cond3A_2323 {
        %slice3A_2681 = vector.extract_strided_slice %get3A_434 {offsets = [0], sizes = [1], strides = [1]} : vector<16xi32> to vector<1xi32>
        %squeeze3A_2682 = vector.extract %slice3A_2681[0] : i32 from vector<1xi32>
        %shift_right_arithmetic3A_2683 = arith.constant 7 : i32
        %shift_right_arithmetic3A_2684 = arith.shrsi %squeeze3A_2682, %shift_right_arithmetic3A_2683 : i32
        %shift_left3A_2685 = arith.constant 7 : i32
        %shift_left3A_2686 = arith.shli %shift_right_arithmetic3A_2684, %shift_left3A_2685 : i32
        %multiple_of3A_2687 = tpu.assume_multiple %shift_left3A_2686, 128 : i32
        %dma_start3A_2688 = arith.constant 0 : i32
        %dma_start3A_2689 = arith.constant 0 : i32
        %dma_start3A_2690 = arith.constant 0 : i32
        %dma_start3A_2691 = arith.constant 0 : i32
        %dma_start3A_2692 = tpu.memref_slice %arg12[%dma_start3A_2688, %dma_start3A_2690, %dma_start3A_2691] : memref<4x64x128xf32, #tpu.memory_space<vmem>> -> memref<1x64x128xf32, #tpu.memory_space<vmem>>
        %dma_start3A_2693 = tpu.memref_squeeze %dma_start3A_2692 : memref<1x64x128xf32, #tpu.memory_space<vmem>> -> memref<64x128xf32, #tpu.memory_space<vmem>>
        %dma_start3A_2694 = arith.constant 0 : i32
        %dma_start3A_2695 = tpu.memref_slice %arg6[%dma_start3A_2694, %multiple_of3A_2687] : memref<64x1000000xf32, #tpu.memory_space<hbm>> -> memref<64x128xf32, #tpu.memory_space<hbm>>
        %dma_start3A_2696 = tpu.memref_slice %arg15[%dma_start3A_2689] : memref<4x!tpu.dma_semaphore, #tpu.memory_space<semaphore_mem>> -> memref<1x!tpu.dma_semaphore, #tpu.memory_space<semaphore_mem>>
        %dma_start3A_2697 = tpu.memref_squeeze %dma_start3A_2696 : memref<1x!tpu.dma_semaphore, #tpu.memory_space<semaphore_mem>> -> memref<!tpu.dma_semaphore, #tpu.memory_space<semaphore_mem>>
        %dma_start3A_2698 = arith.constant 0 : i32
        %dma_start3A_2699 = arith.constant 0 : i32
        %dma_start3A_2700 = tpu.memref_slice %arg12[%dma_start3A_2688, %dma_start3A_2698, %dma_start3A_2699] : memref<4x64x128xf32, #tpu.memory_space<vmem>> -> memref<1x64x128xf32, #tpu.memory_space<vmem>>
        %dma_start3A_2701 = tpu.memref_squeeze %dma_start3A_2700 : memref<1x64x128xf32, #tpu.memory_space<vmem>> -> memref<64x128xf32, #tpu.memory_space<vmem>>
        %dma_start3A_2702 = arith.constant 0 : i32
        %dma_start3A_2703 = tpu.memref_slice %arg6[%dma_start3A_2702, %multiple_of3A_2687] : memref<64x1000000xf32, #tpu.memory_space<hbm>> -> memref<64x128xf32, #tpu.memory_space<hbm>>
        tpu.enqueue_dma source(%dma_start3A_2703 : memref<64x128xf32, #tpu.memory_space<hbm>>) target(%dma_start3A_2701 : memref<64x128xf32, #tpu.memory_space<vmem>>) target_semaphore(%dma_start3A_2697 : memref<!tpu.dma_semaphore, #tpu.memory_space<semaphore_mem>>)
      } else {
      }
      %dma_wait3A_2324 = arith.constant 5 : i32
      %dma_wait3A_2325 = arith.constant 5 : i32
      %dma_wait3A_2326 = arith.constant 0 : i32
      %dma_wait3A_2327 = arith.constant 0 : i32
      %dma_wait3A_2328 = tpu.memref_slice %arg11[%dma_wait3A_2324, %dma_wait3A_2326, %dma_wait3A_2327] : memref<8x64x128xf32, #tpu.memory_space<vmem>> -> memref<1x64x128xf32, #tpu.memory_space<vmem>>
      %dma_wait3A_2329 = tpu.memref_squeeze %dma_wait3A_2328 : memref<1x64x128xf32, #tpu.memory_space<vmem>> -> memref<64x128xf32, #tpu.memory_space<vmem>>
      %dma_wait3A_2330 = arith.constant 0 : i32
      %dma_wait3A_2331 = arith.constant 0 : i32
      %dma_wait3A_2332 = tpu.memref_slice %arg5[%dma_wait3A_2330, %dma_wait3A_2331] : memref<64x1000000xf32, #tpu.memory_space<hbm>> -> memref<64x128xf32, #tpu.memory_space<hbm>>
      %dma_wait3A_2333 = tpu.memref_slice %arg14[%dma_wait3A_2325] : memref<8x!tpu.dma_semaphore, #tpu.memory_space<semaphore_mem>> -> memref<1x!tpu.dma_semaphore, #tpu.memory_space<semaphore_mem>>
      %dma_wait3A_2334 = tpu.memref_squeeze %dma_wait3A_2333 : memref<1x!tpu.dma_semaphore, #tpu.memory_space<semaphore_mem>> -> memref<!tpu.dma_semaphore, #tpu.memory_space<semaphore_mem>>
      %dma_wait3A_2335 = arith.constant 0 : i32
      %dma_wait3A_2336 = arith.constant 0 : i32
      %dma_wait3A_2337 = tpu.memref_slice %arg11[%dma_wait3A_2324, %dma_wait3A_2335, %dma_wait3A_2336] : memref<8x64x128xf32, #tpu.memory_space<vmem>> -> memref<1x64x128xf32, #tpu.memory_space<vmem>>
      %dma_wait3A_2338 = tpu.memref_squeeze %dma_wait3A_2337 : memref<1x64x128xf32, #tpu.memory_space<vmem>> -> memref<64x128xf32, #tpu.memory_space<vmem>>
      %dma_wait3A_2339 = arith.constant 0 : i32
      %dma_wait3A_2340 = arith.constant 0 : i32
      %dma_wait3A_2341 = tpu.memref_slice %arg5[%dma_wait3A_2339, %dma_wait3A_2340] : memref<64x1000000xf32, #tpu.memory_space<hbm>> -> memref<64x128xf32, #tpu.memory_space<hbm>>
      tpu.wait_dma2 semaphore(%dma_wait3A_2334 : memref<!tpu.dma_semaphore, #tpu.memory_space<semaphore_mem>>) src(%dma_wait3A_2341 : memref<64x128xf32, #tpu.memory_space<hbm>>) dst(%dma_wait3A_2338 : memref<64x128xf32, #tpu.memory_space<vmem>>)
      %dma_wait3A_2342 = arith.constant 1 : i32
      %dma_wait3A_2343 = arith.constant 1 : i32
      %dma_wait3A_2344 = arith.constant 0 : i32
      %dma_wait3A_2345 = arith.constant 0 : i32
      %dma_wait3A_2346 = tpu.memref_slice %arg12[%dma_wait3A_2342, %dma_wait3A_2344, %dma_wait3A_2345] : memref<4x64x128xf32, #tpu.memory_space<vmem>> -> memref<1x64x128xf32, #tpu.memory_space<vmem>>
      %dma_wait3A_2347 = tpu.memref_squeeze %dma_wait3A_2346 : memref<1x64x128xf32, #tpu.memory_space<vmem>> -> memref<64x128xf32, #tpu.memory_space<vmem>>
      %dma_wait3A_2348 = arith.constant 0 : i32
      %dma_wait3A_2349 = arith.constant 0 : i32
      %dma_wait3A_2350 = tpu.memref_slice %arg6[%dma_wait3A_2348, %dma_wait3A_2349] : memref<64x1000000xf32, #tpu.memory_space<hbm>> -> memref<64x128xf32, #tpu.memory_space<hbm>>
      %dma_wait3A_2351 = tpu.memref_slice %arg15[%dma_wait3A_2343] : memref<4x!tpu.dma_semaphore, #tpu.memory_space<semaphore_mem>> -> memref<1x!tpu.dma_semaphore, #tpu.memory_space<semaphore_mem>>
      %dma_wait3A_2352 = tpu.memref_squeeze %dma_wait3A_2351 : memref<1x!tpu.dma_semaphore, #tpu.memory_space<semaphore_mem>> -> memref<!tpu.dma_semaphore, #tpu.memory_space<semaphore_mem>>
      %dma_wait3A_2353 = arith.constant 0 : i32
      %dma_wait3A_2354 = arith.constant 0 : i32
      %dma_wait3A_2355 = tpu.memref_slice %arg12[%dma_wait3A_2342, %dma_wait3A_2353, %dma_wait3A_2354] : memref<4x64x128xf32, #tpu.memory_space<vmem>> -> memref<1x64x128xf32, #tpu.memory_space<vmem>>
      %dma_wait3A_2356 = tpu.memref_squeeze %dma_wait3A_2355 : memref<1x64x128xf32, #tpu.memory_space<vmem>> -> memref<64x128xf32, #tpu.memory_space<vmem>>
      %dma_wait3A_2357 = arith.constant 0 : i32
      %dma_wait3A_2358 = arith.constant 0 : i32
      %dma_wait3A_2359 = tpu.memref_slice %arg6[%dma_wait3A_2357, %dma_wait3A_2358] : memref<64x1000000xf32, #tpu.memory_space<hbm>> -> memref<64x128xf32, #tpu.memory_space<hbm>>
      tpu.wait_dma2 semaphore(%dma_wait3A_2352 : memref<!tpu.dma_semaphore, #tpu.memory_space<semaphore_mem>>) src(%dma_wait3A_2359 : memref<64x128xf32, #tpu.memory_space<hbm>>) dst(%dma_wait3A_2356 : memref<64x128xf32, #tpu.memory_space<vmem>>)
      %slice3A_2360 = vector.extract_strided_slice %get3A_423 {offsets = [13], sizes = [1], strides = [1]} : vector<16xi32> to vector<1xi32>
      %squeeze3A_2361 = vector.extract %slice3A_2360[0] : i32 from vector<1xi32>
      %and3A_2362 = arith.constant 127 : i32
      %and3A_2363 = arith.andi %squeeze3A_2361, %and3A_2362 : i32
      %broadcast_in_dim3A_2364 = vector.broadcast %and3A_2363 : i32 to vector<16xi32>
      %slice3A_2365 = vector.extract_strided_slice %get3A_425 {offsets = [13], sizes = [1], strides = [1]} : vector<16xi32> to vector<1xi32>
      %squeeze3A_2366 = vector.extract %slice3A_2365[0] : i32 from vector<1xi32>
      %and3A_2367 = arith.constant 127 : i32
      %and3A_2368 = arith.andi %squeeze3A_2366, %and3A_2367 : i32
      %broadcast_in_dim3A_2369 = vector.broadcast %and3A_2368 : i32 to vector<16xi32>
      %gather3A_2370 = arith.constant 5 : i32
      %gather3A_2371 = arith.constant 0 : i32
      %gather3A_2372 = arith.constant 0 : i32
      %gather3A_2373 = tpu.memref_slice %arg11[%gather3A_2370, %gather3A_2371, %gather3A_2372] : memref<8x64x128xf32, #tpu.memory_space<vmem>> -> memref<1x64x128xf32, #tpu.memory_space<vmem>>
      %gather3A_2374 = tpu.memref_squeeze %gather3A_2373 : memref<1x64x128xf32, #tpu.memory_space<vmem>> -> memref<64x128xf32, #tpu.memory_space<vmem>>
      %gather3A_2375 = tpu.vector_load_idx %gather3A_2374[%add3A_5, %broadcast_in_dim3A_2364] : memref<64x128xf32, #tpu.memory_space<vmem>>[vector<16xi32>, vector<16xi32>], vector<16xf32>,
      %gather3A_2376 = arith.constant 1 : i32
      %gather3A_2377 = arith.constant 0 : i32
      %gather3A_2378 = arith.constant 0 : i32
      %gather3A_2379 = tpu.memref_slice %arg12[%gather3A_2376, %gather3A_2377, %gather3A_2378] : memref<4x64x128xf32, #tpu.memory_space<vmem>> -> memref<1x64x128xf32, #tpu.memory_space<vmem>>
      %gather3A_2380 = tpu.memref_squeeze %gather3A_2379 : memref<1x64x128xf32, #tpu.memory_space<vmem>> -> memref<64x128xf32, #tpu.memory_space<vmem>>
      %gather3A_2381 = tpu.vector_load_idx %gather3A_2380[%add3A_5, %broadcast_in_dim3A_2369] : memref<64x128xf32, #tpu.memory_space<vmem>>[vector<16xi32>, vector<16xi32>], vector<16xf32>,
      %mul3A_2382 = arith.mulf %gather3A_2375, %gather3A_2381 : vector<16xf32>
      %gather3A_2383 = arith.constant 5 : i32
      %gather3A_2384 = arith.constant 0 : i32
      %gather3A_2385 = arith.constant 0 : i32
      %gather3A_2386 = tpu.memref_slice %arg11[%gather3A_2383, %gather3A_2384, %gather3A_2385] : memref<8x64x128xf32, #tpu.memory_space<vmem>> -> memref<1x64x128xf32, #tpu.memory_space<vmem>>
      %gather3A_2387 = tpu.memref_squeeze %gather3A_2386 : memref<1x64x128xf32, #tpu.memory_space<vmem>> -> memref<64x128xf32, #tpu.memory_space<vmem>>
      %gather3A_2388 = tpu.vector_load_idx %gather3A_2387[%add3A_8, %broadcast_in_dim3A_2364] : memref<64x128xf32, #tpu.memory_space<vmem>>[vector<16xi32>, vector<16xi32>], vector<16xf32>,
      %gather3A_2389 = arith.constant 1 : i32
      %gather3A_2390 = arith.constant 0 : i32
      %gather3A_2391 = arith.constant 0 : i32
      %gather3A_2392 = tpu.memref_slice %arg12[%gather3A_2389, %gather3A_2390, %gather3A_2391] : memref<4x64x128xf32, #tpu.memory_space<vmem>> -> memref<1x64x128xf32, #tpu.memory_space<vmem>>
      %gather3A_2393 = tpu.memref_squeeze %gather3A_2392 : memref<1x64x128xf32, #tpu.memory_space<vmem>> -> memref<64x128xf32, #tpu.memory_space<vmem>>
      %gather3A_2394 = tpu.vector_load_idx %gather3A_2393[%add3A_8, %broadcast_in_dim3A_2369] : memref<64x128xf32, #tpu.memory_space<vmem>>[vector<16xi32>, vector<16xi32>], vector<16xf32>,
      %mul3A_2395 = arith.mulf %gather3A_2388, %gather3A_2394 : vector<16xf32>
      %add3A_2396 = arith.addf %mul3A_2382, %mul3A_2395 : vector<16xf32>
      %gather3A_2397 = arith.constant 5 : i32
      %gather3A_2398 = arith.constant 0 : i32
      %gather3A_2399 = arith.constant 0 : i32
      %gather3A_2400 = tpu.memref_slice %arg11[%gather3A_2397, %gather3A_2398, %gather3A_2399] : memref<8x64x128xf32, #tpu.memory_space<vmem>> -> memref<1x64x128xf32, #tpu.memory_space<vmem>>
      %gather3A_2401 = tpu.memref_squeeze %gather3A_2400 : memref<1x64x128xf32, #tpu.memory_space<vmem>> -> memref<64x128xf32, #tpu.memory_space<vmem>>
      %gather3A_2402 = tpu.vector_load_idx %gather3A_2401[%add3A_11, %broadcast_in_dim3A_2364] : memref<64x128xf32, #tpu.memory_space<vmem>>[vector<16xi32>, vector<16xi32>], vector<16xf32>,
      %gather3A_2403 = arith.constant 1 : i32
      %gather3A_2404 = arith.constant 0 : i32
      %gather3A_2405 = arith.constant 0 : i32
      %gather3A_2406 = tpu.memref_slice %arg12[%gather3A_2403, %gather3A_2404, %gather3A_2405] : memref<4x64x128xf32, #tpu.memory_space<vmem>> -> memref<1x64x128xf32, #tpu.memory_space<vmem>>
      %gather3A_2407 = tpu.memref_squeeze %gather3A_2406 : memref<1x64x128xf32, #tpu.memory_space<vmem>> -> memref<64x128xf32, #tpu.memory_space<vmem>>
      %gather3A_2408 = tpu.vector_load_idx %gather3A_2407[%add3A_11, %broadcast_in_dim3A_2369] : memref<64x128xf32, #tpu.memory_space<vmem>>[vector<16xi32>, vector<16xi32>], vector<16xf32>,
      %mul3A_2409 = arith.mulf %gather3A_2402, %gather3A_2408 : vector<16xf32>
      %add3A_2410 = arith.addf %add3A_2396, %mul3A_2409 : vector<16xf32>
      %gather3A_2411 = arith.constant 5 : i32
      %gather3A_2412 = arith.constant 0 : i32
      %gather3A_2413 = arith.constant 0 : i32
      %gather3A_2414 = tpu.memref_slice %arg11[%gather3A_2411, %gather3A_2412, %gather3A_2413] : memref<8x64x128xf32, #tpu.memory_space<vmem>> -> memref<1x64x128xf32, #tpu.memory_space<vmem>>
      %gather3A_2415 = tpu.memref_squeeze %gather3A_2414 : memref<1x64x128xf32, #tpu.memory_space<vmem>> -> memref<64x128xf32, #tpu.memory_space<vmem>>
      %gather3A_2416 = tpu.vector_load_idx %gather3A_2415[%add3A_14, %broadcast_in_dim3A_2364] : memref<64x128xf32, #tpu.memory_space<vmem>>[vector<16xi32>, vector<16xi32>], vector<16xf32>,
      %gather3A_2417 = arith.constant 1 : i32
      %gather3A_2418 = arith.constant 0 : i32
      %gather3A_2419 = arith.constant 0 : i32
      %gather3A_2420 = tpu.memref_slice %arg12[%gather3A_2417, %gather3A_2418, %gather3A_2419] : memref<4x64x128xf32, #tpu.memory_space<vmem>> -> memref<1x64x128xf32, #tpu.memory_space<vmem>>
      %gather3A_2421 = tpu.memref_squeeze %gather3A_2420 : memref<1x64x128xf32, #tpu.memory_space<vmem>> -> memref<64x128xf32, #tpu.memory_space<vmem>>
      %gather3A_2422 = tpu.vector_load_idx %gather3A_2421[%add3A_14, %broadcast_in_dim3A_2369] : memref<64x128xf32, #tpu.memory_space<vmem>>[vector<16xi32>, vector<16xi32>], vector<16xf32>,
      %mul3A_2423 = arith.mulf %gather3A_2416, %gather3A_2422 : vector<16xf32>
      %add3A_2424 = arith.addf %add3A_2410, %mul3A_2423 : vector<16xf32>
      %reduce_sum3A_2425 = arith.constant true
      %reduce_sum3A_2426 = vector.broadcast %reduce_sum3A_2425 : i1 to vector<16xi1>
      %reduce_sum3A_2427 = tpu.scan <sum>, %add3A_2424 masked %reduce_sum3A_2426 : vector<16xf32>, vector<16xi1> -> vector<16xf32>
      %reduce_sum3A_2428 = vector.extract %reduce_sum3A_2427[15] : f32 from vector<16xf32>
      %mul3A_2429 = vector.broadcast %reduce_sum3A_2428 : f32 to vector<16xf32>
      %mul3A_2430 = arith.mulf %mul3A_2429, %select_n3A_122 : vector<16xf32>
      %add3A_2431 = arith.addf %add3A_2313, %mul3A_2430 : vector<16xf32>
      %lt3A_2432 = arith.constant 31 : i32
      %lt3A_2433 = arith.cmpi slt, %scan3A_418, %lt3A_2432 : i32
      %convert_element_type3A_2434 = arith.extui %lt3A_2433 : i1 to i32
      %cond3A_2435 = arith.constant 0 : i32
      %cond3A_2436 = arith.cmpi ne, %convert_element_type3A_2434, %cond3A_2435 : i32
      scf.if %cond3A_2436 {
        %slice3A_2681 = vector.extract_strided_slice %get3A_432 {offsets = [5], sizes = [1], strides = [1]} : vector<16xi32> to vector<1xi32>
        %squeeze3A_2682 = vector.extract %slice3A_2681[0] : i32 from vector<1xi32>
        %shift_right_arithmetic3A_2683 = arith.constant 7 : i32
        %shift_right_arithmetic3A_2684 = arith.shrsi %squeeze3A_2682, %shift_right_arithmetic3A_2683 : i32
        %shift_left3A_2685 = arith.constant 7 : i32
        %shift_left3A_2686 = arith.shli %shift_right_arithmetic3A_2684, %shift_left3A_2685 : i32
        %multiple_of3A_2687 = tpu.assume_multiple %shift_left3A_2686, 128 : i32
        %dma_start3A_2688 = arith.constant 5 : i32
        %dma_start3A_2689 = arith.constant 5 : i32
        %dma_start3A_2690 = arith.constant 0 : i32
        %dma_start3A_2691 = arith.constant 0 : i32
        %dma_start3A_2692 = tpu.memref_slice %arg11[%dma_start3A_2688, %dma_start3A_2690, %dma_start3A_2691] : memref<8x64x128xf32, #tpu.memory_space<vmem>> -> memref<1x64x128xf32, #tpu.memory_space<vmem>>
        %dma_start3A_2693 = tpu.memref_squeeze %dma_start3A_2692 : memref<1x64x128xf32, #tpu.memory_space<vmem>> -> memref<64x128xf32, #tpu.memory_space<vmem>>
        %dma_start3A_2694 = arith.constant 0 : i32
        %dma_start3A_2695 = tpu.memref_slice %arg5[%dma_start3A_2694, %multiple_of3A_2687] : memref<64x1000000xf32, #tpu.memory_space<hbm>> -> memref<64x128xf32, #tpu.memory_space<hbm>>
        %dma_start3A_2696 = tpu.memref_slice %arg14[%dma_start3A_2689] : memref<8x!tpu.dma_semaphore, #tpu.memory_space<semaphore_mem>> -> memref<1x!tpu.dma_semaphore, #tpu.memory_space<semaphore_mem>>
        %dma_start3A_2697 = tpu.memref_squeeze %dma_start3A_2696 : memref<1x!tpu.dma_semaphore, #tpu.memory_space<semaphore_mem>> -> memref<!tpu.dma_semaphore, #tpu.memory_space<semaphore_mem>>
        %dma_start3A_2698 = arith.constant 0 : i32
        %dma_start3A_2699 = arith.constant 0 : i32
        %dma_start3A_2700 = tpu.memref_slice %arg11[%dma_start3A_2688, %dma_start3A_2698, %dma_start3A_2699] : memref<8x64x128xf32, #tpu.memory_space<vmem>> -> memref<1x64x128xf32, #tpu.memory_space<vmem>>
        %dma_start3A_2701 = tpu.memref_squeeze %dma_start3A_2700 : memref<1x64x128xf32, #tpu.memory_space<vmem>> -> memref<64x128xf32, #tpu.memory_space<vmem>>
        %dma_start3A_2702 = arith.constant 0 : i32
        %dma_start3A_2703 = tpu.memref_slice %arg5[%dma_start3A_2702, %multiple_of3A_2687] : memref<64x1000000xf32, #tpu.memory_space<hbm>> -> memref<64x128xf32, #tpu.memory_space<hbm>>
        tpu.enqueue_dma source(%dma_start3A_2703 : memref<64x128xf32, #tpu.memory_space<hbm>>) target(%dma_start3A_2701 : memref<64x128xf32, #tpu.memory_space<vmem>>) target_semaphore(%dma_start3A_2697 : memref<!tpu.dma_semaphore, #tpu.memory_space<semaphore_mem>>)
      } else {
      }
      %lt3A_2437 = arith.constant 31 : i32
      %lt3A_2438 = arith.cmpi slt, %scan3A_418, %lt3A_2437 : i32
      %convert_element_type3A_2439 = arith.extui %lt3A_2438 : i1 to i32
      %cond3A_2440 = arith.constant 0 : i32
      %cond3A_2441 = arith.cmpi ne, %convert_element_type3A_2439, %cond3A_2440 : i32
      scf.if %cond3A_2441 {
        %slice3A_2681 = vector.extract_strided_slice %get3A_434 {offsets = [1], sizes = [1], strides = [1]} : vector<16xi32> to vector<1xi32>
        %squeeze3A_2682 = vector.extract %slice3A_2681[0] : i32 from vector<1xi32>
        %shift_right_arithmetic3A_2683 = arith.constant 7 : i32
        %shift_right_arithmetic3A_2684 = arith.shrsi %squeeze3A_2682, %shift_right_arithmetic3A_2683 : i32
        %shift_left3A_2685 = arith.constant 7 : i32
        %shift_left3A_2686 = arith.shli %shift_right_arithmetic3A_2684, %shift_left3A_2685 : i32
        %multiple_of3A_2687 = tpu.assume_multiple %shift_left3A_2686, 128 : i32
        %dma_start3A_2688 = arith.constant 1 : i32
        %dma_start3A_2689 = arith.constant 1 : i32
        %dma_start3A_2690 = arith.constant 0 : i32
        %dma_start3A_2691 = arith.constant 0 : i32
        %dma_start3A_2692 = tpu.memref_slice %arg12[%dma_start3A_2688, %dma_start3A_2690, %dma_start3A_2691] : memref<4x64x128xf32, #tpu.memory_space<vmem>> -> memref<1x64x128xf32, #tpu.memory_space<vmem>>
        %dma_start3A_2693 = tpu.memref_squeeze %dma_start3A_2692 : memref<1x64x128xf32, #tpu.memory_space<vmem>> -> memref<64x128xf32, #tpu.memory_space<vmem>>
        %dma_start3A_2694 = arith.constant 0 : i32
        %dma_start3A_2695 = tpu.memref_slice %arg6[%dma_start3A_2694, %multiple_of3A_2687] : memref<64x1000000xf32, #tpu.memory_space<hbm>> -> memref<64x128xf32, #tpu.memory_space<hbm>>
        %dma_start3A_2696 = tpu.memref_slice %arg15[%dma_start3A_2689] : memref<4x!tpu.dma_semaphore, #tpu.memory_space<semaphore_mem>> -> memref<1x!tpu.dma_semaphore, #tpu.memory_space<semaphore_mem>>
        %dma_start3A_2697 = tpu.memref_squeeze %dma_start3A_2696 : memref<1x!tpu.dma_semaphore, #tpu.memory_space<semaphore_mem>> -> memref<!tpu.dma_semaphore, #tpu.memory_space<semaphore_mem>>
        %dma_start3A_2698 = arith.constant 0 : i32
        %dma_start3A_2699 = arith.constant 0 : i32
        %dma_start3A_2700 = tpu.memref_slice %arg12[%dma_start3A_2688, %dma_start3A_2698, %dma_start3A_2699] : memref<4x64x128xf32, #tpu.memory_space<vmem>> -> memref<1x64x128xf32, #tpu.memory_space<vmem>>
        %dma_start3A_2701 = tpu.memref_squeeze %dma_start3A_2700 : memref<1x64x128xf32, #tpu.memory_space<vmem>> -> memref<64x128xf32, #tpu.memory_space<vmem>>
        %dma_start3A_2702 = arith.constant 0 : i32
        %dma_start3A_2703 = tpu.memref_slice %arg6[%dma_start3A_2702, %multiple_of3A_2687] : memref<64x1000000xf32, #tpu.memory_space<hbm>> -> memref<64x128xf32, #tpu.memory_space<hbm>>
        tpu.enqueue_dma source(%dma_start3A_2703 : memref<64x128xf32, #tpu.memory_space<hbm>>) target(%dma_start3A_2701 : memref<64x128xf32, #tpu.memory_space<vmem>>) target_semaphore(%dma_start3A_2697 : memref<!tpu.dma_semaphore, #tpu.memory_space<semaphore_mem>>)
      } else {
      }
      %dma_wait3A_2442 = arith.constant 6 : i32
      %dma_wait3A_2443 = arith.constant 6 : i32
      %dma_wait3A_2444 = arith.constant 0 : i32
      %dma_wait3A_2445 = arith.constant 0 : i32
      %dma_wait3A_2446 = tpu.memref_slice %arg11[%dma_wait3A_2442, %dma_wait3A_2444, %dma_wait3A_2445] : memref<8x64x128xf32, #tpu.memory_space<vmem>> -> memref<1x64x128xf32, #tpu.memory_space<vmem>>
      %dma_wait3A_2447 = tpu.memref_squeeze %dma_wait3A_2446 : memref<1x64x128xf32, #tpu.memory_space<vmem>> -> memref<64x128xf32, #tpu.memory_space<vmem>>
      %dma_wait3A_2448 = arith.constant 0 : i32
      %dma_wait3A_2449 = arith.constant 0 : i32
      %dma_wait3A_2450 = tpu.memref_slice %arg5[%dma_wait3A_2448, %dma_wait3A_2449] : memref<64x1000000xf32, #tpu.memory_space<hbm>> -> memref<64x128xf32, #tpu.memory_space<hbm>>
      %dma_wait3A_2451 = tpu.memref_slice %arg14[%dma_wait3A_2443] : memref<8x!tpu.dma_semaphore, #tpu.memory_space<semaphore_mem>> -> memref<1x!tpu.dma_semaphore, #tpu.memory_space<semaphore_mem>>
      %dma_wait3A_2452 = tpu.memref_squeeze %dma_wait3A_2451 : memref<1x!tpu.dma_semaphore, #tpu.memory_space<semaphore_mem>> -> memref<!tpu.dma_semaphore, #tpu.memory_space<semaphore_mem>>
      %dma_wait3A_2453 = arith.constant 0 : i32
      %dma_wait3A_2454 = arith.constant 0 : i32
      %dma_wait3A_2455 = tpu.memref_slice %arg11[%dma_wait3A_2442, %dma_wait3A_2453, %dma_wait3A_2454] : memref<8x64x128xf32, #tpu.memory_space<vmem>> -> memref<1x64x128xf32, #tpu.memory_space<vmem>>
      %dma_wait3A_2456 = tpu.memref_squeeze %dma_wait3A_2455 : memref<1x64x128xf32, #tpu.memory_space<vmem>> -> memref<64x128xf32, #tpu.memory_space<vmem>>
      %dma_wait3A_2457 = arith.constant 0 : i32
      %dma_wait3A_2458 = arith.constant 0 : i32
      %dma_wait3A_2459 = tpu.memref_slice %arg5[%dma_wait3A_2457, %dma_wait3A_2458] : memref<64x1000000xf32, #tpu.memory_space<hbm>> -> memref<64x128xf32, #tpu.memory_space<hbm>>
      tpu.wait_dma2 semaphore(%dma_wait3A_2452 : memref<!tpu.dma_semaphore, #tpu.memory_space<semaphore_mem>>) src(%dma_wait3A_2459 : memref<64x128xf32, #tpu.memory_space<hbm>>) dst(%dma_wait3A_2456 : memref<64x128xf32, #tpu.memory_space<vmem>>)
      %dma_wait3A_2460 = arith.constant 2 : i32
      %dma_wait3A_2461 = arith.constant 2 : i32
      %dma_wait3A_2462 = arith.constant 0 : i32
      %dma_wait3A_2463 = arith.constant 0 : i32
      %dma_wait3A_2464 = tpu.memref_slice %arg12[%dma_wait3A_2460, %dma_wait3A_2462, %dma_wait3A_2463] : memref<4x64x128xf32, #tpu.memory_space<vmem>> -> memref<1x64x128xf32, #tpu.memory_space<vmem>>
      %dma_wait3A_2465 = tpu.memref_squeeze %dma_wait3A_2464 : memref<1x64x128xf32, #tpu.memory_space<vmem>> -> memref<64x128xf32, #tpu.memory_space<vmem>>
      %dma_wait3A_2466 = arith.constant 0 : i32
      %dma_wait3A_2467 = arith.constant 0 : i32
      %dma_wait3A_2468 = tpu.memref_slice %arg6[%dma_wait3A_2466, %dma_wait3A_2467] : memref<64x1000000xf32, #tpu.memory_space<hbm>> -> memref<64x128xf32, #tpu.memory_space<hbm>>
      %dma_wait3A_2469 = tpu.memref_slice %arg15[%dma_wait3A_2461] : memref<4x!tpu.dma_semaphore, #tpu.memory_space<semaphore_mem>> -> memref<1x!tpu.dma_semaphore, #tpu.memory_space<semaphore_mem>>
      %dma_wait3A_2470 = tpu.memref_squeeze %dma_wait3A_2469 : memref<1x!tpu.dma_semaphore, #tpu.memory_space<semaphore_mem>> -> memref<!tpu.dma_semaphore, #tpu.memory_space<semaphore_mem>>
      %dma_wait3A_2471 = arith.constant 0 : i32
      %dma_wait3A_2472 = arith.constant 0 : i32
      %dma_wait3A_2473 = tpu.memref_slice %arg12[%dma_wait3A_2460, %dma_wait3A_2471, %dma_wait3A_2472] : memref<4x64x128xf32, #tpu.memory_space<vmem>> -> memref<1x64x128xf32, #tpu.memory_space<vmem>>
      %dma_wait3A_2474 = tpu.memref_squeeze %dma_wait3A_2473 : memref<1x64x128xf32, #tpu.memory_space<vmem>> -> memref<64x128xf32, #tpu.memory_space<vmem>>
      %dma_wait3A_2475 = arith.constant 0 : i32
      %dma_wait3A_2476 = arith.constant 0 : i32
      %dma_wait3A_2477 = tpu.memref_slice %arg6[%dma_wait3A_2475, %dma_wait3A_2476] : memref<64x1000000xf32, #tpu.memory_space<hbm>> -> memref<64x128xf32, #tpu.memory_space<hbm>>
      tpu.wait_dma2 semaphore(%dma_wait3A_2470 : memref<!tpu.dma_semaphore, #tpu.memory_space<semaphore_mem>>) src(%dma_wait3A_2477 : memref<64x128xf32, #tpu.memory_space<hbm>>) dst(%dma_wait3A_2474 : memref<64x128xf32, #tpu.memory_space<vmem>>)
      %slice3A_2478 = vector.extract_strided_slice %get3A_423 {offsets = [14], sizes = [1], strides = [1]} : vector<16xi32> to vector<1xi32>
      %squeeze3A_2479 = vector.extract %slice3A_2478[0] : i32 from vector<1xi32>
      %and3A_2480 = arith.constant 127 : i32
      %and3A_2481 = arith.andi %squeeze3A_2479, %and3A_2480 : i32
      %broadcast_in_dim3A_2482 = vector.broadcast %and3A_2481 : i32 to vector<16xi32>
      %slice3A_2483 = vector.extract_strided_slice %get3A_425 {offsets = [14], sizes = [1], strides = [1]} : vector<16xi32> to vector<1xi32>
      %squeeze3A_2484 = vector.extract %slice3A_2483[0] : i32 from vector<1xi32>
      %and3A_2485 = arith.constant 127 : i32
      %and3A_2486 = arith.andi %squeeze3A_2484, %and3A_2485 : i32
      %broadcast_in_dim3A_2487 = vector.broadcast %and3A_2486 : i32 to vector<16xi32>
      %gather3A_2488 = arith.constant 6 : i32
      %gather3A_2489 = arith.constant 0 : i32
      %gather3A_2490 = arith.constant 0 : i32
      %gather3A_2491 = tpu.memref_slice %arg11[%gather3A_2488, %gather3A_2489, %gather3A_2490] : memref<8x64x128xf32, #tpu.memory_space<vmem>> -> memref<1x64x128xf32, #tpu.memory_space<vmem>>
      %gather3A_2492 = tpu.memref_squeeze %gather3A_2491 : memref<1x64x128xf32, #tpu.memory_space<vmem>> -> memref<64x128xf32, #tpu.memory_space<vmem>>
      %gather3A_2493 = tpu.vector_load_idx %gather3A_2492[%add3A_5, %broadcast_in_dim3A_2482] : memref<64x128xf32, #tpu.memory_space<vmem>>[vector<16xi32>, vector<16xi32>], vector<16xf32>,
      %gather3A_2494 = arith.constant 2 : i32
      %gather3A_2495 = arith.constant 0 : i32
      %gather3A_2496 = arith.constant 0 : i32
      %gather3A_2497 = tpu.memref_slice %arg12[%gather3A_2494, %gather3A_2495, %gather3A_2496] : memref<4x64x128xf32, #tpu.memory_space<vmem>> -> memref<1x64x128xf32, #tpu.memory_space<vmem>>
      %gather3A_2498 = tpu.memref_squeeze %gather3A_2497 : memref<1x64x128xf32, #tpu.memory_space<vmem>> -> memref<64x128xf32, #tpu.memory_space<vmem>>
      %gather3A_2499 = tpu.vector_load_idx %gather3A_2498[%add3A_5, %broadcast_in_dim3A_2487] : memref<64x128xf32, #tpu.memory_space<vmem>>[vector<16xi32>, vector<16xi32>], vector<16xf32>,
      %mul3A_2500 = arith.mulf %gather3A_2493, %gather3A_2499 : vector<16xf32>
      %gather3A_2501 = arith.constant 6 : i32
      %gather3A_2502 = arith.constant 0 : i32
      %gather3A_2503 = arith.constant 0 : i32
      %gather3A_2504 = tpu.memref_slice %arg11[%gather3A_2501, %gather3A_2502, %gather3A_2503] : memref<8x64x128xf32, #tpu.memory_space<vmem>> -> memref<1x64x128xf32, #tpu.memory_space<vmem>>
      %gather3A_2505 = tpu.memref_squeeze %gather3A_2504 : memref<1x64x128xf32, #tpu.memory_space<vmem>> -> memref<64x128xf32, #tpu.memory_space<vmem>>
      %gather3A_2506 = tpu.vector_load_idx %gather3A_2505[%add3A_8, %broadcast_in_dim3A_2482] : memref<64x128xf32, #tpu.memory_space<vmem>>[vector<16xi32>, vector<16xi32>], vector<16xf32>,
      %gather3A_2507 = arith.constant 2 : i32
      %gather3A_2508 = arith.constant 0 : i32
      %gather3A_2509 = arith.constant 0 : i32
      %gather3A_2510 = tpu.memref_slice %arg12[%gather3A_2507, %gather3A_2508, %gather3A_2509] : memref<4x64x128xf32, #tpu.memory_space<vmem>> -> memref<1x64x128xf32, #tpu.memory_space<vmem>>
      %gather3A_2511 = tpu.memref_squeeze %gather3A_2510 : memref<1x64x128xf32, #tpu.memory_space<vmem>> -> memref<64x128xf32, #tpu.memory_space<vmem>>
      %gather3A_2512 = tpu.vector_load_idx %gather3A_2511[%add3A_8, %broadcast_in_dim3A_2487] : memref<64x128xf32, #tpu.memory_space<vmem>>[vector<16xi32>, vector<16xi32>], vector<16xf32>,
      %mul3A_2513 = arith.mulf %gather3A_2506, %gather3A_2512 : vector<16xf32>
      %add3A_2514 = arith.addf %mul3A_2500, %mul3A_2513 : vector<16xf32>
      %gather3A_2515 = arith.constant 6 : i32
      %gather3A_2516 = arith.constant 0 : i32
      %gather3A_2517 = arith.constant 0 : i32
      %gather3A_2518 = tpu.memref_slice %arg11[%gather3A_2515, %gather3A_2516, %gather3A_2517] : memref<8x64x128xf32, #tpu.memory_space<vmem>> -> memref<1x64x128xf32, #tpu.memory_space<vmem>>
      %gather3A_2519 = tpu.memref_squeeze %gather3A_2518 : memref<1x64x128xf32, #tpu.memory_space<vmem>> -> memref<64x128xf32, #tpu.memory_space<vmem>>
      %gather3A_2520 = tpu.vector_load_idx %gather3A_2519[%add3A_11, %broadcast_in_dim3A_2482] : memref<64x128xf32, #tpu.memory_space<vmem>>[vector<16xi32>, vector<16xi32>], vector<16xf32>,
      %gather3A_2521 = arith.constant 2 : i32
      %gather3A_2522 = arith.constant 0 : i32
      %gather3A_2523 = arith.constant 0 : i32
      %gather3A_2524 = tpu.memref_slice %arg12[%gather3A_2521, %gather3A_2522, %gather3A_2523] : memref<4x64x128xf32, #tpu.memory_space<vmem>> -> memref<1x64x128xf32, #tpu.memory_space<vmem>>
      %gather3A_2525 = tpu.memref_squeeze %gather3A_2524 : memref<1x64x128xf32, #tpu.memory_space<vmem>> -> memref<64x128xf32, #tpu.memory_space<vmem>>
      %gather3A_2526 = tpu.vector_load_idx %gather3A_2525[%add3A_11, %broadcast_in_dim3A_2487] : memref<64x128xf32, #tpu.memory_space<vmem>>[vector<16xi32>, vector<16xi32>], vector<16xf32>,
      %mul3A_2527 = arith.mulf %gather3A_2520, %gather3A_2526 : vector<16xf32>
      %add3A_2528 = arith.addf %add3A_2514, %mul3A_2527 : vector<16xf32>
      %gather3A_2529 = arith.constant 6 : i32
      %gather3A_2530 = arith.constant 0 : i32
      %gather3A_2531 = arith.constant 0 : i32
      %gather3A_2532 = tpu.memref_slice %arg11[%gather3A_2529, %gather3A_2530, %gather3A_2531] : memref<8x64x128xf32, #tpu.memory_space<vmem>> -> memref<1x64x128xf32, #tpu.memory_space<vmem>>
      %gather3A_2533 = tpu.memref_squeeze %gather3A_2532 : memref<1x64x128xf32, #tpu.memory_space<vmem>> -> memref<64x128xf32, #tpu.memory_space<vmem>>
      %gather3A_2534 = tpu.vector_load_idx %gather3A_2533[%add3A_14, %broadcast_in_dim3A_2482] : memref<64x128xf32, #tpu.memory_space<vmem>>[vector<16xi32>, vector<16xi32>], vector<16xf32>,
      %gather3A_2535 = arith.constant 2 : i32
      %gather3A_2536 = arith.constant 0 : i32
      %gather3A_2537 = arith.constant 0 : i32
      %gather3A_2538 = tpu.memref_slice %arg12[%gather3A_2535, %gather3A_2536, %gather3A_2537] : memref<4x64x128xf32, #tpu.memory_space<vmem>> -> memref<1x64x128xf32, #tpu.memory_space<vmem>>
      %gather3A_2539 = tpu.memref_squeeze %gather3A_2538 : memref<1x64x128xf32, #tpu.memory_space<vmem>> -> memref<64x128xf32, #tpu.memory_space<vmem>>
      %gather3A_2540 = tpu.vector_load_idx %gather3A_2539[%add3A_14, %broadcast_in_dim3A_2487] : memref<64x128xf32, #tpu.memory_space<vmem>>[vector<16xi32>, vector<16xi32>], vector<16xf32>,
      %mul3A_2541 = arith.mulf %gather3A_2534, %gather3A_2540 : vector<16xf32>
      %add3A_2542 = arith.addf %add3A_2528, %mul3A_2541 : vector<16xf32>
      %reduce_sum3A_2543 = arith.constant true
      %reduce_sum3A_2544 = vector.broadcast %reduce_sum3A_2543 : i1 to vector<16xi1>
      %reduce_sum3A_2545 = tpu.scan <sum>, %add3A_2542 masked %reduce_sum3A_2544 : vector<16xf32>, vector<16xi1> -> vector<16xf32>
      %reduce_sum3A_2546 = vector.extract %reduce_sum3A_2545[15] : f32 from vector<16xf32>
      %mul3A_2547 = vector.broadcast %reduce_sum3A_2546 : f32 to vector<16xf32>
      %mul3A_2548 = arith.mulf %mul3A_2547, %select_n3A_130 : vector<16xf32>
      %add3A_2549 = arith.addf %add3A_2431, %mul3A_2548 : vector<16xf32>
      %lt3A_2550 = arith.constant 31 : i32
      %lt3A_2551 = arith.cmpi slt, %scan3A_418, %lt3A_2550 : i32
      %convert_element_type3A_2552 = arith.extui %lt3A_2551 : i1 to i32
      %cond3A_2553 = arith.constant 0 : i32
      %cond3A_2554 = arith.cmpi ne, %convert_element_type3A_2552, %cond3A_2553 : i32
      scf.if %cond3A_2554 {
        %slice3A_2681 = vector.extract_strided_slice %get3A_432 {offsets = [6], sizes = [1], strides = [1]} : vector<16xi32> to vector<1xi32>
        %squeeze3A_2682 = vector.extract %slice3A_2681[0] : i32 from vector<1xi32>
        %shift_right_arithmetic3A_2683 = arith.constant 7 : i32
        %shift_right_arithmetic3A_2684 = arith.shrsi %squeeze3A_2682, %shift_right_arithmetic3A_2683 : i32
        %shift_left3A_2685 = arith.constant 7 : i32
        %shift_left3A_2686 = arith.shli %shift_right_arithmetic3A_2684, %shift_left3A_2685 : i32
        %multiple_of3A_2687 = tpu.assume_multiple %shift_left3A_2686, 128 : i32
        %dma_start3A_2688 = arith.constant 6 : i32
        %dma_start3A_2689 = arith.constant 6 : i32
        %dma_start3A_2690 = arith.constant 0 : i32
        %dma_start3A_2691 = arith.constant 0 : i32
        %dma_start3A_2692 = tpu.memref_slice %arg11[%dma_start3A_2688, %dma_start3A_2690, %dma_start3A_2691] : memref<8x64x128xf32, #tpu.memory_space<vmem>> -> memref<1x64x128xf32, #tpu.memory_space<vmem>>
        %dma_start3A_2693 = tpu.memref_squeeze %dma_start3A_2692 : memref<1x64x128xf32, #tpu.memory_space<vmem>> -> memref<64x128xf32, #tpu.memory_space<vmem>>
        %dma_start3A_2694 = arith.constant 0 : i32
        %dma_start3A_2695 = tpu.memref_slice %arg5[%dma_start3A_2694, %multiple_of3A_2687] : memref<64x1000000xf32, #tpu.memory_space<hbm>> -> memref<64x128xf32, #tpu.memory_space<hbm>>
        %dma_start3A_2696 = tpu.memref_slice %arg14[%dma_start3A_2689] : memref<8x!tpu.dma_semaphore, #tpu.memory_space<semaphore_mem>> -> memref<1x!tpu.dma_semaphore, #tpu.memory_space<semaphore_mem>>
        %dma_start3A_2697 = tpu.memref_squeeze %dma_start3A_2696 : memref<1x!tpu.dma_semaphore, #tpu.memory_space<semaphore_mem>> -> memref<!tpu.dma_semaphore, #tpu.memory_space<semaphore_mem>>
        %dma_start3A_2698 = arith.constant 0 : i32
        %dma_start3A_2699 = arith.constant 0 : i32
        %dma_start3A_2700 = tpu.memref_slice %arg11[%dma_start3A_2688, %dma_start3A_2698, %dma_start3A_2699] : memref<8x64x128xf32, #tpu.memory_space<vmem>> -> memref<1x64x128xf32, #tpu.memory_space<vmem>>
        %dma_start3A_2701 = tpu.memref_squeeze %dma_start3A_2700 : memref<1x64x128xf32, #tpu.memory_space<vmem>> -> memref<64x128xf32, #tpu.memory_space<vmem>>
        %dma_start3A_2702 = arith.constant 0 : i32
        %dma_start3A_2703 = tpu.memref_slice %arg5[%dma_start3A_2702, %multiple_of3A_2687] : memref<64x1000000xf32, #tpu.memory_space<hbm>> -> memref<64x128xf32, #tpu.memory_space<hbm>>
        tpu.enqueue_dma source(%dma_start3A_2703 : memref<64x128xf32, #tpu.memory_space<hbm>>) target(%dma_start3A_2701 : memref<64x128xf32, #tpu.memory_space<vmem>>) target_semaphore(%dma_start3A_2697 : memref<!tpu.dma_semaphore, #tpu.memory_space<semaphore_mem>>)
      } else {
      }
      %lt3A_2555 = arith.constant 31 : i32
      %lt3A_2556 = arith.cmpi slt, %scan3A_418, %lt3A_2555 : i32
      %convert_element_type3A_2557 = arith.extui %lt3A_2556 : i1 to i32
      %cond3A_2558 = arith.constant 0 : i32
      %cond3A_2559 = arith.cmpi ne, %convert_element_type3A_2557, %cond3A_2558 : i32
      scf.if %cond3A_2559 {
        %slice3A_2681 = vector.extract_strided_slice %get3A_434 {offsets = [2], sizes = [1], strides = [1]} : vector<16xi32> to vector<1xi32>
        %squeeze3A_2682 = vector.extract %slice3A_2681[0] : i32 from vector<1xi32>
        %shift_right_arithmetic3A_2683 = arith.constant 7 : i32
        %shift_right_arithmetic3A_2684 = arith.shrsi %squeeze3A_2682, %shift_right_arithmetic3A_2683 : i32
        %shift_left3A_2685 = arith.constant 7 : i32
        %shift_left3A_2686 = arith.shli %shift_right_arithmetic3A_2684, %shift_left3A_2685 : i32
        %multiple_of3A_2687 = tpu.assume_multiple %shift_left3A_2686, 128 : i32
        %dma_start3A_2688 = arith.constant 2 : i32
        %dma_start3A_2689 = arith.constant 2 : i32
        %dma_start3A_2690 = arith.constant 0 : i32
        %dma_start3A_2691 = arith.constant 0 : i32
        %dma_start3A_2692 = tpu.memref_slice %arg12[%dma_start3A_2688, %dma_start3A_2690, %dma_start3A_2691] : memref<4x64x128xf32, #tpu.memory_space<vmem>> -> memref<1x64x128xf32, #tpu.memory_space<vmem>>
        %dma_start3A_2693 = tpu.memref_squeeze %dma_start3A_2692 : memref<1x64x128xf32, #tpu.memory_space<vmem>> -> memref<64x128xf32, #tpu.memory_space<vmem>>
        %dma_start3A_2694 = arith.constant 0 : i32
        %dma_start3A_2695 = tpu.memref_slice %arg6[%dma_start3A_2694, %multiple_of3A_2687] : memref<64x1000000xf32, #tpu.memory_space<hbm>> -> memref<64x128xf32, #tpu.memory_space<hbm>>
        %dma_start3A_2696 = tpu.memref_slice %arg15[%dma_start3A_2689] : memref<4x!tpu.dma_semaphore, #tpu.memory_space<semaphore_mem>> -> memref<1x!tpu.dma_semaphore, #tpu.memory_space<semaphore_mem>>
        %dma_start3A_2697 = tpu.memref_squeeze %dma_start3A_2696 : memref<1x!tpu.dma_semaphore, #tpu.memory_space<semaphore_mem>> -> memref<!tpu.dma_semaphore, #tpu.memory_space<semaphore_mem>>
        %dma_start3A_2698 = arith.constant 0 : i32
        %dma_start3A_2699 = arith.constant 0 : i32
        %dma_start3A_2700 = tpu.memref_slice %arg12[%dma_start3A_2688, %dma_start3A_2698, %dma_start3A_2699] : memref<4x64x128xf32, #tpu.memory_space<vmem>> -> memref<1x64x128xf32, #tpu.memory_space<vmem>>
        %dma_start3A_2701 = tpu.memref_squeeze %dma_start3A_2700 : memref<1x64x128xf32, #tpu.memory_space<vmem>> -> memref<64x128xf32, #tpu.memory_space<vmem>>
        %dma_start3A_2702 = arith.constant 0 : i32
        %dma_start3A_2703 = tpu.memref_slice %arg6[%dma_start3A_2702, %multiple_of3A_2687] : memref<64x1000000xf32, #tpu.memory_space<hbm>> -> memref<64x128xf32, #tpu.memory_space<hbm>>
        tpu.enqueue_dma source(%dma_start3A_2703 : memref<64x128xf32, #tpu.memory_space<hbm>>) target(%dma_start3A_2701 : memref<64x128xf32, #tpu.memory_space<vmem>>) target_semaphore(%dma_start3A_2697 : memref<!tpu.dma_semaphore, #tpu.memory_space<semaphore_mem>>)
      } else {
      }
      %dma_wait3A_2560 = arith.constant 7 : i32
      %dma_wait3A_2561 = arith.constant 7 : i32
      %dma_wait3A_2562 = arith.constant 0 : i32
      %dma_wait3A_2563 = arith.constant 0 : i32
      %dma_wait3A_2564 = tpu.memref_slice %arg11[%dma_wait3A_2560, %dma_wait3A_2562, %dma_wait3A_2563] : memref<8x64x128xf32, #tpu.memory_space<vmem>> -> memref<1x64x128xf32, #tpu.memory_space<vmem>>
      %dma_wait3A_2565 = tpu.memref_squeeze %dma_wait3A_2564 : memref<1x64x128xf32, #tpu.memory_space<vmem>> -> memref<64x128xf32, #tpu.memory_space<vmem>>
      %dma_wait3A_2566 = arith.constant 0 : i32
      %dma_wait3A_2567 = arith.constant 0 : i32
      %dma_wait3A_2568 = tpu.memref_slice %arg5[%dma_wait3A_2566, %dma_wait3A_2567] : memref<64x1000000xf32, #tpu.memory_space<hbm>> -> memref<64x128xf32, #tpu.memory_space<hbm>>
      %dma_wait3A_2569 = tpu.memref_slice %arg14[%dma_wait3A_2561] : memref<8x!tpu.dma_semaphore, #tpu.memory_space<semaphore_mem>> -> memref<1x!tpu.dma_semaphore, #tpu.memory_space<semaphore_mem>>
      %dma_wait3A_2570 = tpu.memref_squeeze %dma_wait3A_2569 : memref<1x!tpu.dma_semaphore, #tpu.memory_space<semaphore_mem>> -> memref<!tpu.dma_semaphore, #tpu.memory_space<semaphore_mem>>
      %dma_wait3A_2571 = arith.constant 0 : i32
      %dma_wait3A_2572 = arith.constant 0 : i32
      %dma_wait3A_2573 = tpu.memref_slice %arg11[%dma_wait3A_2560, %dma_wait3A_2571, %dma_wait3A_2572] : memref<8x64x128xf32, #tpu.memory_space<vmem>> -> memref<1x64x128xf32, #tpu.memory_space<vmem>>
      %dma_wait3A_2574 = tpu.memref_squeeze %dma_wait3A_2573 : memref<1x64x128xf32, #tpu.memory_space<vmem>> -> memref<64x128xf32, #tpu.memory_space<vmem>>
      %dma_wait3A_2575 = arith.constant 0 : i32
      %dma_wait3A_2576 = arith.constant 0 : i32
      %dma_wait3A_2577 = tpu.memref_slice %arg5[%dma_wait3A_2575, %dma_wait3A_2576] : memref<64x1000000xf32, #tpu.memory_space<hbm>> -> memref<64x128xf32, #tpu.memory_space<hbm>>
      tpu.wait_dma2 semaphore(%dma_wait3A_2570 : memref<!tpu.dma_semaphore, #tpu.memory_space<semaphore_mem>>) src(%dma_wait3A_2577 : memref<64x128xf32, #tpu.memory_space<hbm>>) dst(%dma_wait3A_2574 : memref<64x128xf32, #tpu.memory_space<vmem>>)
      %dma_wait3A_2578 = arith.constant 3 : i32
      %dma_wait3A_2579 = arith.constant 3 : i32
      %dma_wait3A_2580 = arith.constant 0 : i32
      %dma_wait3A_2581 = arith.constant 0 : i32
      %dma_wait3A_2582 = tpu.memref_slice %arg12[%dma_wait3A_2578, %dma_wait3A_2580, %dma_wait3A_2581] : memref<4x64x128xf32, #tpu.memory_space<vmem>> -> memref<1x64x128xf32, #tpu.memory_space<vmem>>
      %dma_wait3A_2583 = tpu.memref_squeeze %dma_wait3A_2582 : memref<1x64x128xf32, #tpu.memory_space<vmem>> -> memref<64x128xf32, #tpu.memory_space<vmem>>
      %dma_wait3A_2584 = arith.constant 0 : i32
      %dma_wait3A_2585 = arith.constant 0 : i32
      %dma_wait3A_2586 = tpu.memref_slice %arg6[%dma_wait3A_2584, %dma_wait3A_2585] : memref<64x1000000xf32, #tpu.memory_space<hbm>> -> memref<64x128xf32, #tpu.memory_space<hbm>>
      %dma_wait3A_2587 = tpu.memref_slice %arg15[%dma_wait3A_2579] : memref<4x!tpu.dma_semaphore, #tpu.memory_space<semaphore_mem>> -> memref<1x!tpu.dma_semaphore, #tpu.memory_space<semaphore_mem>>
      %dma_wait3A_2588 = tpu.memref_squeeze %dma_wait3A_2587 : memref<1x!tpu.dma_semaphore, #tpu.memory_space<semaphore_mem>> -> memref<!tpu.dma_semaphore, #tpu.memory_space<semaphore_mem>>
      %dma_wait3A_2589 = arith.constant 0 : i32
      %dma_wait3A_2590 = arith.constant 0 : i32
      %dma_wait3A_2591 = tpu.memref_slice %arg12[%dma_wait3A_2578, %dma_wait3A_2589, %dma_wait3A_2590] : memref<4x64x128xf32, #tpu.memory_space<vmem>> -> memref<1x64x128xf32, #tpu.memory_space<vmem>>
      %dma_wait3A_2592 = tpu.memref_squeeze %dma_wait3A_2591 : memref<1x64x128xf32, #tpu.memory_space<vmem>> -> memref<64x128xf32, #tpu.memory_space<vmem>>
      %dma_wait3A_2593 = arith.constant 0 : i32
      %dma_wait3A_2594 = arith.constant 0 : i32
      %dma_wait3A_2595 = tpu.memref_slice %arg6[%dma_wait3A_2593, %dma_wait3A_2594] : memref<64x1000000xf32, #tpu.memory_space<hbm>> -> memref<64x128xf32, #tpu.memory_space<hbm>>
      tpu.wait_dma2 semaphore(%dma_wait3A_2588 : memref<!tpu.dma_semaphore, #tpu.memory_space<semaphore_mem>>) src(%dma_wait3A_2595 : memref<64x128xf32, #tpu.memory_space<hbm>>) dst(%dma_wait3A_2592 : memref<64x128xf32, #tpu.memory_space<vmem>>)
      %slice3A_2596 = vector.extract_strided_slice %get3A_423 {offsets = [15], sizes = [1], strides = [1]} : vector<16xi32> to vector<1xi32>
      %squeeze3A_2597 = vector.extract %slice3A_2596[0] : i32 from vector<1xi32>
      %and3A_2598 = arith.constant 127 : i32
      %and3A_2599 = arith.andi %squeeze3A_2597, %and3A_2598 : i32
      %broadcast_in_dim3A_2600 = vector.broadcast %and3A_2599 : i32 to vector<16xi32>
      %slice3A_2601 = vector.extract_strided_slice %get3A_425 {offsets = [15], sizes = [1], strides = [1]} : vector<16xi32> to vector<1xi32>
      %squeeze3A_2602 = vector.extract %slice3A_2601[0] : i32 from vector<1xi32>
      %and3A_2603 = arith.constant 127 : i32
      %and3A_2604 = arith.andi %squeeze3A_2602, %and3A_2603 : i32
      %broadcast_in_dim3A_2605 = vector.broadcast %and3A_2604 : i32 to vector<16xi32>
      %gather3A_2606 = arith.constant 7 : i32
      %gather3A_2607 = arith.constant 0 : i32
      %gather3A_2608 = arith.constant 0 : i32
      %gather3A_2609 = tpu.memref_slice %arg11[%gather3A_2606, %gather3A_2607, %gather3A_2608] : memref<8x64x128xf32, #tpu.memory_space<vmem>> -> memref<1x64x128xf32, #tpu.memory_space<vmem>>
      %gather3A_2610 = tpu.memref_squeeze %gather3A_2609 : memref<1x64x128xf32, #tpu.memory_space<vmem>> -> memref<64x128xf32, #tpu.memory_space<vmem>>
      %gather3A_2611 = tpu.vector_load_idx %gather3A_2610[%add3A_5, %broadcast_in_dim3A_2600] : memref<64x128xf32, #tpu.memory_space<vmem>>[vector<16xi32>, vector<16xi32>], vector<16xf32>,
      %gather3A_2612 = arith.constant 3 : i32
      %gather3A_2613 = arith.constant 0 : i32
      %gather3A_2614 = arith.constant 0 : i32
      %gather3A_2615 = tpu.memref_slice %arg12[%gather3A_2612, %gather3A_2613, %gather3A_2614] : memref<4x64x128xf32, #tpu.memory_space<vmem>> -> memref<1x64x128xf32, #tpu.memory_space<vmem>>
      %gather3A_2616 = tpu.memref_squeeze %gather3A_2615 : memref<1x64x128xf32, #tpu.memory_space<vmem>> -> memref<64x128xf32, #tpu.memory_space<vmem>>
      %gather3A_2617 = tpu.vector_load_idx %gather3A_2616[%add3A_5, %broadcast_in_dim3A_2605] : memref<64x128xf32, #tpu.memory_space<vmem>>[vector<16xi32>, vector<16xi32>], vector<16xf32>,
      %mul3A_2618 = arith.mulf %gather3A_2611, %gather3A_2617 : vector<16xf32>
      %gather3A_2619 = arith.constant 7 : i32
      %gather3A_2620 = arith.constant 0 : i32
      %gather3A_2621 = arith.constant 0 : i32
      %gather3A_2622 = tpu.memref_slice %arg11[%gather3A_2619, %gather3A_2620, %gather3A_2621] : memref<8x64x128xf32, #tpu.memory_space<vmem>> -> memref<1x64x128xf32, #tpu.memory_space<vmem>>
      %gather3A_2623 = tpu.memref_squeeze %gather3A_2622 : memref<1x64x128xf32, #tpu.memory_space<vmem>> -> memref<64x128xf32, #tpu.memory_space<vmem>>
      %gather3A_2624 = tpu.vector_load_idx %gather3A_2623[%add3A_8, %broadcast_in_dim3A_2600] : memref<64x128xf32, #tpu.memory_space<vmem>>[vector<16xi32>, vector<16xi32>], vector<16xf32>,
      %gather3A_2625 = arith.constant 3 : i32
      %gather3A_2626 = arith.constant 0 : i32
      %gather3A_2627 = arith.constant 0 : i32
      %gather3A_2628 = tpu.memref_slice %arg12[%gather3A_2625, %gather3A_2626, %gather3A_2627] : memref<4x64x128xf32, #tpu.memory_space<vmem>> -> memref<1x64x128xf32, #tpu.memory_space<vmem>>
      %gather3A_2629 = tpu.memref_squeeze %gather3A_2628 : memref<1x64x128xf32, #tpu.memory_space<vmem>> -> memref<64x128xf32, #tpu.memory_space<vmem>>
      %gather3A_2630 = tpu.vector_load_idx %gather3A_2629[%add3A_8, %broadcast_in_dim3A_2605] : memref<64x128xf32, #tpu.memory_space<vmem>>[vector<16xi32>, vector<16xi32>], vector<16xf32>,
      %mul3A_2631 = arith.mulf %gather3A_2624, %gather3A_2630 : vector<16xf32>
      %add3A_2632 = arith.addf %mul3A_2618, %mul3A_2631 : vector<16xf32>
      %gather3A_2633 = arith.constant 7 : i32
      %gather3A_2634 = arith.constant 0 : i32
      %gather3A_2635 = arith.constant 0 : i32
      %gather3A_2636 = tpu.memref_slice %arg11[%gather3A_2633, %gather3A_2634, %gather3A_2635] : memref<8x64x128xf32, #tpu.memory_space<vmem>> -> memref<1x64x128xf32, #tpu.memory_space<vmem>>
      %gather3A_2637 = tpu.memref_squeeze %gather3A_2636 : memref<1x64x128xf32, #tpu.memory_space<vmem>> -> memref<64x128xf32, #tpu.memory_space<vmem>>
      %gather3A_2638 = tpu.vector_load_idx %gather3A_2637[%add3A_11, %broadcast_in_dim3A_2600] : memref<64x128xf32, #tpu.memory_space<vmem>>[vector<16xi32>, vector<16xi32>], vector<16xf32>,
      %gather3A_2639 = arith.constant 3 : i32
      %gather3A_2640 = arith.constant 0 : i32
      %gather3A_2641 = arith.constant 0 : i32
      %gather3A_2642 = tpu.memref_slice %arg12[%gather3A_2639, %gather3A_2640, %gather3A_2641] : memref<4x64x128xf32, #tpu.memory_space<vmem>> -> memref<1x64x128xf32, #tpu.memory_space<vmem>>
      %gather3A_2643 = tpu.memref_squeeze %gather3A_2642 : memref<1x64x128xf32, #tpu.memory_space<vmem>> -> memref<64x128xf32, #tpu.memory_space<vmem>>
      %gather3A_2644 = tpu.vector_load_idx %gather3A_2643[%add3A_11, %broadcast_in_dim3A_2605] : memref<64x128xf32, #tpu.memory_space<vmem>>[vector<16xi32>, vector<16xi32>], vector<16xf32>,
      %mul3A_2645 = arith.mulf %gather3A_2638, %gather3A_2644 : vector<16xf32>
      %add3A_2646 = arith.addf %add3A_2632, %mul3A_2645 : vector<16xf32>
      %gather3A_2647 = arith.constant 7 : i32
      %gather3A_2648 = arith.constant 0 : i32
      %gather3A_2649 = arith.constant 0 : i32
      %gather3A_2650 = tpu.memref_slice %arg11[%gather3A_2647, %gather3A_2648, %gather3A_2649] : memref<8x64x128xf32, #tpu.memory_space<vmem>> -> memref<1x64x128xf32, #tpu.memory_space<vmem>>
      %gather3A_2651 = tpu.memref_squeeze %gather3A_2650 : memref<1x64x128xf32, #tpu.memory_space<vmem>> -> memref<64x128xf32, #tpu.memory_space<vmem>>
      %gather3A_2652 = tpu.vector_load_idx %gather3A_2651[%add3A_14, %broadcast_in_dim3A_2600] : memref<64x128xf32, #tpu.memory_space<vmem>>[vector<16xi32>, vector<16xi32>], vector<16xf32>,
      %gather3A_2653 = arith.constant 3 : i32
      %gather3A_2654 = arith.constant 0 : i32
      %gather3A_2655 = arith.constant 0 : i32
      %gather3A_2656 = tpu.memref_slice %arg12[%gather3A_2653, %gather3A_2654, %gather3A_2655] : memref<4x64x128xf32, #tpu.memory_space<vmem>> -> memref<1x64x128xf32, #tpu.memory_space<vmem>>
      %gather3A_2657 = tpu.memref_squeeze %gather3A_2656 : memref<1x64x128xf32, #tpu.memory_space<vmem>> -> memref<64x128xf32, #tpu.memory_space<vmem>>
      %gather3A_2658 = tpu.vector_load_idx %gather3A_2657[%add3A_14, %broadcast_in_dim3A_2605] : memref<64x128xf32, #tpu.memory_space<vmem>>[vector<16xi32>, vector<16xi32>], vector<16xf32>,
      %mul3A_2659 = arith.mulf %gather3A_2652, %gather3A_2658 : vector<16xf32>
      %add3A_2660 = arith.addf %add3A_2646, %mul3A_2659 : vector<16xf32>
      %reduce_sum3A_2661 = arith.constant true
      %reduce_sum3A_2662 = vector.broadcast %reduce_sum3A_2661 : i1 to vector<16xi1>
      %reduce_sum3A_2663 = tpu.scan <sum>, %add3A_2660 masked %reduce_sum3A_2662 : vector<16xf32>, vector<16xi1> -> vector<16xf32>
      %reduce_sum3A_2664 = vector.extract %reduce_sum3A_2663[15] : f32 from vector<16xf32>
      %mul3A_2665 = vector.broadcast %reduce_sum3A_2664 : f32 to vector<16xf32>
      %mul3A_2666 = arith.mulf %mul3A_2665, %select_n3A_138 : vector<16xf32>
      %add3A_2667 = arith.addf %add3A_2549, %mul3A_2666 : vector<16xf32>
      %lt3A_2668 = arith.constant 31 : i32
      %lt3A_2669 = arith.cmpi slt, %scan3A_418, %lt3A_2668 : i32
      %convert_element_type3A_2670 = arith.extui %lt3A_2669 : i1 to i32
      %cond3A_2671 = arith.constant 0 : i32
      %cond3A_2672 = arith.cmpi ne, %convert_element_type3A_2670, %cond3A_2671 : i32
      scf.if %cond3A_2672 {
        %slice3A_2681 = vector.extract_strided_slice %get3A_432 {offsets = [7], sizes = [1], strides = [1]} : vector<16xi32> to vector<1xi32>
        %squeeze3A_2682 = vector.extract %slice3A_2681[0] : i32 from vector<1xi32>
        %shift_right_arithmetic3A_2683 = arith.constant 7 : i32
        %shift_right_arithmetic3A_2684 = arith.shrsi %squeeze3A_2682, %shift_right_arithmetic3A_2683 : i32
        %shift_left3A_2685 = arith.constant 7 : i32
        %shift_left3A_2686 = arith.shli %shift_right_arithmetic3A_2684, %shift_left3A_2685 : i32
        %multiple_of3A_2687 = tpu.assume_multiple %shift_left3A_2686, 128 : i32
        %dma_start3A_2688 = arith.constant 7 : i32
        %dma_start3A_2689 = arith.constant 7 : i32
        %dma_start3A_2690 = arith.constant 0 : i32
        %dma_start3A_2691 = arith.constant 0 : i32
        %dma_start3A_2692 = tpu.memref_slice %arg11[%dma_start3A_2688, %dma_start3A_2690, %dma_start3A_2691] : memref<8x64x128xf32, #tpu.memory_space<vmem>> -> memref<1x64x128xf32, #tpu.memory_space<vmem>>
        %dma_start3A_2693 = tpu.memref_squeeze %dma_start3A_2692 : memref<1x64x128xf32, #tpu.memory_space<vmem>> -> memref<64x128xf32, #tpu.memory_space<vmem>>
        %dma_start3A_2694 = arith.constant 0 : i32
        %dma_start3A_2695 = tpu.memref_slice %arg5[%dma_start3A_2694, %multiple_of3A_2687] : memref<64x1000000xf32, #tpu.memory_space<hbm>> -> memref<64x128xf32, #tpu.memory_space<hbm>>
        %dma_start3A_2696 = tpu.memref_slice %arg14[%dma_start3A_2689] : memref<8x!tpu.dma_semaphore, #tpu.memory_space<semaphore_mem>> -> memref<1x!tpu.dma_semaphore, #tpu.memory_space<semaphore_mem>>
        %dma_start3A_2697 = tpu.memref_squeeze %dma_start3A_2696 : memref<1x!tpu.dma_semaphore, #tpu.memory_space<semaphore_mem>> -> memref<!tpu.dma_semaphore, #tpu.memory_space<semaphore_mem>>
        %dma_start3A_2698 = arith.constant 0 : i32
        %dma_start3A_2699 = arith.constant 0 : i32
        %dma_start3A_2700 = tpu.memref_slice %arg11[%dma_start3A_2688, %dma_start3A_2698, %dma_start3A_2699] : memref<8x64x128xf32, #tpu.memory_space<vmem>> -> memref<1x64x128xf32, #tpu.memory_space<vmem>>
        %dma_start3A_2701 = tpu.memref_squeeze %dma_start3A_2700 : memref<1x64x128xf32, #tpu.memory_space<vmem>> -> memref<64x128xf32, #tpu.memory_space<vmem>>
        %dma_start3A_2702 = arith.constant 0 : i32
        %dma_start3A_2703 = tpu.memref_slice %arg5[%dma_start3A_2702, %multiple_of3A_2687] : memref<64x1000000xf32, #tpu.memory_space<hbm>> -> memref<64x128xf32, #tpu.memory_space<hbm>>
        tpu.enqueue_dma source(%dma_start3A_2703 : memref<64x128xf32, #tpu.memory_space<hbm>>) target(%dma_start3A_2701 : memref<64x128xf32, #tpu.memory_space<vmem>>) target_semaphore(%dma_start3A_2697 : memref<!tpu.dma_semaphore, #tpu.memory_space<semaphore_mem>>)
      } else {
      }
      %lt3A_2673 = arith.constant 31 : i32
      %lt3A_2674 = arith.cmpi slt, %scan3A_418, %lt3A_2673 : i32
      %convert_element_type3A_2675 = arith.extui %lt3A_2674 : i1 to i32
      %cond3A_2676 = arith.constant 0 : i32
      %cond3A_2677 = arith.cmpi ne, %convert_element_type3A_2675, %cond3A_2676 : i32
      scf.if %cond3A_2677 {
        %slice3A_2681 = vector.extract_strided_slice %get3A_434 {offsets = [3], sizes = [1], strides = [1]} : vector<16xi32> to vector<1xi32>
        %squeeze3A_2682 = vector.extract %slice3A_2681[0] : i32 from vector<1xi32>
        %shift_right_arithmetic3A_2683 = arith.constant 7 : i32
        %shift_right_arithmetic3A_2684 = arith.shrsi %squeeze3A_2682, %shift_right_arithmetic3A_2683 : i32
        %shift_left3A_2685 = arith.constant 7 : i32
        %shift_left3A_2686 = arith.shli %shift_right_arithmetic3A_2684, %shift_left3A_2685 : i32
        %multiple_of3A_2687 = tpu.assume_multiple %shift_left3A_2686, 128 : i32
        %dma_start3A_2688 = arith.constant 3 : i32
        %dma_start3A_2689 = arith.constant 3 : i32
        %dma_start3A_2690 = arith.constant 0 : i32
        %dma_start3A_2691 = arith.constant 0 : i32
        %dma_start3A_2692 = tpu.memref_slice %arg12[%dma_start3A_2688, %dma_start3A_2690, %dma_start3A_2691] : memref<4x64x128xf32, #tpu.memory_space<vmem>> -> memref<1x64x128xf32, #tpu.memory_space<vmem>>
        %dma_start3A_2693 = tpu.memref_squeeze %dma_start3A_2692 : memref<1x64x128xf32, #tpu.memory_space<vmem>> -> memref<64x128xf32, #tpu.memory_space<vmem>>
        %dma_start3A_2694 = arith.constant 0 : i32
        %dma_start3A_2695 = tpu.memref_slice %arg6[%dma_start3A_2694, %multiple_of3A_2687] : memref<64x1000000xf32, #tpu.memory_space<hbm>> -> memref<64x128xf32, #tpu.memory_space<hbm>>
        %dma_start3A_2696 = tpu.memref_slice %arg15[%dma_start3A_2689] : memref<4x!tpu.dma_semaphore, #tpu.memory_space<semaphore_mem>> -> memref<1x!tpu.dma_semaphore, #tpu.memory_space<semaphore_mem>>
        %dma_start3A_2697 = tpu.memref_squeeze %dma_start3A_2696 : memref<1x!tpu.dma_semaphore, #tpu.memory_space<semaphore_mem>> -> memref<!tpu.dma_semaphore, #tpu.memory_space<semaphore_mem>>
        %dma_start3A_2698 = arith.constant 0 : i32
        %dma_start3A_2699 = arith.constant 0 : i32
        %dma_start3A_2700 = tpu.memref_slice %arg12[%dma_start3A_2688, %dma_start3A_2698, %dma_start3A_2699] : memref<4x64x128xf32, #tpu.memory_space<vmem>> -> memref<1x64x128xf32, #tpu.memory_space<vmem>>
        %dma_start3A_2701 = tpu.memref_squeeze %dma_start3A_2700 : memref<1x64x128xf32, #tpu.memory_space<vmem>> -> memref<64x128xf32, #tpu.memory_space<vmem>>
        %dma_start3A_2702 = arith.constant 0 : i32
        %dma_start3A_2703 = tpu.memref_slice %arg6[%dma_start3A_2702, %multiple_of3A_2687] : memref<64x1000000xf32, #tpu.memory_space<hbm>> -> memref<64x128xf32, #tpu.memory_space<hbm>>
        tpu.enqueue_dma source(%dma_start3A_2703 : memref<64x128xf32, #tpu.memory_space<hbm>>) target(%dma_start3A_2701 : memref<64x128xf32, #tpu.memory_space<vmem>>) target_semaphore(%dma_start3A_2697 : memref<!tpu.dma_semaphore, #tpu.memory_space<semaphore_mem>>)
      } else {
      }
      %mul3A_2678 = arith.mulf %add3A_2667, %get3A_427 : vector<16xf32>
      %swap3A = arith.index_cast %mul3A_421 : i32 to index
      %swap3A_2679 = tpu.vector_load %arg13[%swap3A] {strides = array<i32>} : memref<512xf32, #tpu.memory_space<vmem>>, vector<16xf32>,
      tpu.vector_store %arg13[%swap3A], %mul3A_2678 {strides = array<i32>} : memref<512xf32, #tpu.memory_space<vmem>>, vector<16xf32>,
      %scan3A_2680 = arith.constant 0 : i32
      scf.yield %scan3A_2680 : i32
    }
    %scan3A_417 = arith.constant 32 : i32
    "tpu.region"() ({
      %run_scoped3A = tpu.sem_alloc : memref<!tpu.dma_semaphore, #tpu.memory_space<semaphore_mem>>
      %dma_start3A_418 = tpu.memref_slice %arg7[%mul3A_2] : memref<16384xf32, #tpu.memory_space<hbm>> -> memref<512xf32, #tpu.memory_space<hbm>>
      %dma_start3A_419 = tpu.memref_slice %arg7[%mul3A_2] : memref<16384xf32, #tpu.memory_space<hbm>> -> memref<512xf32, #tpu.memory_space<hbm>>
      tpu.enqueue_dma source(%arg13 : memref<512xf32, #tpu.memory_space<vmem>>) target(%dma_start3A_419 : memref<512xf32, #tpu.memory_space<hbm>>) target_semaphore(%run_scoped3A : memref<!tpu.dma_semaphore, #tpu.memory_space<semaphore_mem>>)
      %dma_wait3A = tpu.memref_slice %arg7[%mul3A_2] : memref<16384xf32, #tpu.memory_space<hbm>> -> memref<512xf32, #tpu.memory_space<hbm>>
      %dma_wait3A_420 = tpu.memref_slice %arg7[%mul3A_2] : memref<16384xf32, #tpu.memory_space<hbm>> -> memref<512xf32, #tpu.memory_space<hbm>>
      tpu.wait_dma2 semaphore(%run_scoped3A : memref<!tpu.dma_semaphore, #tpu.memory_space<semaphore_mem>>) src(%arg13 : memref<512xf32, #tpu.memory_space<vmem>>) dst(%dma_wait3A_420 : memref<512xf32, #tpu.memory_space<hbm>>)
      tpu.yield
    }) : () -> ()
    return
  }
}

</mosaic_0001>

<sc_bundles>
// kernel: kernel.3.cloned.1.call-start
scs
__scs_entry_jumppad:
0x0: {  	(pc) =	sbr.rel $0x88, $3  }
0x1: {  	(tag) =	ssettag $0x0;
	lr =	simm.s32 $0x1  }
0x2: {  	[smem:$0x3F9C] =	sst lr;
	_ =	strace $0xD0000000  }
0x3: {  	_ = 	snop  }
0x4: {  	_ = 	snop  }
0x5: {  	_ = 	snop  }
0x6: {  	_ = 	snop  }
0x7: {  	_ = 	snop  }
__scs_overlays_trampoline_lowered:
0x8: {  	[smem:$0x3FAB] =	sst s0  }
0x9: {  	[smem:$0x3FAC] =	sst s1  }
0xa: {  	[smem:$0x3FAD] =	sst s2  }
0xb: {  	[smem:$0x3FAE] =	sst s3  }
0xc: {  	[smem:$0x3FAF] =	sst s4  }
0xd: {  	[smem:$0x3FB0] =	sst s5  }
0xe: {  	[smem:$0x3FB1] =	sst s6  }
0xf: {  	[smem:$0x3FB2] =	sst s7  }
0x10: {  	[smem:$0x3FB3] =	sst s8  }
0x11: {  	[smem:$0x3FB4] =	sst s9;
	s0 =	simm.s32 @!p0 $0x0  }
0x12: {  	s1 =	sld [smem:$0x3F9A];
	s0 =	simm.s32 @p0 $0x1  }
0x13: {  	[smem:$0x3FB5] =	sst s0;
	s0 =	simm.s32 @!p1 $0x0  }
0x14: {  	s2 =	sld [smem:$0x3F99];
	s0 =	simm.s32 @p1 $0x1  }
0x15: {  	[smem:$0x3FB6] =	sst s0;
	s0 =	simm.s32 @!p2 $0x0  }
0x16: {  	s3 =	sld [smem:$0x3FDB];
	s0 =	simm.s32 @p2 $0x1  }
0x17: {  	s4 =	simm.s32 $0x1BF5;
	[smem:$0x3FB8] =	sst s0  }
0x18: {  	s0 =	sld [smem:$0x3F9B];
	_ =	swait.ge [sflag:s4], $0x0  }
0x19: {  	s7 =	sld [smem:$0x3F9C]  }
0x1a: {  	s8 =	sadd.s32 $0xFFFFE003, lr  }
0x1b: {  	s9 =	sadd.s32 $0xFFFFFEF7, lr;
	s5 =	simm.s32 $0xFFFFFFFF;
	p2 =	slt.u32 s8, $0xFFFFF086  }
0x1c: {  	p1 =	slt.u32 s9, $0xF7A;
	s5 =	simm.s32 @!p2 $0x0  }
0x1d: {  	s5 =	simm.s32 @p1 $0x1;
	p0 =	seq.s32 s7, s2  }
0x1e: {  	s7 =	smul.u32 @!p0 $0xF7A, s2;
	p2 =	seq.s32 @!p0 s5, $0x0  }
0x1f: {  	s9 =	smul.u32 $0xF7A, s1;
	s8 =	simm.s32 @!p0 $0x1BF5;
	p2 =	por !p2, p0  }
0x20: {  	[sflag:s8] =	ssyncset.s32 @!p0 $0xFFFFF086;
	s6 =	sadd.s32 @!p0 s3, s7;
	s7 =	simm.s32 @!p0 $0x108  }
0x21: {  	s3 =	sadd.s32 s3, s9;
	s6 =	sadd.s32 @!p0 $0x88, s6;
	s7 =	simm.s32 @p2 $0x1082  }
0x22: {  	[simem:s7], [sflag:s8] =	dma.local @!p0 [hbm:s6], $0xF7A  }
0x23: {  	s9 =	sor.u32 $0xD0000000, s2;
	s6 =	simm.s32 $0x108;
	_ =	swait.ge @!p0 [sflag:s8], $0x0  }
0x24: {  	s3 =	sadd.s32 $0x88, s3;
	s6 =	simm.s32 @!p1 $0x1082;
	[sflag:s4] =	ssyncset.s32 $0xFFFFF086  }
0x25: {  	[simem:s6], [sflag:s4] =	dma.local [hbm:s3], $0xF7A  }
0x26: {  	[smem:$0x3F9C] =	sst s1;
	(tag) =	ssettag s2;
	_ =	strace s9  }
0x27: {  	s1 =	sld [smem:$0x3FAC]  }
0x28: {  	s2 =	sld [smem:$0x3FAD]  }
0x29: {  	s4 =	sld [smem:$0x3FAF]  }
0x2a: {  	p0 =	seq.s32 s5, $0x0;
	s5 =	sld [smem:$0x3FB0]  }
0x2b: {  	s6 =	sld [smem:$0x3FB1]  }
0x2c: {  	s7 =	sld [smem:$0x3FB2]  }
0x2d: {  	s3 =	simm.s32 $0x108;
	s8 =	sld [smem:$0x3FB3]  }
0x2e: {  	s3 =	simm.s32 @!p0 $0x1082;
	s9 =	sld [smem:$0x3FB4]  }
0x2f: {  	lr =	sadd.s32 s0, s3;
	s0 =	sld [smem:$0x3FAB]  }
0x30: {  	s3 =	sld [smem:$0x3FAE]  }
0x31: {  	[smem:$0x3FB7] =	sst s10  }
0x32: {  	s10 =	sld [smem:$0x3FB5];
	_ =	sdelay $0x3  }
0x33: {  	p0 =	seq.s32 s10, $0x1;
	s10 =	sld [smem:$0x3FB7];
	_ =	sdelay $0x3  }
0x34: {  	[smem:$0x3FB7] =	sst s10  }
0x35: {  	s10 =	sld [smem:$0x3FB6];
	_ =	sdelay $0x3  }
0x36: {  	p1 =	seq.s32 s10, $0x1;
	s10 =	sld [smem:$0x3FB7];
	_ =	sdelay $0x3  }
0x37: {  	[smem:$0x3FB7] =	sst s10  }
0x38: {  	s10 =	sld [smem:$0x3FB8]  }
0x39: {  	_ = 	snop;
	(pc) =	sbr.ind lr, $3  }
0x3a: {  	_ = 	snop  }
0x3b: {  	_ = 	snop  }
0x3c: {  	p2 =	seq.s32 s10, $0x1;
	s10 =	sld [smem:$0x3FB7]  }
0x3d: {  	_ =	shalt  }
0x3e: {  	_ =	shalt  }
0x3f: {  	_ =	shalt  }
0x40: {  	_ =	shalt  }
0x41: {  	_ =	shalt  }
0x42: {  	_ =	shalt  }
0x43: {  	_ =	shalt  }
0x44: {  	_ =	shalt  }
0x45: {  	_ =	shalt  }
0x46: {  	_ =	shalt  }
0x47: {  	_ =	shalt  }
0x48: {  	_ =	shalt  }
0x49: {  	_ =	shalt  }
0x4a: {  	_ =	shalt  }
0x4b: {  	_ =	shalt  }
0x4c: {  	_ =	shalt  }
0x4d: {  	_ =	shalt  }
0x4e: {  	_ =	shalt  }
0x4f: {  	_ =	shalt  }
0x50: {  	_ =	shalt  }
0x51: {  	_ =	shalt  }
0x52: {  	_ =	shalt  }
0x53: {  	_ =	shalt  }
0x54: {  	_ =	shalt  }
0x55: {  	_ =	shalt  }
0x56: {  	_ =	shalt  }
0x57: {  	_ =	shalt  }
0x58: {  	_ =	shalt  }
0x59: {  	_ =	shalt  }
0x5a: {  	_ =	shalt  }
0x5b: {  	_ =	shalt  }
0x5c: {  	_ =	shalt  }
0x5d: {  	_ =	shalt  }
0x5e: {  	_ =	shalt  }
0x5f: {  	_ =	shalt  }
0x60: {  	_ =	shalt  }
0x61: {  	_ =	shalt  }
0x62: {  	_ =	shalt  }
0x63: {  	_ =	shalt  }
0x64: {  	_ =	shalt  }
0x65: {  	_ =	shalt  }
0x66: {  	_ =	shalt  }
0x67: {  	_ =	shalt  }
0x68: {  	_ =	shalt  }
0x69: {  	_ =	shalt  }
0x6a: {  	_ =	shalt  }
0x6b: {  	_ =	shalt  }
0x6c: {  	_ =	shalt  }
0x6d: {  	_ =	shalt  }
0x6e: {  	_ =	shalt  }
0x6f: {  	_ =	shalt  }
0x70: {  	_ =	shalt  }
0x71: {  	_ =	shalt  }
0x72: {  	_ =	shalt  }
0x73: {  	_ =	shalt  }
0x74: {  	_ =	shalt  }
0x75: {  	_ =	shalt  }
0x76: {  	_ =	shalt  }
0x77: {  	_ =	shalt  }
0x78: {  	_ =	shalt  }
0x79: {  	_ =	shalt  }
0x7a: {  	_ =	shalt  }
0x7b: {  	_ =	shalt  }
0x7c: {  	_ =	shalt  }
0x7d: {  	_ =	shalt  }
0x7e: {  	_ =	shalt  }
0x7f: {  	_ =	shalt  }
0x80: {  	_ =	shalt  }
0x81: {  	_ =	shalt  }
0x82: {  	_ =	shalt  }
0x83: {  	_ =	shalt  }
0x84: {  	_ =	shalt  }
0x85: {  	_ =	shalt  }
0x86: {  	_ =	shalt  }
0x87: {  	_ =	shalt  }
.Lfunc_end0:
.L_simem_size_0:
called_computation_lowered:
.L_overlay_start_0:
0x88: {  	s2 =	sld [smem:$0x3FD9]  }
0x89: {  	s3 =	sld [smem:$0x3FFE];
	_ =	sdelay $0x1  }
0x8a: {  	s1 =	srdreg.scid  }
0x8b: {  	s0 =	sand.u32 $0x1, s1  }
0x8c: {  	s18 =	sshll.u32 s0, $0xA;
	s2 =	sadd.s32 s3, s2  }
0x8d: {  	s2 =	sadd.s32 s2, s18  }
0x8e: {  	[smem:$0x3FC3] =	sst s2  }
0x8f: {  	_ = 	snop  }
0x90: {  	s2 =	sld [smem:$0x3FC9]  }
0x91: {  	s19 =	sld [smem:$0x3FC8]  }
0x92: {  	s4 =	sld [smem:$0x3FC7]  }
0x93: {  	s5 =	sld [smem:$0x3FC6]  }
0x94: {  	s6 =	sld [smem:$0x3FC5]  }
0x95: {  	s7 =	sld [smem:$0x3FD0];
	(tm) =	ssettm $0x1  }
0x96: {  	s8 =	sld [smem:$0x3FFB];
	_ =	sdelay $0x3  }
0x97: {  	_ =	strace s8  }
0x98: {  	s8 =	sld [smem:$0x3FFC];
	_ =	sdelay $0x3  }
0x99: {  	_ =	strace s8  }
0x9a: {  	s8 =	sld [smem:$0x3FFD];
	_ =	sdelay $0x3  }
0x9b: {  	_ =	strace s8  }
0x9c: {  	_ =	strace $0x8FFFFFFF  }
0x9d: {  	s20 =	sld [smem:$0x3FDB];
	_ =	sdelay $0x1  }
0x9e: {  	s9 =	simm.s32 $_scs_section_size  }
0x9f: {  	s10 =	simm.s32 $_size__tile_overlayer_lowered;
	s11 =	simm.s32 $_tile_overlayer_lowered  }
0xa0: {  	s23 =	simm.s32 $0x1BFF;
	s22 =	sshll.u32 s11, $0x1;
	s8 =	sadd.s32 s9, s20  }
0xa1: {  	s12 =	simm.s32 $0x0;
	s21 =	sshll.u32 s10, $0x1;
	s10 =	sadd.s32 s22, s8  }
0xa2: {  	[timem:s12], [sflag:s23] =	dma.local [hbm:s10], s21  }
0xa3: {  	_ =	swait.ge [sflag:s23], s21  }
0xa4: {  	s9 =	ssub.s32 $0x0, s21;
	[sflag:s23] =	ssyncset.done $0x0  }
0xa5: {  	[sflag:s23] =	ssyncadd.s32 s9;
	_ =	sdelay $0x1  }
0xa6: {  	s24 =	simm.s32 $0x1B8B  }
0xa7: {  	_ =	swait.ge [sflag:s24], $0x1  }
0xa8: {  	[sflag:s24] =	ssyncset.done $0x0  }
0xa9: {  	s25 =	simm.s32 $0x1B8E;
	[sflag:s24] =	ssyncadd.s32 $0xFFFFFFFF  }
0xaa: {  	s26 =	simm.s32 $execute0_lowered;
	[smem:$0x3FD2] =	sst s25  }
0xab: {  	s9 =	sshll.u32 s26, $0x1;
	_ =	strace $0x80000046;
	[dreg:$0x1] =	wrdreg $0xFFFFFFFF  }
0xac: {  	s28 =	simm.s32 $_size_execute0_lowered;
	s8 =	sadd.s32 s8, s9;
	[dreg:$0x0] =	wrdreg $0x0  }
0xad: {  	s9 =	sshll.u32 s28, $0x1;
	[dreg:$0x2] =	wrdreg s8  }
0xae: {  	[dreg:$0x3] =	wrdreg s9  }
0xaf: {  	[dreg:$0x4] =	wrdreg $0xC0  }
0xb0: {  	_ =	task [dreg:s12], $0x5FFFF  }
0xb1: {  	[dreg:$0x1] =	wrdreg $0xFFFFFFFF  }
0xb2: {  	[dreg:$0x0] =	wrdreg $0x60  }
0xb3: {  	[dreg:$0x2] =	wrdreg s2  }
0xb4: {  	[dreg:$0x3] =	wrdreg s19  }
0xb5: {  	[dreg:$0x4] =	wrdreg s4  }
0xb6: {  	[dreg:$0x5] =	wrdreg s5  }
0xb7: {  	[dreg:$0x6] =	wrdreg s6  }
0xb8: {  	[dreg:$0x7] =	wrdreg s7  }
0xb9: {  	[dreg:$0x8] =	wrdreg $0x9  }
0xba: {  	_ =	task.clear_ibuf [dreg:s12], $0x9FFFF;
	_ =	strace $0x90000046  }
0xbb: {  	s29 =	simm.s32 $0x9;
	_ =	strace $0x80000048  }
0xbc: {  	_ =	swait.ge [sflag:s29], $0x1  }
0xbd: {  	[sflag:s29] =	ssyncadd.s32 $0xFFFFFFFF  }
0xbe: {  	_ =	strace $0x90000048  }
0xbf: {  	_ =	sfence  }
0xc0: {  	s30 =	sld [smem:$0x0];
	_ =	sdelay $0x2  }
0xc1: {  	s31 =	sshll.u32 s1, $0xD;
	s1 =	sshrl.u32 s1, $0x2  }
0xc2: {  	s3 =	sand.u32 $0x4000, s31;
	s1 =	sadd.s32 s1, s30  }
0xc3: {  	s0 =	sor.u32 s3, s0;
	s1 =	sshll.u32 s1, $0x11  }
0xc4: {  	s0 =	sor.u32 s1, s0  }
0xc5: {  	s0 =	sadd.s32 $0x8F2B, s0  }
0xc6: {  	[sflag:s0] =	ssyncadd.remote.s32 $0x1  }
0xc7: {  	_ =	sfence.sel $0xFFFF  }
0xc8: {  	[dreg:$0x0] =	wrdreg $0xFFFFFFFF;
	(pc) =	sbr.abs _section_cstart, $3  }
0xc9: {  	[dreg:$0x1] =	wrdreg $0xFFFFFFFF  }
0xca: {  	_ =	task.clear_ibuf [dreg:s12], $0x2FFFF;
	_ =	strace $0x9FFFFFFF  }
0xcb: {  	(tm) =	ssettm $0x7FFFFFFF  }
tec
execute0_lowered:
.L_overlay_start_1:
0x0: {  	(tag) =	ssettag $0x1  }
0x1: {  	s0 =	rddreg [dreg:$0x0]  }
0x2: {  	s3 =	rddreg [dreg:$0x1]  }
0x3: {  	s4 =	rddreg [dreg:$0x2]  }
0x4: {  	s1 =	rddreg [dreg:$0x3]  }
0x5: {  	s2 =	rddreg [dreg:$0x4]  }
0x6: {  	s5 =	rddreg [dreg:$0x5]  }
0x7: {  	s6 =	srdreg.scid;
	s10 =	simm.s32 $0x0;
	s8 =	stileid.u32  }
0x8: {  	s20 =	simm.s32 $0x7A1400;
	s17 =	simm.s32 $0x4600;
	s13 =	simm.s32 $0x6600  }
0x9: {  	v0 =	vlaneseq.u32;
	vm0 =	vcmask $0x300;
	v16 =	vimm.f32 $0.0e+00;
	s15 =	simm.s32 $0x8600;
	s18 =	simm.s32 $0x10600;
	s14 =	simm.s32 $0x12600  }
0xa: {  	vm14 =	vcmask $0x704;
	vm15 =	vcmask $0xB08;
	vm1 =	vcmask $0xF0C;
	s12 =	simm.s32 $0x14600;
	s16 =	simm.s32 $0x16600;
	s21 =	simm.s32 $0x10600  }
0xb: {  	vm4 =	vcmask $0x1310;
	vm5 =	vcmask $0x1714;
	vm6 =	vcmask $0x1B18;
	s22 =	simm.s32 $0x12600;
	s30 =	simm.s32 $0xB;
	s23 =	simm.s32 $0x14600  }
0xc: {  	vm7 =	vcmask $0x1F1C;
	vm8 =	vcmask $0x2320;
	vm9 =	vcmask $0x2724;
	s31 =	simm.s32 $0xC;
	s28 =	simm.s32 $0x6600;
	s19 =	simm.s32 $0x8600  }
0xd: {  	vm10 =	vcmask $0x2B28;
	vm11 =	vcmask $0x2F2C;
	vm12 =	vcmask $0x3330;
	s6 =	sand.u32 $0x1, s6;
	s8 =	sshll.u32 s8, $0x7;
	[smem:$0x7FF] =	sst s10  }
0xe: {  	vm13 =	vcmask $0x3734;
	v19 =	vimm.f32 $1.000000000e+00;
	v0 =	vmul.u32 $0x80, v0;
	s7 =	ssub.s32 $0x2, s6;
	s6 =	sshll.u32 s6, $0x6;
	_ =	strace $0x80000047  }
0xf: {  	v1 =	vsel vm0, $0x3F800000, v16;
	v2 =	vsel vm14, $0x3F800000, v16;
	v3 =	vsel vm15, $0x3F800000, v16;
	s9 =	sshrl.u32 s7, $0x1;
	s6 =	sor.u32 s6, s8;
	s8 =	simm.s32 $0xA600  }
0x10: {  	v4 =	vsel vm1, $0x3F800000, v16;
	v5 =	vsel vm4, $0x3F800000, v16;
	v6 =	vsel vm5, $0x3F800000, v16;
	s7 =	ssub.s32 s7, s9;
	s0 =	sadd.s32 s0, s6;
	s24 =	sadd.s32 s3, s6  }
.Ltmp0:
0x11: {  	v7 =	vsel vm6, $0x3F800000, v16;
	v8 =	vsel vm7, $0x3F800000, v16;
	v9 =	vsel vm8, $0x3F800000, v16;
	s25 =	sadd.s32 s4, s6;
	[dreg:$0x7] =	wrdreg s0;
	(pc) =	sbr.rel .LBB2_1-.Ltmp0, $4  }
0x12: {  	v10 =	vsel vm9, $0x3F800000, v16;
	v11 =	vsel vm10, $0x3F800000, v16;
	v12 =	vsel vm11, $0x3F800000, v16;
	s26 =	sadd.s32 s5, s6;
	s4 =	simm.s32 $0xD;
	[dreg:$0x8] =	wrdreg s24  }
0x13: {  	v13 =	vsel vm12, $0x3F800000, v16;
	vm14 =	vcmask $0x3B38;
	vm15 =	vcmask $0x3B00;
	s5 =	simm.s32 $0xE600;
	s3 =	simm.s32 $0x0;
	[dreg:$0x9] =	wrdreg s25  }
0x14: {  	v15 =	vsel vm13, $0x3F800000, v16;
	v16 =	vsel vm14, $0x3F800000, v16;
	v19 =	vsel vm15, $0x0, v19;
	[dreg:$0xa] =	wrdreg s26;
	s29 =	smax.u32 s7, $0x1;
	s7 =	simm.s32 $0xC600  }
0x15: {  	v14 =	vor.u32 $0x800, v0;
	v17 =	vor.u32 $0x1000, v0;
	v18 =	vor.u32 $0x1800, v0;
	s26 =	simm.s32 $0x400;
	s25 =	simm.s32 $0xC600;
	[dreg:$0xb] =	wrdreg s29  }
.LBB2_4:
0x16: {  	s0 =	rddreg [dreg:$0xf];
	s10 =	simm.s32 $0x0  }
0x17: {  	s11 =	rddreg [dreg:$0xa];
	s3 =	simm.s32 $0x18600;
	s4 =	simm.s32 $0xD;
	[tilespmem:s0+$0x0] =	vst v22  }
0x18: {  	[hbm4b:s11+s10] =	stream.linear.scatter [tilespmem:s3], [sflag:$0xD], $0x200, $0x38;
	[tilespmem:$0x18800] =	vst v63  }
0x19: {  	_ =	swait.ge [sflag:s4], $0x200  }
0x1a: {  	s24 =	rddreg [dreg:$0xc]  }
0x1b: {  	s29 =	rddreg [dreg:$0xb];
	s3 =	sadd.s32 $0x1, s24  }
0x1c: {  	p0 =	sne.s32 s3, s29  }
.Ltmp1:
0x1d: {  	_ = 	snop;
	(pc) =	sbr.rel @!p0 .LBB2_5-.Ltmp1, $3  }
0x1e: {  	_ =	sdelay $0x1  }
0x1f: {  	[sflag:s4] =	ssyncset.done $0x0  }
0x20: {  	[sflag:s4] =	ssyncadd.s32 $0xFFFFFE00  }
.LBB2_1:
0x21: {  	[dreg:$0xc] =	wrdreg s3  }
0x22: {  	s0 =	rddreg [dreg:$0x7]  }
0x23: {  	[tilespmem:s10], [sflag:$0xD] =	stream.linear.gather [hbm4b:s0+s10], $0x200, $0x38;
	[tilespmem:$0x18800] =	vst v63  }
0x24: {  	_ =	swait.ge [sflag:s4], $0x200  }
0x25: {  	[sflag:s4] =	ssyncset.done $0x0  }
0x26: {  	s6 =	simm.s32 $0x200;
	s9 =	rddreg [dreg:$0x8];
	[sflag:s4] =	ssyncadd.s32 $0xFFFFFE00  }
0x27: {  	[tilespmem:s6], [sflag:$0xD] =	stream.linear.gather [hbm4b:s9+s10], $0x200, $0x38;
	[tilespmem:$0x18800] =	vst v63  }
0x28: {  	_ =	swait.ge [sflag:s4], $0x200  }
0x29: {  	[sflag:s4] =	ssyncset.done $0x0  }
0x2a: {  	s11 =	rddreg [dreg:$0x9];
	[sflag:s4] =	ssyncadd.s32 $0xFFFFFE00  }
0x2b: {  	[tilespmem:s26], [sflag:$0xD] =	stream.linear.gather [hbm4b:s11+s10], $0x200, $0x38;
	[tilespmem:$0x18800] =	vst v63  }
0x2c: {  	_ =	swait.ge [sflag:s4], $0x200  }
0x2d: {  	[sflag:s4] =	ssyncset.done $0x0  }
0x2e: {  	[sflag:s4] =	ssyncadd.s32 $0xFFFFFE00  }
0x2f: {  	v20 =	vld [tilespmem:$0x0];
	_ =	sdelay $0x4  }
0x30: {  	(v2sf) =	vpush v20, $0x0  }
0x31: {  	(v2sf) =	vpush v20, $0x1;
	_ =	sdelay $0x2  }
0x32: {  	(v2sf) =	vpush v20, $0x2;
	_ =	sdelay $0x5  }
0x33: {  	(v2sf) =	vpush v20, $0x3;
	_ =	sdelay $0x4  }
0x34: {  	s24 =	spop (v2sf);
	(v2sf) =	vpush v20, $0x4  }
0x35: {  	s4 =	spop (v2sf);
	(v2sf) =	vpush v20, $0x5;
	_ =	sdelay $0x1  }
0x36: {  	s0 =	sand.u32 $0xFFFFF80, s24  }
0x37: {  	s3 =	simm.s32 $0x600;
	s0 =	sadd.s32 s1, s0;
	s10 =	spop (v2sf);
	(v2sf) =	vpush v20, $0x6  }
0x38: {  	v21 =	vld [tilespmem:$0x200];
	[tilespmem:s3], [sflag:$0x1] =	stream.strided.gather [hbm4b:s0+s26], $0x2000, s20, s26, $0x38  }
0x39: {  	s0 =	sand.u32 $0xFFFFF80, s4  }
0x3a: {  	s9 =	simm.s32 $0x2600;
	s0 =	sadd.s32 s1, s0  }
0x3b: {  	(v2sf) =	vpush v20, $0x7;
	[tilespmem:s9], [sflag:$0x2] =	stream.strided.gather [hbm4b:s0+s26], $0x2000, s20, s26, $0x38;
	[tilespmem:$0x18800] =	vst v63  }
0x3c: {  	s0 =	sand.u32 $0xFFFFF80, s10  }
0x3d: {  	s11 =	spop (v2sf);
	(v2sf) =	vpush v21, $0x0;
	s0 =	sadd.s32 s1, s0  }
0x3e: {  	[tilespmem:s17], [sflag:$0x3] =	stream.strided.gather [hbm4b:s0+s26], $0x2000, s20, s26, $0x38;
	[tilespmem:$0x18800] =	vst v63  }
0x3f: {  	s0 =	sand.u32 $0xFFFFF80, s11  }
0x40: {  	s0 =	sadd.s32 s1, s0  }
0x41: {  	[tilespmem:s13], [sflag:$0x4] =	stream.strided.gather [hbm4b:s0+s26], $0x2000, s20, s26, $0x38;
	[tilespmem:$0x18800] =	vst v63  }
0x42: {  	s13 =	spop (v2sf);
	(v2sf) =	vpush v21, $0x1  }
0x43: {  	s0 =	sand.u32 $0xFFFFF80, s13;
	s17 =	spop (v2sf);
	(v2sf) =	vpush v21, $0x2  }
0x44: {  	s0 =	sadd.s32 s1, s0  }
0x45: {  	[tilespmem:s15], [sflag:$0x5] =	stream.strided.gather [hbm4b:s0+s26], $0x2000, s20, s26, $0x38;
	[tilespmem:$0x18800] =	vst v63  }
0x46: {  	s24 =	spop (v2sf);
	(v2sf) =	vpush v21, $0x3;
	s0 =	sand.u32 $0xFFFFF80, s17  }
0x47: {  	s0 =	sadd.s32 s1, s0  }
0x48: {  	[tilespmem:s8], [sflag:$0x6] =	stream.strided.gather [hbm4b:s0+s26], $0x2000, s20, s26, $0x38;
	[tilespmem:$0x18800] =	vst v63  }
0x49: {  	s0 =	sand.u32 $0xFFFFF80, s24  }
0x4a: {  	s3 =	spop (v2sf);
	s0 =	sadd.s32 s1, s0  }
0x4b: {  	[tilespmem:s7], [sflag:$0x7] =	stream.strided.gather [hbm4b:s0+s26], $0x2000, s20, s26, $0x38;
	[tilespmem:$0x18800] =	vst v63  }
0x4c: {  	s8 =	spop (v2sf);
	s7 =	sand.u32 $0xFFFFF80, s3  }
0x4d: {  	s9 =	sand.u32 $0xFFFFF80, s8;
	s0 =	sadd.s32 s1, s7  }
0x4e: {  	[tilespmem:s5], [sflag:$0x8] =	stream.strided.gather [hbm4b:s0+s26], $0x2000, s20, s26, $0x38;
	[tilespmem:$0x18800] =	vst v63  }
0x4f: {  	s0 =	sadd.s32 s2, s9  }
0x50: {  	[tilespmem:s18], [sflag:$0x9] =	stream.strided.gather [hbm4b:s0+s26], $0x2000, s20, s26, $0x38;
	[tilespmem:$0x18800] =	vst v63  }
0x51: {  	s10 =	spop (v2sf)  }
0x52: {  	s11 =	sand.u32 $0xFFFFF80, s10;
	s13 =	spop (v2sf)  }
0x53: {  	s0 =	sadd.s32 s2, s11;
	s15 =	sand.u32 $0xFFFFF80, s13  }
0x54: {  	[tilespmem:s14], [sflag:$0xA] =	stream.strided.gather [hbm4b:s0+s26], $0x2000, s20, s26, $0x38;
	[tilespmem:$0x18800] =	vst v63  }
0x55: {  	s17 =	spop (v2sf);
	s0 =	sadd.s32 s2, s15  }
0x56: {  	[tilespmem:s12], [sflag:$0xB] =	stream.strided.gather [hbm4b:s0+s26], $0x2000, s20, s26, $0x38;
	[tilespmem:$0x18800] =	vst v63  }
0x57: {  	s29 =	simm.s32 $0xE600;
	s24 =	simm.s32 $0x0;
	s0 =	sand.u32 $0xFFFFF80, s17  }
0x58: {  	[dreg:$0x11] =	wrdreg s24;
	s18 =	simm.s32 $0x18600;
	s0 =	sadd.s32 s2, s0  }
0x59: {  	[tilespmem:s16], [sflag:$0xC] =	stream.strided.gather [hbm4b:s0+s26], $0x2000, s20, s26, $0x38;
	[tilespmem:$0x18800] =	vst v63  }
0x5a: {  	s4 =	simm.s32 $0x0;
	[dreg:$0xf] =	wrdreg s18;
	s0 =	simm.s32 $0x400  }
.LBB2_2:
0x5b: {  	[dreg:$0x10] =	wrdreg s4  }
0x5c: {  	v31 =	vld [tilespmem:s4+$0x0];
	[dreg:$0xd] =	wrdreg s6  }
0x5d: {  	v26 =	vld [tilespmem:s6+$0x0];
	s6 =	rddreg [dreg:$0x11]  }
0x5e: {  	[dreg:$0xe] =	wrdreg s0;
	v22 =	vld [tilespmem:s0+$0x0];
	s0 =	smin.u32 s6, $0x1E0  }
0x5f: {  	s7 =	simm.s32 $0x1;
	[dreg:$0x11] =	wrdreg s6;
	v20 =	vld [tilespmem:s0+$0x10]  }
0x60: {  	v21 =	vld [tilespmem:s0+$0x210];
	_ =	swait.ge [sflag:s7], $0x2000  }
0x61: {  	[sflag:s7] =	ssyncset.done $0x0  }
0x62: {  	s3 =	simm.s32 $0x9;
	[sflag:s7] =	ssyncadd.s32 $0xFFFFE000  }
0x63: {  	_ =	swait.ge [sflag:s3], $0x2000  }
0x64: {  	(v2sf) =	vpush v31, $0x0;
	_ =	sdelay $0x1  }
0x65: {  	(v2sf) =	vpush v26, $0x0;
	_ =	sdelay $0xc  }
0x66: {  	s8 =	spop (v2sf)  }
0x67: {  	s0 =	sand.u32 $0x7F, s8  }
0x68: {  	s9 =	spop (v2sf);
	v23 =	vor.u32 s0, v0  }
0x69: {  	s4 =	sand.u32 $0x7F, s9;
	v25 =	vor.u32 s0, v14  }
0x6a: {  	v24 =	vor.u32 s4, v0  }
0x6b: {  	[sflag:s3] =	ssyncset.done $0x0;
	v27 =	vor.u32 s4, v14  }
0x6c: {  	s15 =	simm.s32 $0x600;
	[sflag:s3] =	ssyncadd.s32 $0xFFFFE000;
	v28 =	vor.u32 s0, v17  }
0x6d: {  	v29 =	vor.u32 s4, v17;
	v23 =	vld.idx.msk [tilespmem:v23+s15+$0x0], $0xffff  }
0x6e: {  	v30 =	vor.u32 s0, v18;
	v25 =	vld.idx.msk [tilespmem:v25+s15+$0x0], $0xffff  }
0x6f: {  	v32 =	vor.u32 s4, v18;
	v24 =	vld.idx.msk [tilespmem:v24+s21+$0x0], $0xffff  }
0x70: {  	v27 =	vld.idx.msk [tilespmem:v27+s21+$0x0], $0xffff  }
0x71: {  	(v2sf) =	vpush v31, $0x8;
	v28 =	vld.idx.msk [tilespmem:v28+s15+$0x0], $0xffff  }
0x72: {  	v29 =	vld.idx.msk [tilespmem:v29+s21+$0x0], $0xffff  }
0x73: {  	v30 =	vld.idx.msk [tilespmem:v30+s15+$0x0], $0xffff  }
0x74: {  	v32 =	vld.idx.msk [tilespmem:v32+s21+$0x0], $0xffff  }
0x75: {  	(v2sf) =	vpush v26, $0x4;
	v23 =	vmul.f32 v24, v23;
	v46 =	vmul.f32 v27, v25;
	_ =	sdelay $0x1  }
0x76: {  	v47 =	vmul.f32 v29, v28;
	v23 =	vadd.f32 v46, v23;
	_ =	sdelay $0x1  }
0x77: {  	v48 =	vmul.f32 v32, v30;
	v23 =	vadd.f32 v47, v23;
	_ =	sdelay $0x1  }
0x78: {  	v23 =	vadd.f32 v48, v23;
	_ =	sdelay $0x1  }
0x79: {  	(xrf2) =	vadd.scan.msk.f32 $0xffff, v23;
	_ =	sdelay $0x2  }
0x7a: {  	s0 =	spop (v2sf)  }
0x7b: {  	s10 =	sand.u32 $0xFFFFF80, s0  }
0x7c: {  	s4 =	sadd.s32 s1, s10  }
0x7d: {  	[tilespmem:s15], [sflag:$0x1] =	stream.strided.gather [hbm4b:s4+s26], $0x2000, s20, s26, $0x38;
	[tilespmem:$0x18800] =	vst v63  }
0x7e: {  	s4 =	spop (v2sf)  }
0x7f: {  	s5 =	sand.u32 $0xFFFFF80, s4  }
0x80: {  	s11 =	simm.s32 $0x2;
	s5 =	sadd.s32 s2, s5  }
0x81: {  	[tilespmem:s21], [sflag:$0x9] =	stream.strided.gather [hbm4b:s5+s26], $0x2000, s20, s26, $0x38;
	v23, _, _ =	vpop (xrf2);
	[tilespmem:$0x18800] =	vst v63  }
0x82: {  	_ =	swait.ge [sflag:s11], $0x2000  }
0x83: {  	[sflag:s11] =	ssyncset.done $0x0  }
0x84: {  	[sflag:s11] =	ssyncadd.s32 $0xFFFFE000;
	s11 =	simm.s32 $0xA  }
0x85: {  	_ =	swait.ge [sflag:s11], $0x2000  }
0x86: {  	(v2sf) =	vpush v31, $0x1;
	_ =	sdelay $0x1  }
0x87: {  	(v2sf) =	vpush v26, $0x1;
	_ =	sdelay $0xc  }
0x88: {  	s12 =	spop (v2sf)  }
0x89: {  	s5 =	sand.u32 $0x7F, s12  }
0x8a: {  	s13 =	spop (v2sf);
	v49 =	vor.u32 s5, v0  }
0x8b: {  	s6 =	sand.u32 $0x7F, s13;
	v51 =	vor.u32 s5, v14  }
0x8c: {  	v50 =	vor.u32 s6, v0  }
0x8d: {  	[sflag:s11] =	ssyncset.done $0x0;
	v52 =	vor.u32 s6, v14  }
0x8e: {  	s17 =	simm.s32 $0x2600;
	[sflag:s11] =	ssyncadd.s32 $0xFFFFE000;
	v53 =	vor.u32 s5, v17  }
0x8f: {  	v54 =	vor.u32 s6, v17;
	v24 =	vld.idx.msk [tilespmem:v49+s17+$0x0], $0xffff  }
0x90: {  	v55 =	vor.u32 s5, v18;
	v27 =	vld.idx.msk [tilespmem:v51+s17+$0x0], $0xffff  }
0x91: {  	v33 =	vor.u32 s6, v18;
	v25 =	vld.idx.msk [tilespmem:v50+s22+$0x0], $0xffff  }
0x92: {  	v28 =	vld.idx.msk [tilespmem:v52+s22+$0x0], $0xffff  }
0x93: {  	v29 =	vld.idx.msk [tilespmem:v53+s17+$0x0], $0xffff  }
0x94: {  	v30 =	vld.idx.msk [tilespmem:v54+s22+$0x0], $0xffff  }
0x95: {  	(v2sf) =	vpush v31, $0x9;
	v32 =	vld.idx.msk [tilespmem:v55+s17+$0x0], $0xffff  }
0x96: {  	(v2sf) =	vpush v26, $0x5;
	v33 =	vld.idx.msk [tilespmem:v33+s22+$0x0], $0xffff  }
0x97: {  	v24 =	vmul.f32 v25, v24;
	v56 =	vmul.f32 v28, v27;
	_ =	sdelay $0x1  }
0x98: {  	v57 =	vmul.f32 v30, v29;
	v24 =	vadd.f32 v56, v24;
	_ =	sdelay $0x1  }
0x99: {  	v58 =	vmul.f32 v33, v32;
	v24 =	vadd.f32 v57, v24;
	_ =	sdelay $0x1  }
0x9a: {  	v24 =	vadd.f32 v58, v24;
	_ =	sdelay $0x1  }
0x9b: {  	(xrf2) =	vadd.scan.msk.f32 $0xffff, v24;
	_ =	sdelay $0x4  }
0x9c: {  	s14 =	spop (v2sf)  }
0x9d: {  	s5 =	sand.u32 $0xFFFFF80, s14;
	s8 =	spop (v2sf)  }
0x9e: {  	s5 =	sadd.s32 s1, s5;
	s18 =	sand.u32 $0xFFFFF80, s8  }
0x9f: {  	[tilespmem:s17], [sflag:$0x2] =	stream.strided.gather [hbm4b:s5+s26], $0x2000, s20, s26, $0x38;
	[tilespmem:$0x18800] =	vst v63  }
0xa0: {  	s24 =	simm.s32 $0x3;
	[dreg:$0x12] =	wrdreg s14;
	s5 =	sadd.s32 s2, s18  }
0xa1: {  	[tilespmem:s22], [sflag:$0xA] =	stream.strided.gather [hbm4b:s5+s26], $0x2000, s20, s26, $0x38;
	v24, _, _ =	vpop (xrf2);
	[tilespmem:$0x18800] =	vst v63  }
0xa2: {  	_ =	swait.ge [sflag:s24], $0x2000  }
0xa3: {  	[sflag:s24] =	ssyncset.done $0x0  }
0xa4: {  	[sflag:s24] =	ssyncadd.s32 $0xFFFFE000  }
0xa5: {  	_ =	swait.ge [sflag:s30], $0x2000  }
0xa6: {  	(v2sf) =	vpush v31, $0x2;
	_ =	sdelay $0x1  }
0xa7: {  	(v2sf) =	vpush v26, $0x2;
	_ =	sdelay $0xc  }
0xa8: {  	s6 =	spop (v2sf)  }
0xa9: {  	s5 =	sand.u32 $0x7F, s6  }
0xaa: {  	s7 =	spop (v2sf);
	v59 =	vor.u32 s5, v0  }
0xab: {  	s6 =	sand.u32 $0x7F, s7;
	v61 =	vor.u32 s5, v14  }
0xac: {  	v60 =	vor.u32 s6, v0  }
0xad: {  	[sflag:s30] =	ssyncset.done $0x0;
	v62 =	vor.u32 s6, v14  }
0xae: {  	s18 =	simm.s32 $0x4600;
	[sflag:s30] =	ssyncadd.s32 $0xFFFFE000;
	v63 =	vor.u32 s5, v17  }
0xaf: {  	v36 =	vor.u32 s6, v17;
	v25 =	vld.idx.msk [tilespmem:v59+s18+$0x0], $0xffff  }
0xb0: {  	v37 =	vor.u32 s5, v18;
	v28 =	vld.idx.msk [tilespmem:v61+s18+$0x0], $0xffff  }
0xb1: {  	v34 =	vor.u32 s6, v18;
	v27 =	vld.idx.msk [tilespmem:v60+s23+$0x0], $0xffff  }
0xb2: {  	v29 =	vld.idx.msk [tilespmem:v62+s23+$0x0], $0xffff  }
0xb3: {  	v30 =	vld.idx.msk [tilespmem:v63+s18+$0x0], $0xffff  }
0xb4: {  	(v2sf) =	vpush v31, $0xA;
	v32 =	vld.idx.msk [tilespmem:v36+s23+$0x0], $0xffff  }
0xb5: {  	v33 =	vld.idx.msk [tilespmem:v37+s18+$0x0], $0xffff  }
0xb6: {  	(v2sf) =	vpush v26, $0x6;
	v34 =	vld.idx.msk [tilespmem:v34+s23+$0x0], $0xffff  }
0xb7: {  	v25 =	vmul.f32 v27, v25;
	v38 =	vmul.f32 v29, v28;
	_ =	sdelay $0x1  }
0xb8: {  	v39 =	vmul.f32 v32, v30;
	v25 =	vadd.f32 v38, v25;
	_ =	sdelay $0x1  }
0xb9: {  	v40 =	vmul.f32 v34, v33;
	v25 =	vadd.f32 v39, v25;
	_ =	sdelay $0x1  }
0xba: {  	v25 =	vadd.f32 v40, v25;
	_ =	sdelay $0x1  }
0xbb: {  	(xrf2) =	vadd.scan.msk.f32 $0xffff, v25;
	_ =	sdelay $0x3  }
0xbc: {  	s5 =	spop (v2sf)  }
0xbd: {  	s9 =	sand.u32 $0xFFFFF80, s5  }
0xbe: {  	s6 =	sadd.s32 s1, s9;
	s9 =	spop (v2sf)  }
0xbf: {  	[tilespmem:s18], [sflag:$0x3] =	stream.strided.gather [hbm4b:s6+s26], $0x2000, s20, s26, $0x38;
	[tilespmem:$0x18800] =	vst v63  }
0xc0: {  	s10 =	sand.u32 $0xFFFFF80, s9  }
0xc1: {  	s12 =	simm.s32 $0x4;
	s6 =	sadd.s32 s2, s10  }
0xc2: {  	[tilespmem:s23], [sflag:$0xB] =	stream.strided.gather [hbm4b:s6+s26], $0x2000, s20, s26, $0x38;
	v25, _, _ =	vpop (xrf2);
	[tilespmem:$0x18800] =	vst v63  }
0xc3: {  	_ =	swait.ge [sflag:s12], $0x2000  }
0xc4: {  	[sflag:s12] =	ssyncset.done $0x0  }
0xc5: {  	[sflag:s12] =	ssyncadd.s32 $0xFFFFE000  }
0xc6: {  	_ =	swait.ge [sflag:s31], $0x2000  }
0xc7: {  	(v2sf) =	vpush v31, $0x3;
	_ =	sdelay $0x1  }
0xc8: {  	(v2sf) =	vpush v26, $0x3;
	_ =	sdelay $0xc  }
0xc9: {  	s13 =	spop (v2sf)  }
0xca: {  	s6 =	sand.u32 $0x7F, s13  }
0xcb: {  	s7 =	spop (v2sf);
	v41 =	vor.u32 s6, v0  }
0xcc: {  	s7 =	sand.u32 $0x7F, s7;
	v43 =	vor.u32 s6, v14  }
0xcd: {  	v42 =	vor.u32 s7, v0  }
0xce: {  	[sflag:s31] =	ssyncset.done $0x0;
	v44 =	vor.u32 s7, v14  }
0xcf: {  	[sflag:s31] =	ssyncadd.s32 $0xFFFFE000;
	v45 =	vor.u32 s6, v17  }
0xd0: {  	v46 =	vor.u32 s7, v17;
	v27 =	vld.idx.msk [tilespmem:v41+s28+$0x0], $0xffff  }
0xd1: {  	v47 =	vor.u32 s6, v18;
	v29 =	vld.idx.msk [tilespmem:v43+s28+$0x0], $0xffff  }
0xd2: {  	v35 =	vor.u32 s7, v18;
	v28 =	vld.idx.msk [tilespmem:v42+s16+$0x0], $0xffff  }
0xd3: {  	v30 =	vld.idx.msk [tilespmem:v44+s16+$0x0], $0xffff  }
0xd4: {  	v32 =	vld.idx.msk [tilespmem:v45+s28+$0x0], $0xffff  }
0xd5: {  	v33 =	vld.idx.msk [tilespmem:v46+s16+$0x0], $0xffff  }
0xd6: {  	(v2sf) =	vpush v31, $0xB;
	v34 =	vld.idx.msk [tilespmem:v47+s28+$0x0], $0xffff  }
0xd7: {  	(v2sf) =	vpush v26, $0x7;
	v35 =	vld.idx.msk [tilespmem:v35+s16+$0x0], $0xffff  }
0xd8: {  	v27 =	vmul.f32 v28, v27;
	v48 =	vmul.f32 v30, v29;
	_ =	sdelay $0x1  }
0xd9: {  	v49 =	vmul.f32 v33, v32;
	v27 =	vadd.f32 v48, v27;
	_ =	sdelay $0x1  }
0xda: {  	v50 =	vmul.f32 v35, v34;
	v27 =	vadd.f32 v49, v27;
	_ =	sdelay $0x1  }
0xdb: {  	v27 =	vadd.f32 v50, v27;
	_ =	sdelay $0x1  }
0xdc: {  	(xrf2) =	vadd.scan.msk.f32 $0xffff, v27;
	_ =	sdelay $0x4  }
0xdd: {  	s6 =	spop (v2sf)  }
0xde: {  	s14 =	sand.u32 $0xFFFFF80, s6;
	s10 =	spop (v2sf)  }
0xdf: {  	s7 =	sadd.s32 s1, s14;
	s24 =	sand.u32 $0xFFFFF80, s10  }
0xe0: {  	[tilespmem:s28], [sflag:$0x4] =	stream.strided.gather [hbm4b:s7+s26], $0x2000, s20, s26, $0x38;
	[tilespmem:$0x18800] =	vst v63  }
0xe1: {  	s12 =	simm.s32 $0x5;
	s7 =	sadd.s32 s2, s24  }
0xe2: {  	[tilespmem:s16], [sflag:$0xC] =	stream.strided.gather [hbm4b:s7+s26], $0x2000, s20, s26, $0x38;
	v27, _, _ =	vpop (xrf2);
	[tilespmem:$0x18800] =	vst v63  }
0xe3: {  	_ =	swait.ge [sflag:s12], $0x2000  }
0xe4: {  	[sflag:s12] =	ssyncset.done $0x0  }
0xe5: {  	[sflag:s12] =	ssyncadd.s32 $0xFFFFE000  }
0xe6: {  	_ =	swait.ge [sflag:s3], $0x2000  }
0xe7: {  	(v2sf) =	vpush v31, $0x4;
	_ =	sdelay $0xd  }
0xe8: {  	s4 =	sand.u32 $0x7F, s4  }
0xe9: {  	v52 =	vor.u32 s4, v0;
	s13 =	spop (v2sf)  }
0xea: {  	v54 =	vor.u32 s4, v14;
	s7 =	sand.u32 $0x7F, s13  }
0xeb: {  	v51 =	vor.u32 s7, v0  }
0xec: {  	[sflag:s3] =	ssyncset.done $0x0;
	v53 =	vor.u32 s7, v14  }
0xed: {  	v56 =	vor.u32 s4, v17;
	[sflag:s3] =	ssyncadd.s32 $0xFFFFE000  }
0xee: {  	v29 =	vld.idx.msk [tilespmem:v52+s21+$0x0], $0xffff;
	v55 =	vor.u32 s7, v17  }
0xef: {  	v36 =	vor.u32 s4, v18;
	v32 =	vld.idx.msk [tilespmem:v54+s21+$0x0], $0xffff  }
0xf0: {  	v57 =	vor.u32 s7, v18;
	v28 =	vld.idx.msk [tilespmem:v51+s19+$0x0], $0xffff  }
0xf1: {  	v30 =	vld.idx.msk [tilespmem:v53+s19+$0x0], $0xffff  }
0xf2: {  	(v2sf) =	vpush v31, $0xC;
	v34 =	vld.idx.msk [tilespmem:v56+s21+$0x0], $0xffff  }
0xf3: {  	v33 =	vld.idx.msk [tilespmem:v55+s19+$0x0], $0xffff  }
0xf4: {  	v36 =	vld.idx.msk [tilespmem:v36+s21+$0x0], $0xffff  }
0xf5: {  	v35 =	vld.idx.msk [tilespmem:v57+s19+$0x0], $0xffff  }
0xf6: {  	(v2sf) =	vpush v26, $0x8;
	v28 =	vmul.f32 v29, v28;
	v58 =	vmul.f32 v32, v30;
	_ =	sdelay $0x1  }
0xf7: {  	v59 =	vmul.f32 v34, v33;
	v28 =	vadd.f32 v58, v28;
	_ =	sdelay $0x1  }
0xf8: {  	v60 =	vmul.f32 v36, v35;
	v28 =	vadd.f32 v59, v28;
	_ =	sdelay $0x1  }
0xf9: {  	v28 =	vadd.f32 v60, v28;
	_ =	sdelay $0x1  }
0xfa: {  	(xrf2) =	vadd.scan.msk.f32 $0xffff, v28;
	_ =	sdelay $0x2  }
0xfb: {  	s7 =	spop (v2sf)  }
0xfc: {  	s14 =	sand.u32 $0xFFFFF80, s7  }
0xfd: {  	s4 =	sadd.s32 s1, s14  }
0xfe: {  	[tilespmem:s19], [sflag:$0x5] =	stream.strided.gather [hbm4b:s4+s26], $0x2000, s20, s26, $0x38;
	[tilespmem:$0x18800] =	vst v63  }
0xff: {  	s14 =	spop (v2sf)  }
0x100: {  	s16 =	sand.u32 $0xFFFFF80, s14  }
0x101: {  	s24 =	simm.s32 $0x6;
	s4 =	sadd.s32 s2, s16  }
0x102: {  	[tilespmem:s21], [sflag:$0x9] =	stream.strided.gather [hbm4b:s4+s26], $0x2000, s20, s26, $0x38;
	v28, _, _ =	vpop (xrf2);
	[tilespmem:$0x18800] =	vst v63  }
0x103: {  	_ =	swait.ge [sflag:s24], $0x2000  }
0x104: {  	[sflag:s24] =	ssyncset.done $0x0  }
0x105: {  	[sflag:s24] =	ssyncadd.s32 $0xFFFFE000  }
0x106: {  	_ =	swait.ge [sflag:s11], $0x2000  }
0x107: {  	(v2sf) =	vpush v31, $0x5;
	_ =	sdelay $0xd  }
0x108: {  	s8 =	sand.u32 $0x7F, s8  }
0x109: {  	v62 =	vor.u32 s8, v0;
	s3 =	spop (v2sf)  }
0x10a: {  	v40 =	vor.u32 s8, v14;
	s4 =	sand.u32 $0x7F, s3  }
0x10b: {  	v61 =	vor.u32 s4, v0  }
0x10c: {  	[sflag:s11] =	ssyncset.done $0x0;
	v63 =	vor.u32 s4, v14  }
0x10d: {  	v42 =	vor.u32 s8, v17;
	[sflag:s11] =	ssyncadd.s32 $0xFFFFE000  }
0x10e: {  	v30 =	vld.idx.msk [tilespmem:v62+s22+$0x0], $0xffff;
	v41 =	vor.u32 s4, v17  }
0x10f: {  	v37 =	vor.u32 s8, v18;
	s16 =	simm.s32 $0xA600;
	v33 =	vld.idx.msk [tilespmem:v40+s22+$0x0], $0xffff  }
0x110: {  	v43 =	vor.u32 s4, v18;
	v29 =	vld.idx.msk [tilespmem:v61+s16+$0x0], $0xffff  }
0x111: {  	v32 =	vld.idx.msk [tilespmem:v63+s16+$0x0], $0xffff  }
0x112: {  	(v2sf) =	vpush v31, $0xD;
	v35 =	vld.idx.msk [tilespmem:v42+s22+$0x0], $0xffff  }
0x113: {  	v34 =	vld.idx.msk [tilespmem:v41+s16+$0x0], $0xffff  }
0x114: {  	v37 =	vld.idx.msk [tilespmem:v37+s22+$0x0], $0xffff  }
0x115: {  	v36 =	vld.idx.msk [tilespmem:v43+s16+$0x0], $0xffff  }
0x116: {  	(v2sf) =	vpush v26, $0x9;
	v29 =	vmul.f32 v30, v29;
	v44 =	vmul.f32 v33, v32;
	_ =	sdelay $0x1  }
0x117: {  	v45 =	vmul.f32 v35, v34;
	v29 =	vadd.f32 v44, v29;
	_ =	sdelay $0x1  }
0x118: {  	v46 =	vmul.f32 v37, v36;
	v29 =	vadd.f32 v45, v29;
	_ =	sdelay $0x1  }
0x119: {  	v29 =	vadd.f32 v46, v29;
	_ =	sdelay $0x1  }
0x11a: {  	(xrf2) =	vadd.scan.msk.f32 $0xffff, v29;
	_ =	sdelay $0x2  }
0x11b: {  	s8 =	spop (v2sf)  }
0x11c: {  	s11 =	sand.u32 $0xFFFFF80, s8  }
0x11d: {  	s4 =	sadd.s32 s1, s11  }
0x11e: {  	[tilespmem:s16], [sflag:$0x6] =	stream.strided.gather [hbm4b:s4+s26], $0x2000, s20, s26, $0x38;
	[tilespmem:$0x18800] =	vst v63  }
0x11f: {  	s24 =	spop (v2sf)  }
0x120: {  	s12 =	sand.u32 $0xFFFFF80, s24  }
0x121: {  	s13 =	simm.s32 $0x7;
	s4 =	sadd.s32 s2, s12  }
0x122: {  	[tilespmem:s22], [sflag:$0xA] =	stream.strided.gather [hbm4b:s4+s26], $0x2000, s20, s26, $0x38;
	v29, _, _ =	vpop (xrf2);
	[tilespmem:$0x18800] =	vst v63  }
0x123: {  	_ =	swait.ge [sflag:s13], $0x2000  }
0x124: {  	[sflag:s13] =	ssyncset.done $0x0  }
0x125: {  	[sflag:s13] =	ssyncadd.s32 $0xFFFFE000  }
0x126: {  	_ =	swait.ge [sflag:s30], $0x2000  }
0x127: {  	(v2sf) =	vpush v31, $0x6;
	_ =	sdelay $0xd  }
0x128: {  	s9 =	sand.u32 $0x7F, s9  }
0x129: {  	v48 =	vor.u32 s9, v0;
	s11 =	spop (v2sf)  }
0x12a: {  	v50 =	vor.u32 s9, v14;
	s4 =	sand.u32 $0x7F, s11  }
0x12b: {  	v47 =	vor.u32 s4, v0  }
0x12c: {  	[sflag:s30] =	ssyncset.done $0x0;
	v49 =	vor.u32 s4, v14  }
0x12d: {  	v52 =	vor.u32 s9, v17;
	[sflag:s30] =	ssyncadd.s32 $0xFFFFE000  }
0x12e: {  	v32 =	vld.idx.msk [tilespmem:v48+s23+$0x0], $0xffff;
	v51 =	vor.u32 s4, v17  }
0x12f: {  	v38 =	vor.u32 s9, v18;
	v34 =	vld.idx.msk [tilespmem:v50+s23+$0x0], $0xffff  }
0x130: {  	v53 =	vor.u32 s4, v18;
	v30 =	vld.idx.msk [tilespmem:v47+s25+$0x0], $0xffff  }
0x131: {  	(v2sf) =	vpush v31, $0xE;
	v33 =	vld.idx.msk [tilespmem:v49+s25+$0x0], $0xffff  }
0x132: {  	v36 =	vld.idx.msk [tilespmem:v52+s23+$0x0], $0xffff  }
0x133: {  	v35 =	vld.idx.msk [tilespmem:v51+s25+$0x0], $0xffff  }
0x134: {  	v38 =	vld.idx.msk [tilespmem:v38+s23+$0x0], $0xffff  }
0x135: {  	(v2sf) =	vpush v26, $0xA;
	v37 =	vld.idx.msk [tilespmem:v53+s25+$0x0], $0xffff  }
0x136: {  	v30 =	vmul.f32 v32, v30;
	v54 =	vmul.f32 v34, v33;
	_ =	sdelay $0x1  }
0x137: {  	v55 =	vmul.f32 v36, v35;
	v30 =	vadd.f32 v54, v30;
	_ =	sdelay $0x1  }
0x138: {  	v56 =	vmul.f32 v38, v37;
	v30 =	vadd.f32 v55, v30;
	_ =	sdelay $0x1  }
0x139: {  	v30 =	vadd.f32 v56, v30;
	_ =	sdelay $0x1  }
0x13a: {  	(xrf2) =	vadd.scan.msk.f32 $0xffff, v30;
	_ =	sdelay $0x1  }
0x13b: {  	s12 =	spop (v2sf)  }
0x13c: {  	s13 =	sand.u32 $0xFFFFF80, s12  }
0x13d: {  	s9 =	sadd.s32 s1, s13  }
0x13e: {  	[tilespmem:s25], [sflag:$0x7] =	stream.strided.gather [hbm4b:s9+s26], $0x2000, s20, s26, $0x38;
	[tilespmem:$0x18800] =	vst v63  }
0x13f: {  	[dreg:$0x13] =	wrdreg s12;
	s12 =	spop (v2sf)  }
0x140: {  	s4 =	sand.u32 $0xFFFFF80, s12  }
0x141: {  	s9 =	sadd.s32 s2, s4  }
0x142: {  	[tilespmem:s23], [sflag:$0xB] =	stream.strided.gather [hbm4b:s9+s26], $0x2000, s20, s26, $0x38;
	[tilespmem:$0x18800] =	vst v63  }
0x143: {  	s9 =	simm.s32 $0x8;
	v30, _, _ =	vpop (xrf2)  }
0x144: {  	_ =	swait.ge [sflag:s9], $0x2000  }
0x145: {  	[sflag:s9] =	ssyncset.done $0x0  }
0x146: {  	[sflag:s9] =	ssyncadd.s32 $0xFFFFE000  }
0x147: {  	_ =	swait.ge [sflag:s31], $0x2000  }
0x148: {  	(v2sf) =	vpush v31, $0x7;
	_ =	sdelay $0xd  }
0x149: {  	s10 =	sand.u32 $0x7F, s10  }
0x14a: {  	v58 =	vor.u32 s10, v0;
	s11 =	spop (v2sf)  }
0x14b: {  	v60 =	vor.u32 s10, v14;
	s9 =	sand.u32 $0x7F, s11  }
0x14c: {  	v57 =	vor.u32 s9, v0  }
0x14d: {  	[sflag:s31] =	ssyncset.done $0x0;
	v59 =	vor.u32 s9, v14  }
0x14e: {  	v62 =	vor.u32 s10, v17;
	s3 =	simm.s32 $0x16600;
	[sflag:s31] =	ssyncadd.s32 $0xFFFFE000  }
0x14f: {  	v33 =	vld.idx.msk [tilespmem:v58+s3+$0x0], $0xffff;
	v61 =	vor.u32 s9, v17  }
0x150: {  	v39 =	vor.u32 s10, v18;
	v35 =	vld.idx.msk [tilespmem:v60+s3+$0x0], $0xffff  }
0x151: {  	v63 =	vor.u32 s9, v18;
	v32 =	vld.idx.msk [tilespmem:v57+s29+$0x0], $0xffff  }
0x152: {  	v34 =	vld.idx.msk [tilespmem:v59+s29+$0x0], $0xffff  }
0x153: {  	(v2sf) =	vpush v31, $0xF;
	v42 =	vld.idx.msk [tilespmem:v62+s3+$0x0], $0xffff  }
0x154: {  	v36 =	vld.idx.msk [tilespmem:v61+s29+$0x0], $0xffff  }
0x155: {  	v44 =	vld.idx.msk [tilespmem:v39+s3+$0x0], $0xffff  }
0x156: {  	v43 =	vld.idx.msk [tilespmem:v63+s29+$0x0], $0xffff  }
0x157: {  	(v2sf) =	vpush v26, $0xB;
	v32 =	vmul.f32 v33, v32;
	v45 =	vmul.f32 v35, v34;
	_ =	sdelay $0x1  }
0x158: {  	v31 =	vmul.f32 v42, v36;
	v32 =	vadd.f32 v45, v32;
	_ =	sdelay $0x1  }
0x159: {  	v46 =	vmul.f32 v44, v43;
	v31 =	vadd.f32 v31, v32;
	_ =	sdelay $0x1  }
0x15a: {  	v31 =	vadd.f32 v46, v31;
	_ =	sdelay $0x1  }
0x15b: {  	(xrf2) =	vadd.scan.msk.f32 $0xffff, v31;
	_ =	sdelay $0x2  }
0x15c: {  	s10 =	spop (v2sf)  }
0x15d: {  	s13 =	sand.u32 $0xFFFFF80, s10  }
0x15e: {  	s9 =	sadd.s32 s1, s13  }
0x15f: {  	[tilespmem:s29], [sflag:$0x8] =	stream.strided.gather [hbm4b:s9+s26], $0x2000, s20, s26, $0x38;
	[tilespmem:$0x18800] =	vst v63  }
0x160: {  	s13 =	spop (v2sf)  }
0x161: {  	s4 =	sand.u32 $0xFFFFF80, s13  }
0x162: {  	s11 =	simm.s32 $0x1;
	s9 =	sadd.s32 s2, s4  }
0x163: {  	[tilespmem:s3], [sflag:$0xC] =	stream.strided.gather [hbm4b:s9+s26], $0x2000, s20, s26, $0x38;
	v31, _, _ =	vpop (xrf2);
	[tilespmem:$0x18800] =	vst v63  }
0x164: {  	s0 =	sand.u32 $0x7F, s0;
	_ =	swait.ge [sflag:s11], $0x2000  }
0x165: {  	v47 =	vor.u32 s0, v0;
	s9 =	simm.s32 $0x1;
	[sflag:s11] =	ssyncset.done $0x0  }
0x166: {  	v49 =	vor.u32 s0, v14;
	s11 =	sand.u32 $0x7F, s14;
	s14 =	simm.s32 $0x9;
	[sflag:s9] =	ssyncadd.s32 $0xFFFFE000  }
0x167: {  	v48 =	vor.u32 s11, v0;
	_ =	swait.ge [sflag:s14], $0x2000  }
0x168: {  	v50 =	vor.u32 s11, v14;
	[sflag:s14] =	ssyncset.done $0x0  }
0x169: {  	v51 =	vor.u32 s0, v17;
	[sflag:s14] =	ssyncadd.s32 $0xFFFFE000  }
0x16a: {  	v52 =	vor.u32 s11, v17;
	v32 =	vld.idx.msk [tilespmem:v47+s15+$0x0], $0xffff  }
0x16b: {  	v53 =	vor.u32 s0, v18;
	v34 =	vld.idx.msk [tilespmem:v49+s15+$0x0], $0xffff  }
0x16c: {  	v54 =	vor.u32 s11, v18;
	s9 =	rddreg [dreg:$0x11];
	v33 =	vld.idx.msk [tilespmem:v48+s21+$0x0], $0xffff  }
0x16d: {  	p0 =	seq.s32 s9, $0x1F0;
	v35 =	vld.idx.msk [tilespmem:v50+s21+$0x0], $0xffff  }
0x16e: {  	(v2sf) =	vpush @!p0 v20, $0x0;
	v36 =	vld.idx.msk [tilespmem:v51+s15+$0x0], $0xffff  }
0x16f: {  	v37 =	vld.idx.msk [tilespmem:v52+s21+$0x0], $0xffff  }
0x170: {  	v38 =	vld.idx.msk [tilespmem:v53+s15+$0x0], $0xffff  }
0x171: {  	v39 =	vld.idx.msk [tilespmem:v54+s21+$0x0], $0xffff  }
0x172: {  	(v2sf) =	vpush v26, $0xC;
	v32 =	vmul.f32 v33, v32;
	v55 =	vmul.f32 v35, v34;
	_ =	sdelay $0x1  }
0x173: {  	v56 =	vmul.f32 v37, v36;
	v32 =	vadd.f32 v55, v32;
	_ =	sdelay $0x1  }
0x174: {  	v57 =	vmul.f32 v39, v38;
	v32 =	vadd.f32 v56, v32;
	_ =	sdelay $0x1  }
0x175: {  	v32 =	vadd.f32 v57, v32;
	_ =	sdelay $0x1  }
0x176: {  	(xrf2) =	vadd.scan.msk.f32 $0xffff, v32;
	_ =	sdelay $0x2  }
0x177: {  	s0 =	spop @!p0 (v2sf)  }
0x178: {  	s9 =	simm.s32 @!p0 $0x7A1400;
	s0 =	sand.u32 @!p0 $0xFFFFF80, s0  }
0x179: {  	s15 =	simm.s32 @!p0 $0x600;
	s14 =	sadd.s32 @!p0 s1, s0;
	s0 =	simm.s32 @!p0 $0x400  }
0x17a: {  	[tilespmem:s15], [sflag:$0x1] =	stream.strided.gather @!p0 [hbm4b:s14+s0], $0x2000, s9, s0, $0x38;
	[tilespmem:$0x18800] =	vst v63  }
0x17b: {  	s15 =	spop (v2sf)  }
0x17c: {  	s11 =	sand.u32 $0xFFFFF80, s15  }
0x17d: {  	s14 =	sadd.s32 s2, s11;
	s11 =	simm.s32 $0x2  }
0x17e: {  	[tilespmem:s21], [sflag:$0x9] =	stream.strided.gather [hbm4b:s14+s26], $0x2000, s20, s26, $0x38;
	v32, _, _ =	vpop (xrf2);
	[tilespmem:$0x18800] =	vst v63  }
0x17f: {  	s24 =	sand.u32 $0x7F, s24;
	_ =	swait.ge [sflag:s11], $0x2000  }
0x180: {  	v59 =	vor.u32 s24, v0;
	s14 =	rddreg [dreg:$0x12];
	[sflag:s11] =	ssyncset.done $0x0;
	s11 =	simm.s32 $0x2  }
0x181: {  	v61 =	vor.u32 s24, v14;
	s14 =	sand.u32 $0x7F, s14;
	[sflag:s11] =	ssyncadd.s32 $0xFFFFE000;
	s11 =	simm.s32 $0xA  }
0x182: {  	v58 =	vor.u32 s14, v0;
	_ =	swait.ge [sflag:s11], $0x2000  }
0x183: {  	v60 =	vor.u32 s14, v14;
	[sflag:s11] =	ssyncset.done $0x0  }
0x184: {  	v63 =	vor.u32 s24, v17;
	[sflag:s11] =	ssyncadd.s32 $0xFFFFE000  }
0x185: {  	v62 =	vor.u32 s14, v17;
	v34 =	vld.idx.msk [tilespmem:v59+s22+$0x0], $0xffff  }
0x186: {  	v40 =	vor.u32 s24, v18;
	v36 =	vld.idx.msk [tilespmem:v61+s22+$0x0], $0xffff  }
0x187: {  	v44 =	vor.u32 s14, v18;
	v33 =	vld.idx.msk [tilespmem:v58+s17+$0x0], $0xffff  }
0x188: {  	(v2sf) =	vpush @!p0 v20, $0x1;
	v35 =	vld.idx.msk [tilespmem:v60+s17+$0x0], $0xffff  }
0x189: {  	v38 =	vld.idx.msk [tilespmem:v63+s22+$0x0], $0xffff  }
0x18a: {  	v37 =	vld.idx.msk [tilespmem:v62+s17+$0x0], $0xffff  }
0x18b: {  	v40 =	vld.idx.msk [tilespmem:v40+s22+$0x0], $0xffff  }
0x18c: {  	(v2sf) =	vpush v26, $0xD;
	v39 =	vld.idx.msk [tilespmem:v44+s17+$0x0], $0xffff  }
0x18d: {  	v33 =	vmul.f32 v34, v33;
	v45 =	vmul.f32 v36, v35;
	_ =	sdelay $0x1  }
0x18e: {  	v46 =	vmul.f32 v38, v37;
	v33 =	vadd.f32 v45, v33;
	_ =	sdelay $0x1  }
0x18f: {  	v47 =	vmul.f32 v40, v39;
	v33 =	vadd.f32 v46, v33;
	_ =	sdelay $0x1  }
0x190: {  	v33 =	vadd.f32 v47, v33;
	_ =	sdelay $0x1  }
0x191: {  	(xrf2) =	vadd.scan.msk.f32 $0xffff, v33;
	_ =	sdelay $0x1  }
0x192: {  	s14 =	spop @!p0 (v2sf)  }
0x193: {  	s14 =	sand.u32 @!p0 $0xFFFFF80, s14  }
0x194: {  	s24 =	simm.s32 @!p0 $0x2600;
	s14 =	sadd.s32 @!p0 s1, s14  }
0x195: {  	[tilespmem:s24], [sflag:$0x2] =	stream.strided.gather @!p0 [hbm4b:s14+s0], $0x2000, s9, s0, $0x38;
	[tilespmem:$0x18800] =	vst v63  }
0x196: {  	s14 =	spop (v2sf)  }
0x197: {  	s17 =	sand.u32 $0xFFFFF80, s14  }
0x198: {  	s24 =	sadd.s32 s2, s17  }
0x199: {  	[tilespmem:s22], [sflag:$0xA] =	stream.strided.gather [hbm4b:s24+s26], $0x2000, s20, s26, $0x38;
	[tilespmem:$0x18800] =	vst v63  }
0x19a: {  	s24 =	simm.s32 $0x3;
	v33, _, _ =	vpop (xrf2)  }
0x19b: {  	s5 =	sand.u32 $0x7F, s5;
	_ =	swait.ge [sflag:s24], $0x2000  }
0x19c: {  	s12 =	sand.u32 $0x7F, s12;
	v48 =	vor.u32 s5, v0;
	[sflag:s24] =	ssyncset.done $0x0;
	s24 =	simm.s32 $0x3  }
0x19d: {  	v49 =	vor.u32 s12, v0;
	[sflag:s24] =	ssyncadd.s32 $0xFFFFE000  }
0x19e: {  	v50 =	vor.u32 s5, v14;
	_ =	swait.ge [sflag:s30], $0x2000  }
0x19f: {  	v51 =	vor.u32 s12, v14;
	[sflag:s30] =	ssyncset.done $0x0  }
0x1a0: {  	v52 =	vor.u32 s5, v17;
	[sflag:s30] =	ssyncadd.s32 $0xFFFFE000  }
0x1a1: {  	v53 =	vor.u32 s12, v17;
	v34 =	vld.idx.msk [tilespmem:v48+s18+$0x0], $0xffff  }
0x1a2: {  	v54 =	vor.u32 s5, v18;
	v35 =	vld.idx.msk [tilespmem:v49+s23+$0x0], $0xffff  }
0x1a3: {  	v41 =	vor.u32 s12, v18;
	v36 =	vld.idx.msk [tilespmem:v50+s18+$0x0], $0xffff  }
0x1a4: {  	(v2sf) =	vpush @!p0 v20, $0x2;
	v37 =	vld.idx.msk [tilespmem:v51+s23+$0x0], $0xffff  }
0x1a5: {  	v38 =	vld.idx.msk [tilespmem:v52+s18+$0x0], $0xffff  }
0x1a6: {  	v39 =	vld.idx.msk [tilespmem:v53+s23+$0x0], $0xffff  }
0x1a7: {  	v40 =	vld.idx.msk [tilespmem:v54+s18+$0x0], $0xffff  }
0x1a8: {  	(v2sf) =	vpush v26, $0xE;
	v41 =	vld.idx.msk [tilespmem:v41+s23+$0x0], $0xffff  }
0x1a9: {  	v34 =	vmul.f32 v35, v34;
	v55 =	vmul.f32 v37, v36;
	_ =	sdelay $0x1  }
0x1aa: {  	v56 =	vmul.f32 v39, v38;
	v34 =	vadd.f32 v55, v34;
	_ =	sdelay $0x1  }
0x1ab: {  	v57 =	vmul.f32 v41, v40;
	v34 =	vadd.f32 v56, v34;
	_ =	sdelay $0x1  }
0x1ac: {  	v34 =	vadd.f32 v57, v34;
	_ =	sdelay $0x1  }
0x1ad: {  	(xrf2) =	vadd.scan.msk.f32 $0xffff, v34;
	_ =	sdelay $0x1  }
0x1ae: {  	s5 =	spop @!p0 (v2sf)  }
0x1af: {  	s5 =	sand.u32 @!p0 $0xFFFFF80, s5  }
0x1b0: {  	s12 =	simm.s32 @!p0 $0x4600;
	s5 =	sadd.s32 @!p0 s1, s5  }
0x1b1: {  	[tilespmem:s12], [sflag:$0x3] =	stream.strided.gather @!p0 [hbm4b:s5+s0], $0x2000, s9, s0, $0x38;
	[tilespmem:$0x18800] =	vst v63  }
0x1b2: {  	s12 =	spop (v2sf)  }
0x1b3: {  	s24 =	sand.u32 $0xFFFFF80, s12  }
0x1b4: {  	s5 =	sadd.s32 s2, s24  }
0x1b5: {  	[tilespmem:s23], [sflag:$0xB] =	stream.strided.gather [hbm4b:s5+s26], $0x2000, s20, s26, $0x38;
	[tilespmem:$0x18800] =	vst v63  }
0x1b6: {  	s5 =	simm.s32 $0x4;
	v34, _, _ =	vpop (xrf2)  }
0x1b7: {  	s24 =	sand.u32 $0x7F, s6;
	_ =	swait.ge [sflag:s5], $0x2000  }
0x1b8: {  	s13 =	sand.u32 $0x7F, s13;
	s6 =	simm.s32 $0x4;
	v58 =	vor.u32 s24, v0;
	[sflag:s5] =	ssyncset.done $0x0  }
0x1b9: {  	v59 =	vor.u32 s13, v0;
	[sflag:s6] =	ssyncadd.s32 $0xFFFFE000  }
0x1ba: {  	v60 =	vor.u32 s24, v14;
	_ =	swait.ge [sflag:s31], $0x2000  }
0x1bb: {  	v61 =	vor.u32 s13, v14;
	[sflag:s31] =	ssyncset.done $0x0  }
0x1bc: {  	v62 =	vor.u32 s24, v17;
	[sflag:s31] =	ssyncadd.s32 $0xFFFFE000  }
0x1bd: {  	v63 =	vor.u32 s13, v17;
	v35 =	vld.idx.msk [tilespmem:v58+s28+$0x0], $0xffff  }
0x1be: {  	v45 =	vor.u32 s24, v18;
	v36 =	vld.idx.msk [tilespmem:v59+s3+$0x0], $0xffff  }
0x1bf: {  	v42 =	vor.u32 s13, v18;
	v37 =	vld.idx.msk [tilespmem:v60+s28+$0x0], $0xffff  }
0x1c0: {  	v38 =	vld.idx.msk [tilespmem:v61+s3+$0x0], $0xffff  }
0x1c1: {  	(v2sf) =	vpush @!p0 v20, $0x3;
	v39 =	vld.idx.msk [tilespmem:v62+s28+$0x0], $0xffff  }
0x1c2: {  	v40 =	vld.idx.msk [tilespmem:v63+s3+$0x0], $0xffff  }
0x1c3: {  	v41 =	vld.idx.msk [tilespmem:v45+s28+$0x0], $0xffff  }
0x1c4: {  	v42 =	vld.idx.msk [tilespmem:v42+s3+$0x0], $0xffff  }
0x1c5: {  	(v2sf) =	vpush v26, $0xF;
	v35 =	vmul.f32 v36, v35;
	v46 =	vmul.f32 v38, v37;
	_ =	sdelay $0x1  }
0x1c6: {  	v48 =	vmul.f32 v40, v39;
	v47 =	vadd.f32 v46, v35;
	_ =	sdelay $0x1  }
0x1c7: {  	v49 =	vmul.f32 v42, v41;
	v26 =	vadd.f32 v48, v47;
	_ =	sdelay $0x1  }
0x1c8: {  	v26 =	vadd.f32 v49, v26;
	_ =	sdelay $0x1  }
0x1c9: {  	(xrf2) =	vadd.scan.msk.f32 $0xffff, v26;
	_ =	sdelay $0x2  }
0x1ca: {  	s5 =	spop @!p0 (v2sf)  }
0x1cb: {  	s5 =	sand.u32 @!p0 $0xFFFFF80, s5  }
0x1cc: {  	s6 =	simm.s32 @!p0 $0x6600;
	s5 =	sadd.s32 @!p0 s1, s5  }
0x1cd: {  	[tilespmem:s6], [sflag:$0x4] =	stream.strided.gather @!p0 [hbm4b:s5+s0], $0x2000, s9, s0, $0x38;
	[tilespmem:$0x18800] =	vst v63  }
0x1ce: {  	s5 =	spop (v2sf)  }
0x1cf: {  	s24 =	sand.u32 $0xFFFFF80, s5  }
0x1d0: {  	s18 =	simm.s32 $0x5;
	s6 =	sadd.s32 s2, s24  }
0x1d1: {  	[tilespmem:s3], [sflag:$0xC] =	stream.strided.gather [hbm4b:s6+s26], $0x2000, s20, s26, $0x38;
	v26, _, _ =	vpop (xrf2);
	[tilespmem:$0x18800] =	vst v63  }
0x1d2: {  	s24 =	sand.u32 $0x7F, s7;
	_ =	swait.ge [sflag:s18], $0x2000  }
0x1d3: {  	s7 =	simm.s32 $0x5;
	v50 =	vor.u32 s24, v0;
	[sflag:s18] =	ssyncset.done $0x0  }
0x1d4: {  	s4 =	simm.s32 $0x9;
	v52 =	vor.u32 s24, v14;
	s18 =	sand.u32 $0x7F, s15;
	[sflag:s7] =	ssyncadd.s32 $0xFFFFE000  }
0x1d5: {  	v51 =	vor.u32 s18, v0;
	_ =	swait.ge [sflag:s4], $0x2000  }
0x1d6: {  	v53 =	vor.u32 s18, v14;
	[sflag:s4] =	ssyncset.done $0x0  }
0x1d7: {  	v54 =	vor.u32 s24, v17;
	[sflag:s4] =	ssyncadd.s32 $0xFFFFE000  }
0x1d8: {  	v55 =	vor.u32 s18, v17;
	v35 =	vld.idx.msk [tilespmem:v50+s19+$0x0], $0xffff  }
0x1d9: {  	v56 =	vor.u32 s24, v18;
	v37 =	vld.idx.msk [tilespmem:v52+s19+$0x0], $0xffff  }
0x1da: {  	v57 =	vor.u32 s18, v18;
	v36 =	vld.idx.msk [tilespmem:v51+s21+$0x0], $0xffff  }
0x1db: {  	v38 =	vld.idx.msk [tilespmem:v53+s21+$0x0], $0xffff  }
0x1dc: {  	(v2sf) =	vpush @!p0 v20, $0x4;
	v39 =	vld.idx.msk [tilespmem:v54+s19+$0x0], $0xffff  }
0x1dd: {  	v40 =	vld.idx.msk [tilespmem:v55+s21+$0x0], $0xffff  }
0x1de: {  	v41 =	vld.idx.msk [tilespmem:v56+s19+$0x0], $0xffff  }
0x1df: {  	v42 =	vld.idx.msk [tilespmem:v57+s21+$0x0], $0xffff  }
0x1e0: {  	(v2sf) =	vpush @!p0 v21, $0x0;
	v35 =	vmul.f32 v36, v35;
	v58 =	vmul.f32 v38, v37;
	_ =	sdelay $0x1  }
0x1e1: {  	v59 =	vmul.f32 v40, v39;
	v35 =	vadd.f32 v58, v35;
	_ =	sdelay $0x1  }
0x1e2: {  	v60 =	vmul.f32 v42, v41;
	v35 =	vadd.f32 v59, v35;
	_ =	sdelay $0x1  }
0x1e3: {  	v35 =	vadd.f32 v60, v35;
	_ =	sdelay $0x1  }
0x1e4: {  	(xrf2) =	vadd.scan.msk.f32 $0xffff, v35;
	_ =	sdelay $0x2  }
0x1e5: {  	s6 =	spop @!p0 (v2sf)  }
0x1e6: {  	s6 =	sand.u32 @!p0 $0xFFFFF80, s6  }
0x1e7: {  	s7 =	simm.s32 @!p0 $0x8600;
	s6 =	sadd.s32 @!p0 s1, s6  }
0x1e8: {  	[tilespmem:s7], [sflag:$0x5] =	stream.strided.gather @!p0 [hbm4b:s6+s0], $0x2000, s9, s0, $0x38;
	[tilespmem:$0x18800] =	vst v63  }
0x1e9: {  	s6 =	spop @!p0 (v2sf)  }
0x1ea: {  	s6 =	sand.u32 @!p0 $0xFFFFF80, s6  }
0x1eb: {  	s24 =	simm.s32 $0x6;
	s7 =	simm.s32 @!p0 $0x10600;
	s6 =	sadd.s32 @!p0 s2, s6  }
0x1ec: {  	[tilespmem:s7], [sflag:$0x9] =	stream.strided.gather @!p0 [hbm4b:s6+s0], $0x2000, s9, s0, $0x38;
	v35, _, _ =	vpop (xrf2);
	[tilespmem:$0x18800] =	vst v63  }
0x1ed: {  	s4 =	sand.u32 $0x7F, s8;
	_ =	swait.ge [sflag:s24], $0x2000  }
0x1ee: {  	s8 =	sand.u32 $0x7F, s14;
	v61 =	vor.u32 s4, v0;
	s7 =	simm.s32 $0x6;
	[sflag:s24] =	ssyncset.done $0x0  }
0x1ef: {  	s11 =	simm.s32 $0xA;
	v62 =	vor.u32 s8, v0;
	[sflag:s7] =	ssyncadd.s32 $0xFFFFE000  }
0x1f0: {  	v63 =	vor.u32 s4, v14;
	_ =	swait.ge [sflag:s11], $0x2000  }
0x1f1: {  	v45 =	vor.u32 s8, v14;
	[sflag:s11] =	ssyncset.done $0x0  }
0x1f2: {  	v46 =	vor.u32 s4, v17;
	[sflag:s11] =	ssyncadd.s32 $0xFFFFE000  }
0x1f3: {  	v47 =	vor.u32 s8, v17;
	v36 =	vld.idx.msk [tilespmem:v61+s16+$0x0], $0xffff  }
0x1f4: {  	v48 =	vor.u32 s4, v18;
	v37 =	vld.idx.msk [tilespmem:v62+s22+$0x0], $0xffff  }
0x1f5: {  	v43 =	vor.u32 s8, v18;
	v38 =	vld.idx.msk [tilespmem:v63+s16+$0x0], $0xffff  }
0x1f6: {  	v39 =	vld.idx.msk [tilespmem:v45+s22+$0x0], $0xffff  }
0x1f7: {  	(v2sf) =	vpush @!p0 v20, $0x5;
	v40 =	vld.idx.msk [tilespmem:v46+s16+$0x0], $0xffff  }
0x1f8: {  	v41 =	vld.idx.msk [tilespmem:v47+s22+$0x0], $0xffff  }
0x1f9: {  	v42 =	vld.idx.msk [tilespmem:v48+s16+$0x0], $0xffff  }
0x1fa: {  	v43 =	vld.idx.msk [tilespmem:v43+s22+$0x0], $0xffff  }
0x1fb: {  	(v2sf) =	vpush @!p0 v21, $0x1;
	v36 =	vmul.f32 v37, v36;
	v49 =	vmul.f32 v39, v38;
	_ =	sdelay $0x1  }
0x1fc: {  	v50 =	vmul.f32 v41, v40;
	v36 =	vadd.f32 v49, v36;
	_ =	sdelay $0x1  }
0x1fd: {  	v51 =	vmul.f32 v43, v42;
	v36 =	vadd.f32 v50, v36;
	_ =	sdelay $0x1  }
0x1fe: {  	v36 =	vadd.f32 v51, v36;
	_ =	sdelay $0x1  }
0x1ff: {  	(xrf2) =	vadd.scan.msk.f32 $0xffff, v36;
	_ =	sdelay $0x2  }
0x200: {  	s6 =	spop @!p0 (v2sf)  }
0x201: {  	s6 =	sand.u32 @!p0 $0xFFFFF80, s6  }
0x202: {  	s7 =	simm.s32 @!p0 $0xA600;
	s6 =	sadd.s32 @!p0 s1, s6  }
0x203: {  	[tilespmem:s7], [sflag:$0x6] =	stream.strided.gather @!p0 [hbm4b:s6+s0], $0x2000, s9, s0, $0x38;
	[tilespmem:$0x18800] =	vst v63  }
0x204: {  	s6 =	spop @!p0 (v2sf)  }
0x205: {  	s6 =	sand.u32 @!p0 $0xFFFFF80, s6  }
0x206: {  	s11 =	simm.s32 $0x7;
	s7 =	simm.s32 @!p0 $0x12600;
	s6 =	sadd.s32 @!p0 s2, s6  }
0x207: {  	[tilespmem:s7], [sflag:$0xA] =	stream.strided.gather @!p0 [hbm4b:s6+s0], $0x2000, s9, s0, $0x38;
	v36, _, _ =	vpop (xrf2);
	[tilespmem:$0x18800] =	vst v63  }
0x208: {  	s7 =	sand.u32 $0x7F, s12;
	_ =	swait.ge [sflag:s11], $0x2000  }
0x209: {  	s6 =	simm.s32 $0x7;
	v53 =	vor.u32 s7, v0;
	s24 =	rddreg [dreg:$0x13];
	[sflag:s11] =	ssyncset.done $0x0  }
0x20a: {  	v55 =	vor.u32 s7, v14;
	s4 =	sand.u32 $0x7F, s24;
	[sflag:s6] =	ssyncadd.s32 $0xFFFFE000  }
0x20b: {  	v52 =	vor.u32 s4, v0;
	_ =	swait.ge [sflag:s30], $0x2000  }
0x20c: {  	v54 =	vor.u32 s4, v14;
	[sflag:s30] =	ssyncset.done $0x0  }
0x20d: {  	v57 =	vor.u32 s7, v17;
	[sflag:s30] =	ssyncadd.s32 $0xFFFFE000  }
0x20e: {  	v56 =	vor.u32 s4, v17;
	v38 =	vld.idx.msk [tilespmem:v53+s23+$0x0], $0xffff  }
0x20f: {  	v44 =	vor.u32 s7, v18;
	v40 =	vld.idx.msk [tilespmem:v55+s23+$0x0], $0xffff  }
0x210: {  	v58 =	vor.u32 s4, v18;
	v37 =	vld.idx.msk [tilespmem:v52+s25+$0x0], $0xffff  }
0x211: {  	(v2sf) =	vpush @!p0 v20, $0x6;
	v39 =	vld.idx.msk [tilespmem:v54+s25+$0x0], $0xffff  }
0x212: {  	v42 =	vld.idx.msk [tilespmem:v57+s23+$0x0], $0xffff  }
0x213: {  	v41 =	vld.idx.msk [tilespmem:v56+s25+$0x0], $0xffff  }
0x214: {  	v44 =	vld.idx.msk [tilespmem:v44+s23+$0x0], $0xffff  }
0x215: {  	(v2sf) =	vpush @!p0 v21, $0x2;
	v43 =	vld.idx.msk [tilespmem:v58+s25+$0x0], $0xffff  }
0x216: {  	v37 =	vmul.f32 v38, v37;
	v59 =	vmul.f32 v40, v39;
	_ =	sdelay $0x1  }
0x217: {  	v60 =	vmul.f32 v42, v41;
	v37 =	vadd.f32 v59, v37;
	_ =	sdelay $0x1  }
0x218: {  	v61 =	vmul.f32 v44, v43;
	v37 =	vadd.f32 v60, v37;
	_ =	sdelay $0x1  }
0x219: {  	v37 =	vadd.f32 v61, v37;
	_ =	sdelay $0x1  }
0x21a: {  	(xrf2) =	vadd.scan.msk.f32 $0xffff, v37;
	_ =	sdelay $0x1  }
0x21b: {  	s4 =	spop @!p0 (v2sf)  }
0x21c: {  	s4 =	sand.u32 @!p0 $0xFFFFF80, s4  }
0x21d: {  	s6 =	simm.s32 @!p0 $0xC600;
	s4 =	sadd.s32 @!p0 s1, s4  }
0x21e: {  	[tilespmem:s6], [sflag:$0x7] =	stream.strided.gather @!p0 [hbm4b:s4+s0], $0x2000, s9, s0, $0x38;
	[tilespmem:$0x18800] =	vst v63  }
0x21f: {  	s4 =	spop @!p0 (v2sf)  }
0x220: {  	s4 =	sand.u32 @!p0 $0xFFFFF80, s4  }
0x221: {  	s6 =	simm.s32 @!p0 $0x14600;
	s4 =	sadd.s32 @!p0 s2, s4  }
0x222: {  	[tilespmem:s6], [sflag:$0xB] =	stream.strided.gather @!p0 [hbm4b:s4+s0], $0x2000, s9, s0, $0x38;
	[tilespmem:$0x18800] =	vst v63  }
0x223: {  	s9 =	simm.s32 $0x8;
	v37, _, _ =	vpop (xrf2)  }
0x224: {  	s10 =	sand.u32 $0x7F, s10;
	_ =	swait.ge [sflag:s9], $0x2000  }
0x225: {  	v62 =	vor.u32 s10, v0;
	s11 =	simm.s32 $0x8;
	s24 =	sand.u32 $0x7F, s5;
	[sflag:s9] =	ssyncset.done $0x0  }
0x226: {  	v23 =	vbroadcast v23, $0xF;
	v63 =	vor.u32 s24, v0;
	[sflag:s11] =	ssyncadd.s32 $0xFFFFE000  }
0x227: {  	v48 =	vor.u32 s10, v14;
	_ =	swait.ge [sflag:s31], $0x2000  }
0x228: {  	v23 =	vmul.f32 v1, v23;
	v49 =	vor.u32 s24, v14;
	[sflag:s31] =	ssyncset.done $0x0  }
0x229: {  	v24 =	vbroadcast v24, $0xF;
	v50 =	vor.u32 s10, v17;
	[sflag:s31] =	ssyncadd.s32 $0xFFFFE000  }
0x22a: {  	v23 =	vadd.f32 $0.0e+00, v23;
	s16 =	simm.s32 $0x16600;
	v52 =	vor.u32 s24, v17;
	v38 =	vld.idx.msk [tilespmem:v62+s29+$0x0], $0xffff  }
0x22b: {  	v24 =	vmul.f32 v2, v24;
	v25 =	vbroadcast v25, $0xF;
	v51 =	vor.u32 s10, v18;
	v39 =	vld.idx.msk [tilespmem:v63+s16+$0x0], $0xffff  }
0x22c: {  	v45 =	vor.u32 s24, v18;
	v40 =	vld.idx.msk [tilespmem:v48+s29+$0x0], $0xffff  }
0x22d: {  	v23 =	vadd.f32 v24, v23;
	v53 =	vmul.f32 v3, v25;
	v54 =	vbroadcast v27, $0xF;
	v55 =	vld.idx.msk [tilespmem:v49+s16+$0x0], $0xffff  }
0x22e: {  	v56 =	vld.idx.msk [tilespmem:v50+s29+$0x0], $0xffff  }
0x22f: {  	v23 =	vadd.f32 v53, v23;
	v58 =	vbroadcast v28, $0xF;
	v57 =	vmul.f32 v4, v54;
	v59 =	vld.idx.msk [tilespmem:v52+s16+$0x0], $0xffff  }
0x230: {  	v60 =	vld.idx.msk [tilespmem:v51+s29+$0x0], $0xffff  }
0x231: {  	v23 =	vadd.f32 v57, v23;
	v61 =	vmul.f32 v5, v58;
	v62 =	vbroadcast v29, $0xF;
	v63 =	vld.idx.msk [tilespmem:v45+s16+$0x0], $0xffff  }
0x232: {  	v38 =	vmul.f32 v39, v38;
	v27 =	vmul.f32 v55, v40  }
0x233: {  	v23 =	vadd.f32 v61, v23;
	v39 =	vmul.f32 v6, v62;
	v40 =	vbroadcast v30, $0xF  }
0x234: {  	v28 =	vmul.f32 v59, v56;
	v27 =	vadd.f32 v27, v38  }
0x235: {  	v44 =	vbroadcast v31, $0xF;
	v23 =	vadd.f32 v39, v23;
	v43 =	vmul.f32 v7, v40  }
0x236: {  	v45 =	vmul.f32 v63, v60;
	v27 =	vadd.f32 v28, v27  }
0x237: {  	v47 =	vbroadcast v32, $0xF;
	v46 =	vmul.f32 v8, v44;
	v23 =	vadd.f32 v43, v23  }
0x238: {  	v27 =	vadd.f32 v45, v27  }
0x239: {  	v48 =	vmul.f32 v9, v47;
	v49 =	vbroadcast v33, $0xF;
	v23 =	vadd.f32 v46, v23  }
0x23a: {  	(xrf2) =	vadd.scan.msk.f32 $0xffff, v27  }
0x23b: {  	v51 =	vbroadcast v34, $0xF;
	v50 =	vmul.f32 v10, v49;
	v23 =	vadd.f32 v48, v23;
	_ =	sdelay $0x1  }
0x23c: {  	v53 =	vbroadcast v26, $0xF;
	v52 =	vmul.f32 v11, v51;
	v23 =	vadd.f32 v50, v23;
	_ =	sdelay $0x1  }
0x23d: {  	v54 =	vmul.f32 v12, v53;
	v55 =	vbroadcast v35, $0xF;
	v23 =	vadd.f32 v52, v23;
	_ =	sdelay $0x1  }
0x23e: {  	v57 =	vbroadcast v36, $0xF;
	v56 =	vmul.f32 v13, v55;
	v23 =	vadd.f32 v54, v23;
	_ =	sdelay $0x1  }
0x23f: {  	v58 =	vmul.f32 v15, v57;
	v59 =	vbroadcast v37, $0xF;
	v23 =	vadd.f32 v56, v23  }
0x240: {  	v60, _, _ =	vpop (xrf2)  }
0x241: {  	v61 =	vmul.f32 v16, v59;
	v23 =	vadd.f32 v58, v23;
	v62 =	vbroadcast v60, $0xF;
	_ =	sdelay $0x1  }
.Ltmp2:
0x242: {  	v23 =	vadd.f32 v61, v23;
	v63 =	vmul.f32 v19, v62;
	(pc) =	sbr.rel @p0 .LBB2_4-.Ltmp2, $4  }
0x243: {  	_ = 	snop  }
0x244: {  	s13 =	simm.s32 $0x6600;
	s17 =	simm.s32 $0x4600;
	s15 =	simm.s32 $0x8600;
	v23 =	vadd.f32 v63, v23  }
0x245: {  	s18 =	simm.s32 $0x10600;
	s14 =	simm.s32 $0x12600;
	s8 =	simm.s32 $0xA600  }
0x246: {  	s12 =	simm.s32 $0x14600;
	s7 =	simm.s32 $0xC600;
	s5 =	simm.s32 $0xE600;
	v22 =	vmul.f32 v23, v22  }
0x247: {  	(v2sf) =	vpush v20, $0x7;
	_ =	sdelay $0x1  }
0x248: {  	(v2sf) =	vpush v21, $0x3;
	_ =	sdelay $0xb  }
0x249: {  	s18 =	rddreg [dreg:$0xf]  }
0x24a: {  	s3 =	rddreg [dreg:$0x11];
	s0 =	spop (v2sf)  }
0x24b: {  	s4 =	rddreg [dreg:$0x10];
	s0 =	sand.u32 $0xFFFFF80, s0  }
0x24c: {  	s6 =	rddreg [dreg:$0xd];
	s17 =	spop (v2sf);
	s0 =	sadd.s32 s1, s0  }
0x24d: {  	[tilespmem:s5], [sflag:$0x8] =	stream.strided.gather [hbm4b:s0+s26], $0x2000, s20, s26, $0x38;
	[tilespmem:$0x18800] =	vst v63  }
.Ltmp3:
0x24e: {  	s24 =	rddreg [dreg:$0xe];
	s0 =	sand.u32 $0xFFFFF80, s17;
	(pc) =	sbr.rel .LBB2_2-.Ltmp3, $4  }
0x24f: {  	s29 =	simm.s32 $0xE600;
	s3 =	sadd.s32 $0x10, s3;
	s0 =	sadd.s32 s2, s0  }
0x250: {  	[tilespmem:s16], [sflag:$0xC] =	stream.strided.gather [hbm4b:s0+s26], $0x2000, s20, s26, $0x38;
	[tilespmem:$0x18800] =	vst v63  }
0x251: {  	s4 =	sadd.s32 $0x10, s4;
	[dreg:$0x11] =	wrdreg s3;
	s0 =	sadd.s32 $0x10, s18  }
0x252: {  	s6 =	sadd.s32 $0x10, s6;
	[tilespmem:s18+$0x0] =	vst v22;
	[dreg:$0xf] =	wrdreg s0;
	s0 =	sadd.s32 $0x10, s24  }
.LBB2_5:
0x253: {  	_ =	sfence.sel $0x180000  }
0x254: {  	[bflag:$0x0] =	sbarrier.arrive $0xFFFF  }
0x255: {  	_ =	strace $0x90000047  }
0x256: {  	s0 =	stileid.u32;
	[bflag:$0x2] =	sbarrier.arrive $0xFFFF  }
0x257: {  	p0 =	sne.s32 s0, $0x0;
	s0 =	rddreg [dreg:$0x6]  }
0x258: {  	s0 =	sadd.s32 @!p0 $0x100000, s0  }
0x259: {  	[sflag:s0] =	ssyncadd.tile.s32 @!p0 $0x1;
	_ =	shalt  }
.Lfunc_end2:
_tile_overlayer_lowered:
.L_overlay_start_2:
0x25a: {  	(tag) =	ssettag $0x2  }
0x25b: {  	s0 =	rddreg [dreg:$0x0];
	s2 =	stileid.u32  }
0x25c: {  	s1 =	rddreg [dreg:$0x1];
	p0 =	sne.s32 s2, $0x0  }
0x25d: {  	s3 =	rddreg [dreg:$0x2];
	[bflag:$0x3] =	sbarrier.arrive $0xFFFF;
	s2 =	simm.s32 @!p0 $0x1C0D  }
0x25e: {  	[timem:s3], [sflag:s2] =	dma.local @!p0 [hbm:s0], s1  }
0x25f: {  	s0 =	simm.s32 @!p0 $0xD  }
0x260: {  	_ =	swait.ge @!p0 [sflag:s0], s1  }
0x261: {  	s1 =	ssub.s32 @!p0 $0x0, s1;
	[sflag:s0] =	ssyncset.done @!p0 $0x0  }
0x262: {  	[sflag:s0] =	ssyncadd.s32 @!p0 s1  }
0x263: {  	[bflag:$0x3] =	sbarrier.arrive $0xFFFF  }
0x264: {  	_ =	shalt  }

</sc_bundles>
